<compile_context>
chip_gen: v7x
topology: tpu7x:2x2x1
jax: 0.10.2.dev20260603
libtpu: 0.0.44.dev20260713+nightly
codegen_flags: <defaults>
</compile_context>

<pallas_src>
import jax
import jax.numpy as jnp
from jax import lax
from jax.experimental import pallas as pl
from jax.experimental.pallas import tpu as pltpu
from jax.experimental.pallas import tpu_sc as plsc

_BATCH = 4096
_FIELDS = 26
_VOCAB = 100000
_DIM = 64
_L = 16
_NB = _BATCH // _L
_QSPAN = 24576
_CH = 4992
_MAIN = ((0, 4992), (4992, 4992), (9984, 4992), (14976, 4992), (19968, 4608))
_TAIL_LO = 4 * _QSPAN
_TAIL_MAIN = 1664
_EDGE_LO = _TAIL_LO + _TAIL_MAIN
_EDGE = _VOCAB - _EDGE_LO


def _body(xt_hbm, tt_hbm, out_hbm, part_hbm, xbuf, vbufa, vbufb, ebuf, acc,
          sema, semb, semx, seme):
    c = lax.axis_index("c")
    s = lax.axis_index("s")
    db = c * 4 + (s % 4)
    q = s // 4
    d0 = db * 8
    qlo = q * _QSPAN
    zero = jnp.zeros((_L,), jnp.float32)
    iota = lax.iota(jnp.int32, _L)

    @plsc.parallel_loop(0, _NB, unroll=4)
    def _zero_acc(i):
        for dl in range(8):
            acc[dl, pl.ds(i * _L, _L)] = zero

    def chunk_src(f, ci):
        row0 = pl.multiple_of(f * _DIM + d0, 8)
        if ci < 5:
            lo_c, ext = _MAIN[ci]
            lo = pl.multiple_of(qlo + lo_c, 128)
        else:
            lo, ext = _TAIL_LO, _TAIL_MAIN
        return tt_hbm.at[pl.ds(row0, 8), pl.ds(lo, ext)], ext

    def issue(f, ci, buf, sem):
        src, ext = chunk_src(f, ci)
        dst = buf if ext == _CH else buf.at[:, pl.ds(0, ext)]
        pltpu.async_copy(src, dst, sem)

    def wait(buf, sem, ext):
        pltpu.make_async_copy(
            tt_hbm.at[pl.ds(0, 8), pl.ds(0, ext)],
            buf if ext == _CH else buf.at[:, pl.ds(0, ext)],
            sem).wait()

    def gather_pass(buf, xbase, lo, ch, b_lo, b_n):
        @plsc.parallel_loop(0, b_n, unroll=4)
        def per_bvec(i):
            b = b_lo + i
            idx = xbuf[pl.ds(xbase + b * _L, _L)]
            idxc = idx - lo
            inb = (idxc >= 0) & (idxc < ch)
            idxg = lax.min(lax.max(idxc, 0), ch - 1)
            pos = iota + b * _L
            for dl in range(8):
                row = jnp.full((_L,), dl, jnp.int32)
                g = plsc.load_gather(buf, [row, idxg])
                plsc.addupdate_scatter(acc, [row, pos], g, mask=inb)

    def issue_xbuf(f):
        base = pl.multiple_of(lax.rem(f, 2) * _BATCH, _BATCH)
        pltpu.async_copy(
            xt_hbm.at[pl.ds(pl.multiple_of(f * _BATCH, _BATCH), _BATCH)],
            xbuf.at[pl.ds(base, _BATCH)], semx)

    issue_xbuf(0)
    issue(0, 0, vbufa, sema)
    issue(0, 1, vbufb, semb)

    def per_field(f, carry):
        pltpu.make_async_copy(
            xt_hbm.at[pl.ds(0, _BATCH)], xbuf.at[pl.ds(0, _BATCH)],
            semx).wait()

        @pl.when(f < _FIELDS - 1)
        def _nextx():
            issue_xbuf(f + 1)

        xbase = pl.multiple_of(lax.rem(f, 2) * _BATCH, _BATCH)
        row0 = pl.multiple_of(f * _DIM + d0, 8)
        pltpu.async_copy(tt_hbm.at[pl.ds(row0, 8), pl.ds(_EDGE_LO, _EDGE)],
                         ebuf, seme)
        for ci in range(6):
            buf, sem = (vbufa, sema) if ci % 2 == 0 else (vbufb, semb)
            if ci < 5:
                lo_c, ext = _MAIN[ci]
                wait(buf, sem, ext)
                gather_pass(buf, xbase, qlo + lo_c, ext, 0, _NB)
            else:
                wait(buf, sem, _TAIL_MAIN)
                gather_pass(buf, xbase, _TAIL_LO, _TAIL_MAIN,
                            q * (_NB // 4), _NB // 4)
            if ci < 4:
                issue(f, ci + 2, buf, sem)
            else:

                @pl.when(f < _FIELDS - 1)
                def _crossfield(ci=ci):
                    issue(f + 1, ci - 4, buf, sem)

        pltpu.make_async_copy(
            tt_hbm.at[pl.ds(0, 8), pl.ds(_EDGE_LO, _EDGE)], ebuf,
            seme).wait()
        gather_pass(ebuf, xbase, _EDGE_LO, _EDGE, q * (_NB // 4), _NB // 4)
        return carry

    lax.fori_loop(0, _FIELDS, per_field, 0)

    pltpu.sync_copy(acc, part_hbm.at[c * 16 + s])
    plsc.subcore_barrier()

    bq = s // 4
    bcol = pl.multiple_of(bq * (_BATCH // 4), 128)
    dbl = s % 4
    qn = _BATCH // 4 // _L
    for qq in range(4):
        src = part_hbm.at[c * 16 + qq * 4 + dbl, :,
                          pl.ds(bcol, _BATCH // 4)]
        if qq == 0:
            pltpu.sync_copy(src, acc.at[:, pl.ds(0, _BATCH // 4)])
        else:
            pltpu.sync_copy(src, vbufa.at[:, pl.ds(0, _BATCH // 4)])

            @plsc.parallel_loop(0, qn, unroll=4)
            def add_vec(j):
                for dl in range(8):
                    sl = pl.ds(j * _L, _L)
                    plsc.addupdate(acc.at[dl, sl], vbufa[dl, sl])

    dout = pl.multiple_of((c * 4 + dbl) * 8, 8)
    pltpu.sync_copy(acc.at[:, pl.ds(0, _BATCH // 4)],
                    out_hbm.at[pl.ds(dout, 8), pl.ds(bcol, _BATCH // 4)])


def kernel(x, tables):
    tt = tables.transpose(0, 2, 1).reshape(_FIELDS * _DIM, _VOCAB)
    xt = x.T.reshape(_FIELDS * _BATCH)
    mesh = plsc.VectorSubcoreMesh(core_axis_name="c", subcore_axis_name="s")
    k = pl.kernel(
        _body,
        out_type=(
            jax.ShapeDtypeStruct((_DIM, _BATCH), jnp.float32),
            jax.ShapeDtypeStruct((32, 8, _BATCH), jnp.float32),
        ),
        mesh=mesh,
        compiler_params=pltpu.CompilerParams(needs_layout_passes=False),
        scratch_types=[
            pltpu.VMEM((2 * _BATCH,), jnp.int32),
            pltpu.VMEM((8, _CH), jnp.float32),
            pltpu.VMEM((8, _CH), jnp.float32),
            pltpu.VMEM((8, _EDGE), jnp.float32),
            pltpu.VMEM((8, _BATCH), jnp.float32),
            pltpu.SemaphoreType.DMA,
            pltpu.SemaphoreType.DMA,
            pltpu.SemaphoreType.DMA,
            pltpu.SemaphoreType.DMA,
        ],
    )
    out_t, _ = k(xt, tt)
    return out_t.T

# --- scband reference (transcript-rebuilt; emitter-appended) ---
"""Pipeline reference for scband-multi-embedding-3745211483032 (READ-ONLY COPY).

The authoritative reference and input builder live on the scoring server;
editing this copy changes nothing except your own understanding.
"""

import jax, jax.numpy as jnp
import numpy as np

BATCH = 4096
FIELDS = 26
VOCAB = 100000
DIM = 64


def setup_inputs(seed: int = 0) -> dict:
    key = jax.random.key(seed)
    k1, k2 = jax.random.split(key)
    x = jax.random.randint(k1, (BATCH, FIELDS), 0, VOCAB, dtype=jnp.int32)
    # 26 embedding tables, one per sparse field, stacked: [FIELDS, VOCAB, DIM]
    tables = jax.random.normal(k2, (FIELDS, VOCAB, DIM), dtype=jnp.float32)
    return {"x": x, "tables": tables}


def reference(x, tables):
    # MultiEmbedding.forward: sum_i embeddings[i](x[..., i])
    # vocab_starts default to zeros, so no offset subtraction needed.
    # gathered: [FIELDS, BATCH, DIM]
    gathered = jax.vmap(lambda t, idx: jnp.take(t, idx, axis=0), in_axes=(0, 1))(tables, x)
    return gathered.sum(axis=0)

if __name__ == "__main__":
    import jax
    _d = setup_inputs()
    print(jax.jit(kernel)(*tuple(_d.values())))

</pallas_src>

<mosaic_0001>
#map = affine_map<(d0, d1) -> (0)>
#map1 = affine_map<(d0, d1) -> (0, 0)>
#map2 = affine_map<(d0, d1) -> (0, 0, 0)>
module attributes {stable_mosaic.version = 14 : i64} {
  func.func @_body(%arg0: i32, %arg1: i32, %arg2: memref<106496xi32, #tpu.memory_space<hbm>>, %arg3: memref<1664x100000xf32, #tpu.memory_space<hbm>>, %arg4: memref<64x4096xf32, #tpu.memory_space<hbm>>, %arg5: memref<32x8x4096xf32, #tpu.memory_space<hbm>>, %arg6: memref<8192xi32, #tpu.memory_space<vmem>>, %arg7: memref<8x4992xf32, #tpu.memory_space<vmem>>, %arg8: memref<8x4992xf32, #tpu.memory_space<vmem>>, %arg9: memref<8x32xf32, #tpu.memory_space<vmem>>, %arg10: memref<8x4096xf32, #tpu.memory_space<vmem>>, %arg11: memref<!tpu.dma_semaphore, #tpu.memory_space<semaphore_mem>>, %arg12: memref<!tpu.dma_semaphore, #tpu.memory_space<semaphore_mem>>, %arg13: memref<!tpu.dma_semaphore, #tpu.memory_space<semaphore_mem>>, %arg14: memref<!tpu.dma_semaphore, #tpu.memory_space<semaphore_mem>>) attributes {dimension_semantics = [#tpu.dimension_semantics<core_parallel>, #tpu.dimension_semantics<subcore_parallel>], iteration_bounds = array<i64: 2, 16>, scalar_prefetch = 0 : i64, scratch_operands = 9 : i64, tpu.core_type = #tpu.core_type<sc_vector_subcore>, window_params = [{transform_indices = #map}, {transform_indices = #map1}, {transform_indices = #map1}, {transform_indices = #map2}]} {
    %mul3A = arith.constant 4 : i32
    %mul3A_0 = arith.muli %arg0, %mul3A : i32
    %jit3A = arith.constant 4 : i32
    %eq3A = arith.constant 0 : i32
    %eq3A_1 = arith.cmpi eq, %jit3A, %eq3A : i32
    %jit3A_2 = arith.constant 1 : i32
    %select_n3A = arith.select %eq3A_1, %jit3A_2, %jit3A : i32
    %rem3A = arith.remsi %arg1, %select_n3A : i32
    %ne3A = arith.constant 0 : i32
    %ne3A_3 = arith.cmpi ne, %rem3A, %ne3A : i32
    %lt3A = arith.constant 0 : i32
    %lt3A_4 = arith.cmpi slt, %rem3A, %lt3A : i32
    %lt3A_5 = arith.constant 0 : i32
    %lt3A_6 = arith.cmpi slt, %select_n3A, %lt3A_5 : i32
    %ne3A_7 = arith.xori %lt3A_4, %lt3A_6 : i1
    %and3A = arith.andi %ne3A_7, %ne3A_3 : i1
    %add3A = arith.addi %rem3A, %select_n3A : i32
    %select_n3A_8 = arith.select %and3A, %add3A, %rem3A : i32
    %add3A_9 = arith.addi %mul3A_0, %select_n3A_8 : i32
    %jit3A_10 = arith.constant 4 : i32
    %div3A = arith.divsi %arg1, %jit3A_10 : i32
    %sign3A = arith.constant 0 : i32
    %sign3A_11 = arith.cmpi sgt, %arg1, %sign3A : i32
    %sign3A_12 = arith.extui %sign3A_11 : i1 to i32
    %sign3A_13 = arith.constant 0 : i32
    %sign3A_14 = arith.cmpi slt, %arg1, %sign3A_13 : i32
    %sign3A_15 = arith.extui %sign3A_14 : i1 to i32
    %sign3A_16 = arith.subi %sign3A_12, %sign3A_15 : i32
    %sign3A_17 = arith.constant 0 : i32
    %sign3A_18 = arith.cmpi sgt, %jit3A_10, %sign3A_17 : i32
    %sign3A_19 = arith.extui %sign3A_18 : i1 to i32
    %sign3A_20 = arith.constant 0 : i32
    %sign3A_21 = arith.cmpi slt, %jit3A_10, %sign3A_20 : i32
    %sign3A_22 = arith.extui %sign3A_21 : i1 to i32
    %sign3A_23 = arith.subi %sign3A_19, %sign3A_22 : i32
    %ne3A_24 = arith.cmpi ne, %sign3A_16, %sign3A_23 : i32
    %rem3A_25 = arith.remsi %arg1, %jit3A_10 : i32
    %ne3A_26 = arith.constant 0 : i32
    %ne3A_27 = arith.cmpi ne, %rem3A_25, %ne3A_26 : i32
    %and3A_28 = arith.andi %ne3A_24, %ne3A_27 : i1
    %sub3A = arith.constant 1 : i32
    %sub3A_29 = arith.subi %div3A, %sub3A : i32
    %select_n3A_30 = arith.select %and3A_28, %sub3A_29, %div3A : i32
    %mul3A_31 = arith.constant 8 : i32
    %mul3A_32 = arith.muli %add3A_9, %mul3A_31 : i32
    %mul3A_33 = arith.constant 24576 : i32
    %mul3A_34 = arith.muli %select_n3A_30, %mul3A_33 : i32
    %broadcast_in_dim3A = arith.constant 0.000000e+00 : f32
    %broadcast_in_dim3A_35 = vector.broadcast %broadcast_in_dim3A : f32 to vector<16xf32>
    %iota3A = tpu.iota {dimensions = array<i32: 0>} : vector<16xi32>
    %parallel_loop3A = arith.constant 0 : i32
    %parallel_loop3A_36 = arith.constant 256 : i32
    %parallel_loop3A_37 = arith.constant 1 : i32
    scf.for %parallel_loop3A_150 = %parallel_loop3A to %parallel_loop3A_36 step %parallel_loop3A_37  : i32 {
      %parallel_loop3A_151 = arith.constant 16 : i32
      %parallel_loop3A_152 = arith.muli %parallel_loop3A_150, %parallel_loop3A_151 : i32
      %parallel_loop3A_153 = arith.constant 0 : i32
      %parallel_loop3A_154 = arith.index_cast %parallel_loop3A_153 : i32 to index
      %parallel_loop3A_155 = arith.index_cast %parallel_loop3A_152 : i32 to index
      %parallel_loop3A_156 = tpu.vector_load %arg10[%parallel_loop3A_154, %parallel_loop3A_155] {strides = array<i32>} : memref<8x4096xf32, #tpu.memory_space<vmem>>, vector<16xf32>,
      tpu.vector_store %arg10[%parallel_loop3A_154, %parallel_loop3A_155], %broadcast_in_dim3A_35 {strides = array<i32>} : memref<8x4096xf32, #tpu.memory_space<vmem>>, vector<16xf32>,
      %parallel_loop3A_157 = arith.constant 16 : i32
      %parallel_loop3A_158 = arith.muli %parallel_loop3A_150, %parallel_loop3A_157 : i32
      %parallel_loop3A_159 = arith.constant 1 : i32
      %parallel_loop3A_160 = arith.index_cast %parallel_loop3A_159 : i32 to index
      %parallel_loop3A_161 = arith.index_cast %parallel_loop3A_158 : i32 to index
      %parallel_loop3A_162 = tpu.vector_load %arg10[%parallel_loop3A_160, %parallel_loop3A_161] {strides = array<i32>} : memref<8x4096xf32, #tpu.memory_space<vmem>>, vector<16xf32>,
      tpu.vector_store %arg10[%parallel_loop3A_160, %parallel_loop3A_161], %broadcast_in_dim3A_35 {strides = array<i32>} : memref<8x4096xf32, #tpu.memory_space<vmem>>, vector<16xf32>,
      %parallel_loop3A_163 = arith.constant 16 : i32
      %parallel_loop3A_164 = arith.muli %parallel_loop3A_150, %parallel_loop3A_163 : i32
      %parallel_loop3A_165 = arith.constant 2 : i32
      %parallel_loop3A_166 = arith.index_cast %parallel_loop3A_165 : i32 to index
      %parallel_loop3A_167 = arith.index_cast %parallel_loop3A_164 : i32 to index
      %parallel_loop3A_168 = tpu.vector_load %arg10[%parallel_loop3A_166, %parallel_loop3A_167] {strides = array<i32>} : memref<8x4096xf32, #tpu.memory_space<vmem>>, vector<16xf32>,
      tpu.vector_store %arg10[%parallel_loop3A_166, %parallel_loop3A_167], %broadcast_in_dim3A_35 {strides = array<i32>} : memref<8x4096xf32, #tpu.memory_space<vmem>>, vector<16xf32>,
      %parallel_loop3A_169 = arith.constant 16 : i32
      %parallel_loop3A_170 = arith.muli %parallel_loop3A_150, %parallel_loop3A_169 : i32
      %parallel_loop3A_171 = arith.constant 3 : i32
      %parallel_loop3A_172 = arith.index_cast %parallel_loop3A_171 : i32 to index
      %parallel_loop3A_173 = arith.index_cast %parallel_loop3A_170 : i32 to index
      %parallel_loop3A_174 = tpu.vector_load %arg10[%parallel_loop3A_172, %parallel_loop3A_173] {strides = array<i32>} : memref<8x4096xf32, #tpu.memory_space<vmem>>, vector<16xf32>,
      tpu.vector_store %arg10[%parallel_loop3A_172, %parallel_loop3A_173], %broadcast_in_dim3A_35 {strides = array<i32>} : memref<8x4096xf32, #tpu.memory_space<vmem>>, vector<16xf32>,
      %parallel_loop3A_175 = arith.constant 16 : i32
      %parallel_loop3A_176 = arith.muli %parallel_loop3A_150, %parallel_loop3A_175 : i32
      %parallel_loop3A_177 = arith.constant 4 : i32
      %parallel_loop3A_178 = arith.index_cast %parallel_loop3A_177 : i32 to index
      %parallel_loop3A_179 = arith.index_cast %parallel_loop3A_176 : i32 to index
      %parallel_loop3A_180 = tpu.vector_load %arg10[%parallel_loop3A_178, %parallel_loop3A_179] {strides = array<i32>} : memref<8x4096xf32, #tpu.memory_space<vmem>>, vector<16xf32>,
      tpu.vector_store %arg10[%parallel_loop3A_178, %parallel_loop3A_179], %broadcast_in_dim3A_35 {strides = array<i32>} : memref<8x4096xf32, #tpu.memory_space<vmem>>, vector<16xf32>,
      %parallel_loop3A_181 = arith.constant 16 : i32
      %parallel_loop3A_182 = arith.muli %parallel_loop3A_150, %parallel_loop3A_181 : i32
      %parallel_loop3A_183 = arith.constant 5 : i32
      %parallel_loop3A_184 = arith.index_cast %parallel_loop3A_183 : i32 to index
      %parallel_loop3A_185 = arith.index_cast %parallel_loop3A_182 : i32 to index
      %parallel_loop3A_186 = tpu.vector_load %arg10[%parallel_loop3A_184, %parallel_loop3A_185] {strides = array<i32>} : memref<8x4096xf32, #tpu.memory_space<vmem>>, vector<16xf32>,
      tpu.vector_store %arg10[%parallel_loop3A_184, %parallel_loop3A_185], %broadcast_in_dim3A_35 {strides = array<i32>} : memref<8x4096xf32, #tpu.memory_space<vmem>>, vector<16xf32>,
      %parallel_loop3A_187 = arith.constant 16 : i32
      %parallel_loop3A_188 = arith.muli %parallel_loop3A_150, %parallel_loop3A_187 : i32
      %parallel_loop3A_189 = arith.constant 6 : i32
      %parallel_loop3A_190 = arith.index_cast %parallel_loop3A_189 : i32 to index
      %parallel_loop3A_191 = arith.index_cast %parallel_loop3A_188 : i32 to index
      %parallel_loop3A_192 = tpu.vector_load %arg10[%parallel_loop3A_190, %parallel_loop3A_191] {strides = array<i32>} : memref<8x4096xf32, #tpu.memory_space<vmem>>, vector<16xf32>,
      tpu.vector_store %arg10[%parallel_loop3A_190, %parallel_loop3A_191], %broadcast_in_dim3A_35 {strides = array<i32>} : memref<8x4096xf32, #tpu.memory_space<vmem>>, vector<16xf32>,
      %parallel_loop3A_193 = arith.constant 16 : i32
      %parallel_loop3A_194 = arith.muli %parallel_loop3A_150, %parallel_loop3A_193 : i32
      %parallel_loop3A_195 = arith.constant 7 : i32
      %parallel_loop3A_196 = arith.index_cast %parallel_loop3A_195 : i32 to index
      %parallel_loop3A_197 = arith.index_cast %parallel_loop3A_194 : i32 to index
      %parallel_loop3A_198 = tpu.vector_load %arg10[%parallel_loop3A_196, %parallel_loop3A_197] {strides = array<i32>} : memref<8x4096xf32, #tpu.memory_space<vmem>>, vector<16xf32>,
      tpu.vector_store %arg10[%parallel_loop3A_196, %parallel_loop3A_197], %broadcast_in_dim3A_35 {strides = array<i32>} : memref<8x4096xf32, #tpu.memory_space<vmem>>, vector<16xf32>,
    } {sc.loop_unroll_factor = 4 : i64, sc.parallel_access}
    %rem3A_38 = arith.constant 0 : i32
    %rem3A_39 = arith.constant 2 : i32
    %rem3A_40 = arith.remsi %rem3A_38, %rem3A_39 : i32
    %mul3A_41 = arith.constant 4096 : i32
    %mul3A_42 = arith.muli %rem3A_40, %mul3A_41 : i32
    %multiple_of3A = tpu.assume_multiple %mul3A_42, 4096 : i32
    %multiple_of3A_43 = arith.constant 0 : i32
    %multiple_of3A_44 = tpu.assume_multiple %multiple_of3A_43, 4096 : i32
    %dma_start3A = tpu.memref_slice %arg6[%multiple_of3A] : memref<8192xi32, #tpu.memory_space<vmem>> -> memref<4096xi32, #tpu.memory_space<vmem>>
    %dma_start3A_45 = tpu.memref_slice %arg2[%multiple_of3A_44] : memref<106496xi32, #tpu.memory_space<hbm>> -> memref<4096xi32, #tpu.memory_space<hbm>>
    %dma_start3A_46 = tpu.memref_slice %arg6[%multiple_of3A] : memref<8192xi32, #tpu.memory_space<vmem>> -> memref<4096xi32, #tpu.memory_space<vmem>>
    %dma_start3A_47 = tpu.memref_slice %arg2[%multiple_of3A_44] : memref<106496xi32, #tpu.memory_space<hbm>> -> memref<4096xi32, #tpu.memory_space<hbm>>
    tpu.enqueue_dma source(%dma_start3A_47 : memref<4096xi32, #tpu.memory_space<hbm>>) target(%dma_start3A_46 : memref<4096xi32, #tpu.memory_space<vmem>>) target_semaphore(%arg13 : memref<!tpu.dma_semaphore, #tpu.memory_space<semaphore_mem>>)
    %add3A_48 = arith.constant 0 : i32
    %add3A_49 = arith.addi %add3A_48, %mul3A_32 : i32
    %multiple_of3A_50 = tpu.assume_multiple %add3A_49, 8 : i32
    %add3A_51 = arith.constant 0 : i32
    %add3A_52 = arith.addi %mul3A_34, %add3A_51 : i32
    %multiple_of3A_53 = tpu.assume_multiple %add3A_52, 128 : i32
    %dma_start3A_54 = tpu.memref_slice %arg3[%multiple_of3A_50, %multiple_of3A_53] : memref<1664x100000xf32, #tpu.memory_space<hbm>> -> memref<8x4992xf32, #tpu.memory_space<hbm>>
    %dma_start3A_55 = tpu.memref_slice %arg3[%multiple_of3A_50, %multiple_of3A_53] : memref<1664x100000xf32, #tpu.memory_space<hbm>> -> memref<8x4992xf32, #tpu.memory_space<hbm>>
    tpu.enqueue_dma source(%dma_start3A_55 : memref<8x4992xf32, #tpu.memory_space<hbm>>) target(%arg7 : memref<8x4992xf32, #tpu.memory_space<vmem>>) target_semaphore(%arg11 : memref<!tpu.dma_semaphore, #tpu.memory_space<semaphore_mem>>)
    %add3A_56 = arith.constant 0 : i32
    %add3A_57 = arith.addi %add3A_56, %mul3A_32 : i32
    %multiple_of3A_58 = tpu.assume_multiple %add3A_57, 8 : i32
    %add3A_59 = arith.constant 4992 : i32
    %add3A_60 = arith.addi %mul3A_34, %add3A_59 : i32
    %multiple_of3A_61 = tpu.assume_multiple %add3A_60, 128 : i32
    %dma_start3A_62 = tpu.memref_slice %arg3[%multiple_of3A_58, %multiple_of3A_61] : memref<1664x100000xf32, #tpu.memory_space<hbm>> -> memref<8x4992xf32, #tpu.memory_space<hbm>>
    %dma_start3A_63 = tpu.memref_slice %arg3[%multiple_of3A_58, %multiple_of3A_61] : memref<1664x100000xf32, #tpu.memory_space<hbm>> -> memref<8x4992xf32, #tpu.memory_space<hbm>>
    tpu.enqueue_dma source(%dma_start3A_63 : memref<8x4992xf32, #tpu.memory_space<hbm>>) target(%arg8 : memref<8x4992xf32, #tpu.memory_space<vmem>>) target_semaphore(%arg12 : memref<!tpu.dma_semaphore, #tpu.memory_space<semaphore_mem>>)
    %scan3A = arith.constant 0 : i32
    %scan3A_64 = arith.constant 0 : i32
    %scan3A_65 = arith.constant 26 : i32
    %scan3A_66 = arith.addi %scan3A_64, %scan3A_65 : i32
    %scan3A_67 = arith.constant 1 : i32
    scf.for %scan3A_150 = %scan3A_64 to %scan3A_66 step %scan3A_67  : i32 {
      %dma_wait3A = arith.constant 0 : i32
      %dma_wait3A_151 = tpu.memref_slice %arg6[%dma_wait3A] : memref<8192xi32, #tpu.memory_space<vmem>> -> memref<4096xi32, #tpu.memory_space<vmem>>
      %dma_wait3A_152 = arith.constant 0 : i32
      %dma_wait3A_153 = tpu.memref_slice %arg2[%dma_wait3A_152] : memref<106496xi32, #tpu.memory_space<hbm>> -> memref<4096xi32, #tpu.memory_space<hbm>>
      %dma_wait3A_154 = arith.constant 0 : i32
      %dma_wait3A_155 = tpu.memref_slice %arg6[%dma_wait3A_154] : memref<8192xi32, #tpu.memory_space<vmem>> -> memref<4096xi32, #tpu.memory_space<vmem>>
      %dma_wait3A_156 = arith.constant 0 : i32
      %dma_wait3A_157 = tpu.memref_slice %arg2[%dma_wait3A_156] : memref<106496xi32, #tpu.memory_space<hbm>> -> memref<4096xi32, #tpu.memory_space<hbm>>
      tpu.wait_dma2 semaphore(%arg13 : memref<!tpu.dma_semaphore, #tpu.memory_space<semaphore_mem>>) src(%dma_wait3A_157 : memref<4096xi32, #tpu.memory_space<hbm>>) dst(%dma_wait3A_155 : memref<4096xi32, #tpu.memory_space<vmem>>)
      %lt3A_158 = arith.constant 25 : i32
      %lt3A_159 = arith.cmpi slt, %scan3A_150, %lt3A_158 : i32
      %convert_element_type3A = arith.extui %lt3A_159 : i1 to i32
      %cond3A = arith.constant 0 : i32
      %cond3A_160 = arith.cmpi ne, %convert_element_type3A, %cond3A : i32
      scf.if %cond3A_160 {
        %add3A_320 = arith.constant 1 : i32
        %add3A_321 = arith.addi %scan3A_150, %add3A_320 : i32
        %rem3A_322 = arith.constant 2 : i32
        %rem3A_323 = arith.remsi %add3A_321, %rem3A_322 : i32
        %mul3A_324 = arith.constant 4096 : i32
        %mul3A_325 = arith.muli %rem3A_323, %mul3A_324 : i32
        %multiple_of3A_326 = tpu.assume_multiple %mul3A_325, 4096 : i32
        %mul3A_327 = arith.constant 4096 : i32
        %mul3A_328 = arith.muli %add3A_321, %mul3A_327 : i32
        %multiple_of3A_329 = tpu.assume_multiple %mul3A_328, 4096 : i32
        %dma_start3A_330 = tpu.memref_slice %arg6[%multiple_of3A_326] : memref<8192xi32, #tpu.memory_space<vmem>> -> memref<4096xi32, #tpu.memory_space<vmem>>
        %dma_start3A_331 = tpu.memref_slice %arg2[%multiple_of3A_329] : memref<106496xi32, #tpu.memory_space<hbm>> -> memref<4096xi32, #tpu.memory_space<hbm>>
        %dma_start3A_332 = tpu.memref_slice %arg6[%multiple_of3A_326] : memref<8192xi32, #tpu.memory_space<vmem>> -> memref<4096xi32, #tpu.memory_space<vmem>>
        %dma_start3A_333 = tpu.memref_slice %arg2[%multiple_of3A_329] : memref<106496xi32, #tpu.memory_space<hbm>> -> memref<4096xi32, #tpu.memory_space<hbm>>
        tpu.enqueue_dma source(%dma_start3A_333 : memref<4096xi32, #tpu.memory_space<hbm>>) target(%dma_start3A_332 : memref<4096xi32, #tpu.memory_space<vmem>>) target_semaphore(%arg13 : memref<!tpu.dma_semaphore, #tpu.memory_space<semaphore_mem>>)
      } else {
      }
      %rem3A_161 = arith.constant 2 : i32
      %rem3A_162 = arith.remsi %scan3A_150, %rem3A_161 : i32
      %mul3A_163 = arith.constant 4096 : i32
      %mul3A_164 = arith.muli %rem3A_162, %mul3A_163 : i32
      %multiple_of3A_165 = tpu.assume_multiple %mul3A_164, 4096 : i32
      %mul3A_166 = arith.constant 64 : i32
      %mul3A_167 = arith.muli %scan3A_150, %mul3A_166 : i32
      %add3A_168 = arith.addi %mul3A_167, %mul3A_32 : i32
      %multiple_of3A_169 = tpu.assume_multiple %add3A_168, 8 : i32
      %dma_start3A_170 = arith.constant 99968 : i32
      %dma_start3A_171 = tpu.memref_slice %arg3[%multiple_of3A_169, %dma_start3A_170] : memref<1664x100000xf32, #tpu.memory_space<hbm>> -> memref<8x32xf32, #tpu.memory_space<hbm>>
      %dma_start3A_172 = arith.constant 99968 : i32
      %dma_start3A_173 = tpu.memref_slice %arg3[%multiple_of3A_169, %dma_start3A_172] : memref<1664x100000xf32, #tpu.memory_space<hbm>> -> memref<8x32xf32, #tpu.memory_space<hbm>>
      tpu.enqueue_dma source(%dma_start3A_173 : memref<8x32xf32, #tpu.memory_space<hbm>>) target(%arg9 : memref<8x32xf32, #tpu.memory_space<vmem>>) target_semaphore(%arg14 : memref<!tpu.dma_semaphore, #tpu.memory_space<semaphore_mem>>)
      %dma_wait3A_174 = arith.constant 0 : i32
      %dma_wait3A_175 = arith.constant 0 : i32
      %dma_wait3A_176 = tpu.memref_slice %arg3[%dma_wait3A_174, %dma_wait3A_175] : memref<1664x100000xf32, #tpu.memory_space<hbm>> -> memref<8x4992xf32, #tpu.memory_space<hbm>>
      %dma_wait3A_177 = arith.constant 0 : i32
      %dma_wait3A_178 = arith.constant 0 : i32
      %dma_wait3A_179 = tpu.memref_slice %arg3[%dma_wait3A_177, %dma_wait3A_178] : memref<1664x100000xf32, #tpu.memory_space<hbm>> -> memref<8x4992xf32, #tpu.memory_space<hbm>>
      tpu.wait_dma2 semaphore(%arg11 : memref<!tpu.dma_semaphore, #tpu.memory_space<semaphore_mem>>) src(%dma_wait3A_179 : memref<8x4992xf32, #tpu.memory_space<hbm>>) dst(%arg7 : memref<8x4992xf32, #tpu.memory_space<vmem>>)
      %add3A_180 = arith.constant 0 : i32
      %add3A_181 = arith.addi %mul3A_34, %add3A_180 : i32
      %parallel_loop3A_182 = arith.constant 0 : i32
      %parallel_loop3A_183 = arith.constant 256 : i32
      %parallel_loop3A_184 = arith.constant 1 : i32
      scf.for %parallel_loop3A_320 = %parallel_loop3A_182 to %parallel_loop3A_183 step %parallel_loop3A_184  : i32 {
        %parallel_loop3A_321 = arith.constant 0 : i32
        %parallel_loop3A_322 = arith.addi %parallel_loop3A_321, %parallel_loop3A_320 : i32
        %parallel_loop3A_323 = arith.constant 16 : i32
        %parallel_loop3A_324 = arith.muli %parallel_loop3A_322, %parallel_loop3A_323 : i32
        %parallel_loop3A_325 = arith.addi %multiple_of3A_165, %parallel_loop3A_324 : i32
        %parallel_loop3A_326 = arith.index_cast %parallel_loop3A_325 : i32 to index
        %parallel_loop3A_327 = tpu.vector_load %arg6[%parallel_loop3A_326] {strides = array<i32>} : memref<8192xi32, #tpu.memory_space<vmem>>, vector<16xi32>,
        %parallel_loop3A_328 = vector.broadcast %add3A_181 : i32 to vector<16xi32>
        %parallel_loop3A_329 = arith.subi %parallel_loop3A_327, %parallel_loop3A_328 : vector<16xi32>
        %parallel_loop3A_330 = arith.constant 0 : i32
        %parallel_loop3A_331 = vector.broadcast %parallel_loop3A_330 : i32 to vector<16xi32>
        %parallel_loop3A_332 = arith.cmpi sge, %parallel_loop3A_329, %parallel_loop3A_331 : vector<16xi32>
        %parallel_loop3A_333 = arith.constant 4992 : i32
        %parallel_loop3A_334 = vector.broadcast %parallel_loop3A_333 : i32 to vector<16xi32>
        %parallel_loop3A_335 = arith.cmpi slt, %parallel_loop3A_329, %parallel_loop3A_334 : vector<16xi32>
        %parallel_loop3A_336 = arith.andi %parallel_loop3A_332, %parallel_loop3A_335 : vector<16xi1>
        %parallel_loop3A_337 = arith.constant 0 : i32
        %parallel_loop3A_338 = vector.broadcast %parallel_loop3A_337 : i32 to vector<16xi32>
        %parallel_loop3A_339 = arith.maxsi %parallel_loop3A_329, %parallel_loop3A_338 : vector<16xi32>
        %parallel_loop3A_340 = arith.constant 4991 : i32
        %parallel_loop3A_341 = vector.broadcast %parallel_loop3A_340 : i32 to vector<16xi32>
        %parallel_loop3A_342 = arith.minsi %parallel_loop3A_339, %parallel_loop3A_341 : vector<16xi32>
        %parallel_loop3A_343 = arith.constant 16 : i32
        %parallel_loop3A_344 = arith.muli %parallel_loop3A_322, %parallel_loop3A_343 : i32
        %parallel_loop3A_345 = vector.broadcast %parallel_loop3A_344 : i32 to vector<16xi32>
        %parallel_loop3A_346 = arith.addi %iota3A, %parallel_loop3A_345 : vector<16xi32>
        %parallel_loop3A_347 = arith.constant 0 : i32
        %parallel_loop3A_348 = vector.broadcast %parallel_loop3A_347 : i32 to vector<16xi32>
        %parallel_loop3A_349 = tpu.vector_load_idx %arg7[%parallel_loop3A_348, %parallel_loop3A_342] : memref<8x4992xf32, #tpu.memory_space<vmem>>[vector<16xi32>, vector<16xi32>], vector<16xf32>,
        tpu.vector_store_idx %arg10[%parallel_loop3A_348, %parallel_loop3A_346], %parallel_loop3A_349 masked %parallel_loop3A_336 {add = true} : memref<8x4096xf32, #tpu.memory_space<vmem>>[vector<16xi32>, vector<16xi32>], vector<16xf32>, vector<16xi1>
        %parallel_loop3A_350 = arith.constant 1 : i32
        %parallel_loop3A_351 = vector.broadcast %parallel_loop3A_350 : i32 to vector<16xi32>
        %parallel_loop3A_352 = tpu.vector_load_idx %arg7[%parallel_loop3A_351, %parallel_loop3A_342] : memref<8x4992xf32, #tpu.memory_space<vmem>>[vector<16xi32>, vector<16xi32>], vector<16xf32>,
        tpu.vector_store_idx %arg10[%parallel_loop3A_351, %parallel_loop3A_346], %parallel_loop3A_352 masked %parallel_loop3A_336 {add = true} : memref<8x4096xf32, #tpu.memory_space<vmem>>[vector<16xi32>, vector<16xi32>], vector<16xf32>, vector<16xi1>
        %parallel_loop3A_353 = arith.constant 2 : i32
        %parallel_loop3A_354 = vector.broadcast %parallel_loop3A_353 : i32 to vector<16xi32>
        %parallel_loop3A_355 = tpu.vector_load_idx %arg7[%parallel_loop3A_354, %parallel_loop3A_342] : memref<8x4992xf32, #tpu.memory_space<vmem>>[vector<16xi32>, vector<16xi32>], vector<16xf32>,
        tpu.vector_store_idx %arg10[%parallel_loop3A_354, %parallel_loop3A_346], %parallel_loop3A_355 masked %parallel_loop3A_336 {add = true} : memref<8x4096xf32, #tpu.memory_space<vmem>>[vector<16xi32>, vector<16xi32>], vector<16xf32>, vector<16xi1>
        %parallel_loop3A_356 = arith.constant 3 : i32
        %parallel_loop3A_357 = vector.broadcast %parallel_loop3A_356 : i32 to vector<16xi32>
        %parallel_loop3A_358 = tpu.vector_load_idx %arg7[%parallel_loop3A_357, %parallel_loop3A_342] : memref<8x4992xf32, #tpu.memory_space<vmem>>[vector<16xi32>, vector<16xi32>], vector<16xf32>,
        tpu.vector_store_idx %arg10[%parallel_loop3A_357, %parallel_loop3A_346], %parallel_loop3A_358 masked %parallel_loop3A_336 {add = true} : memref<8x4096xf32, #tpu.memory_space<vmem>>[vector<16xi32>, vector<16xi32>], vector<16xf32>, vector<16xi1>
        %parallel_loop3A_359 = arith.constant 4 : i32
        %parallel_loop3A_360 = vector.broadcast %parallel_loop3A_359 : i32 to vector<16xi32>
        %parallel_loop3A_361 = tpu.vector_load_idx %arg7[%parallel_loop3A_360, %parallel_loop3A_342] : memref<8x4992xf32, #tpu.memory_space<vmem>>[vector<16xi32>, vector<16xi32>], vector<16xf32>,
        tpu.vector_store_idx %arg10[%parallel_loop3A_360, %parallel_loop3A_346], %parallel_loop3A_361 masked %parallel_loop3A_336 {add = true} : memref<8x4096xf32, #tpu.memory_space<vmem>>[vector<16xi32>, vector<16xi32>], vector<16xf32>, vector<16xi1>
        %parallel_loop3A_362 = arith.constant 5 : i32
        %parallel_loop3A_363 = vector.broadcast %parallel_loop3A_362 : i32 to vector<16xi32>
        %parallel_loop3A_364 = tpu.vector_load_idx %arg7[%parallel_loop3A_363, %parallel_loop3A_342] : memref<8x4992xf32, #tpu.memory_space<vmem>>[vector<16xi32>, vector<16xi32>], vector<16xf32>,
        tpu.vector_store_idx %arg10[%parallel_loop3A_363, %parallel_loop3A_346], %parallel_loop3A_364 masked %parallel_loop3A_336 {add = true} : memref<8x4096xf32, #tpu.memory_space<vmem>>[vector<16xi32>, vector<16xi32>], vector<16xf32>, vector<16xi1>
        %parallel_loop3A_365 = arith.constant 6 : i32
        %parallel_loop3A_366 = vector.broadcast %parallel_loop3A_365 : i32 to vector<16xi32>
        %parallel_loop3A_367 = tpu.vector_load_idx %arg7[%parallel_loop3A_366, %parallel_loop3A_342] : memref<8x4992xf32, #tpu.memory_space<vmem>>[vector<16xi32>, vector<16xi32>], vector<16xf32>,
        tpu.vector_store_idx %arg10[%parallel_loop3A_366, %parallel_loop3A_346], %parallel_loop3A_367 masked %parallel_loop3A_336 {add = true} : memref<8x4096xf32, #tpu.memory_space<vmem>>[vector<16xi32>, vector<16xi32>], vector<16xf32>, vector<16xi1>
        %parallel_loop3A_368 = arith.constant 7 : i32
        %parallel_loop3A_369 = vector.broadcast %parallel_loop3A_368 : i32 to vector<16xi32>
        %parallel_loop3A_370 = tpu.vector_load_idx %arg7[%parallel_loop3A_369, %parallel_loop3A_342] : memref<8x4992xf32, #tpu.memory_space<vmem>>[vector<16xi32>, vector<16xi32>], vector<16xf32>,
        tpu.vector_store_idx %arg10[%parallel_loop3A_369, %parallel_loop3A_346], %parallel_loop3A_370 masked %parallel_loop3A_336 {add = true} : memref<8x4096xf32, #tpu.memory_space<vmem>>[vector<16xi32>, vector<16xi32>], vector<16xf32>, vector<16xi1>
      } {sc.loop_unroll_factor = 4 : i64, sc.parallel_access}
      %mul3A_185 = arith.constant 64 : i32
      %mul3A_186 = arith.muli %scan3A_150, %mul3A_185 : i32
      %add3A_187 = arith.addi %mul3A_186, %mul3A_32 : i32
      %multiple_of3A_188 = tpu.assume_multiple %add3A_187, 8 : i32
      %add3A_189 = arith.constant 9984 : i32
      %add3A_190 = arith.addi %mul3A_34, %add3A_189 : i32
      %multiple_of3A_191 = tpu.assume_multiple %add3A_190, 128 : i32
      %dma_start3A_192 = tpu.memref_slice %arg3[%multiple_of3A_188, %multiple_of3A_191] : memref<1664x100000xf32, #tpu.memory_space<hbm>> -> memref<8x4992xf32, #tpu.memory_space<hbm>>
      %dma_start3A_193 = tpu.memref_slice %arg3[%multiple_of3A_188, %multiple_of3A_191] : memref<1664x100000xf32, #tpu.memory_space<hbm>> -> memref<8x4992xf32, #tpu.memory_space<hbm>>
      tpu.enqueue_dma source(%dma_start3A_193 : memref<8x4992xf32, #tpu.memory_space<hbm>>) target(%arg7 : memref<8x4992xf32, #tpu.memory_space<vmem>>) target_semaphore(%arg11 : memref<!tpu.dma_semaphore, #tpu.memory_space<semaphore_mem>>)
      %dma_wait3A_194 = arith.constant 0 : i32
      %dma_wait3A_195 = arith.constant 0 : i32
      %dma_wait3A_196 = tpu.memref_slice %arg3[%dma_wait3A_194, %dma_wait3A_195] : memref<1664x100000xf32, #tpu.memory_space<hbm>> -> memref<8x4992xf32, #tpu.memory_space<hbm>>
      %dma_wait3A_197 = arith.constant 0 : i32
      %dma_wait3A_198 = arith.constant 0 : i32
      %dma_wait3A_199 = tpu.memref_slice %arg3[%dma_wait3A_197, %dma_wait3A_198] : memref<1664x100000xf32, #tpu.memory_space<hbm>> -> memref<8x4992xf32, #tpu.memory_space<hbm>>
      tpu.wait_dma2 semaphore(%arg12 : memref<!tpu.dma_semaphore, #tpu.memory_space<semaphore_mem>>) src(%dma_wait3A_199 : memref<8x4992xf32, #tpu.memory_space<hbm>>) dst(%arg8 : memref<8x4992xf32, #tpu.memory_space<vmem>>)
      %add3A_200 = arith.constant 4992 : i32
      %add3A_201 = arith.addi %mul3A_34, %add3A_200 : i32
      %parallel_loop3A_202 = arith.constant 0 : i32
      %parallel_loop3A_203 = arith.constant 256 : i32
      %parallel_loop3A_204 = arith.constant 1 : i32
      scf.for %parallel_loop3A_320 = %parallel_loop3A_202 to %parallel_loop3A_203 step %parallel_loop3A_204  : i32 {
        %parallel_loop3A_321 = arith.constant 0 : i32
        %parallel_loop3A_322 = arith.addi %parallel_loop3A_321, %parallel_loop3A_320 : i32
        %parallel_loop3A_323 = arith.constant 16 : i32
        %parallel_loop3A_324 = arith.muli %parallel_loop3A_322, %parallel_loop3A_323 : i32
        %parallel_loop3A_325 = arith.addi %multiple_of3A_165, %parallel_loop3A_324 : i32
        %parallel_loop3A_326 = arith.index_cast %parallel_loop3A_325 : i32 to index
        %parallel_loop3A_327 = tpu.vector_load %arg6[%parallel_loop3A_326] {strides = array<i32>} : memref<8192xi32, #tpu.memory_space<vmem>>, vector<16xi32>,
        %parallel_loop3A_328 = vector.broadcast %add3A_201 : i32 to vector<16xi32>
        %parallel_loop3A_329 = arith.subi %parallel_loop3A_327, %parallel_loop3A_328 : vector<16xi32>
        %parallel_loop3A_330 = arith.constant 0 : i32
        %parallel_loop3A_331 = vector.broadcast %parallel_loop3A_330 : i32 to vector<16xi32>
        %parallel_loop3A_332 = arith.cmpi sge, %parallel_loop3A_329, %parallel_loop3A_331 : vector<16xi32>
        %parallel_loop3A_333 = arith.constant 4992 : i32
        %parallel_loop3A_334 = vector.broadcast %parallel_loop3A_333 : i32 to vector<16xi32>
        %parallel_loop3A_335 = arith.cmpi slt, %parallel_loop3A_329, %parallel_loop3A_334 : vector<16xi32>
        %parallel_loop3A_336 = arith.andi %parallel_loop3A_332, %parallel_loop3A_335 : vector<16xi1>
        %parallel_loop3A_337 = arith.constant 0 : i32
        %parallel_loop3A_338 = vector.broadcast %parallel_loop3A_337 : i32 to vector<16xi32>
        %parallel_loop3A_339 = arith.maxsi %parallel_loop3A_329, %parallel_loop3A_338 : vector<16xi32>
        %parallel_loop3A_340 = arith.constant 4991 : i32
        %parallel_loop3A_341 = vector.broadcast %parallel_loop3A_340 : i32 to vector<16xi32>
        %parallel_loop3A_342 = arith.minsi %parallel_loop3A_339, %parallel_loop3A_341 : vector<16xi32>
        %parallel_loop3A_343 = arith.constant 16 : i32
        %parallel_loop3A_344 = arith.muli %parallel_loop3A_322, %parallel_loop3A_343 : i32
        %parallel_loop3A_345 = vector.broadcast %parallel_loop3A_344 : i32 to vector<16xi32>
        %parallel_loop3A_346 = arith.addi %iota3A, %parallel_loop3A_345 : vector<16xi32>
        %parallel_loop3A_347 = arith.constant 0 : i32
        %parallel_loop3A_348 = vector.broadcast %parallel_loop3A_347 : i32 to vector<16xi32>
        %parallel_loop3A_349 = tpu.vector_load_idx %arg8[%parallel_loop3A_348, %parallel_loop3A_342] : memref<8x4992xf32, #tpu.memory_space<vmem>>[vector<16xi32>, vector<16xi32>], vector<16xf32>,
        tpu.vector_store_idx %arg10[%parallel_loop3A_348, %parallel_loop3A_346], %parallel_loop3A_349 masked %parallel_loop3A_336 {add = true} : memref<8x4096xf32, #tpu.memory_space<vmem>>[vector<16xi32>, vector<16xi32>], vector<16xf32>, vector<16xi1>
        %parallel_loop3A_350 = arith.constant 1 : i32
        %parallel_loop3A_351 = vector.broadcast %parallel_loop3A_350 : i32 to vector<16xi32>
        %parallel_loop3A_352 = tpu.vector_load_idx %arg8[%parallel_loop3A_351, %parallel_loop3A_342] : memref<8x4992xf32, #tpu.memory_space<vmem>>[vector<16xi32>, vector<16xi32>], vector<16xf32>,
        tpu.vector_store_idx %arg10[%parallel_loop3A_351, %parallel_loop3A_346], %parallel_loop3A_352 masked %parallel_loop3A_336 {add = true} : memref<8x4096xf32, #tpu.memory_space<vmem>>[vector<16xi32>, vector<16xi32>], vector<16xf32>, vector<16xi1>
        %parallel_loop3A_353 = arith.constant 2 : i32
        %parallel_loop3A_354 = vector.broadcast %parallel_loop3A_353 : i32 to vector<16xi32>
        %parallel_loop3A_355 = tpu.vector_load_idx %arg8[%parallel_loop3A_354, %parallel_loop3A_342] : memref<8x4992xf32, #tpu.memory_space<vmem>>[vector<16xi32>, vector<16xi32>], vector<16xf32>,
        tpu.vector_store_idx %arg10[%parallel_loop3A_354, %parallel_loop3A_346], %parallel_loop3A_355 masked %parallel_loop3A_336 {add = true} : memref<8x4096xf32, #tpu.memory_space<vmem>>[vector<16xi32>, vector<16xi32>], vector<16xf32>, vector<16xi1>
        %parallel_loop3A_356 = arith.constant 3 : i32
        %parallel_loop3A_357 = vector.broadcast %parallel_loop3A_356 : i32 to vector<16xi32>
        %parallel_loop3A_358 = tpu.vector_load_idx %arg8[%parallel_loop3A_357, %parallel_loop3A_342] : memref<8x4992xf32, #tpu.memory_space<vmem>>[vector<16xi32>, vector<16xi32>], vector<16xf32>,
        tpu.vector_store_idx %arg10[%parallel_loop3A_357, %parallel_loop3A_346], %parallel_loop3A_358 masked %parallel_loop3A_336 {add = true} : memref<8x4096xf32, #tpu.memory_space<vmem>>[vector<16xi32>, vector<16xi32>], vector<16xf32>, vector<16xi1>
        %parallel_loop3A_359 = arith.constant 4 : i32
        %parallel_loop3A_360 = vector.broadcast %parallel_loop3A_359 : i32 to vector<16xi32>
        %parallel_loop3A_361 = tpu.vector_load_idx %arg8[%parallel_loop3A_360, %parallel_loop3A_342] : memref<8x4992xf32, #tpu.memory_space<vmem>>[vector<16xi32>, vector<16xi32>], vector<16xf32>,
        tpu.vector_store_idx %arg10[%parallel_loop3A_360, %parallel_loop3A_346], %parallel_loop3A_361 masked %parallel_loop3A_336 {add = true} : memref<8x4096xf32, #tpu.memory_space<vmem>>[vector<16xi32>, vector<16xi32>], vector<16xf32>, vector<16xi1>
        %parallel_loop3A_362 = arith.constant 5 : i32
        %parallel_loop3A_363 = vector.broadcast %parallel_loop3A_362 : i32 to vector<16xi32>
        %parallel_loop3A_364 = tpu.vector_load_idx %arg8[%parallel_loop3A_363, %parallel_loop3A_342] : memref<8x4992xf32, #tpu.memory_space<vmem>>[vector<16xi32>, vector<16xi32>], vector<16xf32>,
        tpu.vector_store_idx %arg10[%parallel_loop3A_363, %parallel_loop3A_346], %parallel_loop3A_364 masked %parallel_loop3A_336 {add = true} : memref<8x4096xf32, #tpu.memory_space<vmem>>[vector<16xi32>, vector<16xi32>], vector<16xf32>, vector<16xi1>
        %parallel_loop3A_365 = arith.constant 6 : i32
        %parallel_loop3A_366 = vector.broadcast %parallel_loop3A_365 : i32 to vector<16xi32>
        %parallel_loop3A_367 = tpu.vector_load_idx %arg8[%parallel_loop3A_366, %parallel_loop3A_342] : memref<8x4992xf32, #tpu.memory_space<vmem>>[vector<16xi32>, vector<16xi32>], vector<16xf32>,
        tpu.vector_store_idx %arg10[%parallel_loop3A_366, %parallel_loop3A_346], %parallel_loop3A_367 masked %parallel_loop3A_336 {add = true} : memref<8x4096xf32, #tpu.memory_space<vmem>>[vector<16xi32>, vector<16xi32>], vector<16xf32>, vector<16xi1>
        %parallel_loop3A_368 = arith.constant 7 : i32
        %parallel_loop3A_369 = vector.broadcast %parallel_loop3A_368 : i32 to vector<16xi32>
        %parallel_loop3A_370 = tpu.vector_load_idx %arg8[%parallel_loop3A_369, %parallel_loop3A_342] : memref<8x4992xf32, #tpu.memory_space<vmem>>[vector<16xi32>, vector<16xi32>], vector<16xf32>,
        tpu.vector_store_idx %arg10[%parallel_loop3A_369, %parallel_loop3A_346], %parallel_loop3A_370 masked %parallel_loop3A_336 {add = true} : memref<8x4096xf32, #tpu.memory_space<vmem>>[vector<16xi32>, vector<16xi32>], vector<16xf32>, vector<16xi1>
      } {sc.loop_unroll_factor = 4 : i64, sc.parallel_access}
      %mul3A_205 = arith.constant 64 : i32
      %mul3A_206 = arith.muli %scan3A_150, %mul3A_205 : i32
      %add3A_207 = arith.addi %mul3A_206, %mul3A_32 : i32
      %multiple_of3A_208 = tpu.assume_multiple %add3A_207, 8 : i32
      %add3A_209 = arith.constant 14976 : i32
      %add3A_210 = arith.addi %mul3A_34, %add3A_209 : i32
      %multiple_of3A_211 = tpu.assume_multiple %add3A_210, 128 : i32
      %dma_start3A_212 = tpu.memref_slice %arg3[%multiple_of3A_208, %multiple_of3A_211] : memref<1664x100000xf32, #tpu.memory_space<hbm>> -> memref<8x4992xf32, #tpu.memory_space<hbm>>
      %dma_start3A_213 = tpu.memref_slice %arg3[%multiple_of3A_208, %multiple_of3A_211] : memref<1664x100000xf32, #tpu.memory_space<hbm>> -> memref<8x4992xf32, #tpu.memory_space<hbm>>
      tpu.enqueue_dma source(%dma_start3A_213 : memref<8x4992xf32, #tpu.memory_space<hbm>>) target(%arg8 : memref<8x4992xf32, #tpu.memory_space<vmem>>) target_semaphore(%arg12 : memref<!tpu.dma_semaphore, #tpu.memory_space<semaphore_mem>>)
      %dma_wait3A_214 = arith.constant 0 : i32
      %dma_wait3A_215 = arith.constant 0 : i32
      %dma_wait3A_216 = tpu.memref_slice %arg3[%dma_wait3A_214, %dma_wait3A_215] : memref<1664x100000xf32, #tpu.memory_space<hbm>> -> memref<8x4992xf32, #tpu.memory_space<hbm>>
      %dma_wait3A_217 = arith.constant 0 : i32
      %dma_wait3A_218 = arith.constant 0 : i32
      %dma_wait3A_219 = tpu.memref_slice %arg3[%dma_wait3A_217, %dma_wait3A_218] : memref<1664x100000xf32, #tpu.memory_space<hbm>> -> memref<8x4992xf32, #tpu.memory_space<hbm>>
      tpu.wait_dma2 semaphore(%arg11 : memref<!tpu.dma_semaphore, #tpu.memory_space<semaphore_mem>>) src(%dma_wait3A_219 : memref<8x4992xf32, #tpu.memory_space<hbm>>) dst(%arg7 : memref<8x4992xf32, #tpu.memory_space<vmem>>)
      %add3A_220 = arith.constant 9984 : i32
      %add3A_221 = arith.addi %mul3A_34, %add3A_220 : i32
      %parallel_loop3A_222 = arith.constant 0 : i32
      %parallel_loop3A_223 = arith.constant 256 : i32
      %parallel_loop3A_224 = arith.constant 1 : i32
      scf.for %parallel_loop3A_320 = %parallel_loop3A_222 to %parallel_loop3A_223 step %parallel_loop3A_224  : i32 {
        %parallel_loop3A_321 = arith.constant 0 : i32
        %parallel_loop3A_322 = arith.addi %parallel_loop3A_321, %parallel_loop3A_320 : i32
        %parallel_loop3A_323 = arith.constant 16 : i32
        %parallel_loop3A_324 = arith.muli %parallel_loop3A_322, %parallel_loop3A_323 : i32
        %parallel_loop3A_325 = arith.addi %multiple_of3A_165, %parallel_loop3A_324 : i32
        %parallel_loop3A_326 = arith.index_cast %parallel_loop3A_325 : i32 to index
        %parallel_loop3A_327 = tpu.vector_load %arg6[%parallel_loop3A_326] {strides = array<i32>} : memref<8192xi32, #tpu.memory_space<vmem>>, vector<16xi32>,
        %parallel_loop3A_328 = vector.broadcast %add3A_221 : i32 to vector<16xi32>
        %parallel_loop3A_329 = arith.subi %parallel_loop3A_327, %parallel_loop3A_328 : vector<16xi32>
        %parallel_loop3A_330 = arith.constant 0 : i32
        %parallel_loop3A_331 = vector.broadcast %parallel_loop3A_330 : i32 to vector<16xi32>
        %parallel_loop3A_332 = arith.cmpi sge, %parallel_loop3A_329, %parallel_loop3A_331 : vector<16xi32>
        %parallel_loop3A_333 = arith.constant 4992 : i32
        %parallel_loop3A_334 = vector.broadcast %parallel_loop3A_333 : i32 to vector<16xi32>
        %parallel_loop3A_335 = arith.cmpi slt, %parallel_loop3A_329, %parallel_loop3A_334 : vector<16xi32>
        %parallel_loop3A_336 = arith.andi %parallel_loop3A_332, %parallel_loop3A_335 : vector<16xi1>
        %parallel_loop3A_337 = arith.constant 0 : i32
        %parallel_loop3A_338 = vector.broadcast %parallel_loop3A_337 : i32 to vector<16xi32>
        %parallel_loop3A_339 = arith.maxsi %parallel_loop3A_329, %parallel_loop3A_338 : vector<16xi32>
        %parallel_loop3A_340 = arith.constant 4991 : i32
        %parallel_loop3A_341 = vector.broadcast %parallel_loop3A_340 : i32 to vector<16xi32>
        %parallel_loop3A_342 = arith.minsi %parallel_loop3A_339, %parallel_loop3A_341 : vector<16xi32>
        %parallel_loop3A_343 = arith.constant 16 : i32
        %parallel_loop3A_344 = arith.muli %parallel_loop3A_322, %parallel_loop3A_343 : i32
        %parallel_loop3A_345 = vector.broadcast %parallel_loop3A_344 : i32 to vector<16xi32>
        %parallel_loop3A_346 = arith.addi %iota3A, %parallel_loop3A_345 : vector<16xi32>
        %parallel_loop3A_347 = arith.constant 0 : i32
        %parallel_loop3A_348 = vector.broadcast %parallel_loop3A_347 : i32 to vector<16xi32>
        %parallel_loop3A_349 = tpu.vector_load_idx %arg7[%parallel_loop3A_348, %parallel_loop3A_342] : memref<8x4992xf32, #tpu.memory_space<vmem>>[vector<16xi32>, vector<16xi32>], vector<16xf32>,
        tpu.vector_store_idx %arg10[%parallel_loop3A_348, %parallel_loop3A_346], %parallel_loop3A_349 masked %parallel_loop3A_336 {add = true} : memref<8x4096xf32, #tpu.memory_space<vmem>>[vector<16xi32>, vector<16xi32>], vector<16xf32>, vector<16xi1>
        %parallel_loop3A_350 = arith.constant 1 : i32
        %parallel_loop3A_351 = vector.broadcast %parallel_loop3A_350 : i32 to vector<16xi32>
        %parallel_loop3A_352 = tpu.vector_load_idx %arg7[%parallel_loop3A_351, %parallel_loop3A_342] : memref<8x4992xf32, #tpu.memory_space<vmem>>[vector<16xi32>, vector<16xi32>], vector<16xf32>,
        tpu.vector_store_idx %arg10[%parallel_loop3A_351, %parallel_loop3A_346], %parallel_loop3A_352 masked %parallel_loop3A_336 {add = true} : memref<8x4096xf32, #tpu.memory_space<vmem>>[vector<16xi32>, vector<16xi32>], vector<16xf32>, vector<16xi1>
        %parallel_loop3A_353 = arith.constant 2 : i32
        %parallel_loop3A_354 = vector.broadcast %parallel_loop3A_353 : i32 to vector<16xi32>
        %parallel_loop3A_355 = tpu.vector_load_idx %arg7[%parallel_loop3A_354, %parallel_loop3A_342] : memref<8x4992xf32, #tpu.memory_space<vmem>>[vector<16xi32>, vector<16xi32>], vector<16xf32>,
        tpu.vector_store_idx %arg10[%parallel_loop3A_354, %parallel_loop3A_346], %parallel_loop3A_355 masked %parallel_loop3A_336 {add = true} : memref<8x4096xf32, #tpu.memory_space<vmem>>[vector<16xi32>, vector<16xi32>], vector<16xf32>, vector<16xi1>
        %parallel_loop3A_356 = arith.constant 3 : i32
        %parallel_loop3A_357 = vector.broadcast %parallel_loop3A_356 : i32 to vector<16xi32>
        %parallel_loop3A_358 = tpu.vector_load_idx %arg7[%parallel_loop3A_357, %parallel_loop3A_342] : memref<8x4992xf32, #tpu.memory_space<vmem>>[vector<16xi32>, vector<16xi32>], vector<16xf32>,
        tpu.vector_store_idx %arg10[%parallel_loop3A_357, %parallel_loop3A_346], %parallel_loop3A_358 masked %parallel_loop3A_336 {add = true} : memref<8x4096xf32, #tpu.memory_space<vmem>>[vector<16xi32>, vector<16xi32>], vector<16xf32>, vector<16xi1>
        %parallel_loop3A_359 = arith.constant 4 : i32
        %parallel_loop3A_360 = vector.broadcast %parallel_loop3A_359 : i32 to vector<16xi32>
        %parallel_loop3A_361 = tpu.vector_load_idx %arg7[%parallel_loop3A_360, %parallel_loop3A_342] : memref<8x4992xf32, #tpu.memory_space<vmem>>[vector<16xi32>, vector<16xi32>], vector<16xf32>,
        tpu.vector_store_idx %arg10[%parallel_loop3A_360, %parallel_loop3A_346], %parallel_loop3A_361 masked %parallel_loop3A_336 {add = true} : memref<8x4096xf32, #tpu.memory_space<vmem>>[vector<16xi32>, vector<16xi32>], vector<16xf32>, vector<16xi1>
        %parallel_loop3A_362 = arith.constant 5 : i32
        %parallel_loop3A_363 = vector.broadcast %parallel_loop3A_362 : i32 to vector<16xi32>
        %parallel_loop3A_364 = tpu.vector_load_idx %arg7[%parallel_loop3A_363, %parallel_loop3A_342] : memref<8x4992xf32, #tpu.memory_space<vmem>>[vector<16xi32>, vector<16xi32>], vector<16xf32>,
        tpu.vector_store_idx %arg10[%parallel_loop3A_363, %parallel_loop3A_346], %parallel_loop3A_364 masked %parallel_loop3A_336 {add = true} : memref<8x4096xf32, #tpu.memory_space<vmem>>[vector<16xi32>, vector<16xi32>], vector<16xf32>, vector<16xi1>
        %parallel_loop3A_365 = arith.constant 6 : i32
        %parallel_loop3A_366 = vector.broadcast %parallel_loop3A_365 : i32 to vector<16xi32>
        %parallel_loop3A_367 = tpu.vector_load_idx %arg7[%parallel_loop3A_366, %parallel_loop3A_342] : memref<8x4992xf32, #tpu.memory_space<vmem>>[vector<16xi32>, vector<16xi32>], vector<16xf32>,
        tpu.vector_store_idx %arg10[%parallel_loop3A_366, %parallel_loop3A_346], %parallel_loop3A_367 masked %parallel_loop3A_336 {add = true} : memref<8x4096xf32, #tpu.memory_space<vmem>>[vector<16xi32>, vector<16xi32>], vector<16xf32>, vector<16xi1>
        %parallel_loop3A_368 = arith.constant 7 : i32
        %parallel_loop3A_369 = vector.broadcast %parallel_loop3A_368 : i32 to vector<16xi32>
        %parallel_loop3A_370 = tpu.vector_load_idx %arg7[%parallel_loop3A_369, %parallel_loop3A_342] : memref<8x4992xf32, #tpu.memory_space<vmem>>[vector<16xi32>, vector<16xi32>], vector<16xf32>,
        tpu.vector_store_idx %arg10[%parallel_loop3A_369, %parallel_loop3A_346], %parallel_loop3A_370 masked %parallel_loop3A_336 {add = true} : memref<8x4096xf32, #tpu.memory_space<vmem>>[vector<16xi32>, vector<16xi32>], vector<16xf32>, vector<16xi1>
      } {sc.loop_unroll_factor = 4 : i64, sc.parallel_access}
      %mul3A_225 = arith.constant 64 : i32
      %mul3A_226 = arith.muli %scan3A_150, %mul3A_225 : i32
      %add3A_227 = arith.addi %mul3A_226, %mul3A_32 : i32
      %multiple_of3A_228 = tpu.assume_multiple %add3A_227, 8 : i32
      %add3A_229 = arith.constant 19968 : i32
      %add3A_230 = arith.addi %mul3A_34, %add3A_229 : i32
      %multiple_of3A_231 = tpu.assume_multiple %add3A_230, 128 : i32
      %dma_start3A_232 = arith.constant 0 : i32
      %dma_start3A_233 = arith.constant 0 : i32
      %dma_start3A_234 = tpu.memref_slice %arg7[%dma_start3A_232, %dma_start3A_233] : memref<8x4992xf32, #tpu.memory_space<vmem>> -> memref<8x4608xf32, #tpu.memory_space<vmem>>
      %dma_start3A_235 = tpu.memref_slice %arg3[%multiple_of3A_228, %multiple_of3A_231] : memref<1664x100000xf32, #tpu.memory_space<hbm>> -> memref<8x4608xf32, #tpu.memory_space<hbm>>
      %dma_start3A_236 = arith.constant 0 : i32
      %dma_start3A_237 = arith.constant 0 : i32
      %dma_start3A_238 = tpu.memref_slice %arg7[%dma_start3A_236, %dma_start3A_237] : memref<8x4992xf32, #tpu.memory_space<vmem>> -> memref<8x4608xf32, #tpu.memory_space<vmem>>
      %dma_start3A_239 = tpu.memref_slice %arg3[%multiple_of3A_228, %multiple_of3A_231] : memref<1664x100000xf32, #tpu.memory_space<hbm>> -> memref<8x4608xf32, #tpu.memory_space<hbm>>
      tpu.enqueue_dma source(%dma_start3A_239 : memref<8x4608xf32, #tpu.memory_space<hbm>>) target(%dma_start3A_238 : memref<8x4608xf32, #tpu.memory_space<vmem>>) target_semaphore(%arg11 : memref<!tpu.dma_semaphore, #tpu.memory_space<semaphore_mem>>)
      %dma_wait3A_240 = arith.constant 0 : i32
      %dma_wait3A_241 = arith.constant 0 : i32
      %dma_wait3A_242 = tpu.memref_slice %arg3[%dma_wait3A_240, %dma_wait3A_241] : memref<1664x100000xf32, #tpu.memory_space<hbm>> -> memref<8x4992xf32, #tpu.memory_space<hbm>>
      %dma_wait3A_243 = arith.constant 0 : i32
      %dma_wait3A_244 = arith.constant 0 : i32
      %dma_wait3A_245 = tpu.memref_slice %arg3[%dma_wait3A_243, %dma_wait3A_244] : memref<1664x100000xf32, #tpu.memory_space<hbm>> -> memref<8x4992xf32, #tpu.memory_space<hbm>>
      tpu.wait_dma2 semaphore(%arg12 : memref<!tpu.dma_semaphore, #tpu.memory_space<semaphore_mem>>) src(%dma_wait3A_245 : memref<8x4992xf32, #tpu.memory_space<hbm>>) dst(%arg8 : memref<8x4992xf32, #tpu.memory_space<vmem>>)
      %add3A_246 = arith.constant 14976 : i32
      %add3A_247 = arith.addi %mul3A_34, %add3A_246 : i32
      %parallel_loop3A_248 = arith.constant 0 : i32
      %parallel_loop3A_249 = arith.constant 256 : i32
      %parallel_loop3A_250 = arith.constant 1 : i32
      scf.for %parallel_loop3A_320 = %parallel_loop3A_248 to %parallel_loop3A_249 step %parallel_loop3A_250  : i32 {
        %parallel_loop3A_321 = arith.constant 0 : i32
        %parallel_loop3A_322 = arith.addi %parallel_loop3A_321, %parallel_loop3A_320 : i32
        %parallel_loop3A_323 = arith.constant 16 : i32
        %parallel_loop3A_324 = arith.muli %parallel_loop3A_322, %parallel_loop3A_323 : i32
        %parallel_loop3A_325 = arith.addi %multiple_of3A_165, %parallel_loop3A_324 : i32
        %parallel_loop3A_326 = arith.index_cast %parallel_loop3A_325 : i32 to index
        %parallel_loop3A_327 = tpu.vector_load %arg6[%parallel_loop3A_326] {strides = array<i32>} : memref<8192xi32, #tpu.memory_space<vmem>>, vector<16xi32>,
        %parallel_loop3A_328 = vector.broadcast %add3A_247 : i32 to vector<16xi32>
        %parallel_loop3A_329 = arith.subi %parallel_loop3A_327, %parallel_loop3A_328 : vector<16xi32>
        %parallel_loop3A_330 = arith.constant 0 : i32
        %parallel_loop3A_331 = vector.broadcast %parallel_loop3A_330 : i32 to vector<16xi32>
        %parallel_loop3A_332 = arith.cmpi sge, %parallel_loop3A_329, %parallel_loop3A_331 : vector<16xi32>
        %parallel_loop3A_333 = arith.constant 4992 : i32
        %parallel_loop3A_334 = vector.broadcast %parallel_loop3A_333 : i32 to vector<16xi32>
        %parallel_loop3A_335 = arith.cmpi slt, %parallel_loop3A_329, %parallel_loop3A_334 : vector<16xi32>
        %parallel_loop3A_336 = arith.andi %parallel_loop3A_332, %parallel_loop3A_335 : vector<16xi1>
        %parallel_loop3A_337 = arith.constant 0 : i32
        %parallel_loop3A_338 = vector.broadcast %parallel_loop3A_337 : i32 to vector<16xi32>
        %parallel_loop3A_339 = arith.maxsi %parallel_loop3A_329, %parallel_loop3A_338 : vector<16xi32>
        %parallel_loop3A_340 = arith.constant 4991 : i32
        %parallel_loop3A_341 = vector.broadcast %parallel_loop3A_340 : i32 to vector<16xi32>
        %parallel_loop3A_342 = arith.minsi %parallel_loop3A_339, %parallel_loop3A_341 : vector<16xi32>
        %parallel_loop3A_343 = arith.constant 16 : i32
        %parallel_loop3A_344 = arith.muli %parallel_loop3A_322, %parallel_loop3A_343 : i32
        %parallel_loop3A_345 = vector.broadcast %parallel_loop3A_344 : i32 to vector<16xi32>
        %parallel_loop3A_346 = arith.addi %iota3A, %parallel_loop3A_345 : vector<16xi32>
        %parallel_loop3A_347 = arith.constant 0 : i32
        %parallel_loop3A_348 = vector.broadcast %parallel_loop3A_347 : i32 to vector<16xi32>
        %parallel_loop3A_349 = tpu.vector_load_idx %arg8[%parallel_loop3A_348, %parallel_loop3A_342] : memref<8x4992xf32, #tpu.memory_space<vmem>>[vector<16xi32>, vector<16xi32>], vector<16xf32>,
        tpu.vector_store_idx %arg10[%parallel_loop3A_348, %parallel_loop3A_346], %parallel_loop3A_349 masked %parallel_loop3A_336 {add = true} : memref<8x4096xf32, #tpu.memory_space<vmem>>[vector<16xi32>, vector<16xi32>], vector<16xf32>, vector<16xi1>
        %parallel_loop3A_350 = arith.constant 1 : i32
        %parallel_loop3A_351 = vector.broadcast %parallel_loop3A_350 : i32 to vector<16xi32>
        %parallel_loop3A_352 = tpu.vector_load_idx %arg8[%parallel_loop3A_351, %parallel_loop3A_342] : memref<8x4992xf32, #tpu.memory_space<vmem>>[vector<16xi32>, vector<16xi32>], vector<16xf32>,
        tpu.vector_store_idx %arg10[%parallel_loop3A_351, %parallel_loop3A_346], %parallel_loop3A_352 masked %parallel_loop3A_336 {add = true} : memref<8x4096xf32, #tpu.memory_space<vmem>>[vector<16xi32>, vector<16xi32>], vector<16xf32>, vector<16xi1>
        %parallel_loop3A_353 = arith.constant 2 : i32
        %parallel_loop3A_354 = vector.broadcast %parallel_loop3A_353 : i32 to vector<16xi32>
        %parallel_loop3A_355 = tpu.vector_load_idx %arg8[%parallel_loop3A_354, %parallel_loop3A_342] : memref<8x4992xf32, #tpu.memory_space<vmem>>[vector<16xi32>, vector<16xi32>], vector<16xf32>,
        tpu.vector_store_idx %arg10[%parallel_loop3A_354, %parallel_loop3A_346], %parallel_loop3A_355 masked %parallel_loop3A_336 {add = true} : memref<8x4096xf32, #tpu.memory_space<vmem>>[vector<16xi32>, vector<16xi32>], vector<16xf32>, vector<16xi1>
        %parallel_loop3A_356 = arith.constant 3 : i32
        %parallel_loop3A_357 = vector.broadcast %parallel_loop3A_356 : i32 to vector<16xi32>
        %parallel_loop3A_358 = tpu.vector_load_idx %arg8[%parallel_loop3A_357, %parallel_loop3A_342] : memref<8x4992xf32, #tpu.memory_space<vmem>>[vector<16xi32>, vector<16xi32>], vector<16xf32>,
        tpu.vector_store_idx %arg10[%parallel_loop3A_357, %parallel_loop3A_346], %parallel_loop3A_358 masked %parallel_loop3A_336 {add = true} : memref<8x4096xf32, #tpu.memory_space<vmem>>[vector<16xi32>, vector<16xi32>], vector<16xf32>, vector<16xi1>
        %parallel_loop3A_359 = arith.constant 4 : i32
        %parallel_loop3A_360 = vector.broadcast %parallel_loop3A_359 : i32 to vector<16xi32>
        %parallel_loop3A_361 = tpu.vector_load_idx %arg8[%parallel_loop3A_360, %parallel_loop3A_342] : memref<8x4992xf32, #tpu.memory_space<vmem>>[vector<16xi32>, vector<16xi32>], vector<16xf32>,
        tpu.vector_store_idx %arg10[%parallel_loop3A_360, %parallel_loop3A_346], %parallel_loop3A_361 masked %parallel_loop3A_336 {add = true} : memref<8x4096xf32, #tpu.memory_space<vmem>>[vector<16xi32>, vector<16xi32>], vector<16xf32>, vector<16xi1>
        %parallel_loop3A_362 = arith.constant 5 : i32
        %parallel_loop3A_363 = vector.broadcast %parallel_loop3A_362 : i32 to vector<16xi32>
        %parallel_loop3A_364 = tpu.vector_load_idx %arg8[%parallel_loop3A_363, %parallel_loop3A_342] : memref<8x4992xf32, #tpu.memory_space<vmem>>[vector<16xi32>, vector<16xi32>], vector<16xf32>,
        tpu.vector_store_idx %arg10[%parallel_loop3A_363, %parallel_loop3A_346], %parallel_loop3A_364 masked %parallel_loop3A_336 {add = true} : memref<8x4096xf32, #tpu.memory_space<vmem>>[vector<16xi32>, vector<16xi32>], vector<16xf32>, vector<16xi1>
        %parallel_loop3A_365 = arith.constant 6 : i32
        %parallel_loop3A_366 = vector.broadcast %parallel_loop3A_365 : i32 to vector<16xi32>
        %parallel_loop3A_367 = tpu.vector_load_idx %arg8[%parallel_loop3A_366, %parallel_loop3A_342] : memref<8x4992xf32, #tpu.memory_space<vmem>>[vector<16xi32>, vector<16xi32>], vector<16xf32>,
        tpu.vector_store_idx %arg10[%parallel_loop3A_366, %parallel_loop3A_346], %parallel_loop3A_367 masked %parallel_loop3A_336 {add = true} : memref<8x4096xf32, #tpu.memory_space<vmem>>[vector<16xi32>, vector<16xi32>], vector<16xf32>, vector<16xi1>
        %parallel_loop3A_368 = arith.constant 7 : i32
        %parallel_loop3A_369 = vector.broadcast %parallel_loop3A_368 : i32 to vector<16xi32>
        %parallel_loop3A_370 = tpu.vector_load_idx %arg8[%parallel_loop3A_369, %parallel_loop3A_342] : memref<8x4992xf32, #tpu.memory_space<vmem>>[vector<16xi32>, vector<16xi32>], vector<16xf32>,
        tpu.vector_store_idx %arg10[%parallel_loop3A_369, %parallel_loop3A_346], %parallel_loop3A_370 masked %parallel_loop3A_336 {add = true} : memref<8x4096xf32, #tpu.memory_space<vmem>>[vector<16xi32>, vector<16xi32>], vector<16xf32>, vector<16xi1>
      } {sc.loop_unroll_factor = 4 : i64, sc.parallel_access}
      %mul3A_251 = arith.constant 64 : i32
      %mul3A_252 = arith.muli %scan3A_150, %mul3A_251 : i32
      %add3A_253 = arith.addi %mul3A_252, %mul3A_32 : i32
      %multiple_of3A_254 = tpu.assume_multiple %add3A_253, 8 : i32
      %dma_start3A_255 = arith.constant 0 : i32
      %dma_start3A_256 = arith.constant 0 : i32
      %dma_start3A_257 = tpu.memref_slice %arg8[%dma_start3A_255, %dma_start3A_256] : memref<8x4992xf32, #tpu.memory_space<vmem>> -> memref<8x1664xf32, #tpu.memory_space<vmem>>
      %dma_start3A_258 = arith.constant 98304 : i32
      %dma_start3A_259 = tpu.memref_slice %arg3[%multiple_of3A_254, %dma_start3A_258] : memref<1664x100000xf32, #tpu.memory_space<hbm>> -> memref<8x1664xf32, #tpu.memory_space<hbm>>
      %dma_start3A_260 = arith.constant 0 : i32
      %dma_start3A_261 = arith.constant 0 : i32
      %dma_start3A_262 = tpu.memref_slice %arg8[%dma_start3A_260, %dma_start3A_261] : memref<8x4992xf32, #tpu.memory_space<vmem>> -> memref<8x1664xf32, #tpu.memory_space<vmem>>
      %dma_start3A_263 = arith.constant 98304 : i32
      %dma_start3A_264 = tpu.memref_slice %arg3[%multiple_of3A_254, %dma_start3A_263] : memref<1664x100000xf32, #tpu.memory_space<hbm>> -> memref<8x1664xf32, #tpu.memory_space<hbm>>
      tpu.enqueue_dma source(%dma_start3A_264 : memref<8x1664xf32, #tpu.memory_space<hbm>>) target(%dma_start3A_262 : memref<8x1664xf32, #tpu.memory_space<vmem>>) target_semaphore(%arg12 : memref<!tpu.dma_semaphore, #tpu.memory_space<semaphore_mem>>)
      %dma_wait3A_265 = arith.constant 0 : i32
      %dma_wait3A_266 = arith.constant 0 : i32
      %dma_wait3A_267 = tpu.memref_slice %arg7[%dma_wait3A_265, %dma_wait3A_266] : memref<8x4992xf32, #tpu.memory_space<vmem>> -> memref<8x4608xf32, #tpu.memory_space<vmem>>
      %dma_wait3A_268 = arith.constant 0 : i32
      %dma_wait3A_269 = arith.constant 0 : i32
      %dma_wait3A_270 = tpu.memref_slice %arg3[%dma_wait3A_268, %dma_wait3A_269] : memref<1664x100000xf32, #tpu.memory_space<hbm>> -> memref<8x4608xf32, #tpu.memory_space<hbm>>
      %dma_wait3A_271 = arith.constant 0 : i32
      %dma_wait3A_272 = arith.constant 0 : i32
      %dma_wait3A_273 = tpu.memref_slice %arg7[%dma_wait3A_271, %dma_wait3A_272] : memref<8x4992xf32, #tpu.memory_space<vmem>> -> memref<8x4608xf32, #tpu.memory_space<vmem>>
      %dma_wait3A_274 = arith.constant 0 : i32
      %dma_wait3A_275 = arith.constant 0 : i32
      %dma_wait3A_276 = tpu.memref_slice %arg3[%dma_wait3A_274, %dma_wait3A_275] : memref<1664x100000xf32, #tpu.memory_space<hbm>> -> memref<8x4608xf32, #tpu.memory_space<hbm>>
      tpu.wait_dma2 semaphore(%arg11 : memref<!tpu.dma_semaphore, #tpu.memory_space<semaphore_mem>>) src(%dma_wait3A_276 : memref<8x4608xf32, #tpu.memory_space<hbm>>) dst(%dma_wait3A_273 : memref<8x4608xf32, #tpu.memory_space<vmem>>)
      %add3A_277 = arith.constant 19968 : i32
      %add3A_278 = arith.addi %mul3A_34, %add3A_277 : i32
      %parallel_loop3A_279 = arith.constant 0 : i32
      %parallel_loop3A_280 = arith.constant 256 : i32
      %parallel_loop3A_281 = arith.constant 1 : i32
      scf.for %parallel_loop3A_320 = %parallel_loop3A_279 to %parallel_loop3A_280 step %parallel_loop3A_281  : i32 {
        %parallel_loop3A_321 = arith.constant 0 : i32
        %parallel_loop3A_322 = arith.addi %parallel_loop3A_321, %parallel_loop3A_320 : i32
        %parallel_loop3A_323 = arith.constant 16 : i32
        %parallel_loop3A_324 = arith.muli %parallel_loop3A_322, %parallel_loop3A_323 : i32
        %parallel_loop3A_325 = arith.addi %multiple_of3A_165, %parallel_loop3A_324 : i32
        %parallel_loop3A_326 = arith.index_cast %parallel_loop3A_325 : i32 to index
        %parallel_loop3A_327 = tpu.vector_load %arg6[%parallel_loop3A_326] {strides = array<i32>} : memref<8192xi32, #tpu.memory_space<vmem>>, vector<16xi32>,
        %parallel_loop3A_328 = vector.broadcast %add3A_278 : i32 to vector<16xi32>
        %parallel_loop3A_329 = arith.subi %parallel_loop3A_327, %parallel_loop3A_328 : vector<16xi32>
        %parallel_loop3A_330 = arith.constant 0 : i32
        %parallel_loop3A_331 = vector.broadcast %parallel_loop3A_330 : i32 to vector<16xi32>
        %parallel_loop3A_332 = arith.cmpi sge, %parallel_loop3A_329, %parallel_loop3A_331 : vector<16xi32>
        %parallel_loop3A_333 = arith.constant 4608 : i32
        %parallel_loop3A_334 = vector.broadcast %parallel_loop3A_333 : i32 to vector<16xi32>
        %parallel_loop3A_335 = arith.cmpi slt, %parallel_loop3A_329, %parallel_loop3A_334 : vector<16xi32>
        %parallel_loop3A_336 = arith.andi %parallel_loop3A_332, %parallel_loop3A_335 : vector<16xi1>
        %parallel_loop3A_337 = arith.constant 0 : i32
        %parallel_loop3A_338 = vector.broadcast %parallel_loop3A_337 : i32 to vector<16xi32>
        %parallel_loop3A_339 = arith.maxsi %parallel_loop3A_329, %parallel_loop3A_338 : vector<16xi32>
        %parallel_loop3A_340 = arith.constant 4607 : i32
        %parallel_loop3A_341 = vector.broadcast %parallel_loop3A_340 : i32 to vector<16xi32>
        %parallel_loop3A_342 = arith.minsi %parallel_loop3A_339, %parallel_loop3A_341 : vector<16xi32>
        %parallel_loop3A_343 = arith.constant 16 : i32
        %parallel_loop3A_344 = arith.muli %parallel_loop3A_322, %parallel_loop3A_343 : i32
        %parallel_loop3A_345 = vector.broadcast %parallel_loop3A_344 : i32 to vector<16xi32>
        %parallel_loop3A_346 = arith.addi %iota3A, %parallel_loop3A_345 : vector<16xi32>
        %parallel_loop3A_347 = arith.constant 0 : i32
        %parallel_loop3A_348 = vector.broadcast %parallel_loop3A_347 : i32 to vector<16xi32>
        %parallel_loop3A_349 = tpu.vector_load_idx %arg7[%parallel_loop3A_348, %parallel_loop3A_342] : memref<8x4992xf32, #tpu.memory_space<vmem>>[vector<16xi32>, vector<16xi32>], vector<16xf32>,
        tpu.vector_store_idx %arg10[%parallel_loop3A_348, %parallel_loop3A_346], %parallel_loop3A_349 masked %parallel_loop3A_336 {add = true} : memref<8x4096xf32, #tpu.memory_space<vmem>>[vector<16xi32>, vector<16xi32>], vector<16xf32>, vector<16xi1>
        %parallel_loop3A_350 = arith.constant 1 : i32
        %parallel_loop3A_351 = vector.broadcast %parallel_loop3A_350 : i32 to vector<16xi32>
        %parallel_loop3A_352 = tpu.vector_load_idx %arg7[%parallel_loop3A_351, %parallel_loop3A_342] : memref<8x4992xf32, #tpu.memory_space<vmem>>[vector<16xi32>, vector<16xi32>], vector<16xf32>,
        tpu.vector_store_idx %arg10[%parallel_loop3A_351, %parallel_loop3A_346], %parallel_loop3A_352 masked %parallel_loop3A_336 {add = true} : memref<8x4096xf32, #tpu.memory_space<vmem>>[vector<16xi32>, vector<16xi32>], vector<16xf32>, vector<16xi1>
        %parallel_loop3A_353 = arith.constant 2 : i32
        %parallel_loop3A_354 = vector.broadcast %parallel_loop3A_353 : i32 to vector<16xi32>
        %parallel_loop3A_355 = tpu.vector_load_idx %arg7[%parallel_loop3A_354, %parallel_loop3A_342] : memref<8x4992xf32, #tpu.memory_space<vmem>>[vector<16xi32>, vector<16xi32>], vector<16xf32>,
        tpu.vector_store_idx %arg10[%parallel_loop3A_354, %parallel_loop3A_346], %parallel_loop3A_355 masked %parallel_loop3A_336 {add = true} : memref<8x4096xf32, #tpu.memory_space<vmem>>[vector<16xi32>, vector<16xi32>], vector<16xf32>, vector<16xi1>
        %parallel_loop3A_356 = arith.constant 3 : i32
        %parallel_loop3A_357 = vector.broadcast %parallel_loop3A_356 : i32 to vector<16xi32>
        %parallel_loop3A_358 = tpu.vector_load_idx %arg7[%parallel_loop3A_357, %parallel_loop3A_342] : memref<8x4992xf32, #tpu.memory_space<vmem>>[vector<16xi32>, vector<16xi32>], vector<16xf32>,
        tpu.vector_store_idx %arg10[%parallel_loop3A_357, %parallel_loop3A_346], %parallel_loop3A_358 masked %parallel_loop3A_336 {add = true} : memref<8x4096xf32, #tpu.memory_space<vmem>>[vector<16xi32>, vector<16xi32>], vector<16xf32>, vector<16xi1>
        %parallel_loop3A_359 = arith.constant 4 : i32
        %parallel_loop3A_360 = vector.broadcast %parallel_loop3A_359 : i32 to vector<16xi32>
        %parallel_loop3A_361 = tpu.vector_load_idx %arg7[%parallel_loop3A_360, %parallel_loop3A_342] : memref<8x4992xf32, #tpu.memory_space<vmem>>[vector<16xi32>, vector<16xi32>], vector<16xf32>,
        tpu.vector_store_idx %arg10[%parallel_loop3A_360, %parallel_loop3A_346], %parallel_loop3A_361 masked %parallel_loop3A_336 {add = true} : memref<8x4096xf32, #tpu.memory_space<vmem>>[vector<16xi32>, vector<16xi32>], vector<16xf32>, vector<16xi1>
        %parallel_loop3A_362 = arith.constant 5 : i32
        %parallel_loop3A_363 = vector.broadcast %parallel_loop3A_362 : i32 to vector<16xi32>
        %parallel_loop3A_364 = tpu.vector_load_idx %arg7[%parallel_loop3A_363, %parallel_loop3A_342] : memref<8x4992xf32, #tpu.memory_space<vmem>>[vector<16xi32>, vector<16xi32>], vector<16xf32>,
        tpu.vector_store_idx %arg10[%parallel_loop3A_363, %parallel_loop3A_346], %parallel_loop3A_364 masked %parallel_loop3A_336 {add = true} : memref<8x4096xf32, #tpu.memory_space<vmem>>[vector<16xi32>, vector<16xi32>], vector<16xf32>, vector<16xi1>
        %parallel_loop3A_365 = arith.constant 6 : i32
        %parallel_loop3A_366 = vector.broadcast %parallel_loop3A_365 : i32 to vector<16xi32>
        %parallel_loop3A_367 = tpu.vector_load_idx %arg7[%parallel_loop3A_366, %parallel_loop3A_342] : memref<8x4992xf32, #tpu.memory_space<vmem>>[vector<16xi32>, vector<16xi32>], vector<16xf32>,
        tpu.vector_store_idx %arg10[%parallel_loop3A_366, %parallel_loop3A_346], %parallel_loop3A_367 masked %parallel_loop3A_336 {add = true} : memref<8x4096xf32, #tpu.memory_space<vmem>>[vector<16xi32>, vector<16xi32>], vector<16xf32>, vector<16xi1>
        %parallel_loop3A_368 = arith.constant 7 : i32
        %parallel_loop3A_369 = vector.broadcast %parallel_loop3A_368 : i32 to vector<16xi32>
        %parallel_loop3A_370 = tpu.vector_load_idx %arg7[%parallel_loop3A_369, %parallel_loop3A_342] : memref<8x4992xf32, #tpu.memory_space<vmem>>[vector<16xi32>, vector<16xi32>], vector<16xf32>,
        tpu.vector_store_idx %arg10[%parallel_loop3A_369, %parallel_loop3A_346], %parallel_loop3A_370 masked %parallel_loop3A_336 {add = true} : memref<8x4096xf32, #tpu.memory_space<vmem>>[vector<16xi32>, vector<16xi32>], vector<16xf32>, vector<16xi1>
      } {sc.loop_unroll_factor = 4 : i64, sc.parallel_access}
      %lt3A_282 = arith.constant 25 : i32
      %lt3A_283 = arith.cmpi slt, %scan3A_150, %lt3A_282 : i32
      %convert_element_type3A_284 = arith.extui %lt3A_283 : i1 to i32
      %cond3A_285 = arith.constant 0 : i32
      %cond3A_286 = arith.cmpi ne, %convert_element_type3A_284, %cond3A_285 : i32
      scf.if %cond3A_286 {
        %add3A_320 = arith.constant 1 : i32
        %add3A_321 = arith.addi %scan3A_150, %add3A_320 : i32
        %mul3A_322 = arith.constant 64 : i32
        %mul3A_323 = arith.muli %add3A_321, %mul3A_322 : i32
        %add3A_324 = arith.addi %mul3A_323, %mul3A_32 : i32
        %multiple_of3A_325 = tpu.assume_multiple %add3A_324, 8 : i32
        %add3A_326 = arith.constant 0 : i32
        %add3A_327 = arith.addi %mul3A_34, %add3A_326 : i32
        %multiple_of3A_328 = tpu.assume_multiple %add3A_327, 128 : i32
        %dma_start3A_329 = tpu.memref_slice %arg3[%multiple_of3A_325, %multiple_of3A_328] : memref<1664x100000xf32, #tpu.memory_space<hbm>> -> memref<8x4992xf32, #tpu.memory_space<hbm>>
        %dma_start3A_330 = tpu.memref_slice %arg3[%multiple_of3A_325, %multiple_of3A_328] : memref<1664x100000xf32, #tpu.memory_space<hbm>> -> memref<8x4992xf32, #tpu.memory_space<hbm>>
        tpu.enqueue_dma source(%dma_start3A_330 : memref<8x4992xf32, #tpu.memory_space<hbm>>) target(%arg7 : memref<8x4992xf32, #tpu.memory_space<vmem>>) target_semaphore(%arg11 : memref<!tpu.dma_semaphore, #tpu.memory_space<semaphore_mem>>)
      } else {
      }
      %dma_wait3A_287 = arith.constant 0 : i32
      %dma_wait3A_288 = arith.constant 0 : i32
      %dma_wait3A_289 = tpu.memref_slice %arg8[%dma_wait3A_287, %dma_wait3A_288] : memref<8x4992xf32, #tpu.memory_space<vmem>> -> memref<8x1664xf32, #tpu.memory_space<vmem>>
      %dma_wait3A_290 = arith.constant 0 : i32
      %dma_wait3A_291 = arith.constant 0 : i32
      %dma_wait3A_292 = tpu.memref_slice %arg3[%dma_wait3A_290, %dma_wait3A_291] : memref<1664x100000xf32, #tpu.memory_space<hbm>> -> memref<8x1664xf32, #tpu.memory_space<hbm>>
      %dma_wait3A_293 = arith.constant 0 : i32
      %dma_wait3A_294 = arith.constant 0 : i32
      %dma_wait3A_295 = tpu.memref_slice %arg8[%dma_wait3A_293, %dma_wait3A_294] : memref<8x4992xf32, #tpu.memory_space<vmem>> -> memref<8x1664xf32, #tpu.memory_space<vmem>>
      %dma_wait3A_296 = arith.constant 0 : i32
      %dma_wait3A_297 = arith.constant 0 : i32
      %dma_wait3A_298 = tpu.memref_slice %arg3[%dma_wait3A_296, %dma_wait3A_297] : memref<1664x100000xf32, #tpu.memory_space<hbm>> -> memref<8x1664xf32, #tpu.memory_space<hbm>>
      tpu.wait_dma2 semaphore(%arg12 : memref<!tpu.dma_semaphore, #tpu.memory_space<semaphore_mem>>) src(%dma_wait3A_298 : memref<8x1664xf32, #tpu.memory_space<hbm>>) dst(%dma_wait3A_295 : memref<8x1664xf32, #tpu.memory_space<vmem>>)
      %mul3A_299 = arith.constant 64 : i32
      %mul3A_300 = arith.muli %select_n3A_30, %mul3A_299 : i32
      %parallel_loop3A_301 = arith.constant 0 : i32
      %parallel_loop3A_302 = arith.constant 64 : i32
      %parallel_loop3A_303 = arith.constant 1 : i32
      scf.for %parallel_loop3A_320 = %parallel_loop3A_301 to %parallel_loop3A_302 step %parallel_loop3A_303  : i32 {
        %parallel_loop3A_321 = arith.addi %mul3A_300, %parallel_loop3A_320 : i32
        %parallel_loop3A_322 = arith.constant 16 : i32
        %parallel_loop3A_323 = arith.muli %parallel_loop3A_321, %parallel_loop3A_322 : i32
        %parallel_loop3A_324 = arith.addi %multiple_of3A_165, %parallel_loop3A_323 : i32
        %parallel_loop3A_325 = arith.index_cast %parallel_loop3A_324 : i32 to index
        %parallel_loop3A_326 = tpu.vector_load %arg6[%parallel_loop3A_325] {strides = array<i32>} : memref<8192xi32, #tpu.memory_space<vmem>>, vector<16xi32>,
        %parallel_loop3A_327 = arith.constant 98304 : i32
        %parallel_loop3A_328 = vector.broadcast %parallel_loop3A_327 : i32 to vector<16xi32>
        %parallel_loop3A_329 = arith.subi %parallel_loop3A_326, %parallel_loop3A_328 : vector<16xi32>
        %parallel_loop3A_330 = arith.constant 0 : i32
        %parallel_loop3A_331 = vector.broadcast %parallel_loop3A_330 : i32 to vector<16xi32>
        %parallel_loop3A_332 = arith.cmpi sge, %parallel_loop3A_329, %parallel_loop3A_331 : vector<16xi32>
        %parallel_loop3A_333 = arith.constant 1664 : i32
        %parallel_loop3A_334 = vector.broadcast %parallel_loop3A_333 : i32 to vector<16xi32>
        %parallel_loop3A_335 = arith.cmpi slt, %parallel_loop3A_329, %parallel_loop3A_334 : vector<16xi32>
        %parallel_loop3A_336 = arith.andi %parallel_loop3A_332, %parallel_loop3A_335 : vector<16xi1>
        %parallel_loop3A_337 = arith.constant 0 : i32
        %parallel_loop3A_338 = vector.broadcast %parallel_loop3A_337 : i32 to vector<16xi32>
        %parallel_loop3A_339 = arith.maxsi %parallel_loop3A_329, %parallel_loop3A_338 : vector<16xi32>
        %parallel_loop3A_340 = arith.constant 1663 : i32
        %parallel_loop3A_341 = vector.broadcast %parallel_loop3A_340 : i32 to vector<16xi32>
        %parallel_loop3A_342 = arith.minsi %parallel_loop3A_339, %parallel_loop3A_341 : vector<16xi32>
        %parallel_loop3A_343 = arith.constant 16 : i32
        %parallel_loop3A_344 = arith.muli %parallel_loop3A_321, %parallel_loop3A_343 : i32
        %parallel_loop3A_345 = vector.broadcast %parallel_loop3A_344 : i32 to vector<16xi32>
        %parallel_loop3A_346 = arith.addi %iota3A, %parallel_loop3A_345 : vector<16xi32>
        %parallel_loop3A_347 = arith.constant 0 : i32
        %parallel_loop3A_348 = vector.broadcast %parallel_loop3A_347 : i32 to vector<16xi32>
        %parallel_loop3A_349 = tpu.vector_load_idx %arg8[%parallel_loop3A_348, %parallel_loop3A_342] : memref<8x4992xf32, #tpu.memory_space<vmem>>[vector<16xi32>, vector<16xi32>], vector<16xf32>,
        tpu.vector_store_idx %arg10[%parallel_loop3A_348, %parallel_loop3A_346], %parallel_loop3A_349 masked %parallel_loop3A_336 {add = true} : memref<8x4096xf32, #tpu.memory_space<vmem>>[vector<16xi32>, vector<16xi32>], vector<16xf32>, vector<16xi1>
        %parallel_loop3A_350 = arith.constant 1 : i32
        %parallel_loop3A_351 = vector.broadcast %parallel_loop3A_350 : i32 to vector<16xi32>
        %parallel_loop3A_352 = tpu.vector_load_idx %arg8[%parallel_loop3A_351, %parallel_loop3A_342] : memref<8x4992xf32, #tpu.memory_space<vmem>>[vector<16xi32>, vector<16xi32>], vector<16xf32>,
        tpu.vector_store_idx %arg10[%parallel_loop3A_351, %parallel_loop3A_346], %parallel_loop3A_352 masked %parallel_loop3A_336 {add = true} : memref<8x4096xf32, #tpu.memory_space<vmem>>[vector<16xi32>, vector<16xi32>], vector<16xf32>, vector<16xi1>
        %parallel_loop3A_353 = arith.constant 2 : i32
        %parallel_loop3A_354 = vector.broadcast %parallel_loop3A_353 : i32 to vector<16xi32>
        %parallel_loop3A_355 = tpu.vector_load_idx %arg8[%parallel_loop3A_354, %parallel_loop3A_342] : memref<8x4992xf32, #tpu.memory_space<vmem>>[vector<16xi32>, vector<16xi32>], vector<16xf32>,
        tpu.vector_store_idx %arg10[%parallel_loop3A_354, %parallel_loop3A_346], %parallel_loop3A_355 masked %parallel_loop3A_336 {add = true} : memref<8x4096xf32, #tpu.memory_space<vmem>>[vector<16xi32>, vector<16xi32>], vector<16xf32>, vector<16xi1>
        %parallel_loop3A_356 = arith.constant 3 : i32
        %parallel_loop3A_357 = vector.broadcast %parallel_loop3A_356 : i32 to vector<16xi32>
        %parallel_loop3A_358 = tpu.vector_load_idx %arg8[%parallel_loop3A_357, %parallel_loop3A_342] : memref<8x4992xf32, #tpu.memory_space<vmem>>[vector<16xi32>, vector<16xi32>], vector<16xf32>,
        tpu.vector_store_idx %arg10[%parallel_loop3A_357, %parallel_loop3A_346], %parallel_loop3A_358 masked %parallel_loop3A_336 {add = true} : memref<8x4096xf32, #tpu.memory_space<vmem>>[vector<16xi32>, vector<16xi32>], vector<16xf32>, vector<16xi1>
        %parallel_loop3A_359 = arith.constant 4 : i32
        %parallel_loop3A_360 = vector.broadcast %parallel_loop3A_359 : i32 to vector<16xi32>
        %parallel_loop3A_361 = tpu.vector_load_idx %arg8[%parallel_loop3A_360, %parallel_loop3A_342] : memref<8x4992xf32, #tpu.memory_space<vmem>>[vector<16xi32>, vector<16xi32>], vector<16xf32>,
        tpu.vector_store_idx %arg10[%parallel_loop3A_360, %parallel_loop3A_346], %parallel_loop3A_361 masked %parallel_loop3A_336 {add = true} : memref<8x4096xf32, #tpu.memory_space<vmem>>[vector<16xi32>, vector<16xi32>], vector<16xf32>, vector<16xi1>
        %parallel_loop3A_362 = arith.constant 5 : i32
        %parallel_loop3A_363 = vector.broadcast %parallel_loop3A_362 : i32 to vector<16xi32>
        %parallel_loop3A_364 = tpu.vector_load_idx %arg8[%parallel_loop3A_363, %parallel_loop3A_342] : memref<8x4992xf32, #tpu.memory_space<vmem>>[vector<16xi32>, vector<16xi32>], vector<16xf32>,
        tpu.vector_store_idx %arg10[%parallel_loop3A_363, %parallel_loop3A_346], %parallel_loop3A_364 masked %parallel_loop3A_336 {add = true} : memref<8x4096xf32, #tpu.memory_space<vmem>>[vector<16xi32>, vector<16xi32>], vector<16xf32>, vector<16xi1>
        %parallel_loop3A_365 = arith.constant 6 : i32
        %parallel_loop3A_366 = vector.broadcast %parallel_loop3A_365 : i32 to vector<16xi32>
        %parallel_loop3A_367 = tpu.vector_load_idx %arg8[%parallel_loop3A_366, %parallel_loop3A_342] : memref<8x4992xf32, #tpu.memory_space<vmem>>[vector<16xi32>, vector<16xi32>], vector<16xf32>,
        tpu.vector_store_idx %arg10[%parallel_loop3A_366, %parallel_loop3A_346], %parallel_loop3A_367 masked %parallel_loop3A_336 {add = true} : memref<8x4096xf32, #tpu.memory_space<vmem>>[vector<16xi32>, vector<16xi32>], vector<16xf32>, vector<16xi1>
        %parallel_loop3A_368 = arith.constant 7 : i32
        %parallel_loop3A_369 = vector.broadcast %parallel_loop3A_368 : i32 to vector<16xi32>
        %parallel_loop3A_370 = tpu.vector_load_idx %arg8[%parallel_loop3A_369, %parallel_loop3A_342] : memref<8x4992xf32, #tpu.memory_space<vmem>>[vector<16xi32>, vector<16xi32>], vector<16xf32>,
        tpu.vector_store_idx %arg10[%parallel_loop3A_369, %parallel_loop3A_346], %parallel_loop3A_370 masked %parallel_loop3A_336 {add = true} : memref<8x4096xf32, #tpu.memory_space<vmem>>[vector<16xi32>, vector<16xi32>], vector<16xf32>, vector<16xi1>
      } {sc.loop_unroll_factor = 4 : i64, sc.parallel_access}
      %lt3A_304 = arith.constant 25 : i32
      %lt3A_305 = arith.cmpi slt, %scan3A_150, %lt3A_304 : i32
      %convert_element_type3A_306 = arith.extui %lt3A_305 : i1 to i32
      %cond3A_307 = arith.constant 0 : i32
      %cond3A_308 = arith.cmpi ne, %convert_element_type3A_306, %cond3A_307 : i32
      scf.if %cond3A_308 {
        %add3A_320 = arith.constant 1 : i32
        %add3A_321 = arith.addi %scan3A_150, %add3A_320 : i32
        %mul3A_322 = arith.constant 64 : i32
        %mul3A_323 = arith.muli %add3A_321, %mul3A_322 : i32
        %add3A_324 = arith.addi %mul3A_323, %mul3A_32 : i32
        %multiple_of3A_325 = tpu.assume_multiple %add3A_324, 8 : i32
        %add3A_326 = arith.constant 4992 : i32
        %add3A_327 = arith.addi %mul3A_34, %add3A_326 : i32
        %multiple_of3A_328 = tpu.assume_multiple %add3A_327, 128 : i32
        %dma_start3A_329 = tpu.memref_slice %arg3[%multiple_of3A_325, %multiple_of3A_328] : memref<1664x100000xf32, #tpu.memory_space<hbm>> -> memref<8x4992xf32, #tpu.memory_space<hbm>>
        %dma_start3A_330 = tpu.memref_slice %arg3[%multiple_of3A_325, %multiple_of3A_328] : memref<1664x100000xf32, #tpu.memory_space<hbm>> -> memref<8x4992xf32, #tpu.memory_space<hbm>>
        tpu.enqueue_dma source(%dma_start3A_330 : memref<8x4992xf32, #tpu.memory_space<hbm>>) target(%arg8 : memref<8x4992xf32, #tpu.memory_space<vmem>>) target_semaphore(%arg12 : memref<!tpu.dma_semaphore, #tpu.memory_space<semaphore_mem>>)
      } else {
      }
      %dma_wait3A_309 = arith.constant 0 : i32
      %dma_wait3A_310 = arith.constant 99968 : i32
      %dma_wait3A_311 = tpu.memref_slice %arg3[%dma_wait3A_309, %dma_wait3A_310] : memref<1664x100000xf32, #tpu.memory_space<hbm>> -> memref<8x32xf32, #tpu.memory_space<hbm>>
      %dma_wait3A_312 = arith.constant 0 : i32
      %dma_wait3A_313 = arith.constant 99968 : i32
      %dma_wait3A_314 = tpu.memref_slice %arg3[%dma_wait3A_312, %dma_wait3A_313] : memref<1664x100000xf32, #tpu.memory_space<hbm>> -> memref<8x32xf32, #tpu.memory_space<hbm>>
      tpu.wait_dma2 semaphore(%arg14 : memref<!tpu.dma_semaphore, #tpu.memory_space<semaphore_mem>>) src(%dma_wait3A_314 : memref<8x32xf32, #tpu.memory_space<hbm>>) dst(%arg9 : memref<8x32xf32, #tpu.memory_space<vmem>>)
      %mul3A_315 = arith.constant 64 : i32
      %mul3A_316 = arith.muli %select_n3A_30, %mul3A_315 : i32
      %parallel_loop3A_317 = arith.constant 0 : i32
      %parallel_loop3A_318 = arith.constant 64 : i32
      %parallel_loop3A_319 = arith.constant 1 : i32
      scf.for %parallel_loop3A_320 = %parallel_loop3A_317 to %parallel_loop3A_318 step %parallel_loop3A_319  : i32 {
        %parallel_loop3A_321 = arith.addi %mul3A_316, %parallel_loop3A_320 : i32
        %parallel_loop3A_322 = arith.constant 16 : i32
        %parallel_loop3A_323 = arith.muli %parallel_loop3A_321, %parallel_loop3A_322 : i32
        %parallel_loop3A_324 = arith.addi %multiple_of3A_165, %parallel_loop3A_323 : i32
        %parallel_loop3A_325 = arith.index_cast %parallel_loop3A_324 : i32 to index
        %parallel_loop3A_326 = tpu.vector_load %arg6[%parallel_loop3A_325] {strides = array<i32>} : memref<8192xi32, #tpu.memory_space<vmem>>, vector<16xi32>,
        %parallel_loop3A_327 = arith.constant 99968 : i32
        %parallel_loop3A_328 = vector.broadcast %parallel_loop3A_327 : i32 to vector<16xi32>
        %parallel_loop3A_329 = arith.subi %parallel_loop3A_326, %parallel_loop3A_328 : vector<16xi32>
        %parallel_loop3A_330 = arith.constant 0 : i32
        %parallel_loop3A_331 = vector.broadcast %parallel_loop3A_330 : i32 to vector<16xi32>
        %parallel_loop3A_332 = arith.cmpi sge, %parallel_loop3A_329, %parallel_loop3A_331 : vector<16xi32>
        %parallel_loop3A_333 = arith.constant 32 : i32
        %parallel_loop3A_334 = vector.broadcast %parallel_loop3A_333 : i32 to vector<16xi32>
        %parallel_loop3A_335 = arith.cmpi slt, %parallel_loop3A_329, %parallel_loop3A_334 : vector<16xi32>
        %parallel_loop3A_336 = arith.andi %parallel_loop3A_332, %parallel_loop3A_335 : vector<16xi1>
        %parallel_loop3A_337 = arith.constant 0 : i32
        %parallel_loop3A_338 = vector.broadcast %parallel_loop3A_337 : i32 to vector<16xi32>
        %parallel_loop3A_339 = arith.maxsi %parallel_loop3A_329, %parallel_loop3A_338 : vector<16xi32>
        %parallel_loop3A_340 = arith.constant 31 : i32
        %parallel_loop3A_341 = vector.broadcast %parallel_loop3A_340 : i32 to vector<16xi32>
        %parallel_loop3A_342 = arith.minsi %parallel_loop3A_339, %parallel_loop3A_341 : vector<16xi32>
        %parallel_loop3A_343 = arith.constant 16 : i32
        %parallel_loop3A_344 = arith.muli %parallel_loop3A_321, %parallel_loop3A_343 : i32
        %parallel_loop3A_345 = vector.broadcast %parallel_loop3A_344 : i32 to vector<16xi32>
        %parallel_loop3A_346 = arith.addi %iota3A, %parallel_loop3A_345 : vector<16xi32>
        %parallel_loop3A_347 = arith.constant 0 : i32
        %parallel_loop3A_348 = vector.broadcast %parallel_loop3A_347 : i32 to vector<16xi32>
        %parallel_loop3A_349 = tpu.vector_load_idx %arg9[%parallel_loop3A_348, %parallel_loop3A_342] : memref<8x32xf32, #tpu.memory_space<vmem>>[vector<16xi32>, vector<16xi32>], vector<16xf32>,
        tpu.vector_store_idx %arg10[%parallel_loop3A_348, %parallel_loop3A_346], %parallel_loop3A_349 masked %parallel_loop3A_336 {add = true} : memref<8x4096xf32, #tpu.memory_space<vmem>>[vector<16xi32>, vector<16xi32>], vector<16xf32>, vector<16xi1>
        %parallel_loop3A_350 = arith.constant 1 : i32
        %parallel_loop3A_351 = vector.broadcast %parallel_loop3A_350 : i32 to vector<16xi32>
        %parallel_loop3A_352 = tpu.vector_load_idx %arg9[%parallel_loop3A_351, %parallel_loop3A_342] : memref<8x32xf32, #tpu.memory_space<vmem>>[vector<16xi32>, vector<16xi32>], vector<16xf32>,
        tpu.vector_store_idx %arg10[%parallel_loop3A_351, %parallel_loop3A_346], %parallel_loop3A_352 masked %parallel_loop3A_336 {add = true} : memref<8x4096xf32, #tpu.memory_space<vmem>>[vector<16xi32>, vector<16xi32>], vector<16xf32>, vector<16xi1>
        %parallel_loop3A_353 = arith.constant 2 : i32
        %parallel_loop3A_354 = vector.broadcast %parallel_loop3A_353 : i32 to vector<16xi32>
        %parallel_loop3A_355 = tpu.vector_load_idx %arg9[%parallel_loop3A_354, %parallel_loop3A_342] : memref<8x32xf32, #tpu.memory_space<vmem>>[vector<16xi32>, vector<16xi32>], vector<16xf32>,
        tpu.vector_store_idx %arg10[%parallel_loop3A_354, %parallel_loop3A_346], %parallel_loop3A_355 masked %parallel_loop3A_336 {add = true} : memref<8x4096xf32, #tpu.memory_space<vmem>>[vector<16xi32>, vector<16xi32>], vector<16xf32>, vector<16xi1>
        %parallel_loop3A_356 = arith.constant 3 : i32
        %parallel_loop3A_357 = vector.broadcast %parallel_loop3A_356 : i32 to vector<16xi32>
        %parallel_loop3A_358 = tpu.vector_load_idx %arg9[%parallel_loop3A_357, %parallel_loop3A_342] : memref<8x32xf32, #tpu.memory_space<vmem>>[vector<16xi32>, vector<16xi32>], vector<16xf32>,
        tpu.vector_store_idx %arg10[%parallel_loop3A_357, %parallel_loop3A_346], %parallel_loop3A_358 masked %parallel_loop3A_336 {add = true} : memref<8x4096xf32, #tpu.memory_space<vmem>>[vector<16xi32>, vector<16xi32>], vector<16xf32>, vector<16xi1>
        %parallel_loop3A_359 = arith.constant 4 : i32
        %parallel_loop3A_360 = vector.broadcast %parallel_loop3A_359 : i32 to vector<16xi32>
        %parallel_loop3A_361 = tpu.vector_load_idx %arg9[%parallel_loop3A_360, %parallel_loop3A_342] : memref<8x32xf32, #tpu.memory_space<vmem>>[vector<16xi32>, vector<16xi32>], vector<16xf32>,
        tpu.vector_store_idx %arg10[%parallel_loop3A_360, %parallel_loop3A_346], %parallel_loop3A_361 masked %parallel_loop3A_336 {add = true} : memref<8x4096xf32, #tpu.memory_space<vmem>>[vector<16xi32>, vector<16xi32>], vector<16xf32>, vector<16xi1>
        %parallel_loop3A_362 = arith.constant 5 : i32
        %parallel_loop3A_363 = vector.broadcast %parallel_loop3A_362 : i32 to vector<16xi32>
        %parallel_loop3A_364 = tpu.vector_load_idx %arg9[%parallel_loop3A_363, %parallel_loop3A_342] : memref<8x32xf32, #tpu.memory_space<vmem>>[vector<16xi32>, vector<16xi32>], vector<16xf32>,
        tpu.vector_store_idx %arg10[%parallel_loop3A_363, %parallel_loop3A_346], %parallel_loop3A_364 masked %parallel_loop3A_336 {add = true} : memref<8x4096xf32, #tpu.memory_space<vmem>>[vector<16xi32>, vector<16xi32>], vector<16xf32>, vector<16xi1>
        %parallel_loop3A_365 = arith.constant 6 : i32
        %parallel_loop3A_366 = vector.broadcast %parallel_loop3A_365 : i32 to vector<16xi32>
        %parallel_loop3A_367 = tpu.vector_load_idx %arg9[%parallel_loop3A_366, %parallel_loop3A_342] : memref<8x32xf32, #tpu.memory_space<vmem>>[vector<16xi32>, vector<16xi32>], vector<16xf32>,
        tpu.vector_store_idx %arg10[%parallel_loop3A_366, %parallel_loop3A_346], %parallel_loop3A_367 masked %parallel_loop3A_336 {add = true} : memref<8x4096xf32, #tpu.memory_space<vmem>>[vector<16xi32>, vector<16xi32>], vector<16xf32>, vector<16xi1>
        %parallel_loop3A_368 = arith.constant 7 : i32
        %parallel_loop3A_369 = vector.broadcast %parallel_loop3A_368 : i32 to vector<16xi32>
        %parallel_loop3A_370 = tpu.vector_load_idx %arg9[%parallel_loop3A_369, %parallel_loop3A_342] : memref<8x32xf32, #tpu.memory_space<vmem>>[vector<16xi32>, vector<16xi32>], vector<16xf32>,
        tpu.vector_store_idx %arg10[%parallel_loop3A_369, %parallel_loop3A_346], %parallel_loop3A_370 masked %parallel_loop3A_336 {add = true} : memref<8x4096xf32, #tpu.memory_space<vmem>>[vector<16xi32>, vector<16xi32>], vector<16xf32>, vector<16xi1>
      } {sc.loop_unroll_factor = 4 : i64, sc.parallel_access}
    }
    %scan3A_68 = arith.constant 26 : i32
    %mul3A_69 = arith.constant 16 : i32
    %mul3A_70 = arith.muli %arg0, %mul3A_69 : i32
    %add3A_71 = arith.addi %mul3A_70, %arg1 : i32
    "tpu.region"() ({
      %run_scoped3A = tpu.sem_alloc : memref<!tpu.dma_semaphore, #tpu.memory_space<semaphore_mem>>
      %dma_start3A_150 = arith.constant 0 : i32
      %dma_start3A_151 = arith.constant 0 : i32
      %dma_start3A_152 = tpu.memref_slice %arg5[%add3A_71, %dma_start3A_150, %dma_start3A_151] : memref<32x8x4096xf32, #tpu.memory_space<hbm>> -> memref<1x8x4096xf32, #tpu.memory_space<hbm>>
      %dma_start3A_153 = tpu.memref_squeeze %dma_start3A_152 : memref<1x8x4096xf32, #tpu.memory_space<hbm>> -> memref<8x4096xf32, #tpu.memory_space<hbm>>
      %dma_start3A_154 = arith.constant 0 : i32
      %dma_start3A_155 = arith.constant 0 : i32
      %dma_start3A_156 = tpu.memref_slice %arg5[%add3A_71, %dma_start3A_154, %dma_start3A_155] : memref<32x8x4096xf32, #tpu.memory_space<hbm>> -> memref<1x8x4096xf32, #tpu.memory_space<hbm>>
      %dma_start3A_157 = tpu.memref_squeeze %dma_start3A_156 : memref<1x8x4096xf32, #tpu.memory_space<hbm>> -> memref<8x4096xf32, #tpu.memory_space<hbm>>
      tpu.enqueue_dma source(%arg10 : memref<8x4096xf32, #tpu.memory_space<vmem>>) target(%dma_start3A_157 : memref<8x4096xf32, #tpu.memory_space<hbm>>) target_semaphore(%run_scoped3A : memref<!tpu.dma_semaphore, #tpu.memory_space<semaphore_mem>>)
      %dma_wait3A = arith.constant 0 : i32
      %dma_wait3A_158 = arith.constant 0 : i32
      %dma_wait3A_159 = tpu.memref_slice %arg5[%add3A_71, %dma_wait3A, %dma_wait3A_158] : memref<32x8x4096xf32, #tpu.memory_space<hbm>> -> memref<1x8x4096xf32, #tpu.memory_space<hbm>>
      %dma_wait3A_160 = tpu.memref_squeeze %dma_wait3A_159 : memref<1x8x4096xf32, #tpu.memory_space<hbm>> -> memref<8x4096xf32, #tpu.memory_space<hbm>>
      %dma_wait3A_161 = arith.constant 0 : i32
      %dma_wait3A_162 = arith.constant 0 : i32
      %dma_wait3A_163 = tpu.memref_slice %arg5[%add3A_71, %dma_wait3A_161, %dma_wait3A_162] : memref<32x8x4096xf32, #tpu.memory_space<hbm>> -> memref<1x8x4096xf32, #tpu.memory_space<hbm>>
      %dma_wait3A_164 = tpu.memref_squeeze %dma_wait3A_163 : memref<1x8x4096xf32, #tpu.memory_space<hbm>> -> memref<8x4096xf32, #tpu.memory_space<hbm>>
      tpu.wait_dma2 semaphore(%run_scoped3A : memref<!tpu.dma_semaphore, #tpu.memory_space<semaphore_mem>>) src(%arg10 : memref<8x4096xf32, #tpu.memory_space<vmem>>) dst(%dma_wait3A_164 : memref<8x4096xf32, #tpu.memory_space<hbm>>)
      tpu.yield
    }) : () -> ()
    %barrier3A = arith.constant 0 : index
    tpu.barrier barrier_id(%barrier3A)
    %jit3A_72 = arith.constant 4 : i32
    %div3A_73 = arith.divsi %arg1, %jit3A_72 : i32
    %sign3A_74 = arith.constant 0 : i32
    %sign3A_75 = arith.cmpi sgt, %arg1, %sign3A_74 : i32
    %sign3A_76 = arith.extui %sign3A_75 : i1 to i32
    %sign3A_77 = arith.constant 0 : i32
    %sign3A_78 = arith.cmpi slt, %arg1, %sign3A_77 : i32
    %sign3A_79 = arith.extui %sign3A_78 : i1 to i32
    %sign3A_80 = arith.subi %sign3A_76, %sign3A_79 : i32
    %sign3A_81 = arith.constant 0 : i32
    %sign3A_82 = arith.cmpi sgt, %jit3A_72, %sign3A_81 : i32
    %sign3A_83 = arith.extui %sign3A_82 : i1 to i32
    %sign3A_84 = arith.constant 0 : i32
    %sign3A_85 = arith.cmpi slt, %jit3A_72, %sign3A_84 : i32
    %sign3A_86 = arith.extui %sign3A_85 : i1 to i32
    %sign3A_87 = arith.subi %sign3A_83, %sign3A_86 : i32
    %ne3A_88 = arith.cmpi ne, %sign3A_80, %sign3A_87 : i32
    %rem3A_89 = arith.remsi %arg1, %jit3A_72 : i32
    %ne3A_90 = arith.constant 0 : i32
    %ne3A_91 = arith.cmpi ne, %rem3A_89, %ne3A_90 : i32
    %and3A_92 = arith.andi %ne3A_88, %ne3A_91 : i1
    %sub3A_93 = arith.constant 1 : i32
    %sub3A_94 = arith.subi %div3A_73, %sub3A_93 : i32
    %select_n3A_95 = arith.select %and3A_92, %sub3A_94, %div3A_73 : i32
    %mul3A_96 = arith.constant 1024 : i32
    %mul3A_97 = arith.muli %select_n3A_95, %mul3A_96 : i32
    %multiple_of3A_98 = tpu.assume_multiple %mul3A_97, 128 : i32
    %jit3A_99 = arith.constant 4 : i32
    %eq3A_100 = arith.constant 0 : i32
    %eq3A_101 = arith.cmpi eq, %jit3A_99, %eq3A_100 : i32
    %jit3A_102 = arith.constant 1 : i32
    %select_n3A_103 = arith.select %eq3A_101, %jit3A_102, %jit3A_99 : i32
    %rem3A_104 = arith.remsi %arg1, %select_n3A_103 : i32
    %ne3A_105 = arith.constant 0 : i32
    %ne3A_106 = arith.cmpi ne, %rem3A_104, %ne3A_105 : i32
    %lt3A_107 = arith.constant 0 : i32
    %lt3A_108 = arith.cmpi slt, %rem3A_104, %lt3A_107 : i32
    %lt3A_109 = arith.constant 0 : i32
    %lt3A_110 = arith.cmpi slt, %select_n3A_103, %lt3A_109 : i32
    %ne3A_111 = arith.xori %lt3A_108, %lt3A_110 : i1
    %and3A_112 = arith.andi %ne3A_111, %ne3A_106 : i1
    %add3A_113 = arith.addi %rem3A_104, %select_n3A_103 : i32
    %select_n3A_114 = arith.select %and3A_112, %add3A_113, %rem3A_104 : i32
    %mul3A_115 = arith.constant 16 : i32
    %mul3A_116 = arith.muli %arg0, %mul3A_115 : i32
    %add3A_117 = arith.constant 0 : i32
    %add3A_118 = arith.addi %mul3A_116, %add3A_117 : i32
    %add3A_119 = arith.addi %add3A_118, %select_n3A_114 : i32
    "tpu.region"() ({
      %run_scoped3A = tpu.sem_alloc : memref<!tpu.dma_semaphore, #tpu.memory_space<semaphore_mem>>
      %dma_start3A_150 = arith.constant 0 : i32
      %dma_start3A_151 = arith.constant 0 : i32
      %dma_start3A_152 = tpu.memref_slice %arg10[%dma_start3A_150, %dma_start3A_151] : memref<8x4096xf32, #tpu.memory_space<vmem>> -> memref<8x1024xf32, #tpu.memory_space<vmem>>
      %dma_start3A_153 = arith.constant 0 : i32
      %dma_start3A_154 = tpu.memref_slice %arg5[%add3A_119, %dma_start3A_153, %multiple_of3A_98] : memref<32x8x4096xf32, #tpu.memory_space<hbm>> -> memref<1x8x1024xf32, #tpu.memory_space<hbm>>
      %dma_start3A_155 = tpu.memref_squeeze %dma_start3A_154 : memref<1x8x1024xf32, #tpu.memory_space<hbm>> -> memref<8x1024xf32, #tpu.memory_space<hbm>>
      %dma_start3A_156 = arith.constant 0 : i32
      %dma_start3A_157 = arith.constant 0 : i32
      %dma_start3A_158 = tpu.memref_slice %arg10[%dma_start3A_156, %dma_start3A_157] : memref<8x4096xf32, #tpu.memory_space<vmem>> -> memref<8x1024xf32, #tpu.memory_space<vmem>>
      %dma_start3A_159 = arith.constant 0 : i32
      %dma_start3A_160 = tpu.memref_slice %arg5[%add3A_119, %dma_start3A_159, %multiple_of3A_98] : memref<32x8x4096xf32, #tpu.memory_space<hbm>> -> memref<1x8x1024xf32, #tpu.memory_space<hbm>>
      %dma_start3A_161 = tpu.memref_squeeze %dma_start3A_160 : memref<1x8x1024xf32, #tpu.memory_space<hbm>> -> memref<8x1024xf32, #tpu.memory_space<hbm>>
      tpu.enqueue_dma source(%dma_start3A_161 : memref<8x1024xf32, #tpu.memory_space<hbm>>) target(%dma_start3A_158 : memref<8x1024xf32, #tpu.memory_space<vmem>>) target_semaphore(%run_scoped3A : memref<!tpu.dma_semaphore, #tpu.memory_space<semaphore_mem>>)
      %dma_wait3A = arith.constant 0 : i32
      %dma_wait3A_162 = arith.constant 0 : i32
      %dma_wait3A_163 = tpu.memref_slice %arg10[%dma_wait3A, %dma_wait3A_162] : memref<8x4096xf32, #tpu.memory_space<vmem>> -> memref<8x1024xf32, #tpu.memory_space<vmem>>
      %dma_wait3A_164 = arith.constant 0 : i32
      %dma_wait3A_165 = tpu.memref_slice %arg5[%add3A_119, %dma_wait3A_164, %multiple_of3A_98] : memref<32x8x4096xf32, #tpu.memory_space<hbm>> -> memref<1x8x1024xf32, #tpu.memory_space<hbm>>
      %dma_wait3A_166 = tpu.memref_squeeze %dma_wait3A_165 : memref<1x8x1024xf32, #tpu.memory_space<hbm>> -> memref<8x1024xf32, #tpu.memory_space<hbm>>
      %dma_wait3A_167 = arith.constant 0 : i32
      %dma_wait3A_168 = arith.constant 0 : i32
      %dma_wait3A_169 = tpu.memref_slice %arg10[%dma_wait3A_167, %dma_wait3A_168] : memref<8x4096xf32, #tpu.memory_space<vmem>> -> memref<8x1024xf32, #tpu.memory_space<vmem>>
      %dma_wait3A_170 = arith.constant 0 : i32
      %dma_wait3A_171 = tpu.memref_slice %arg5[%add3A_119, %dma_wait3A_170, %multiple_of3A_98] : memref<32x8x4096xf32, #tpu.memory_space<hbm>> -> memref<1x8x1024xf32, #tpu.memory_space<hbm>>
      %dma_wait3A_172 = tpu.memref_squeeze %dma_wait3A_171 : memref<1x8x1024xf32, #tpu.memory_space<hbm>> -> memref<8x1024xf32, #tpu.memory_space<hbm>>
      tpu.wait_dma2 semaphore(%run_scoped3A : memref<!tpu.dma_semaphore, #tpu.memory_space<semaphore_mem>>) src(%dma_wait3A_172 : memref<8x1024xf32, #tpu.memory_space<hbm>>) dst(%dma_wait3A_169 : memref<8x1024xf32, #tpu.memory_space<vmem>>)
      tpu.yield
    }) : () -> ()
    %mul3A_120 = arith.constant 16 : i32
    %mul3A_121 = arith.muli %arg0, %mul3A_120 : i32
    %add3A_122 = arith.constant 4 : i32
    %add3A_123 = arith.addi %mul3A_121, %add3A_122 : i32
    %add3A_124 = arith.addi %add3A_123, %select_n3A_114 : i32
    "tpu.region"() ({
      %run_scoped3A = tpu.sem_alloc : memref<!tpu.dma_semaphore, #tpu.memory_space<semaphore_mem>>
      %dma_start3A_150 = arith.constant 0 : i32
      %dma_start3A_151 = arith.constant 0 : i32
      %dma_start3A_152 = tpu.memref_slice %arg7[%dma_start3A_150, %dma_start3A_151] : memref<8x4992xf32, #tpu.memory_space<vmem>> -> memref<8x1024xf32, #tpu.memory_space<vmem>>
      %dma_start3A_153 = arith.constant 0 : i32
      %dma_start3A_154 = tpu.memref_slice %arg5[%add3A_124, %dma_start3A_153, %multiple_of3A_98] : memref<32x8x4096xf32, #tpu.memory_space<hbm>> -> memref<1x8x1024xf32, #tpu.memory_space<hbm>>
      %dma_start3A_155 = tpu.memref_squeeze %dma_start3A_154 : memref<1x8x1024xf32, #tpu.memory_space<hbm>> -> memref<8x1024xf32, #tpu.memory_space<hbm>>
      %dma_start3A_156 = arith.constant 0 : i32
      %dma_start3A_157 = arith.constant 0 : i32
      %dma_start3A_158 = tpu.memref_slice %arg7[%dma_start3A_156, %dma_start3A_157] : memref<8x4992xf32, #tpu.memory_space<vmem>> -> memref<8x1024xf32, #tpu.memory_space<vmem>>
      %dma_start3A_159 = arith.constant 0 : i32
      %dma_start3A_160 = tpu.memref_slice %arg5[%add3A_124, %dma_start3A_159, %multiple_of3A_98] : memref<32x8x4096xf32, #tpu.memory_space<hbm>> -> memref<1x8x1024xf32, #tpu.memory_space<hbm>>
      %dma_start3A_161 = tpu.memref_squeeze %dma_start3A_160 : memref<1x8x1024xf32, #tpu.memory_space<hbm>> -> memref<8x1024xf32, #tpu.memory_space<hbm>>
      tpu.enqueue_dma source(%dma_start3A_161 : memref<8x1024xf32, #tpu.memory_space<hbm>>) target(%dma_start3A_158 : memref<8x1024xf32, #tpu.memory_space<vmem>>) target_semaphore(%run_scoped3A : memref<!tpu.dma_semaphore, #tpu.memory_space<semaphore_mem>>)
      %dma_wait3A = arith.constant 0 : i32
      %dma_wait3A_162 = arith.constant 0 : i32
      %dma_wait3A_163 = tpu.memref_slice %arg7[%dma_wait3A, %dma_wait3A_162] : memref<8x4992xf32, #tpu.memory_space<vmem>> -> memref<8x1024xf32, #tpu.memory_space<vmem>>
      %dma_wait3A_164 = arith.constant 0 : i32
      %dma_wait3A_165 = tpu.memref_slice %arg5[%add3A_124, %dma_wait3A_164, %multiple_of3A_98] : memref<32x8x4096xf32, #tpu.memory_space<hbm>> -> memref<1x8x1024xf32, #tpu.memory_space<hbm>>
      %dma_wait3A_166 = tpu.memref_squeeze %dma_wait3A_165 : memref<1x8x1024xf32, #tpu.memory_space<hbm>> -> memref<8x1024xf32, #tpu.memory_space<hbm>>
      %dma_wait3A_167 = arith.constant 0 : i32
      %dma_wait3A_168 = arith.constant 0 : i32
      %dma_wait3A_169 = tpu.memref_slice %arg7[%dma_wait3A_167, %dma_wait3A_168] : memref<8x4992xf32, #tpu.memory_space<vmem>> -> memref<8x1024xf32, #tpu.memory_space<vmem>>
      %dma_wait3A_170 = arith.constant 0 : i32
      %dma_wait3A_171 = tpu.memref_slice %arg5[%add3A_124, %dma_wait3A_170, %multiple_of3A_98] : memref<32x8x4096xf32, #tpu.memory_space<hbm>> -> memref<1x8x1024xf32, #tpu.memory_space<hbm>>
      %dma_wait3A_172 = tpu.memref_squeeze %dma_wait3A_171 : memref<1x8x1024xf32, #tpu.memory_space<hbm>> -> memref<8x1024xf32, #tpu.memory_space<hbm>>
      tpu.wait_dma2 semaphore(%run_scoped3A : memref<!tpu.dma_semaphore, #tpu.memory_space<semaphore_mem>>) src(%dma_wait3A_172 : memref<8x1024xf32, #tpu.memory_space<hbm>>) dst(%dma_wait3A_169 : memref<8x1024xf32, #tpu.memory_space<vmem>>)
      tpu.yield
    }) : () -> ()
    %parallel_loop3A_125 = arith.constant 0 : i32
    %parallel_loop3A_126 = arith.constant 64 : i32
    %parallel_loop3A_127 = arith.constant 1 : i32
    scf.for %parallel_loop3A_150 = %parallel_loop3A_125 to %parallel_loop3A_126 step %parallel_loop3A_127  : i32 {
      %parallel_loop3A_151 = arith.constant 16 : i32
      %parallel_loop3A_152 = arith.muli %parallel_loop3A_150, %parallel_loop3A_151 : i32
      %parallel_loop3A_153 = arith.constant 0 : i32
      %parallel_loop3A_154 = arith.index_cast %parallel_loop3A_153 : i32 to index
      %parallel_loop3A_155 = arith.index_cast %parallel_loop3A_152 : i32 to index
      %parallel_loop3A_156 = tpu.vector_load %arg7[%parallel_loop3A_154, %parallel_loop3A_155] {strides = array<i32>} : memref<8x4992xf32, #tpu.memory_space<vmem>>, vector<16xf32>,
      %parallel_loop3A_157 = arith.constant 0 : i32
      %parallel_loop3A_158 = arith.index_cast %parallel_loop3A_157 : i32 to index
      %parallel_loop3A_159 = arith.index_cast %parallel_loop3A_152 : i32 to index
      %parallel_loop3A_160 = tpu.vector_load %arg10[%parallel_loop3A_158, %parallel_loop3A_159] {strides = array<i32>} : memref<8x4096xf32, #tpu.memory_space<vmem>>, vector<16xf32>,
      tpu.vector_store %arg10[%parallel_loop3A_158, %parallel_loop3A_159], %parallel_loop3A_156 {add = true, strides = array<i32>} : memref<8x4096xf32, #tpu.memory_space<vmem>>, vector<16xf32>,
      %parallel_loop3A_161 = arith.constant 16 : i32
      %parallel_loop3A_162 = arith.muli %parallel_loop3A_150, %parallel_loop3A_161 : i32
      %parallel_loop3A_163 = arith.constant 1 : i32
      %parallel_loop3A_164 = arith.index_cast %parallel_loop3A_163 : i32 to index
      %parallel_loop3A_165 = arith.index_cast %parallel_loop3A_162 : i32 to index
      %parallel_loop3A_166 = tpu.vector_load %arg7[%parallel_loop3A_164, %parallel_loop3A_165] {strides = array<i32>} : memref<8x4992xf32, #tpu.memory_space<vmem>>, vector<16xf32>,
      %parallel_loop3A_167 = arith.constant 1 : i32
      %parallel_loop3A_168 = arith.index_cast %parallel_loop3A_167 : i32 to index
      %parallel_loop3A_169 = arith.index_cast %parallel_loop3A_162 : i32 to index
      %parallel_loop3A_170 = tpu.vector_load %arg10[%parallel_loop3A_168, %parallel_loop3A_169] {strides = array<i32>} : memref<8x4096xf32, #tpu.memory_space<vmem>>, vector<16xf32>,
      tpu.vector_store %arg10[%parallel_loop3A_168, %parallel_loop3A_169], %parallel_loop3A_166 {add = true, strides = array<i32>} : memref<8x4096xf32, #tpu.memory_space<vmem>>, vector<16xf32>,
      %parallel_loop3A_171 = arith.constant 16 : i32
      %parallel_loop3A_172 = arith.muli %parallel_loop3A_150, %parallel_loop3A_171 : i32
      %parallel_loop3A_173 = arith.constant 2 : i32
      %parallel_loop3A_174 = arith.index_cast %parallel_loop3A_173 : i32 to index
      %parallel_loop3A_175 = arith.index_cast %parallel_loop3A_172 : i32 to index
      %parallel_loop3A_176 = tpu.vector_load %arg7[%parallel_loop3A_174, %parallel_loop3A_175] {strides = array<i32>} : memref<8x4992xf32, #tpu.memory_space<vmem>>, vector<16xf32>,
      %parallel_loop3A_177 = arith.constant 2 : i32
      %parallel_loop3A_178 = arith.index_cast %parallel_loop3A_177 : i32 to index
      %parallel_loop3A_179 = arith.index_cast %parallel_loop3A_172 : i32 to index
      %parallel_loop3A_180 = tpu.vector_load %arg10[%parallel_loop3A_178, %parallel_loop3A_179] {strides = array<i32>} : memref<8x4096xf32, #tpu.memory_space<vmem>>, vector<16xf32>,
      tpu.vector_store %arg10[%parallel_loop3A_178, %parallel_loop3A_179], %parallel_loop3A_176 {add = true, strides = array<i32>} : memref<8x4096xf32, #tpu.memory_space<vmem>>, vector<16xf32>,
      %parallel_loop3A_181 = arith.constant 16 : i32
      %parallel_loop3A_182 = arith.muli %parallel_loop3A_150, %parallel_loop3A_181 : i32
      %parallel_loop3A_183 = arith.constant 3 : i32
      %parallel_loop3A_184 = arith.index_cast %parallel_loop3A_183 : i32 to index
      %parallel_loop3A_185 = arith.index_cast %parallel_loop3A_182 : i32 to index
      %parallel_loop3A_186 = tpu.vector_load %arg7[%parallel_loop3A_184, %parallel_loop3A_185] {strides = array<i32>} : memref<8x4992xf32, #tpu.memory_space<vmem>>, vector<16xf32>,
      %parallel_loop3A_187 = arith.constant 3 : i32
      %parallel_loop3A_188 = arith.index_cast %parallel_loop3A_187 : i32 to index
      %parallel_loop3A_189 = arith.index_cast %parallel_loop3A_182 : i32 to index
      %parallel_loop3A_190 = tpu.vector_load %arg10[%parallel_loop3A_188, %parallel_loop3A_189] {strides = array<i32>} : memref<8x4096xf32, #tpu.memory_space<vmem>>, vector<16xf32>,
      tpu.vector_store %arg10[%parallel_loop3A_188, %parallel_loop3A_189], %parallel_loop3A_186 {add = true, strides = array<i32>} : memref<8x4096xf32, #tpu.memory_space<vmem>>, vector<16xf32>,
      %parallel_loop3A_191 = arith.constant 16 : i32
      %parallel_loop3A_192 = arith.muli %parallel_loop3A_150, %parallel_loop3A_191 : i32
      %parallel_loop3A_193 = arith.constant 4 : i32
      %parallel_loop3A_194 = arith.index_cast %parallel_loop3A_193 : i32 to index
      %parallel_loop3A_195 = arith.index_cast %parallel_loop3A_192 : i32 to index
      %parallel_loop3A_196 = tpu.vector_load %arg7[%parallel_loop3A_194, %parallel_loop3A_195] {strides = array<i32>} : memref<8x4992xf32, #tpu.memory_space<vmem>>, vector<16xf32>,
      %parallel_loop3A_197 = arith.constant 4 : i32
      %parallel_loop3A_198 = arith.index_cast %parallel_loop3A_197 : i32 to index
      %parallel_loop3A_199 = arith.index_cast %parallel_loop3A_192 : i32 to index
      %parallel_loop3A_200 = tpu.vector_load %arg10[%parallel_loop3A_198, %parallel_loop3A_199] {strides = array<i32>} : memref<8x4096xf32, #tpu.memory_space<vmem>>, vector<16xf32>,
      tpu.vector_store %arg10[%parallel_loop3A_198, %parallel_loop3A_199], %parallel_loop3A_196 {add = true, strides = array<i32>} : memref<8x4096xf32, #tpu.memory_space<vmem>>, vector<16xf32>,
      %parallel_loop3A_201 = arith.constant 16 : i32
      %parallel_loop3A_202 = arith.muli %parallel_loop3A_150, %parallel_loop3A_201 : i32
      %parallel_loop3A_203 = arith.constant 5 : i32
      %parallel_loop3A_204 = arith.index_cast %parallel_loop3A_203 : i32 to index
      %parallel_loop3A_205 = arith.index_cast %parallel_loop3A_202 : i32 to index
      %parallel_loop3A_206 = tpu.vector_load %arg7[%parallel_loop3A_204, %parallel_loop3A_205] {strides = array<i32>} : memref<8x4992xf32, #tpu.memory_space<vmem>>, vector<16xf32>,
      %parallel_loop3A_207 = arith.constant 5 : i32
      %parallel_loop3A_208 = arith.index_cast %parallel_loop3A_207 : i32 to index
      %parallel_loop3A_209 = arith.index_cast %parallel_loop3A_202 : i32 to index
      %parallel_loop3A_210 = tpu.vector_load %arg10[%parallel_loop3A_208, %parallel_loop3A_209] {strides = array<i32>} : memref<8x4096xf32, #tpu.memory_space<vmem>>, vector<16xf32>,
      tpu.vector_store %arg10[%parallel_loop3A_208, %parallel_loop3A_209], %parallel_loop3A_206 {add = true, strides = array<i32>} : memref<8x4096xf32, #tpu.memory_space<vmem>>, vector<16xf32>,
      %parallel_loop3A_211 = arith.constant 16 : i32
      %parallel_loop3A_212 = arith.muli %parallel_loop3A_150, %parallel_loop3A_211 : i32
      %parallel_loop3A_213 = arith.constant 6 : i32
      %parallel_loop3A_214 = arith.index_cast %parallel_loop3A_213 : i32 to index
      %parallel_loop3A_215 = arith.index_cast %parallel_loop3A_212 : i32 to index
      %parallel_loop3A_216 = tpu.vector_load %arg7[%parallel_loop3A_214, %parallel_loop3A_215] {strides = array<i32>} : memref<8x4992xf32, #tpu.memory_space<vmem>>, vector<16xf32>,
      %parallel_loop3A_217 = arith.constant 6 : i32
      %parallel_loop3A_218 = arith.index_cast %parallel_loop3A_217 : i32 to index
      %parallel_loop3A_219 = arith.index_cast %parallel_loop3A_212 : i32 to index
      %parallel_loop3A_220 = tpu.vector_load %arg10[%parallel_loop3A_218, %parallel_loop3A_219] {strides = array<i32>} : memref<8x4096xf32, #tpu.memory_space<vmem>>, vector<16xf32>,
      tpu.vector_store %arg10[%parallel_loop3A_218, %parallel_loop3A_219], %parallel_loop3A_216 {add = true, strides = array<i32>} : memref<8x4096xf32, #tpu.memory_space<vmem>>, vector<16xf32>,
      %parallel_loop3A_221 = arith.constant 16 : i32
      %parallel_loop3A_222 = arith.muli %parallel_loop3A_150, %parallel_loop3A_221 : i32
      %parallel_loop3A_223 = arith.constant 7 : i32
      %parallel_loop3A_224 = arith.index_cast %parallel_loop3A_223 : i32 to index
      %parallel_loop3A_225 = arith.index_cast %parallel_loop3A_222 : i32 to index
      %parallel_loop3A_226 = tpu.vector_load %arg7[%parallel_loop3A_224, %parallel_loop3A_225] {strides = array<i32>} : memref<8x4992xf32, #tpu.memory_space<vmem>>, vector<16xf32>,
      %parallel_loop3A_227 = arith.constant 7 : i32
      %parallel_loop3A_228 = arith.index_cast %parallel_loop3A_227 : i32 to index
      %parallel_loop3A_229 = arith.index_cast %parallel_loop3A_222 : i32 to index
      %parallel_loop3A_230 = tpu.vector_load %arg10[%parallel_loop3A_228, %parallel_loop3A_229] {strides = array<i32>} : memref<8x4096xf32, #tpu.memory_space<vmem>>, vector<16xf32>,
      tpu.vector_store %arg10[%parallel_loop3A_228, %parallel_loop3A_229], %parallel_loop3A_226 {add = true, strides = array<i32>} : memref<8x4096xf32, #tpu.memory_space<vmem>>, vector<16xf32>,
    } {sc.loop_unroll_factor = 4 : i64, sc.parallel_access}
    %mul3A_128 = arith.constant 16 : i32
    %mul3A_129 = arith.muli %arg0, %mul3A_128 : i32
    %add3A_130 = arith.constant 8 : i32
    %add3A_131 = arith.addi %mul3A_129, %add3A_130 : i32
    %add3A_132 = arith.addi %add3A_131, %select_n3A_114 : i32
    "tpu.region"() ({
      %run_scoped3A = tpu.sem_alloc : memref<!tpu.dma_semaphore, #tpu.memory_space<semaphore_mem>>
      %dma_start3A_150 = arith.constant 0 : i32
      %dma_start3A_151 = arith.constant 0 : i32
      %dma_start3A_152 = tpu.memref_slice %arg7[%dma_start3A_150, %dma_start3A_151] : memref<8x4992xf32, #tpu.memory_space<vmem>> -> memref<8x1024xf32, #tpu.memory_space<vmem>>
      %dma_start3A_153 = arith.constant 0 : i32
      %dma_start3A_154 = tpu.memref_slice %arg5[%add3A_132, %dma_start3A_153, %multiple_of3A_98] : memref<32x8x4096xf32, #tpu.memory_space<hbm>> -> memref<1x8x1024xf32, #tpu.memory_space<hbm>>
      %dma_start3A_155 = tpu.memref_squeeze %dma_start3A_154 : memref<1x8x1024xf32, #tpu.memory_space<hbm>> -> memref<8x1024xf32, #tpu.memory_space<hbm>>
      %dma_start3A_156 = arith.constant 0 : i32
      %dma_start3A_157 = arith.constant 0 : i32
      %dma_start3A_158 = tpu.memref_slice %arg7[%dma_start3A_156, %dma_start3A_157] : memref<8x4992xf32, #tpu.memory_space<vmem>> -> memref<8x1024xf32, #tpu.memory_space<vmem>>
      %dma_start3A_159 = arith.constant 0 : i32
      %dma_start3A_160 = tpu.memref_slice %arg5[%add3A_132, %dma_start3A_159, %multiple_of3A_98] : memref<32x8x4096xf32, #tpu.memory_space<hbm>> -> memref<1x8x1024xf32, #tpu.memory_space<hbm>>
      %dma_start3A_161 = tpu.memref_squeeze %dma_start3A_160 : memref<1x8x1024xf32, #tpu.memory_space<hbm>> -> memref<8x1024xf32, #tpu.memory_space<hbm>>
      tpu.enqueue_dma source(%dma_start3A_161 : memref<8x1024xf32, #tpu.memory_space<hbm>>) target(%dma_start3A_158 : memref<8x1024xf32, #tpu.memory_space<vmem>>) target_semaphore(%run_scoped3A : memref<!tpu.dma_semaphore, #tpu.memory_space<semaphore_mem>>)
      %dma_wait3A = arith.constant 0 : i32
      %dma_wait3A_162 = arith.constant 0 : i32
      %dma_wait3A_163 = tpu.memref_slice %arg7[%dma_wait3A, %dma_wait3A_162] : memref<8x4992xf32, #tpu.memory_space<vmem>> -> memref<8x1024xf32, #tpu.memory_space<vmem>>
      %dma_wait3A_164 = arith.constant 0 : i32
      %dma_wait3A_165 = tpu.memref_slice %arg5[%add3A_132, %dma_wait3A_164, %multiple_of3A_98] : memref<32x8x4096xf32, #tpu.memory_space<hbm>> -> memref<1x8x1024xf32, #tpu.memory_space<hbm>>
      %dma_wait3A_166 = tpu.memref_squeeze %dma_wait3A_165 : memref<1x8x1024xf32, #tpu.memory_space<hbm>> -> memref<8x1024xf32, #tpu.memory_space<hbm>>
      %dma_wait3A_167 = arith.constant 0 : i32
      %dma_wait3A_168 = arith.constant 0 : i32
      %dma_wait3A_169 = tpu.memref_slice %arg7[%dma_wait3A_167, %dma_wait3A_168] : memref<8x4992xf32, #tpu.memory_space<vmem>> -> memref<8x1024xf32, #tpu.memory_space<vmem>>
      %dma_wait3A_170 = arith.constant 0 : i32
      %dma_wait3A_171 = tpu.memref_slice %arg5[%add3A_132, %dma_wait3A_170, %multiple_of3A_98] : memref<32x8x4096xf32, #tpu.memory_space<hbm>> -> memref<1x8x1024xf32, #tpu.memory_space<hbm>>
      %dma_wait3A_172 = tpu.memref_squeeze %dma_wait3A_171 : memref<1x8x1024xf32, #tpu.memory_space<hbm>> -> memref<8x1024xf32, #tpu.memory_space<hbm>>
      tpu.wait_dma2 semaphore(%run_scoped3A : memref<!tpu.dma_semaphore, #tpu.memory_space<semaphore_mem>>) src(%dma_wait3A_172 : memref<8x1024xf32, #tpu.memory_space<hbm>>) dst(%dma_wait3A_169 : memref<8x1024xf32, #tpu.memory_space<vmem>>)
      tpu.yield
    }) : () -> ()
    %parallel_loop3A_133 = arith.constant 0 : i32
    %parallel_loop3A_134 = arith.constant 64 : i32
    %parallel_loop3A_135 = arith.constant 1 : i32
    scf.for %parallel_loop3A_150 = %parallel_loop3A_133 to %parallel_loop3A_134 step %parallel_loop3A_135  : i32 {
      %parallel_loop3A_151 = arith.constant 16 : i32
      %parallel_loop3A_152 = arith.muli %parallel_loop3A_150, %parallel_loop3A_151 : i32
      %parallel_loop3A_153 = arith.constant 0 : i32
      %parallel_loop3A_154 = arith.index_cast %parallel_loop3A_153 : i32 to index
      %parallel_loop3A_155 = arith.index_cast %parallel_loop3A_152 : i32 to index
      %parallel_loop3A_156 = tpu.vector_load %arg7[%parallel_loop3A_154, %parallel_loop3A_155] {strides = array<i32>} : memref<8x4992xf32, #tpu.memory_space<vmem>>, vector<16xf32>,
      %parallel_loop3A_157 = arith.constant 0 : i32
      %parallel_loop3A_158 = arith.index_cast %parallel_loop3A_157 : i32 to index
      %parallel_loop3A_159 = arith.index_cast %parallel_loop3A_152 : i32 to index
      %parallel_loop3A_160 = tpu.vector_load %arg10[%parallel_loop3A_158, %parallel_loop3A_159] {strides = array<i32>} : memref<8x4096xf32, #tpu.memory_space<vmem>>, vector<16xf32>,
      tpu.vector_store %arg10[%parallel_loop3A_158, %parallel_loop3A_159], %parallel_loop3A_156 {add = true, strides = array<i32>} : memref<8x4096xf32, #tpu.memory_space<vmem>>, vector<16xf32>,
      %parallel_loop3A_161 = arith.constant 16 : i32
      %parallel_loop3A_162 = arith.muli %parallel_loop3A_150, %parallel_loop3A_161 : i32
      %parallel_loop3A_163 = arith.constant 1 : i32
      %parallel_loop3A_164 = arith.index_cast %parallel_loop3A_163 : i32 to index
      %parallel_loop3A_165 = arith.index_cast %parallel_loop3A_162 : i32 to index
      %parallel_loop3A_166 = tpu.vector_load %arg7[%parallel_loop3A_164, %parallel_loop3A_165] {strides = array<i32>} : memref<8x4992xf32, #tpu.memory_space<vmem>>, vector<16xf32>,
      %parallel_loop3A_167 = arith.constant 1 : i32
      %parallel_loop3A_168 = arith.index_cast %parallel_loop3A_167 : i32 to index
      %parallel_loop3A_169 = arith.index_cast %parallel_loop3A_162 : i32 to index
      %parallel_loop3A_170 = tpu.vector_load %arg10[%parallel_loop3A_168, %parallel_loop3A_169] {strides = array<i32>} : memref<8x4096xf32, #tpu.memory_space<vmem>>, vector<16xf32>,
      tpu.vector_store %arg10[%parallel_loop3A_168, %parallel_loop3A_169], %parallel_loop3A_166 {add = true, strides = array<i32>} : memref<8x4096xf32, #tpu.memory_space<vmem>>, vector<16xf32>,
      %parallel_loop3A_171 = arith.constant 16 : i32
      %parallel_loop3A_172 = arith.muli %parallel_loop3A_150, %parallel_loop3A_171 : i32
      %parallel_loop3A_173 = arith.constant 2 : i32
      %parallel_loop3A_174 = arith.index_cast %parallel_loop3A_173 : i32 to index
      %parallel_loop3A_175 = arith.index_cast %parallel_loop3A_172 : i32 to index
      %parallel_loop3A_176 = tpu.vector_load %arg7[%parallel_loop3A_174, %parallel_loop3A_175] {strides = array<i32>} : memref<8x4992xf32, #tpu.memory_space<vmem>>, vector<16xf32>,
      %parallel_loop3A_177 = arith.constant 2 : i32
      %parallel_loop3A_178 = arith.index_cast %parallel_loop3A_177 : i32 to index
      %parallel_loop3A_179 = arith.index_cast %parallel_loop3A_172 : i32 to index
      %parallel_loop3A_180 = tpu.vector_load %arg10[%parallel_loop3A_178, %parallel_loop3A_179] {strides = array<i32>} : memref<8x4096xf32, #tpu.memory_space<vmem>>, vector<16xf32>,
      tpu.vector_store %arg10[%parallel_loop3A_178, %parallel_loop3A_179], %parallel_loop3A_176 {add = true, strides = array<i32>} : memref<8x4096xf32, #tpu.memory_space<vmem>>, vector<16xf32>,
      %parallel_loop3A_181 = arith.constant 16 : i32
      %parallel_loop3A_182 = arith.muli %parallel_loop3A_150, %parallel_loop3A_181 : i32
      %parallel_loop3A_183 = arith.constant 3 : i32
      %parallel_loop3A_184 = arith.index_cast %parallel_loop3A_183 : i32 to index
      %parallel_loop3A_185 = arith.index_cast %parallel_loop3A_182 : i32 to index
      %parallel_loop3A_186 = tpu.vector_load %arg7[%parallel_loop3A_184, %parallel_loop3A_185] {strides = array<i32>} : memref<8x4992xf32, #tpu.memory_space<vmem>>, vector<16xf32>,
      %parallel_loop3A_187 = arith.constant 3 : i32
      %parallel_loop3A_188 = arith.index_cast %parallel_loop3A_187 : i32 to index
      %parallel_loop3A_189 = arith.index_cast %parallel_loop3A_182 : i32 to index
      %parallel_loop3A_190 = tpu.vector_load %arg10[%parallel_loop3A_188, %parallel_loop3A_189] {strides = array<i32>} : memref<8x4096xf32, #tpu.memory_space<vmem>>, vector<16xf32>,
      tpu.vector_store %arg10[%parallel_loop3A_188, %parallel_loop3A_189], %parallel_loop3A_186 {add = true, strides = array<i32>} : memref<8x4096xf32, #tpu.memory_space<vmem>>, vector<16xf32>,
      %parallel_loop3A_191 = arith.constant 16 : i32
      %parallel_loop3A_192 = arith.muli %parallel_loop3A_150, %parallel_loop3A_191 : i32
      %parallel_loop3A_193 = arith.constant 4 : i32
      %parallel_loop3A_194 = arith.index_cast %parallel_loop3A_193 : i32 to index
      %parallel_loop3A_195 = arith.index_cast %parallel_loop3A_192 : i32 to index
      %parallel_loop3A_196 = tpu.vector_load %arg7[%parallel_loop3A_194, %parallel_loop3A_195] {strides = array<i32>} : memref<8x4992xf32, #tpu.memory_space<vmem>>, vector<16xf32>,
      %parallel_loop3A_197 = arith.constant 4 : i32
      %parallel_loop3A_198 = arith.index_cast %parallel_loop3A_197 : i32 to index
      %parallel_loop3A_199 = arith.index_cast %parallel_loop3A_192 : i32 to index
      %parallel_loop3A_200 = tpu.vector_load %arg10[%parallel_loop3A_198, %parallel_loop3A_199] {strides = array<i32>} : memref<8x4096xf32, #tpu.memory_space<vmem>>, vector<16xf32>,
      tpu.vector_store %arg10[%parallel_loop3A_198, %parallel_loop3A_199], %parallel_loop3A_196 {add = true, strides = array<i32>} : memref<8x4096xf32, #tpu.memory_space<vmem>>, vector<16xf32>,
      %parallel_loop3A_201 = arith.constant 16 : i32
      %parallel_loop3A_202 = arith.muli %parallel_loop3A_150, %parallel_loop3A_201 : i32
      %parallel_loop3A_203 = arith.constant 5 : i32
      %parallel_loop3A_204 = arith.index_cast %parallel_loop3A_203 : i32 to index
      %parallel_loop3A_205 = arith.index_cast %parallel_loop3A_202 : i32 to index
      %parallel_loop3A_206 = tpu.vector_load %arg7[%parallel_loop3A_204, %parallel_loop3A_205] {strides = array<i32>} : memref<8x4992xf32, #tpu.memory_space<vmem>>, vector<16xf32>,
      %parallel_loop3A_207 = arith.constant 5 : i32
      %parallel_loop3A_208 = arith.index_cast %parallel_loop3A_207 : i32 to index
      %parallel_loop3A_209 = arith.index_cast %parallel_loop3A_202 : i32 to index
      %parallel_loop3A_210 = tpu.vector_load %arg10[%parallel_loop3A_208, %parallel_loop3A_209] {strides = array<i32>} : memref<8x4096xf32, #tpu.memory_space<vmem>>, vector<16xf32>,
      tpu.vector_store %arg10[%parallel_loop3A_208, %parallel_loop3A_209], %parallel_loop3A_206 {add = true, strides = array<i32>} : memref<8x4096xf32, #tpu.memory_space<vmem>>, vector<16xf32>,
      %parallel_loop3A_211 = arith.constant 16 : i32
      %parallel_loop3A_212 = arith.muli %parallel_loop3A_150, %parallel_loop3A_211 : i32
      %parallel_loop3A_213 = arith.constant 6 : i32
      %parallel_loop3A_214 = arith.index_cast %parallel_loop3A_213 : i32 to index
      %parallel_loop3A_215 = arith.index_cast %parallel_loop3A_212 : i32 to index
      %parallel_loop3A_216 = tpu.vector_load %arg7[%parallel_loop3A_214, %parallel_loop3A_215] {strides = array<i32>} : memref<8x4992xf32, #tpu.memory_space<vmem>>, vector<16xf32>,
      %parallel_loop3A_217 = arith.constant 6 : i32
      %parallel_loop3A_218 = arith.index_cast %parallel_loop3A_217 : i32 to index
      %parallel_loop3A_219 = arith.index_cast %parallel_loop3A_212 : i32 to index
      %parallel_loop3A_220 = tpu.vector_load %arg10[%parallel_loop3A_218, %parallel_loop3A_219] {strides = array<i32>} : memref<8x4096xf32, #tpu.memory_space<vmem>>, vector<16xf32>,
      tpu.vector_store %arg10[%parallel_loop3A_218, %parallel_loop3A_219], %parallel_loop3A_216 {add = true, strides = array<i32>} : memref<8x4096xf32, #tpu.memory_space<vmem>>, vector<16xf32>,
      %parallel_loop3A_221 = arith.constant 16 : i32
      %parallel_loop3A_222 = arith.muli %parallel_loop3A_150, %parallel_loop3A_221 : i32
      %parallel_loop3A_223 = arith.constant 7 : i32
      %parallel_loop3A_224 = arith.index_cast %parallel_loop3A_223 : i32 to index
      %parallel_loop3A_225 = arith.index_cast %parallel_loop3A_222 : i32 to index
      %parallel_loop3A_226 = tpu.vector_load %arg7[%parallel_loop3A_224, %parallel_loop3A_225] {strides = array<i32>} : memref<8x4992xf32, #tpu.memory_space<vmem>>, vector<16xf32>,
      %parallel_loop3A_227 = arith.constant 7 : i32
      %parallel_loop3A_228 = arith.index_cast %parallel_loop3A_227 : i32 to index
      %parallel_loop3A_229 = arith.index_cast %parallel_loop3A_222 : i32 to index
      %parallel_loop3A_230 = tpu.vector_load %arg10[%parallel_loop3A_228, %parallel_loop3A_229] {strides = array<i32>} : memref<8x4096xf32, #tpu.memory_space<vmem>>, vector<16xf32>,
      tpu.vector_store %arg10[%parallel_loop3A_228, %parallel_loop3A_229], %parallel_loop3A_226 {add = true, strides = array<i32>} : memref<8x4096xf32, #tpu.memory_space<vmem>>, vector<16xf32>,
    } {sc.loop_unroll_factor = 4 : i64, sc.parallel_access}
    %mul3A_136 = arith.constant 16 : i32
    %mul3A_137 = arith.muli %arg0, %mul3A_136 : i32
    %add3A_138 = arith.constant 12 : i32
    %add3A_139 = arith.addi %mul3A_137, %add3A_138 : i32
    %add3A_140 = arith.addi %add3A_139, %select_n3A_114 : i32
    "tpu.region"() ({
      %run_scoped3A = tpu.sem_alloc : memref<!tpu.dma_semaphore, #tpu.memory_space<semaphore_mem>>
      %dma_start3A_150 = arith.constant 0 : i32
      %dma_start3A_151 = arith.constant 0 : i32
      %dma_start3A_152 = tpu.memref_slice %arg7[%dma_start3A_150, %dma_start3A_151] : memref<8x4992xf32, #tpu.memory_space<vmem>> -> memref<8x1024xf32, #tpu.memory_space<vmem>>
      %dma_start3A_153 = arith.constant 0 : i32
      %dma_start3A_154 = tpu.memref_slice %arg5[%add3A_140, %dma_start3A_153, %multiple_of3A_98] : memref<32x8x4096xf32, #tpu.memory_space<hbm>> -> memref<1x8x1024xf32, #tpu.memory_space<hbm>>
      %dma_start3A_155 = tpu.memref_squeeze %dma_start3A_154 : memref<1x8x1024xf32, #tpu.memory_space<hbm>> -> memref<8x1024xf32, #tpu.memory_space<hbm>>
      %dma_start3A_156 = arith.constant 0 : i32
      %dma_start3A_157 = arith.constant 0 : i32
      %dma_start3A_158 = tpu.memref_slice %arg7[%dma_start3A_156, %dma_start3A_157] : memref<8x4992xf32, #tpu.memory_space<vmem>> -> memref<8x1024xf32, #tpu.memory_space<vmem>>
      %dma_start3A_159 = arith.constant 0 : i32
      %dma_start3A_160 = tpu.memref_slice %arg5[%add3A_140, %dma_start3A_159, %multiple_of3A_98] : memref<32x8x4096xf32, #tpu.memory_space<hbm>> -> memref<1x8x1024xf32, #tpu.memory_space<hbm>>
      %dma_start3A_161 = tpu.memref_squeeze %dma_start3A_160 : memref<1x8x1024xf32, #tpu.memory_space<hbm>> -> memref<8x1024xf32, #tpu.memory_space<hbm>>
      tpu.enqueue_dma source(%dma_start3A_161 : memref<8x1024xf32, #tpu.memory_space<hbm>>) target(%dma_start3A_158 : memref<8x1024xf32, #tpu.memory_space<vmem>>) target_semaphore(%run_scoped3A : memref<!tpu.dma_semaphore, #tpu.memory_space<semaphore_mem>>)
      %dma_wait3A = arith.constant 0 : i32
      %dma_wait3A_162 = arith.constant 0 : i32
      %dma_wait3A_163 = tpu.memref_slice %arg7[%dma_wait3A, %dma_wait3A_162] : memref<8x4992xf32, #tpu.memory_space<vmem>> -> memref<8x1024xf32, #tpu.memory_space<vmem>>
      %dma_wait3A_164 = arith.constant 0 : i32
      %dma_wait3A_165 = tpu.memref_slice %arg5[%add3A_140, %dma_wait3A_164, %multiple_of3A_98] : memref<32x8x4096xf32, #tpu.memory_space<hbm>> -> memref<1x8x1024xf32, #tpu.memory_space<hbm>>
      %dma_wait3A_166 = tpu.memref_squeeze %dma_wait3A_165 : memref<1x8x1024xf32, #tpu.memory_space<hbm>> -> memref<8x1024xf32, #tpu.memory_space<hbm>>
      %dma_wait3A_167 = arith.constant 0 : i32
      %dma_wait3A_168 = arith.constant 0 : i32
      %dma_wait3A_169 = tpu.memref_slice %arg7[%dma_wait3A_167, %dma_wait3A_168] : memref<8x4992xf32, #tpu.memory_space<vmem>> -> memref<8x1024xf32, #tpu.memory_space<vmem>>
      %dma_wait3A_170 = arith.constant 0 : i32
      %dma_wait3A_171 = tpu.memref_slice %arg5[%add3A_140, %dma_wait3A_170, %multiple_of3A_98] : memref<32x8x4096xf32, #tpu.memory_space<hbm>> -> memref<1x8x1024xf32, #tpu.memory_space<hbm>>
      %dma_wait3A_172 = tpu.memref_squeeze %dma_wait3A_171 : memref<1x8x1024xf32, #tpu.memory_space<hbm>> -> memref<8x1024xf32, #tpu.memory_space<hbm>>
      tpu.wait_dma2 semaphore(%run_scoped3A : memref<!tpu.dma_semaphore, #tpu.memory_space<semaphore_mem>>) src(%dma_wait3A_172 : memref<8x1024xf32, #tpu.memory_space<hbm>>) dst(%dma_wait3A_169 : memref<8x1024xf32, #tpu.memory_space<vmem>>)
      tpu.yield
    }) : () -> ()
    %parallel_loop3A_141 = arith.constant 0 : i32
    %parallel_loop3A_142 = arith.constant 64 : i32
    %parallel_loop3A_143 = arith.constant 1 : i32
    scf.for %parallel_loop3A_150 = %parallel_loop3A_141 to %parallel_loop3A_142 step %parallel_loop3A_143  : i32 {
      %parallel_loop3A_151 = arith.constant 16 : i32
      %parallel_loop3A_152 = arith.muli %parallel_loop3A_150, %parallel_loop3A_151 : i32
      %parallel_loop3A_153 = arith.constant 0 : i32
      %parallel_loop3A_154 = arith.index_cast %parallel_loop3A_153 : i32 to index
      %parallel_loop3A_155 = arith.index_cast %parallel_loop3A_152 : i32 to index
      %parallel_loop3A_156 = tpu.vector_load %arg7[%parallel_loop3A_154, %parallel_loop3A_155] {strides = array<i32>} : memref<8x4992xf32, #tpu.memory_space<vmem>>, vector<16xf32>,
      %parallel_loop3A_157 = arith.constant 0 : i32
      %parallel_loop3A_158 = arith.index_cast %parallel_loop3A_157 : i32 to index
      %parallel_loop3A_159 = arith.index_cast %parallel_loop3A_152 : i32 to index
      %parallel_loop3A_160 = tpu.vector_load %arg10[%parallel_loop3A_158, %parallel_loop3A_159] {strides = array<i32>} : memref<8x4096xf32, #tpu.memory_space<vmem>>, vector<16xf32>,
      tpu.vector_store %arg10[%parallel_loop3A_158, %parallel_loop3A_159], %parallel_loop3A_156 {add = true, strides = array<i32>} : memref<8x4096xf32, #tpu.memory_space<vmem>>, vector<16xf32>,
      %parallel_loop3A_161 = arith.constant 16 : i32
      %parallel_loop3A_162 = arith.muli %parallel_loop3A_150, %parallel_loop3A_161 : i32
      %parallel_loop3A_163 = arith.constant 1 : i32
      %parallel_loop3A_164 = arith.index_cast %parallel_loop3A_163 : i32 to index
      %parallel_loop3A_165 = arith.index_cast %parallel_loop3A_162 : i32 to index
      %parallel_loop3A_166 = tpu.vector_load %arg7[%parallel_loop3A_164, %parallel_loop3A_165] {strides = array<i32>} : memref<8x4992xf32, #tpu.memory_space<vmem>>, vector<16xf32>,
      %parallel_loop3A_167 = arith.constant 1 : i32
      %parallel_loop3A_168 = arith.index_cast %parallel_loop3A_167 : i32 to index
      %parallel_loop3A_169 = arith.index_cast %parallel_loop3A_162 : i32 to index
      %parallel_loop3A_170 = tpu.vector_load %arg10[%parallel_loop3A_168, %parallel_loop3A_169] {strides = array<i32>} : memref<8x4096xf32, #tpu.memory_space<vmem>>, vector<16xf32>,
      tpu.vector_store %arg10[%parallel_loop3A_168, %parallel_loop3A_169], %parallel_loop3A_166 {add = true, strides = array<i32>} : memref<8x4096xf32, #tpu.memory_space<vmem>>, vector<16xf32>,
      %parallel_loop3A_171 = arith.constant 16 : i32
      %parallel_loop3A_172 = arith.muli %parallel_loop3A_150, %parallel_loop3A_171 : i32
      %parallel_loop3A_173 = arith.constant 2 : i32
      %parallel_loop3A_174 = arith.index_cast %parallel_loop3A_173 : i32 to index
      %parallel_loop3A_175 = arith.index_cast %parallel_loop3A_172 : i32 to index
      %parallel_loop3A_176 = tpu.vector_load %arg7[%parallel_loop3A_174, %parallel_loop3A_175] {strides = array<i32>} : memref<8x4992xf32, #tpu.memory_space<vmem>>, vector<16xf32>,
      %parallel_loop3A_177 = arith.constant 2 : i32
      %parallel_loop3A_178 = arith.index_cast %parallel_loop3A_177 : i32 to index
      %parallel_loop3A_179 = arith.index_cast %parallel_loop3A_172 : i32 to index
      %parallel_loop3A_180 = tpu.vector_load %arg10[%parallel_loop3A_178, %parallel_loop3A_179] {strides = array<i32>} : memref<8x4096xf32, #tpu.memory_space<vmem>>, vector<16xf32>,
      tpu.vector_store %arg10[%parallel_loop3A_178, %parallel_loop3A_179], %parallel_loop3A_176 {add = true, strides = array<i32>} : memref<8x4096xf32, #tpu.memory_space<vmem>>, vector<16xf32>,
      %parallel_loop3A_181 = arith.constant 16 : i32
      %parallel_loop3A_182 = arith.muli %parallel_loop3A_150, %parallel_loop3A_181 : i32
      %parallel_loop3A_183 = arith.constant 3 : i32
      %parallel_loop3A_184 = arith.index_cast %parallel_loop3A_183 : i32 to index
      %parallel_loop3A_185 = arith.index_cast %parallel_loop3A_182 : i32 to index
      %parallel_loop3A_186 = tpu.vector_load %arg7[%parallel_loop3A_184, %parallel_loop3A_185] {strides = array<i32>} : memref<8x4992xf32, #tpu.memory_space<vmem>>, vector<16xf32>,
      %parallel_loop3A_187 = arith.constant 3 : i32
      %parallel_loop3A_188 = arith.index_cast %parallel_loop3A_187 : i32 to index
      %parallel_loop3A_189 = arith.index_cast %parallel_loop3A_182 : i32 to index
      %parallel_loop3A_190 = tpu.vector_load %arg10[%parallel_loop3A_188, %parallel_loop3A_189] {strides = array<i32>} : memref<8x4096xf32, #tpu.memory_space<vmem>>, vector<16xf32>,
      tpu.vector_store %arg10[%parallel_loop3A_188, %parallel_loop3A_189], %parallel_loop3A_186 {add = true, strides = array<i32>} : memref<8x4096xf32, #tpu.memory_space<vmem>>, vector<16xf32>,
      %parallel_loop3A_191 = arith.constant 16 : i32
      %parallel_loop3A_192 = arith.muli %parallel_loop3A_150, %parallel_loop3A_191 : i32
      %parallel_loop3A_193 = arith.constant 4 : i32
      %parallel_loop3A_194 = arith.index_cast %parallel_loop3A_193 : i32 to index
      %parallel_loop3A_195 = arith.index_cast %parallel_loop3A_192 : i32 to index
      %parallel_loop3A_196 = tpu.vector_load %arg7[%parallel_loop3A_194, %parallel_loop3A_195] {strides = array<i32>} : memref<8x4992xf32, #tpu.memory_space<vmem>>, vector<16xf32>,
      %parallel_loop3A_197 = arith.constant 4 : i32
      %parallel_loop3A_198 = arith.index_cast %parallel_loop3A_197 : i32 to index
      %parallel_loop3A_199 = arith.index_cast %parallel_loop3A_192 : i32 to index
      %parallel_loop3A_200 = tpu.vector_load %arg10[%parallel_loop3A_198, %parallel_loop3A_199] {strides = array<i32>} : memref<8x4096xf32, #tpu.memory_space<vmem>>, vector<16xf32>,
      tpu.vector_store %arg10[%parallel_loop3A_198, %parallel_loop3A_199], %parallel_loop3A_196 {add = true, strides = array<i32>} : memref<8x4096xf32, #tpu.memory_space<vmem>>, vector<16xf32>,
      %parallel_loop3A_201 = arith.constant 16 : i32
      %parallel_loop3A_202 = arith.muli %parallel_loop3A_150, %parallel_loop3A_201 : i32
      %parallel_loop3A_203 = arith.constant 5 : i32
      %parallel_loop3A_204 = arith.index_cast %parallel_loop3A_203 : i32 to index
      %parallel_loop3A_205 = arith.index_cast %parallel_loop3A_202 : i32 to index
      %parallel_loop3A_206 = tpu.vector_load %arg7[%parallel_loop3A_204, %parallel_loop3A_205] {strides = array<i32>} : memref<8x4992xf32, #tpu.memory_space<vmem>>, vector<16xf32>,
      %parallel_loop3A_207 = arith.constant 5 : i32
      %parallel_loop3A_208 = arith.index_cast %parallel_loop3A_207 : i32 to index
      %parallel_loop3A_209 = arith.index_cast %parallel_loop3A_202 : i32 to index
      %parallel_loop3A_210 = tpu.vector_load %arg10[%parallel_loop3A_208, %parallel_loop3A_209] {strides = array<i32>} : memref<8x4096xf32, #tpu.memory_space<vmem>>, vector<16xf32>,
      tpu.vector_store %arg10[%parallel_loop3A_208, %parallel_loop3A_209], %parallel_loop3A_206 {add = true, strides = array<i32>} : memref<8x4096xf32, #tpu.memory_space<vmem>>, vector<16xf32>,
      %parallel_loop3A_211 = arith.constant 16 : i32
      %parallel_loop3A_212 = arith.muli %parallel_loop3A_150, %parallel_loop3A_211 : i32
      %parallel_loop3A_213 = arith.constant 6 : i32
      %parallel_loop3A_214 = arith.index_cast %parallel_loop3A_213 : i32 to index
      %parallel_loop3A_215 = arith.index_cast %parallel_loop3A_212 : i32 to index
      %parallel_loop3A_216 = tpu.vector_load %arg7[%parallel_loop3A_214, %parallel_loop3A_215] {strides = array<i32>} : memref<8x4992xf32, #tpu.memory_space<vmem>>, vector<16xf32>,
      %parallel_loop3A_217 = arith.constant 6 : i32
      %parallel_loop3A_218 = arith.index_cast %parallel_loop3A_217 : i32 to index
      %parallel_loop3A_219 = arith.index_cast %parallel_loop3A_212 : i32 to index
      %parallel_loop3A_220 = tpu.vector_load %arg10[%parallel_loop3A_218, %parallel_loop3A_219] {strides = array<i32>} : memref<8x4096xf32, #tpu.memory_space<vmem>>, vector<16xf32>,
      tpu.vector_store %arg10[%parallel_loop3A_218, %parallel_loop3A_219], %parallel_loop3A_216 {add = true, strides = array<i32>} : memref<8x4096xf32, #tpu.memory_space<vmem>>, vector<16xf32>,
      %parallel_loop3A_221 = arith.constant 16 : i32
      %parallel_loop3A_222 = arith.muli %parallel_loop3A_150, %parallel_loop3A_221 : i32
      %parallel_loop3A_223 = arith.constant 7 : i32
      %parallel_loop3A_224 = arith.index_cast %parallel_loop3A_223 : i32 to index
      %parallel_loop3A_225 = arith.index_cast %parallel_loop3A_222 : i32 to index
      %parallel_loop3A_226 = tpu.vector_load %arg7[%parallel_loop3A_224, %parallel_loop3A_225] {strides = array<i32>} : memref<8x4992xf32, #tpu.memory_space<vmem>>, vector<16xf32>,
      %parallel_loop3A_227 = arith.constant 7 : i32
      %parallel_loop3A_228 = arith.index_cast %parallel_loop3A_227 : i32 to index
      %parallel_loop3A_229 = arith.index_cast %parallel_loop3A_222 : i32 to index
      %parallel_loop3A_230 = tpu.vector_load %arg10[%parallel_loop3A_228, %parallel_loop3A_229] {strides = array<i32>} : memref<8x4096xf32, #tpu.memory_space<vmem>>, vector<16xf32>,
      tpu.vector_store %arg10[%parallel_loop3A_228, %parallel_loop3A_229], %parallel_loop3A_226 {add = true, strides = array<i32>} : memref<8x4096xf32, #tpu.memory_space<vmem>>, vector<16xf32>,
    } {sc.loop_unroll_factor = 4 : i64, sc.parallel_access}
    %mul3A_144 = arith.constant 4 : i32
    %mul3A_145 = arith.muli %arg0, %mul3A_144 : i32
    %add3A_146 = arith.addi %mul3A_145, %select_n3A_114 : i32
    %mul3A_147 = arith.constant 8 : i32
    %mul3A_148 = arith.muli %add3A_146, %mul3A_147 : i32
    %multiple_of3A_149 = tpu.assume_multiple %mul3A_148, 8 : i32
    "tpu.region"() ({
      %run_scoped3A = tpu.sem_alloc : memref<!tpu.dma_semaphore, #tpu.memory_space<semaphore_mem>>
      %dma_start3A_150 = arith.constant 0 : i32
      %dma_start3A_151 = arith.constant 0 : i32
      %dma_start3A_152 = tpu.memref_slice %arg10[%dma_start3A_150, %dma_start3A_151] : memref<8x4096xf32, #tpu.memory_space<vmem>> -> memref<8x1024xf32, #tpu.memory_space<vmem>>
      %dma_start3A_153 = tpu.memref_slice %arg4[%multiple_of3A_149, %multiple_of3A_98] : memref<64x4096xf32, #tpu.memory_space<hbm>> -> memref<8x1024xf32, #tpu.memory_space<hbm>>
      %dma_start3A_154 = tpu.memref_slice %arg4[%multiple_of3A_149, %multiple_of3A_98] : memref<64x4096xf32, #tpu.memory_space<hbm>> -> memref<8x1024xf32, #tpu.memory_space<hbm>>
      %dma_start3A_155 = arith.constant 0 : i32
      %dma_start3A_156 = arith.constant 0 : i32
      %dma_start3A_157 = tpu.memref_slice %arg10[%dma_start3A_155, %dma_start3A_156] : memref<8x4096xf32, #tpu.memory_space<vmem>> -> memref<8x1024xf32, #tpu.memory_space<vmem>>
      tpu.enqueue_dma source(%dma_start3A_157 : memref<8x1024xf32, #tpu.memory_space<vmem>>) target(%dma_start3A_154 : memref<8x1024xf32, #tpu.memory_space<hbm>>) target_semaphore(%run_scoped3A : memref<!tpu.dma_semaphore, #tpu.memory_space<semaphore_mem>>)
      %dma_wait3A = arith.constant 0 : i32
      %dma_wait3A_158 = arith.constant 0 : i32
      %dma_wait3A_159 = tpu.memref_slice %arg10[%dma_wait3A, %dma_wait3A_158] : memref<8x4096xf32, #tpu.memory_space<vmem>> -> memref<8x1024xf32, #tpu.memory_space<vmem>>
      %dma_wait3A_160 = tpu.memref_slice %arg4[%multiple_of3A_149, %multiple_of3A_98] : memref<64x4096xf32, #tpu.memory_space<hbm>> -> memref<8x1024xf32, #tpu.memory_space<hbm>>
      %dma_wait3A_161 = tpu.memref_slice %arg4[%multiple_of3A_149, %multiple_of3A_98] : memref<64x4096xf32, #tpu.memory_space<hbm>> -> memref<8x1024xf32, #tpu.memory_space<hbm>>
      %dma_wait3A_162 = arith.constant 0 : i32
      %dma_wait3A_163 = arith.constant 0 : i32
      %dma_wait3A_164 = tpu.memref_slice %arg10[%dma_wait3A_162, %dma_wait3A_163] : memref<8x4096xf32, #tpu.memory_space<vmem>> -> memref<8x1024xf32, #tpu.memory_space<vmem>>
      tpu.wait_dma2 semaphore(%run_scoped3A : memref<!tpu.dma_semaphore, #tpu.memory_space<semaphore_mem>>) src(%dma_wait3A_164 : memref<8x1024xf32, #tpu.memory_space<vmem>>) dst(%dma_wait3A_161 : memref<8x1024xf32, #tpu.memory_space<hbm>>)
      tpu.yield
    }) : () -> ()
    return
  }
}

</mosaic_0001>

<sc_bundles>
// kernel: kernel.3.cloned.1.call-start
scs
__scs_entry_jumppad:
0x0: {  	(pc) =	sbr.rel $0x88, $3  }
0x1: {  	(tag) =	ssettag $0x0;
	lr =	simm.s32 $0x1  }
0x2: {  	[smem:$0x3F9F] =	sst lr;
	_ =	strace $0xD0000000  }
0x3: {  	_ = 	snop  }
0x4: {  	_ = 	snop  }
0x5: {  	_ = 	snop  }
0x6: {  	_ = 	snop  }
0x7: {  	_ = 	snop  }
__scs_overlays_trampoline_lowered:
0x8: {  	[smem:$0x3FAE] =	sst s0  }
0x9: {  	[smem:$0x3FAF] =	sst s1  }
0xa: {  	[smem:$0x3FB0] =	sst s2  }
0xb: {  	[smem:$0x3FB1] =	sst s3  }
0xc: {  	[smem:$0x3FB2] =	sst s4  }
0xd: {  	[smem:$0x3FB3] =	sst s5  }
0xe: {  	[smem:$0x3FB4] =	sst s6  }
0xf: {  	[smem:$0x3FB5] =	sst s7  }
0x10: {  	[smem:$0x3FB6] =	sst s8  }
0x11: {  	[smem:$0x3FB7] =	sst s9;
	s0 =	simm.s32 @!p0 $0x0  }
0x12: {  	s1 =	sld [smem:$0x3F9D];
	s0 =	simm.s32 @p0 $0x1  }
0x13: {  	[smem:$0x3FB8] =	sst s0;
	s0 =	simm.s32 @!p1 $0x0  }
0x14: {  	s2 =	sld [smem:$0x3F9C];
	s0 =	simm.s32 @p1 $0x1  }
0x15: {  	[smem:$0x3FB9] =	sst s0;
	s0 =	simm.s32 @!p2 $0x0  }
0x16: {  	s3 =	sld [smem:$0x3FDB];
	s0 =	simm.s32 @p2 $0x1  }
0x17: {  	s4 =	simm.s32 $0x1BF5;
	[smem:$0x3FBB] =	sst s0  }
0x18: {  	s0 =	sld [smem:$0x3F9E];
	_ =	swait.ge [sflag:s4], $0x0  }
0x19: {  	s7 =	sld [smem:$0x3F9F]  }
0x1a: {  	s8 =	sadd.s32 $0xFFFFE003, lr  }
0x1b: {  	s9 =	sadd.s32 $0xFFFFFEF7, lr;
	s5 =	simm.s32 $0xFFFFFFFF;
	p2 =	slt.u32 s8, $0xFFFFF086  }
0x1c: {  	p1 =	slt.u32 s9, $0xF7A;
	s5 =	simm.s32 @!p2 $0x0  }
0x1d: {  	s5 =	simm.s32 @p1 $0x1;
	p0 =	seq.s32 s7, s2  }
0x1e: {  	s7 =	smul.u32 @!p0 $0xF7A, s2;
	p2 =	seq.s32 @!p0 s5, $0x0  }
0x1f: {  	s9 =	smul.u32 $0xF7A, s1;
	s8 =	simm.s32 @!p0 $0x1BF5;
	p2 =	por !p2, p0  }
0x20: {  	[sflag:s8] =	ssyncset.s32 @!p0 $0xFFFFF086;
	s6 =	sadd.s32 @!p0 s3, s7;
	s7 =	simm.s32 @!p0 $0x108  }
0x21: {  	s3 =	sadd.s32 s3, s9;
	s6 =	sadd.s32 @!p0 $0x88, s6;
	s7 =	simm.s32 @p2 $0x1082  }
0x22: {  	[simem:s7], [sflag:s8] =	dma.local @!p0 [hbm:s6], $0xF7A  }
0x23: {  	s9 =	sor.u32 $0xD0000000, s2;
	s6 =	simm.s32 $0x108;
	_ =	swait.ge @!p0 [sflag:s8], $0x0  }
0x24: {  	s3 =	sadd.s32 $0x88, s3;
	s6 =	simm.s32 @!p1 $0x1082;
	[sflag:s4] =	ssyncset.s32 $0xFFFFF086  }
0x25: {  	[simem:s6], [sflag:s4] =	dma.local [hbm:s3], $0xF7A  }
0x26: {  	[smem:$0x3F9F] =	sst s1;
	(tag) =	ssettag s2;
	_ =	strace s9  }
0x27: {  	s1 =	sld [smem:$0x3FAF]  }
0x28: {  	s2 =	sld [smem:$0x3FB0]  }
0x29: {  	s4 =	sld [smem:$0x3FB2]  }
0x2a: {  	p0 =	seq.s32 s5, $0x0;
	s5 =	sld [smem:$0x3FB3]  }
0x2b: {  	s6 =	sld [smem:$0x3FB4]  }
0x2c: {  	s7 =	sld [smem:$0x3FB5]  }
0x2d: {  	s3 =	simm.s32 $0x108;
	s8 =	sld [smem:$0x3FB6]  }
0x2e: {  	s3 =	simm.s32 @!p0 $0x1082;
	s9 =	sld [smem:$0x3FB7]  }
0x2f: {  	lr =	sadd.s32 s0, s3;
	s0 =	sld [smem:$0x3FAE]  }
0x30: {  	s3 =	sld [smem:$0x3FB1]  }
0x31: {  	[smem:$0x3FBA] =	sst s10  }
0x32: {  	s10 =	sld [smem:$0x3FB8];
	_ =	sdelay $0x3  }
0x33: {  	p0 =	seq.s32 s10, $0x1;
	s10 =	sld [smem:$0x3FBA];
	_ =	sdelay $0x3  }
0x34: {  	[smem:$0x3FBA] =	sst s10  }
0x35: {  	s10 =	sld [smem:$0x3FB9];
	_ =	sdelay $0x3  }
0x36: {  	p1 =	seq.s32 s10, $0x1;
	s10 =	sld [smem:$0x3FBA];
	_ =	sdelay $0x3  }
0x37: {  	[smem:$0x3FBA] =	sst s10  }
0x38: {  	s10 =	sld [smem:$0x3FBB]  }
0x39: {  	_ = 	snop;
	(pc) =	sbr.ind lr, $3  }
0x3a: {  	_ = 	snop  }
0x3b: {  	_ = 	snop  }
0x3c: {  	p2 =	seq.s32 s10, $0x1;
	s10 =	sld [smem:$0x3FBA]  }
0x3d: {  	_ =	shalt  }
0x3e: {  	_ =	shalt  }
0x3f: {  	_ =	shalt  }
0x40: {  	_ =	shalt  }
0x41: {  	_ =	shalt  }
0x42: {  	_ =	shalt  }
0x43: {  	_ =	shalt  }
0x44: {  	_ =	shalt  }
0x45: {  	_ =	shalt  }
0x46: {  	_ =	shalt  }
0x47: {  	_ =	shalt  }
0x48: {  	_ =	shalt  }
0x49: {  	_ =	shalt  }
0x4a: {  	_ =	shalt  }
0x4b: {  	_ =	shalt  }
0x4c: {  	_ =	shalt  }
0x4d: {  	_ =	shalt  }
0x4e: {  	_ =	shalt  }
0x4f: {  	_ =	shalt  }
0x50: {  	_ =	shalt  }
0x51: {  	_ =	shalt  }
0x52: {  	_ =	shalt  }
0x53: {  	_ =	shalt  }
0x54: {  	_ =	shalt  }
0x55: {  	_ =	shalt  }
0x56: {  	_ =	shalt  }
0x57: {  	_ =	shalt  }
0x58: {  	_ =	shalt  }
0x59: {  	_ =	shalt  }
0x5a: {  	_ =	shalt  }
0x5b: {  	_ =	shalt  }
0x5c: {  	_ =	shalt  }
0x5d: {  	_ =	shalt  }
0x5e: {  	_ =	shalt  }
0x5f: {  	_ =	shalt  }
0x60: {  	_ =	shalt  }
0x61: {  	_ =	shalt  }
0x62: {  	_ =	shalt  }
0x63: {  	_ =	shalt  }
0x64: {  	_ =	shalt  }
0x65: {  	_ =	shalt  }
0x66: {  	_ =	shalt  }
0x67: {  	_ =	shalt  }
0x68: {  	_ =	shalt  }
0x69: {  	_ =	shalt  }
0x6a: {  	_ =	shalt  }
0x6b: {  	_ =	shalt  }
0x6c: {  	_ =	shalt  }
0x6d: {  	_ =	shalt  }
0x6e: {  	_ =	shalt  }
0x6f: {  	_ =	shalt  }
0x70: {  	_ =	shalt  }
0x71: {  	_ =	shalt  }
0x72: {  	_ =	shalt  }
0x73: {  	_ =	shalt  }
0x74: {  	_ =	shalt  }
0x75: {  	_ =	shalt  }
0x76: {  	_ =	shalt  }
0x77: {  	_ =	shalt  }
0x78: {  	_ =	shalt  }
0x79: {  	_ =	shalt  }
0x7a: {  	_ =	shalt  }
0x7b: {  	_ =	shalt  }
0x7c: {  	_ =	shalt  }
0x7d: {  	_ =	shalt  }
0x7e: {  	_ =	shalt  }
0x7f: {  	_ =	shalt  }
0x80: {  	_ =	shalt  }
0x81: {  	_ =	shalt  }
0x82: {  	_ =	shalt  }
0x83: {  	_ =	shalt  }
0x84: {  	_ =	shalt  }
0x85: {  	_ =	shalt  }
0x86: {  	_ =	shalt  }
0x87: {  	_ =	shalt  }
.Lfunc_end0:
.L_simem_size_0:
called_computation_lowered:
.L_overlay_start_0:
0x88: {  	s2 =	sld [smem:$0x3FD9]  }
0x89: {  	s3 =	sld [smem:$0x3FFE];
	_ =	sdelay $0x1  }
0x8a: {  	s1 =	srdreg.scid  }
0x8b: {  	s0 =	sand.u32 $0x1, s1  }
0x8c: {  	s17 =	sshll.u32 s0, $0xA;
	s2 =	sadd.s32 s3, s2  }
0x8d: {  	s2 =	sadd.s32 s2, s17  }
0x8e: {  	[smem:$0x3FC6] =	sst s2  }
0x8f: {  	_ = 	snop  }
0x90: {  	s2 =	sld [smem:$0x3FC8]  }
0x91: {  	s18 =	sld [smem:$0x3FD0];
	(tm) =	ssettm $0x1  }
0x92: {  	s4 =	sld [smem:$0x3FFB];
	_ =	sdelay $0x3  }
0x93: {  	_ =	strace s4  }
0x94: {  	s4 =	sld [smem:$0x3FFC];
	_ =	sdelay $0x3  }
0x95: {  	_ =	strace s4  }
0x96: {  	s4 =	sld [smem:$0x3FFD];
	_ =	sdelay $0x3  }
0x97: {  	_ =	strace s4  }
0x98: {  	_ =	strace $0x8FFFFFFF  }
0x99: {  	s19 =	sld [smem:$0x3FDB];
	_ =	sdelay $0x1  }
0x9a: {  	s5 =	simm.s32 $_scs_section_size  }
0x9b: {  	s6 =	simm.s32 $_size__tile_overlayer_lowered;
	s7 =	simm.s32 $_tile_overlayer_lowered  }
0x9c: {  	s22 =	simm.s32 $0x1BFF;
	s21 =	sshll.u32 s7, $0x1;
	s4 =	sadd.s32 s5, s19  }
0x9d: {  	s8 =	simm.s32 $0x0;
	s20 =	sshll.u32 s6, $0x1;
	s6 =	sadd.s32 s21, s4  }
0x9e: {  	[timem:s8], [sflag:s22] =	dma.local [hbm:s6], s20  }
0x9f: {  	_ =	swait.ge [sflag:s22], s20  }
0xa0: {  	s5 =	ssub.s32 $0x0, s20;
	[sflag:s22] =	ssyncset.done $0x0  }
0xa1: {  	[sflag:s22] =	ssyncadd.s32 s5;
	_ =	sdelay $0x1  }
0xa2: {  	s23 =	simm.s32 $0x1B8B  }
0xa3: {  	_ =	swait.ge [sflag:s23], $0x1  }
0xa4: {  	[sflag:s23] =	ssyncset.done $0x0  }
0xa5: {  	s25 =	simm.s32 $0x1B8E;
	s24 =	sld [smem:$0x3FFE];
	[sflag:s23] =	ssyncadd.s32 $0xFFFFFFFF  }
0xa6: {  	s26 =	simm.s32 $execute0_lowered;
	[smem:$0x3FD2] =	sst s25  }
0xa7: {  	s6 =	sshll.u32 s26, $0x1;
	_ =	strace $0x80000046;
	[dreg:$0x1] =	wrdreg $0xFFFFFFFF  }
0xa8: {  	s28 =	simm.s32 $_size_execute0_lowered;
	s4 =	sadd.s32 s4, s6;
	[dreg:$0x0] =	wrdreg $0x0  }
0xa9: {  	s6 =	sshll.u32 s28, $0x1;
	[dreg:$0x2] =	wrdreg s4  }
0xaa: {  	[dreg:$0x3] =	wrdreg s6  }
0xab: {  	[dreg:$0x4] =	wrdreg $0xC0  }
0xac: {  	_ =	task [dreg:s8], $0x5FFFF  }
0xad: {  	[dreg:$0x1] =	wrdreg $0xFFFFFFFF  }
0xae: {  	[dreg:$0x0] =	wrdreg $0x60  }
0xaf: {  	[dreg:$0x2] =	wrdreg s24  }
0xb0: {  	[dreg:$0x3] =	wrdreg s2  }
0xb1: {  	[dreg:$0x4] =	wrdreg s18  }
0xb2: {  	[dreg:$0x5] =	wrdreg $0x9  }
0xb3: {  	_ =	task.clear_ibuf [dreg:s8], $0x6FFFF;
	_ =	strace $0x90000046  }
0xb4: {  	s29 =	simm.s32 $0x9;
	_ =	strace $0x80000048  }
0xb5: {  	_ =	swait.ge [sflag:s29], $0x1  }
0xb6: {  	[sflag:s29] =	ssyncadd.s32 $0xFFFFFFFF  }
0xb7: {  	_ =	strace $0x90000048  }
0xb8: {  	_ =	sfence  }
0xb9: {  	s30 =	sld [smem:$0x0];
	_ =	sdelay $0x2  }
0xba: {  	s31 =	sshll.u32 s1, $0xD;
	s1 =	sshrl.u32 s1, $0x2  }
0xbb: {  	s3 =	sand.u32 $0x4000, s31;
	s1 =	sadd.s32 s1, s30  }
0xbc: {  	s0 =	sor.u32 s3, s0;
	s1 =	sshll.u32 s1, $0x11  }
0xbd: {  	s0 =	sor.u32 s1, s0  }
0xbe: {  	s0 =	sadd.s32 $0x8F2B, s0  }
0xbf: {  	[sflag:s0] =	ssyncadd.remote.s32 $0x1  }
0xc0: {  	_ =	sfence.sel $0xFFFF  }
0xc1: {  	[dreg:$0x0] =	wrdreg $0xFFFFFFFF;
	(pc) =	sbr.abs _section_cstart, $3  }
0xc2: {  	[dreg:$0x1] =	wrdreg $0xFFFFFFFF  }
0xc3: {  	_ =	task.clear_ibuf [dreg:s8], $0x2FFFF;
	_ =	strace $0x9FFFFFFF  }
0xc4: {  	(tm) =	ssettm $0x7FFFFFFF  }
0xc5: {  	_ =	shalt  }
tec
execute0_lowered:
.L_overlay_start_1:
0x0: {  	(tag) =	ssettag $0x1  }
0x1: {  	s0 =	srdreg.scid;
	s1 =	rddreg [dreg:$0x0]  }
0x2: {  	s6 =	stileid.u32;
	s30 =	rddreg [dreg:$0x1]  }
0x3: {  	s5 =	rddreg [dreg:$0x2];
	s15 =	simm.s32 $0x0;
	s28 =	simm.s32 $0x15C00  }
0x4: {  	s29 =	simm.s32 $0x2;
	s0 =	sand.u32 $0x1, s0;
	s2 =	sand.u32 $0x3, s6  }
0x5: {  	[smem:$0x7FF] =	sst s15;
	s20 =	sshrl.u32 s6, $0x2;
	s7 =	sadd.s32 $0x800, s1  }
0x6: {  	s1 =	sadd.s32 $0x3C00, s1;
	s3 =	sshll.u32 s0, $0x5;
	s4 =	sshll.u32 s2, $0x3  }
0x7: {  	_ =	strace $0x80000047;
	s10 =	smul.u32 $0x30000, s20;
	[dreg:$0x6] =	wrdreg s7  }
0x8: {  	s22 =	ssub.s32 $0x2, s0;
	s8 =	smul.u32 $0x6000, s20;
	s0 =	sshll.u32 s0, $0x4  }
0x9: {  	s12 =	sor.u32 s3, s4;
	s9 =	sshrl.u32 s22, $0x1;
	s31 =	sor.u32 s6, s0  }
0xa: {  	s0 =	sor.u32 s2, s0;
	s6 =	sshll.u32 s20, $0xD;
	s3 =	sshrl.u32 s12, $0x3  }
0xb: {  	[dreg:$0x5] =	wrdreg s10;
	s7 =	ssub.s32 s22, s9;
	s25 =	sor.u32 $0x40, s12  }
0xc: {  	s0 =	sshll.u32 s0, $0xF;
	s13 =	sshll.u32 s31, $0xF;
	[dreg:$0x4] =	wrdreg s12  }
0xd: {  	s14 =	sshll.u32 s12, $0xC;
	s16 =	sadd.s32 $0x4E00, s8;
	s3 =	smul.u32 $0xC3800, s3  }
0xe: {  	[dreg:$0xa] =	wrdreg s25;
	s0 =	sor.u32 s6, s0;
	s13 =	sor.u32 s6, s13  }
0xf: {  	s2 =	sor.u32 s6, s14;
	s22 =	sadd.s32 s30, s16;
	s25 =	smax.u32 s7, $0x1  }
0x10: {  	s0 =	sshrl.u32 s0, $0x3;
	s18 =	sshrl.u32 s13, $0x3;
	[dreg:$0x10] =	wrdreg s22  }
0x11: {  	s2 =	sshrl.u32 s2, $0x3;
	[dreg:$0x13] =	wrdreg s25;
	s22 =	simm.s32 $0x1  }
0x12: {  	s10 =	sadd.s32 s10, s3;
	s19 =	sadd.s32 s1, s0;
	s21 =	sor.u32 $0xC000, s18  }
0x13: {  	s23 =	sshrl.u32 s10, $0x3;
	s0 =	sadd.s32 s1, s21;
	[dreg:$0xe] =	wrdreg s19  }
0x14: {  	s10 =	sor.u32 $0x1380, s8;
	s9 =	sadd.s32 s30, s23;
	[dreg:$0xf] =	wrdreg s0  }
0x15: {  	s3 =	sshrl.u32 s3, $0x3;
	s24 =	sadd.s32 s30, s10;
	[dreg:$0x7] =	wrdreg s9  }
0x16: {  	s23 =	sadd.s32 s5, s2;
	s2 =	simm.s32 $0x0;
	[dreg:$0x8] =	wrdreg s24  }
0x17: {  	s3 =	sadd.s32 s3, s24;
	s9 =	sadd.s32 $0x3A80, s8;
	[dreg:$0x11] =	wrdreg s23  }
0x18: {  	v0 =	vmov s8;
	s24 =	sadd.s32 $0x4000, s19;
	s23 =	simm.s32 $0x2000;
	[dreg:$0x9] =	wrdreg s3  }
0x19: {  	[tilespmem:$0x1FFD0] =	vst v0;
	v1 =	vmov s10;
	s3 =	sadd.s32 $0x2700, s8;
	s11 =	sadd.s32 s30, s9;
	[dreg:$0x12] =	wrdreg s24  }
0x1a: {  	[tilespmem:$0x1FFE0] =	vst v1;
	s24 =	simm.s32 $0xBC00;
	v3 =	vmov s9;
	s26 =	sadd.s32 s3, s30;
	[dreg:$0xc] =	wrdreg s11  }
0x1b: {  	s11 =	sshll.u32 s31, $0xC;
	s31 =	sadd.s32 $0x8000, s19;
	[tilespmem:$0x1FFB0] =	vst v3;
	v3 =	vmov s16;
	[dreg:$0xb] =	wrdreg s26  }
0x1c: {  	v2 =	vmov s3;
	s17 =	sadd.s32 s1, s11;
	s26 =	sshll.u32 s20, $0xA;
	[dreg:$0x14] =	wrdreg s31;
	[tilespmem:$0x1FFC0] =	vst v3  }
0x1d: {  	v54 =	vlaneseq.u32;
	v3 =	vimm.f32 $0.0e+00;
	[tilespmem:$0x1FFF0] =	vst v2;
	[dreg:$0xd] =	wrdreg s17;
	s20 =	sor.u32 $0x30, s26;
	s26 =	simm.s32 $0x15800  }
.LBB2_1:
0x1e: {  	s0 =	sand.u32 $0x40, s15;
	s1 =	sand.u32 $0x7C00, s15  }
0x1f: {  	[dreg:$0x15] =	wrdreg s2;
	s0 =	sor.u32 s0, s1  }
0x20: {  	s1 =	sadd.s32 $0x15C00, s0;
	[tilespmem:s0+$0x15C00] =	vst v3  }
0x21: {  	[tilespmem:s1+$0xB0] =	vst v3  }
0x22: {  	[tilespmem:s1+$0x30] =	vst v3  }
0x23: {  	[tilespmem:s1+$0x1A0] =	vst v3  }
0x24: {  	[tilespmem:s1+$0x20] =	vst v3  }
0x25: {  	[tilespmem:s1+$0x110] =	vst v3  }
0x26: {  	[tilespmem:s1+$0xA0] =	vst v3  }
0x27: {  	[tilespmem:s1+$0x1B0] =	vst v3  }
0x28: {  	[tilespmem:s1+$0x90] =	vst v3  }
0x29: {  	[tilespmem:s1+$0x130] =	vst v3  }
0x2a: {  	[tilespmem:s1+$0x190] =	vst v3  }
0x2b: {  	p0 =	por $0x0, $0x0;
	s0 =	simm.s32 $0x1;
	[tilespmem:s1+$0x10] =	vst v3  }
0x2c: {  	s0 =	simm.s32 @!p0 $0x0;
	[tilespmem:s1+$0x120] =	vst v3  }
0x2d: {  	[tilespmem:s1+$0x180] =	vst v3;
	s0 =	sshll.u32 s0, $0x6  }
0x2e: {  	[tilespmem:s1+$0x100] =	vst v3;
	s0 =	sadd.s32 $0x0, s0  }
0x2f: {  	[tilespmem:s1+$0x80] =	vst v3;
	s9 =	sadd.s32 $0x10, s0;
	s13 =	sor.u32 $0x200, s0  }
0x30: {  	s11 =	sadd.s32 $0x20, s0;
	s3 =	sor.u32 $0x200, s9;
	[tilespmem:s13+$0x15C00] =	vst v3  }
0x31: {  	s12 =	sor.u32 $0x200, s11;
	[tilespmem:s3+$0x15C00] =	vst v3  }
0x32: {  	s17 =	sor.u32 $0x280, s0;
	s19 =	sadd.s32 $0x30, s0;
	[tilespmem:s12+$0x15C00] =	vst v3  }
0x33: {  	s25 =	sor.u32 $0x200, s19;
	[tilespmem:s17+$0x15C00] =	vst v3  }
0x34: {  	s4 =	sor.u32 $0x280, s9;
	[tilespmem:s25+$0x15C00] =	vst v3  }
0x35: {  	s14 =	sor.u32 $0x280, s11;
	[tilespmem:s4+$0x15C00] =	vst v3  }
0x36: {  	s18 =	sor.u32 $0x300, s0;
	[tilespmem:s14+$0x15C00] =	vst v3  }
0x37: {  	s31 =	sor.u32 $0x280, s19;
	[tilespmem:s18+$0x15C00] =	vst v3  }
0x38: {  	s10 =	sor.u32 $0x300, s9;
	[tilespmem:s31+$0x15C00] =	vst v3  }
0x39: {  	s15 =	sor.u32 $0x300, s11;
	[tilespmem:s10+$0x15C00] =	vst v3  }
0x3a: {  	s21 =	sor.u32 $0x380, s0;
	[tilespmem:s15+$0x15C00] =	vst v3  }
0x3b: {  	p0 =	por !p0, !p0;
	s2 =	sor.u32 $0x380, s9;
	[tilespmem:s21+$0x15C00] =	vst v3  }
0x3c: {  	s1 =	simm.s32 $0x200;
	s0 =	simm.s32 $0x0;
	s16 =	sor.u32 $0x380, s11;
	[tilespmem:s2+$0x15C00] =	vst v3  }
0x3d: {  	s3 =	sor.u32 $0x300, s19;
	s4 =	sor.u32 $0x380, s19;
	[tilespmem:s16+$0x15C00] =	vst v3;
	s2 =	simm.s32 $0x40  }
.LBB2_2:
0x3e: {  	s5 =	sand.u32 $0x40, s2;
	s7 =	sand.u32 $0x7C00, s1;
	s0 =	sadd.s32 $0x4, s0;
	[tilespmem:s3+$0x15C00] =	vst v3  }
0x3f: {  	s3 =	sor.u32 s5, s7;
	p1 =	slt.u32 s0, $0xFC;
	[tilespmem:s4+$0x15C00] =	vst v3  }
0x40: {  	s4 =	sadd.s32 $0x15C00, s3;
	[tilespmem:s3+$0x15C00] =	vst v3  }
0x41: {  	[tilespmem:s4+$0xB0] =	vst v3  }
0x42: {  	s3 =	simm.s32 $0x1;
	[tilespmem:s4+$0x30] =	vst v3  }
0x43: {  	s3 =	simm.s32 @!p0 $0x0;
	[tilespmem:s4+$0x1A0] =	vst v3  }
0x44: {  	s3 =	sshll.u32 s3, $0x6;
	[tilespmem:s4+$0x20] =	vst v3  }
0x45: {  	s3 =	sadd.s32 s3, s1;
	[tilespmem:s4+$0x110] =	vst v3  }
0x46: {  	s5 =	sor.u32 $0x200, s3;
	s7 =	sor.u32 $0x280, s3;
	s8 =	sadd.s32 $0x10, s3;
	[tilespmem:s4+$0xA0] =	vst v3  }
0x47: {  	s9 =	sor.u32 $0x200, s8;
	s10 =	sor.u32 $0x280, s8;
	s11 =	sor.u32 $0x300, s8;
	[tilespmem:s4+$0x1B0] =	vst v3  }
0x48: {  	s13 =	sadd.s32 $0x20, s3;
	s14 =	sadd.s32 $0x30, s3;
	[tilespmem:s4+$0x90] =	vst v3  }
0x49: {  	s15 =	sor.u32 $0x300, s3;
	[tilespmem:s4+$0x130] =	vst v3  }
0x4a: {  	s8 =	sor.u32 $0x380, s8;
	[tilespmem:s4+$0x190] =	vst v3  }
0x4b: {  	[tilespmem:s4+$0x10] =	vst v3  }
0x4c: {  	[tilespmem:s9+$0x15C00] =	vst v3  }
0x4d: {  	s9 =	sor.u32 $0x200, s13;
	[tilespmem:s10+$0x15C00] =	vst v3  }
0x4e: {  	s3 =	sor.u32 $0x380, s3;
	[tilespmem:s11+$0x15C00] =	vst v3  }
0x4f: {  	[tilespmem:s8+$0x15C00] =	vst v3  }
0x50: {  	s8 =	sor.u32 $0x280, s13;
	[tilespmem:s4+$0x120] =	vst v3  }
0x51: {  	s10 =	sor.u32 $0x300, s13;
	[tilespmem:s4+$0x180] =	vst v3  }
0x52: {  	[tilespmem:s4+$0x100] =	vst v3  }
0x53: {  	[tilespmem:s9+$0x15C00] =	vst v3  }
0x54: {  	[tilespmem:s4+$0x80] =	vst v3  }
0x55: {  	[tilespmem:s5+$0x15C00] =	vst v3  }
0x56: {  	[tilespmem:s8+$0x15C00] =	vst v3  }
0x57: {  	s4 =	sor.u32 $0x380, s13;
	[tilespmem:s10+$0x15C00] =	vst v3  }
0x58: {  	[tilespmem:s4+$0x15C00] =	vst v3  }
.Ltmp0:
0x59: {  	[tilespmem:s7+$0x15C00] =	vst v3;
	(pc) =	sbr.rel @p1 .LBB2_2-.Ltmp0, $4  }
0x5a: {  	s4 =	sor.u32 $0x200, s14;
	[tilespmem:s15+$0x15C00] =	vst v3  }
0x5b: {  	s5 =	sor.u32 $0x280, s14;
	[tilespmem:s3+$0x15C00] =	vst v3  }
0x5c: {  	p0 =	por !p0, !p0;
	s3 =	sor.u32 $0x300, s14;
	[tilespmem:s4+$0x15C00] =	vst v3  }
0x5d: {  	s2 =	sadd.s32 $0x40, s2;
	s1 =	sadd.s32 $0x200, s1;
	s4 =	sor.u32 $0x380, s14;
	[tilespmem:s5+$0x15C00] =	vst v3  }
0x5e: {  	[tilespmem:s3+$0x15C00] =	vst v3  }
0x5f: {  	[tilespmem:s4+$0x15C00] =	vst v3  }
0x60: {  	s0 =	simm.s32 $0x0;
	s1 =	rddreg [dreg:$0x6]  }
0x61: {  	[tilespmem:s0], [sflag:$0x3] =	stream.linear.gather [hbm4b:s1+s0], $0x1000, $0x38;
	[tilespmem:$0x1DC00] =	vst v63  }
0x62: {  	s25 =	rddreg [dreg:$0x7]  }
0x63: {  	[tilespmem:s23], [sflag:$0x1] =	stream.linear.gather [hbm4b:s25+s0], $0x9C00, $0x38;
	[tilespmem:$0x1DC00] =	vst v63  }
0x64: {  	s7 =	simm.s32 $0x0;
	s9 =	simm.s32 $0x0;
	s31 =	rddreg [dreg:$0x9]  }
0x65: {  	[tilespmem:s24], [sflag:$0x2] =	stream.linear.gather [hbm4b:s31+s0], $0x9C00, $0x38;
	[tilespmem:$0x1DC00] =	vst v63  }
.LBB2_4:
0x66: {  	s2 =	simm.s32 $0x3  }
0x67: {  	_ =	swait.ge [sflag:s2], $0x1000  }
0x68: {  	p0 =	seq.s32 s9, $0x19;
	s13 =	sshll.u32 s9, $0x6;
	s3 =	rddreg [dreg:$0x4]  }
0x69: {  	s1 =	sadd.s32 @!p0 $0x1, s9;
	[sflag:s2] =	ssyncset.done $0x0;
	s4 =	rddreg [dreg:$0x6]  }
0x6a: {  	[sflag:s2] =	ssyncadd.s32 $0xFFFFF000;
	s2 =	sshll.u32 @!p0 s1, $0xC;
	s3 =	sor.u32 s3, s13  }
0x6b: {  	s1 =	sshll.u32 @!p0 s1, $0x9;
	s2 =	sand.u32 @!p0 $0x1000, s2;
	s3 =	sshrl.u32 s3, $0x3  }
0x6c: {  	s1 =	sadd.s32 @!p0 s4, s1;
	s4 =	simm.s32 @!p0 $0x0;
	s3 =	smul.u32 $0xC3800, s3  }
0x6d: {  	[tilespmem:s2], [sflag:$0x3] =	stream.linear.gather @!p0 [hbm4b:s1+s4], $0x1000, $0x38;
	[tilespmem:$0x1DC00] =	vst v63  }
0x6e: {  	s18 =	sshrl.u32 s3, $0x3  }
0x6f: {  	s17 =	sadd.s32 s30, s18  }
0x70: {  	s16 =	sadd.s32 $0x0, s7;
	s15 =	sadd.s32 $0x18680, s17  }
0x71: {  	[tilespmem:s26], [sflag:$0x4] =	stream.linear.gather [hbm4b:s15+s0], $0x400, $0x38;
	[tilespmem:$0x1DC00] =	vst v63  }
0x72: {  	s19 =	simm.s32 $0x30;
	s25 =	simm.s32 $0x10;
	_ =	swait.ge [sflag:s22], $0x9C00  }
0x73: {  	s21 =	sand.u32 $0x70, s19;
	s1 =	sand.u32 $0x1F80, s16;
	[sflag:s22] =	ssyncset.done $0x0  }
0x74: {  	s31 =	sand.u32 $0x40, s0;
	s3 =	sor.u32 s21, s1;
	v4 =	vld [tilespmem:$0x1FFD0];
	[sflag:s22] =	ssyncadd.s32 $0xFFFF6400  }
0x75: {  	s5 =	simm.s32 $0x20;
	s8 =	sand.u32 $0x50, s25;
	s4 =	sor.u32 s31, s1;
	v7 =	vld [tilespmem:s3+$0x0]  }
0x76: {  	s10 =	sand.u32 $0x60, s5;
	s8 =	sor.u32 s8, s1;
	v8 =	vld [tilespmem:s4+$0x0]  }
0x77: {  	v9 =	vmov s0;
	s1 =	sor.u32 s10, s1;
	v10 =	vld [tilespmem:s8+$0x0]  }
0x78: {  	v16 =	vshll.u32 v9, $0x3;
	v9 =	vld [tilespmem:s1+$0x0];
	_ =	sdelay $0x1  }
0x79: {  	v14 =	vmov s25;
	v19 =	vmov s5;
	v11 =	vsub.s32 v7, v4  }
0x7a: {  	v12 =	vor.u32 s19, v54;
	v7 =	vor.u32 s0, v54;
	vm0 =	vgt.s32 v11, $0x0  }
0x7b: {  	v20 =	vsub.s32 v8, v4;
	v17 =	vand.u32 $0x4F, v7;
	v7 =	vnsel vm0, $0x0, v11  }
0x7c: {  	v21 =	vsub.s32 v10, v4;
	v22 =	vsub.s32 v9, v4;
	v7 =	vmin.u32 v7, $0x137F  }
0x7d: {  	vm1 =	vgt.s32 v22, $0x0;
	vm0 =	vgt.s32 v20, $0x0;
	v8 =	vshll.u32 v7, $0x3  }
0x7e: {  	v10 =	vnsel vm1, $0x0, v22;
	v7 =	vand.u32 $0x7F, v7;
	v8 =	vand.u32 $0xFC00, v8  }
0x7f: {  	v23 =	vor.u32 v7, v8;
	v7 =	vnsel vm0, $0x0, v20;
	vm0 =	vgt.s32 v21, $0x0  }
0x80: {  	v8 =	vmin.u32 v7, $0x137F;
	v9 =	vnsel vm0, $0x0, v21;
	v7 =	vmov s19  }
0x81: {  	vm0 =	vlt.u32 v11, $0x1380;
	v11 =	vand.u32 $0x7F, v12;
	v7 =	vshll.u32 v7, $0x3  }
0x82: {  	v13 =	vshll.u32 v8, $0x3;
	v9 =	vmin.u32 v9, $0x137F;
	v12 =	vand.u32 $0x7C00, v7  }
0x83: {  	v8 =	vand.u32 $0x7F, v8;
	v25 =	vor.u32 v11, v12;
	v12 =	vshll.u32 v9, $0x3  }
0x84: {  	v13 =	vand.u32 $0xFC00, v13;
	v9 =	vand.u32 $0x7F, v9;
	v24 =	vld.idx.msk [tilespmem:v23+s23+$0x0], $0xffff;
	v28 =	vand.u32 $0xFC00, v12  }
0x85: {  	s16 =	simm.s32 $0x50;
	v12 =	vor.u32 v8, v13;
	v13 =	vor.u32 v9, v28;
	v28 =	vor.u32 s5, v54;
	s5 =	sadd.s32 $0x40, s7  }
0x86: {  	v18 =	vor.u32 s25, v54;
	s25 =	sand.u32 $0x50, s16;
	v10 =	vmin.u32 v10, $0x137F;
	v26 =	vor.u32 $0x80, v23;
	s11 =	sand.u32 $0x1F80, s5  }
0x87: {  	v27 =	vshll.u32 v10, $0x3;
	s10 =	sor.u32 s25, s11  }
0x88: {  	v27 =	vand.u32 $0xFC00, v27;
	v7 =	vor.u32 v11, v7;
	v9 =	vand.u32 $0x7F, v10;
	v11 =	vld [tilespmem:s10+$0x0]  }
0x89: {  	v15 =	vand.u32 $0x7C00, v16;
	s21 =	simm.s32 $0x60;
	vm1 =	vlt.u32 v20, $0x1380;
	v10 =	vor.u32 v9, v27;
	[tilespmem:v25+s28+$0x0] =	vst.idx.add.f32.msk vm0, v24  }
0x8a: {  	s31 =	sand.u32 $0x60, s21;
	vm2 =	vlt.u32 v21, $0x1380;
	v8 =	vshll.u32 v14, $0x3;
	v27 =	vor.u32 v17, v15;
	v21 =	vld.idx.msk [tilespmem:v12+s23+$0x0], $0xffff  }
0x8b: {  	v14 =	vand.u32 $0x5F, v18;
	v9 =	vshll.u32 v19, $0x3;
	v19 =	vor.u32 $0x80, v25;
	s4 =	sor.u32 s31, s11;
	v18 =	vld.idx.msk [tilespmem:v26+s23+$0x0], $0xffff  }
0x8c: {  	v20 =	vor.u32 $0x100, v23;
	v34 =	vld [tilespmem:s4+$0x0];
	v24 =	vand.u32 $0x7C00, v8  }
0x8d: {  	vm3 =	vlt.u32 v22, $0x1380;
	v24 =	vor.u32 v14, v24;
	v22 =	vld.idx.msk [tilespmem:v13+s23+$0x0], $0xffff  }
0x8e: {  	v29 =	vor.u32 $0x80, v12;
	v15 =	vand.u32 $0x6F, v28;
	v26 =	vand.u32 $0x7C00, v9;
	v28 =	vld.idx.msk [tilespmem:v10+s23+$0x0], $0xffff  }
0x8f: {  	v26 =	vor.u32 v15, v26;
	[tilespmem:v27+s28+$0x0] =	vst.idx.add.f32.msk vm1, v21  }
0x90: {  	[tilespmem:v19+s28+$0x0] =	vst.idx.add.f32.msk vm0, v18;
	v18 =	vor.u32 $0x80, v13  }
0x91: {  	v19 =	vld.idx.msk [tilespmem:v20+s23+$0x0], $0xffff;
	v20 =	vor.u32 $0x100, v25  }
0x92: {  	v21 =	vor.u32 $0x180, v23;
	[tilespmem:v24+s28+$0x0] =	vst.idx.add.f32.msk vm2, v22  }
0x93: {  	v22 =	vor.u32 $0x80, v10;
	v29 =	vld.idx.msk [tilespmem:v29+s23+$0x0], $0xffff  }
0x94: {  	[tilespmem:v26+s28+$0x0] =	vst.idx.add.f32.msk vm3, v28;
	v28 =	vor.u32 $0x80, v27  }
0x95: {  	v31 =	vor.u32 $0x100, v12;
	v18 =	vld.idx.msk [tilespmem:v18+s23+$0x0], $0xffff  }
0x96: {  	v30 =	vor.u32 $0x80, v24;
	[tilespmem:v20+s28+$0x0] =	vst.idx.add.f32.msk vm0, v19  }
0x97: {  	v20 =	vor.u32 $0x180, v25;
	v19 =	vld.idx.msk [tilespmem:v21+s23+$0x0], $0xffff  }
0x98: {  	v32 =	vor.u32 $0x80, v26;
	v21 =	vld.idx.msk [tilespmem:v22+s23+$0x0], $0xffff  }
0x99: {  	[tilespmem:v28+s28+$0x0] =	vst.idx.add.f32.msk vm1, v29;
	v22 =	vor.u32 $0x200, v23  }
0x9a: {  	v28 =	vor.u32 $0x100, v13;
	v29 =	vld.idx.msk [tilespmem:v31+s23+$0x0], $0xffff  }
0x9b: {  	[tilespmem:v30+s28+$0x0] =	vst.idx.add.f32.msk vm2, v18;
	v18 =	vor.u32 $0x100, v10  }
0x9c: {  	v30 =	vor.u32 $0x100, v27;
	[tilespmem:v20+s28+$0x0] =	vst.idx.add.f32.msk vm0, v19  }
0x9d: {  	v19 =	vor.u32 $0x180, v12;
	[tilespmem:v32+s28+$0x0] =	vst.idx.add.f32.msk vm3, v21  }
0x9e: {  	v21 =	vor.u32 $0x200, v25;
	v20 =	vld.idx.msk [tilespmem:v22+s23+$0x0], $0xffff  }
0x9f: {  	v31 =	vor.u32 $0x100, v24;
	v22 =	vld.idx.msk [tilespmem:v28+s23+$0x0], $0xffff  }
0xa0: {  	v28 =	vor.u32 $0x280, v23;
	v18 =	vld.idx.msk [tilespmem:v18+s23+$0x0], $0xffff  }
0xa1: {  	v51 =	vor.u32 $0x100, v26;
	[tilespmem:v30+s28+$0x0] =	vst.idx.add.f32.msk vm1, v29  }
0xa2: {  	v29 =	vor.u32 $0x180, v13;
	v19 =	vld.idx.msk [tilespmem:v19+s23+$0x0], $0xffff  }
0xa3: {  	v30 =	vor.u32 $0x180, v10;
	[tilespmem:v21+s28+$0x0] =	vst.idx.add.f32.msk vm0, v20  }
0xa4: {  	v20 =	vor.u32 $0x180, v27;
	[tilespmem:v31+s28+$0x0] =	vst.idx.add.f32.msk vm2, v22  }
0xa5: {  	v22 =	vor.u32 $0x280, v25;
	v21 =	vld.idx.msk [tilespmem:v28+s23+$0x0], $0xffff  }
0xa6: {  	v27 =	vor.u32 $0x200, v12;
	[tilespmem:v51+s28+$0x0] =	vst.idx.add.f32.msk vm3, v18  }
0xa7: {  	v18 =	vor.u32 $0x300, v23;
	v28 =	vld.idx.msk [tilespmem:v29+s23+$0x0], $0xffff  }
0xa8: {  	v29 =	vor.u32 $0x180, v24;
	v30 =	vld.idx.msk [tilespmem:v30+s23+$0x0], $0xffff  }
0xa9: {  	v31 =	vor.u32 $0x180, v26;
	[tilespmem:v20+s28+$0x0] =	vst.idx.add.f32.msk vm1, v19  }
0xaa: {  	[tilespmem:v22+s28+$0x0] =	vst.idx.add.f32.msk vm0, v21  }
0xab: {  	v19 =	vor.u32 $0x200, v13;
	v21 =	vld.idx.msk [tilespmem:v27+s23+$0x0], $0xffff  }
0xac: {  	s14 =	simm.s32 $0x40;
	v16 =	vor.u32 v16, v17;
	vm6 =	vmmov vm1;
	v20 =	vor.u32 $0x200, v10;
	v18 =	vld.idx.msk [tilespmem:v18+s23+$0x0], $0xffff  }
0xad: {  	s15 =	sand.u32 $0x40, s14;
	v17 =	vor.u32 $0x200, v16;
	[tilespmem:v29+s28+$0x0] =	vst.idx.add.f32.msk vm2, v28  }
0xae: {  	s19 =	sor.u32 s15, s11;
	v22 =	vor.u32 $0x300, v25;
	[tilespmem:v31+s28+$0x0] =	vst.idx.add.f32.msk vm3, v30  }
0xaf: {  	v23 =	vor.u32 $0x380, v23;
	v31 =	vld [tilespmem:s19+$0x0]  }
0xb0: {  	v19 =	vld.idx.msk [tilespmem:v19+s23+$0x0], $0xffff  }
0xb1: {  	vm5 =	vmmov vm3;
	v25 =	vor.u32 $0x280, v12;
	v20 =	vld.idx.msk [tilespmem:v20+s23+$0x0], $0xffff  }
0xb2: {  	s6 =	simm.s32 $0x70;
	v27 =	vor.u32 $0x200, v26;
	[tilespmem:v17+s28+$0x0] =	vst.idx.add.f32.msk vm6, v21  }
0xb3: {  	s12 =	sand.u32 $0x70, s6;
	vm4 =	vmmov vm2;
	v17 =	vor.u32 $0x280, v10;
	[tilespmem:v22+s28+$0x0] =	vst.idx.add.f32.msk vm0, v18  }
0xb4: {  	s1 =	sor.u32 s12, s11;
	v22 =	vor.u32 $0x200, v24;
	v18 =	vld.idx.msk [tilespmem:v23+s23+$0x0], $0xffff  }
0xb5: {  	v36 =	vor.u32 $0x300, v16;
	v7 =	vor.u32 $0x380, v7;
	v28 =	vor.u32 $0x280, v13;
	v23 =	vld [tilespmem:s1+$0x0]  }
0xb6: {  	v52 =	vor.u32 $0x300, v12;
	v33 =	vor.u32 $0x300, v13;
	v37 =	vor.u32 $0x380, v13;
	v25 =	vld.idx.msk [tilespmem:v25+s23+$0x0], $0xffff  }
0xb7: {  	v35 =	vor.u32 $0x300, v10;
	v12 =	vor.u32 $0x380, v12;
	v29 =	vor.u32 $0x280, v24;
	[tilespmem:v27+s28+$0x0] =	vst.idx.add.f32.msk vm5, v20  }
0xb8: {  	v30 =	vor.u32 $0x280, v16;
	v21 =	vor.u32 $0x280, v26;
	v26 =	vor.u32 $0x300, v26;
	v17 =	vld.idx.msk [tilespmem:v17+s23+$0x0], $0xffff  }
0xb9: {  	v24 =	vor.u32 $0x300, v24;
	v20 =	vsub.s32 v31, v4;
	v31 =	vsub.s32 v11, v4;
	[tilespmem:v22+s28+$0x0] =	vst.idx.add.f32.msk vm4, v19  }
0xba: {  	vm3 =	vlt.u32 v20, $0x1380;
	v19 =	vmov s14;
	v23 =	vsub.s32 v23, v4;
	v27 =	vld.idx.msk [tilespmem:v28+s23+$0x0], $0xffff  }
0xbb: {  	v22 =	vor.u32 s14, v54;
	[tilespmem:v7+s28+$0x0] =	vst.idx.add.f32.msk vm0, v18;
	v18 =	vsub.s32 v34, v4;
	vm1 =	vgt.s32 v23, $0x0  }
0xbc: {  	vm0 =	vgt.s32 v31, $0x0;
	v22 =	vand.u32 $0x4F, v22;
	v13 =	vnsel vm1, $0x0, v23  }
0xbd: {  	[tilespmem:v30+s28+$0x0] =	vst.idx.add.f32.msk vm6, v25;
	vm2 =	vlt.u32 v23, $0x1380;
	vm1 =	vgt.s32 v20, $0x0;
	v13 =	vmin.u32 v13, $0x137F  }
0xbe: {  	v28 =	vnsel vm1, $0x0, v20;
	vm1 =	vgt.s32 v18, $0x0;
	[tilespmem:v21+s28+$0x0] =	vst.idx.add.f32.msk vm5, v17;
	v11 =	vshll.u32 v13, $0x3  }
0xbf: {  	v7 =	vand.u32 $0x7F, v13;
	v25 =	vmin.u32 v28, $0x137F;
	v56 =	vld.idx.msk [tilespmem:v35+s23+$0x0], $0xffff;
	v11 =	vand.u32 $0xFC00, v11  }
0xc0: {  	v13 =	vnsel vm1, $0x0, v18;
	v28 =	vshll.u32 v25, $0x3;
	[tilespmem:v29+s28+$0x0] =	vst.idx.add.f32.msk vm4, v27;
	v53 =	vor.u32 v7, v11  }
0xc1: {  	v27 =	vmin.u32 v13, $0x137F;
	v13 =	vor.u32 s6, v54;
	v7 =	vld.idx.msk [tilespmem:v52+s23+$0x0], $0xffff;
	v11 =	vnsel vm0, $0x0, v31  }
0xc2: {  	v25 =	vand.u32 $0x7F, v25;
	v17 =	vld.idx.msk [tilespmem:v33+s23+$0x0], $0xffff;
	v28 =	vand.u32 $0xFC00, v28;
	v30 =	vmin.u32 v11, $0x137F  }
0xc3: {  	v11 =	vmov s6;
	v25 =	vor.u32 v25, v28;
	v23 =	vshll.u32 v30, $0x3  }
0xc4: {  	v11 =	vshll.u32 v11, $0x3;
	v30 =	vand.u32 $0x7F, v30;
	v23 =	vand.u32 $0xFC00, v23;
	[tilespmem:v26+s28+$0x0] =	vst.idx.add.f32.msk vm5, v56  }
0xc5: {  	v13 =	vand.u32 $0x7F, v13;
	v21 =	vand.u32 $0x7C00, v11;
	v38 =	vor.u32 v30, v23;
	v55 =	vld.idx.msk [tilespmem:v53+s23+$0x0], $0xffff  }
0xc6: {  	v19 =	vshll.u32 v19, $0x3;
	v29 =	vshll.u32 v27, $0x3;
	v21 =	vor.u32 v13, v21;
	[tilespmem:v36+s28+$0x0] =	vst.idx.add.f32.msk vm6, v7  }
0xc7: {  	v57 =	vor.u32 $0x80, v53;
	v28 =	vand.u32 $0xFC00, v29;
	v23 =	vand.u32 $0x7F, v27;
	[tilespmem:v24+s28+$0x0] =	vst.idx.add.f32.msk vm4, v17  }
0xc8: {  	v39 =	vor.u32 v23, v28;
	v17 =	vmov s16;
	v23 =	vor.u32 s16, v54;
	v7 =	vld.idx.msk [tilespmem:v12+s23+$0x0], $0xffff  }
0xc9: {  	v12 =	vand.u32 $0x7C00, v19;
	v58 =	vshll.u32 v17, $0x3;
	v41 =	vand.u32 $0x5F, v23;
	v23 =	vld.idx.msk [tilespmem:v25+s23+$0x0], $0xffff  }
0xca: {  	vm0 =	vlt.u32 v31, $0x1380;
	v28 =	vand.u32 $0x7C00, v58;
	v60 =	vor.u32 v22, v12;
	v20 =	vld.idx.msk [tilespmem:v38+s23+$0x0], $0xffff  }
0xcb: {  	vm1 =	vlt.u32 v18, $0x1380;
	v24 =	vmov s21;
	v42 =	vor.u32 v41, v28;
	[tilespmem:v21+s28+$0x0] =	vst.idx.add.f32.msk vm2, v55  }
0xcc: {  	v17 =	vor.u32 s21, v54;
	v59 =	vshll.u32 v24, $0x3;
	v24 =	vor.u32 $0x80, v21;
	v27 =	vld.idx.msk [tilespmem:v57+s23+$0x0], $0xffff  }
0xcd: {  	v29 =	vor.u32 $0x100, v53;
	v30 =	vand.u32 $0x7C00, v59;
	v43 =	vand.u32 $0x6F, v17;
	v12 =	vld.idx.msk [tilespmem:v37+s23+$0x0], $0xffff  }
0xce: {  	v45 =	vor.u32 v43, v30;
	v31 =	vld.idx.msk [tilespmem:v39+s23+$0x0], $0xffff  }
0xcf: {  	v17 =	vor.u32 $0x80, v25;
	[tilespmem:v60+s28+$0x0] =	vst.idx.add.f32.msk vm3, v23  }
0xd0: {  	v18 =	vor.u32 $0x80, v38;
	[tilespmem:v42+s28+$0x0] =	vst.idx.add.f32.msk vm0, v20  }
0xd1: {  	v10 =	vor.u32 $0x380, v10;
	[tilespmem:v24+s28+$0x0] =	vst.idx.add.f32.msk vm2, v27  }
0xd2: {  	v23 =	vor.u32 $0x100, v21;
	v24 =	vld.idx.msk [tilespmem:v29+s23+$0x0], $0xffff  }
0xd3: {  	v26 =	vor.u32 $0x80, v39;
	[tilespmem:v45+s28+$0x0] =	vst.idx.add.f32.msk vm1, v31  }
0xd4: {  	v28 =	vor.u32 $0x80, v60;
	v27 =	vld.idx.msk [tilespmem:v17+s23+$0x0], $0xffff  }
0xd5: {  	v20 =	vor.u32 $0x180, v53;
	vm0 =	vmmov vm0;
	v18 =	vld.idx.msk [tilespmem:v18+s23+$0x0], $0xffff  }
0xd6: {  	v17 =	vld.idx.msk [tilespmem:v10+s23+$0x0], $0xffff;
	v29 =	vor.u32 $0x80, v42  }
0xd7: {  	vm1 =	vmmov vm1;
	[tilespmem:v23+s28+$0x0] =	vst.idx.add.f32.msk vm2, v24;
	v23 =	vor.u32 $0x100, v25  }
0xd8: {  	v10 =	vor.u32 $0x80, v45;
	v24 =	vld.idx.msk [tilespmem:v26+s23+$0x0], $0xffff  }
0xd9: {  	[tilespmem:v28+s28+$0x0] =	vst.idx.add.f32.msk vm3, v27;
	v27 =	vor.u32 $0x100, v38  }
0xda: {  	v26 =	vor.u32 $0x180, v21;
	v20 =	vld.idx.msk [tilespmem:v20+s23+$0x0], $0xffff  }
0xdb: {  	v30 =	vor.u32 $0x200, v53;
	[tilespmem:v29+s28+$0x0] =	vst.idx.add.f32.msk vm0, v18  }
0xdc: {  	vm3 =	vmmov vm3;
	v18 =	vor.u32 $0x100, v39;
	v23 =	vld.idx.msk [tilespmem:v23+s23+$0x0], $0xffff  }
0xdd: {  	v28 =	vor.u32 $0x100, v60;
	[tilespmem:v10+s28+$0x0] =	vst.idx.add.f32.msk vm1, v24  }
0xde: {  	v29 =	vor.u32 $0x100, v42;
	v24 =	vld.idx.msk [tilespmem:v27+s23+$0x0], $0xffff  }
0xdf: {  	[tilespmem:v26+s28+$0x0] =	vst.idx.add.f32.msk vm2, v20;
	v20 =	vor.u32 $0x180, v25  }
0xe0: {  	v10 =	vor.u32 $0x200, v21;
	v26 =	vld.idx.msk [tilespmem:v30+s23+$0x0], $0xffff  }
0xe1: {  	v18 =	vld.idx.msk [tilespmem:v18+s23+$0x0], $0xffff;
	v30 =	vor.u32 $0x100, v45  }
0xe2: {  	v27 =	vor.u32 $0x280, v53;
	[tilespmem:v28+s28+$0x0] =	vst.idx.add.f32.msk vm3, v23  }
0xe3: {  	v23 =	vor.u32 $0x180, v38;
	[tilespmem:v29+s28+$0x0] =	vst.idx.add.f32.msk vm0, v24  }
0xe4: {  	v28 =	vor.u32 $0x180, v39;
	v20 =	vld.idx.msk [tilespmem:v20+s23+$0x0], $0xffff  }
0xe5: {  	v8 =	vor.u32 v14, v8;
	v14 =	vor.u32 $0x180, v60;
	[tilespmem:v10+s28+$0x0] =	vst.idx.add.f32.msk vm2, v26  }
0xe6: {  	v31 =	vor.u32 v19, v22;
	v22 =	vor.u32 $0x200, v25;
	[tilespmem:v30+s28+$0x0] =	vst.idx.add.f32.msk vm1, v18  }
0xe7: {  	v9 =	vor.u32 v15, v9;
	v15 =	vor.u32 $0x280, v21;
	v10 =	vor.u32 $0x380, v16;
	v16 =	vld.idx.msk [tilespmem:v27+s23+$0x0], $0xffff  }
0xe8: {  	vm7 =	vmmov vm6;
	v18 =	vor.u32 $0x300, v53;
	v46 =	vld.idx.msk [tilespmem:v23+s23+$0x0], $0xffff  }
0xe9: {  	v8 =	vor.u32 $0x380, v8;
	v9 =	vor.u32 $0x380, v9;
	v19 =	vor.u32 $0x180, v42;
	v49 =	vld.idx.msk [tilespmem:v28+s23+$0x0], $0xffff  }
0xea: {  	v34 =	vor.u32 $0x380, v53;
	v40 =	vor.u32 $0x280, v25;
	v61 =	vor.u32 $0x180, v45;
	[tilespmem:v14+s28+$0x0] =	vst.idx.add.f32.msk vm3, v20  }
0xeb: {  	v47 =	vor.u32 $0x200, v38;
	v62 =	vor.u32 $0x300, v21;
	vm6 =	vmmov vm4;
	v36 =	vld.idx.msk [tilespmem:v22+s23+$0x0], $0xffff  }
0xec: {  	vm4 =	vmmov vm5;
	v48 =	vor.u32 $0x200, v39;
	v63 =	vor.u32 v43, v59;
	[tilespmem:v15+s28+$0x0] =	vst.idx.add.f32.msk vm2, v16  }
0xed: {  	v33 =	vor.u32 $0x200, v42;
	v44 =	vor.u32 $0x200, v31;
	v21 =	vor.u32 $0x300, v39;
	v50 =	vld.idx.msk [tilespmem:v18+s23+$0x0], $0xffff  }
0xee: {  	v29 =	vor.u32 $0x280, v39;
	v24 =	vor.u32 $0x300, v38;
	v30 =	vor.u32 $0x280, v31;
	[tilespmem:v19+s28+$0x0] =	vst.idx.add.f32.msk vm0, v46  }
0xef: {  	v26 =	vor.u32 $0x300, v25;
	v27 =	vor.u32 $0x200, v45;
	v28 =	vor.u32 $0x280, v38;
	[tilespmem:v61+s28+$0x0] =	vst.idx.add.f32.msk vm1, v49  }
0xf0: {  	v23 =	vor.u32 $0x280, v42;
	v20 =	vor.u32 $0x280, v45;
	v14 =	vor.u32 $0x380, v39;
	v35 =	vld.idx.msk [tilespmem:v47+s23+$0x0], $0xffff  }
0xf1: {  	v22 =	vor.u32 $0x300, v31;
	v31 =	vor.u32 $0x380, v31;
	v15 =	vor.u32 $0x300, v45;
	v37 =	vld.idx.msk [tilespmem:v48+s23+$0x0], $0xffff  }
0xf2: {  	v16 =	vor.u32 $0x380, v38;
	v19 =	vor.u32 $0x380, v25;
	v25 =	vor.u32 v41, v58;
	[tilespmem:v62+s28+$0x0] =	vst.idx.add.f32.msk vm2, v50  }
0xf3: {  	s2 =	simm.s32 $0x80;
	s15 =	sshll.u32 s9, $0xC;
	s1 =	simm.s32 $0x4;
	v18 =	vor.u32 $0x300, v42;
	v32 =	vor.u32 $0x380, v25;
	v25 =	vor.u32 $0x380, v63;
	v6 =	vld [tilespmem:$0x1FFE0]  }
.LBB2_5:
0xf4: {  	s4 =	sadd.s32 s2, s7;
	v38 =	vmov s2;
	v39 =	vor.u32 s2, v54;
	s3 =	sadd.s32 $0x30, s2;
	s1 =	sadd.s32 $0x4, s1;
	v34 =	vld.idx.msk [tilespmem:v34+s23+$0x0], $0xffff;
	v11 =	vor.u32 v13, v11  }
0xf5: {  	s4 =	sand.u32 $0x1F80, s4;
	v13 =	vand.u32 $0x4F, v39;
	v38 =	vshll.u32 v38, $0x3;
	s5 =	sand.u32 $0x70, s3;
	p1 =	slt.u32 s1, $0xFC;
	[tilespmem:v44+s28+$0x0] =	vst.idx.add.f32.msk vm3, v36;
	v11 =	vor.u32 $0x380, v11  }
0xf6: {  	s8 =	sadd.s32 $0x10, s2;
	s10 =	sadd.s32 $0x20, s2;
	v36 =	vand.u32 $0x7C00, v38;
	v39 =	vor.u32 v38, v13;
	s5 =	sor.u32 s5, s4;
	v40 =	vld.idx.msk [tilespmem:v40+s23+$0x0], $0xffff  }
0xf7: {  	s11 =	sand.u32 $0x40, s2;
	s14 =	sand.u32 $0x50, s8;
	v41 =	vor.u32 s8, v54;
	v42 =	vmov s10;
	v38 =	vmov s8;
	s8 =	sand.u32 $0x60, s10;
	v44 =	vld [tilespmem:s5+$0x0]  }
0xf8: {  	v46 =	vshll.u32 v42, $0x3;
	s5 =	sor.u32 s11, s4;
	s11 =	sor.u32 s14, s4;
	v45 =	vshll.u32 v38, $0x3;
	s4 =	sor.u32 s8, s4;
	v38 =	vor.u32 s10, v54;
	[tilespmem:v33+s28+$0x0] =	vst.idx.add.f32.msk vm0, v35  }
0xf9: {  	v47 =	vand.u32 $0x5F, v41;
	v41 =	vand.u32 $0x7C00, v46;
	v35 =	vand.u32 $0x7C00, v45;
	v33 =	vld [tilespmem:s5+$0x0]  }
0xfa: {  	v52 =	vor.u32 v13, v36;
	v48 =	vand.u32 $0x6F, v38;
	v50 =	vor.u32 v47, v35;
	[tilespmem:v11+s28+$0x0] =	vst.idx.add.f32.msk vm2, v34  }
0xfb: {  	v42 =	vor.u32 $0x80, v52;
	v51 =	vor.u32 v48, v41;
	v43 =	vor.u32 $0x80, v50;
	v11 =	vld [tilespmem:s11+$0x0]  }
0xfc: {  	v35 =	vor.u32 $0x100, v50;
	v41 =	vor.u32 $0x80, v51;
	v13 =	vld [tilespmem:s4+$0x0];
	v44 =	vsub.s32 v44, v4  }
0xfd: {  	v38 =	vor.u32 $0x100, v52;
	v36 =	vor.u32 $0x100, v51;
	vm2 =	vgt.s32 v44, $0x0;
	[tilespmem:v27+s28+$0x0] =	vst.idx.add.f32.msk vm1, v37  }
0xfe: {  	v34 =	vor.u32 $0x180, v50;
	v27 =	vsub.s32 v33, v4;
	v33 =	vnsel vm2, $0x0, v44;
	v28 =	vld.idx.msk [tilespmem:v28+s23+$0x0], $0xffff  }
0xff: {  	vm5 =	vlt.u32 v27, $0x1380;
	vm2 =	vgt.s32 v27, $0x0;
	v33 =	vmin.u32 v33, $0x137F;
	v29 =	vld.idx.msk [tilespmem:v29+s23+$0x0], $0xffff  }
0x100: {  	v27 =	vnsel vm2, $0x0, v27;
	v53 =	vsub.s32 v11, v4;
	v11 =	vshll.u32 v33, $0x3;
	[tilespmem:v30+s28+$0x0] =	vst.idx.add.f32.msk vm3, v40  }
0x101: {  	v30 =	vsub.s32 v13, v4;
	v13 =	vand.u32 $0x7F, v33;
	v11 =	vand.u32 $0xFC00, v11;
	v26 =	vld.idx.msk [tilespmem:v26+s23+$0x0], $0xffff  }
0x102: {  	vm2 =	vgt.s32 v53, $0x0;
	vm8 =	vgt.s32 v30, $0x0;
	v37 =	vor.u32 v13, v11;
	[tilespmem:v10+s28+$0x0] =	vst.idx.add.f32.msk vm7, v7;
	v10 =	vmovc v31  }
0x103: {  	v7 =	vmin.u32 v27, $0x137F;
	v11 =	vnsel vm2, $0x0, v53;
	v13 =	vnsel vm8, $0x0, v30;
	[tilespmem:v8+s28+$0x0] =	vst.idx.add.f32.msk vm6, v12;
	v8 =	vmovc v32  }
0x104: {  	v12 =	vshll.u32 v7, $0x3;
	v27 =	vmin.u32 v11, $0x137F;
	v31 =	vmin.u32 v13, $0x137F;
	[tilespmem:v23+s28+$0x0] =	vst.idx.add.f32.msk vm0, v28  }
0x105: {  	v11 =	vmov s3;
	v23 =	vshll.u32 v27, $0x3;
	v28 =	vshll.u32 v31, $0x3;
	[tilespmem:v20+s28+$0x0] =	vst.idx.add.f32.msk vm1, v29  }
0x106: {  	v12 =	vand.u32 $0xFC00, v12;
	v13 =	vor.u32 s3, v54;
	v11 =	vshll.u32 v11, $0x3;
	v20 =	vld.idx.msk [tilespmem:v24+s23+$0x0], $0xffff  }
0x107: {  	vm2 =	vlt.u32 v44, $0x1380;
	v13 =	vand.u32 $0x7F, v13;
	v29 =	vand.u32 $0x7C00, v11;
	v24 =	vld.idx.msk [tilespmem:v37+s23+$0x0], $0xffff  }
0x108: {  	v23 =	vand.u32 $0xFC00, v23;
	v28 =	vand.u32 $0xFC00, v28;
	v49 =	vor.u32 v13, v29;
	v21 =	vld.idx.msk [tilespmem:v21+s23+$0x0], $0xffff  }
0x109: {  	v7 =	vand.u32 $0x7F, v7;
	v27 =	vand.u32 $0x7F, v27;
	v29 =	vor.u32 $0x80, v37;
	[tilespmem:v22+s28+$0x0] =	vst.idx.add.f32.msk vm3, v26  }
0x10a: {  	v32 =	vor.u32 v7, v12;
	v12 =	vand.u32 $0x7F, v31;
	v54 =	vor.u32 v27, v23;
	v7 =	vld.idx.msk [tilespmem:v19+s23+$0x0], $0xffff  }
0x10b: {  	vm9 =	vlt.u32 v53, $0x1380;
	vm8 =	vlt.u32 v30, $0x1380;
	v31 =	vor.u32 v12, v28;
	[tilespmem:v9+s28+$0x0] =	vst.idx.add.f32.msk vm4, v17;
	v9 =	vmovc v25  }
0x10c: {  	v53 =	vor.u32 $0x80, v54;
	v55 =	vor.u32 $0x80, v31;
	v17 =	vor.u32 $0x80, v32;
	[tilespmem:v18+s28+$0x0] =	vst.idx.add.f32.msk vm0, v20  }
0x10d: {  	v56 =	vor.u32 $0x100, v32;
	v57 =	vor.u32 $0x100, v54;
	v58 =	vor.u32 $0x100, v31;
	[tilespmem:v49+s28+$0x0] =	vst.idx.add.f32.msk vm2, v24  }
0x10e: {  	v59 =	vor.u32 $0x180, v32;
	v60 =	vor.u32 $0x180, v54;
	v61 =	vor.u32 $0x180, v31;
	v18 =	vld.idx.msk [tilespmem:v29+s23+$0x0], $0xffff  }
0x10f: {  	v62 =	vor.u32 $0x180, v52;
	v63 =	vor.u32 $0x180, v51;
	v22 =	vor.u32 $0x80, v49;
	v19 =	vld.idx.msk [tilespmem:v32+s23+$0x0], $0xffff  }
0x110: {  	v1 =	vor.u32 $0x100, v37;
	v5 =	vor.u32 $0x200, v32;
	v0 =	vor.u32 $0x200, v54;
	v25 =	vld.idx.msk [tilespmem:v54+s23+$0x0], $0xffff  }
0x111: {  	v33 =	vor.u32 $0x200, v50;
	v27 =	vor.u32 $0x200, v51;
	v3 =	vor.u32 $0x200, v31;
	v2 =	vld.idx.msk [tilespmem:v31+s23+$0x0], $0xffff  }
0x112: {  	v44 =	vor.u32 $0x200, v39;
	v40 =	vor.u32 $0x280, v32;
	v28 =	vor.u32 $0x280, v54;
	[tilespmem:v15+s28+$0x0] =	vst.idx.add.f32.msk vm1, v21  }
0x113: {  	v23 =	vor.u32 $0x280, v50;
	v20 =	vor.u32 $0x280, v51;
	v29 =	vor.u32 $0x280, v31;
	v12 =	vld.idx.msk [tilespmem:v16+s23+$0x0], $0xffff  }
0x114: {  	v30 =	vor.u32 $0x280, v39;
	v26 =	vor.u32 $0x300, v32;
	v24 =	vor.u32 $0x300, v54;
	[tilespmem:v22+s28+$0x0] =	vst.idx.add.f32.msk vm2, v18  }
0x115: {  	v21 =	vor.u32 $0x300, v31;
	v15 =	vor.u32 $0x300, v51;
	v18 =	vor.u32 $0x300, v50;
	v1 =	vld.idx.msk [tilespmem:v1+s23+$0x0], $0xffff  }
0x116: {  	v22 =	vor.u32 $0x300, v39;
	[tilespmem:v52+s28+$0x0] =	vst.idx.add.f32.msk vm5, v19;
	v19 =	vor.u32 $0x380, v32;
	v52 =	vor.u32 $0x100, v49  }
0x117: {  	v16 =	vor.u32 $0x380, v54;
	v54 =	vor.u32 $0x180, v37;
	[tilespmem:v50+s28+$0x0] =	vst.idx.add.f32.msk vm9, v25;
	v50 =	vor.u32 $0x380, v31  }
0x118: {  	v31 =	vor.u32 $0x380, v39;
	v25 =	vor.u32 v47, v45;
	[tilespmem:v51+s28+$0x0] =	vst.idx.add.f32.msk vm8, v2;
	v2 =	vor.u32 v48, v46  }
0x119: {  	vm7 =	vmmov vm3;
	v32 =	vor.u32 $0x380, v25;
	v39 =	vld.idx.msk [tilespmem:v17+s23+$0x0], $0xffff;
	v25 =	vor.u32 $0x380, v2  }
0x11a: {  	vm6 =	vmmov vm0;
	vm3 =	vmmov vm5;
	vm0 =	vmmov vm9;
	v2 =	vld.idx.msk [tilespmem:v53+s23+$0x0], $0xffff  }
0x11b: {  	vm4 =	vmmov vm1;
	vm1 =	vmmov vm8;
	[tilespmem:v52+s28+$0x0] =	vst.idx.add.f32.msk vm2, v1  }
0x11c: {  	v1 =	vld.idx.msk [tilespmem:v54+s23+$0x0], $0xffff  }
0x11d: {  	v46 =	vor.u32 $0x180, v49;
	v45 =	vld.idx.msk [tilespmem:v55+s23+$0x0], $0xffff  }
0x11e: {  	v47 =	vor.u32 $0x200, v37;
	v17 =	vld.idx.msk [tilespmem:v14+s23+$0x0], $0xffff;
	v14 =	vmov v50  }
0x11f: {  	[tilespmem:v42+s28+$0x0] =	vst.idx.add.f32.msk vm5, v39  }
0x120: {  	[tilespmem:v43+s28+$0x0] =	vst.idx.add.f32.msk vm9, v2  }
0x121: {  	v2 =	vld.idx.msk [tilespmem:v56+s23+$0x0], $0xffff  }
0x122: {  	[tilespmem:v46+s28+$0x0] =	vst.idx.add.f32.msk vm2, v1  }
0x123: {  	v1 =	vld.idx.msk [tilespmem:v47+s23+$0x0], $0xffff  }
0x124: {  	v39 =	vor.u32 $0x200, v49;
	[tilespmem:v41+s28+$0x0] =	vst.idx.add.f32.msk vm8, v45  }
0x125: {  	v42 =	vor.u32 $0x280, v37;
	v41 =	vld.idx.msk [tilespmem:v57+s23+$0x0], $0xffff  }
0x126: {  	v43 =	vld.idx.msk [tilespmem:v58+s23+$0x0], $0xffff  }
0x127: {  	[tilespmem:v38+s28+$0x0] =	vst.idx.add.f32.msk vm5, v2  }
0x128: {  	v2 =	vld.idx.msk [tilespmem:v59+s23+$0x0], $0xffff  }
0x129: {  	[tilespmem:v39+s28+$0x0] =	vst.idx.add.f32.msk vm2, v1  }
0x12a: {  	v1 =	vld.idx.msk [tilespmem:v42+s23+$0x0], $0xffff  }
0x12b: {  	[tilespmem:v35+s28+$0x0] =	vst.idx.add.f32.msk vm9, v41;
	v35 =	vor.u32 $0x280, v49  }
0x12c: {  	[tilespmem:v36+s28+$0x0] =	vst.idx.add.f32.msk vm8, v43;
	v36 =	vor.u32 $0x300, v37  }
0x12d: {  	v38 =	vld.idx.msk [tilespmem:v60+s23+$0x0], $0xffff  }
0x12e: {  	v39 =	vld.idx.msk [tilespmem:v61+s23+$0x0], $0xffff  }
0x12f: {  	v54 =	vlaneseq.u32;
	[tilespmem:v62+s28+$0x0] =	vst.idx.add.f32.msk vm3, v2  }
0x130: {  	[tilespmem:v35+s28+$0x0] =	vst.idx.add.f32.msk vm2, v1  }
0x131: {  	v1 =	vld.idx.msk [tilespmem:v36+s23+$0x0], $0xffff  }
0x132: {  	v2 =	vor.u32 $0x300, v49;
	v36 =	vld.idx.msk [tilespmem:v5+s23+$0x0], $0xffff  }
.Ltmp1:
0x133: {  	[tilespmem:v34+s28+$0x0] =	vst.idx.add.f32.msk vm0, v38;
	v34 =	vor.u32 $0x380, v37;
	(pc) =	sbr.rel @p1 .LBB2_5-.Ltmp1, $4  }
0x134: {  	[tilespmem:v63+s28+$0x0] =	vst.idx.add.f32.msk vm1, v39  }
0x135: {  	v35 =	vld.idx.msk [tilespmem:v0+s23+$0x0], $0xffff  }
0x136: {  	v37 =	vld.idx.msk [tilespmem:v3+s23+$0x0], $0xffff  }
0x137: {  	s2 =	sadd.s32 $0x40, s2;
	[tilespmem:v2+s28+$0x0] =	vst.idx.add.f32.msk vm2, v1  }
0x138: {  	_ =	sdelay $0x3  }
0x139: {  	v0 =	vld.idx.msk [tilespmem:v34+s23+$0x0], $0xffff  }
0x13a: {  	[tilespmem:v44+s28+$0x0] =	vst.idx.add.f32.msk vm3, v36  }
0x13b: {  	v2 =	vld.idx.msk [tilespmem:v40+s23+$0x0], $0xffff  }
0x13c: {  	[tilespmem:v33+s28+$0x0] =	vst.idx.add.f32.msk vm0, v35  }
0x13d: {  	[tilespmem:v27+s28+$0x0] =	vst.idx.add.f32.msk vm1, v37  }
0x13e: {  	v3 =	vld.idx.msk [tilespmem:v28+s23+$0x0], $0xffff  }
0x13f: {  	v5 =	vld.idx.msk [tilespmem:v29+s23+$0x0], $0xffff  }
0x140: {  	[tilespmem:v10+s28+$0x0] =	vst.idx.add.f32.msk vm7, v7  }
0x141: {  	v1 =	vor.u32 v13, v11;
	[tilespmem:v30+s28+$0x0] =	vst.idx.add.f32.msk vm3, v2  }
0x142: {  	v1 =	vor.u32 $0x380, v1;
	v52 =	vld.idx.msk [tilespmem:v26+s23+$0x0], $0xffff  }
0x143: {  	[tilespmem:v23+s28+$0x0] =	vst.idx.add.f32.msk vm0, v3  }
0x144: {  	[tilespmem:v20+s28+$0x0] =	vst.idx.add.f32.msk vm1, v5  }
0x145: {  	v53 =	vld.idx.msk [tilespmem:v24+s23+$0x0], $0xffff  }
0x146: {  	v55 =	vld.idx.msk [tilespmem:v21+s23+$0x0], $0xffff  }
0x147: {  	[tilespmem:v1+s28+$0x0] =	vst.idx.add.f32.msk vm2, v0  }
0x148: {  	[tilespmem:v22+s28+$0x0] =	vst.idx.add.f32.msk vm3, v52  }
0x149: {  	v0 =	vld.idx.msk [tilespmem:v19+s23+$0x0], $0xffff  }
0x14a: {  	[tilespmem:v18+s28+$0x0] =	vst.idx.add.f32.msk vm0, v53  }
0x14b: {  	vm0 =	vmmov vm0;
	[tilespmem:v15+s28+$0x0] =	vst.idx.add.f32.msk vm1, v55  }
0x14c: {  	v1 =	vld.idx.msk [tilespmem:v16+s23+$0x0], $0xffff;
	vm1 =	vmmov vm1  }
0x14d: {  	v2 =	vld.idx.msk [tilespmem:v14+s23+$0x0], $0xffff  }
0x14e: {  	[tilespmem:v8+s28+$0x0] =	vst.idx.add.f32.msk vm6, v12  }
0x14f: {  	[tilespmem:v9+s28+$0x0] =	vst.idx.add.f32.msk vm4, v17  }
0x150: {  	[tilespmem:v31+s28+$0x0] =	vst.idx.add.f32.msk vm3, v0  }
0x151: {  	[tilespmem:v32+s28+$0x0] =	vst.idx.add.f32.msk vm0, v1  }
0x152: {  	[tilespmem:v25+s28+$0x0] =	vst.idx.add.f32.msk vm1, v2  }
0x153: {  	s1 =	rddreg [dreg:$0xb]  }
0x154: {  	s2 =	simm.s32 $0x0;
	s1 =	sadd.s32 s1, s18  }
0x155: {  	[tilespmem:s23], [sflag:$0x1] =	stream.linear.gather [hbm4b:s1+s2], $0x9C00, $0x38;
	[tilespmem:$0x1DC00] =	vst v63  }
0x156: {  	s25 =	sadd.s32 $0x0, s7;
	s3 =	simm.s32 $0x30;
	_ =	swait.ge [sflag:s29], $0x9C00  }
0x157: {  	s4 =	sand.u32 $0x70, s3;
	s1 =	sand.u32 $0x1F80, s25;
	[sflag:s29] =	ssyncset.done $0x0  }
0x158: {  	s4 =	sor.u32 s4, s1;
	[sflag:s29] =	ssyncadd.s32 $0xFFFF6400  }
0x159: {  	s31 =	simm.s32 $0x10;
	s8 =	simm.s32 $0x20;
	s5 =	sand.u32 $0x40, s2;
	v56 =	vld [tilespmem:s4+$0x0]  }
0x15a: {  	s10 =	sand.u32 $0x50, s31;
	s11 =	sand.u32 $0x60, s8;
	s5 =	sor.u32 s5, s1  }
0x15b: {  	s10 =	sor.u32 s10, s1;
	s1 =	sor.u32 s11, s1;
	v57 =	vld [tilespmem:s5+$0x0]  }
0x15c: {  	v60 =	vld [tilespmem:s1+$0x0]  }
0x15d: {  	v58 =	vmov s2;
	v59 =	vld [tilespmem:s10+$0x0]  }
0x15e: {  	v8 =	vmov s31;
	v11 =	vor.u32 s3, v54;
	v0 =	vsub.s32 v56, v6  }
0x15f: {  	v9 =	vmov s8;
	v11 =	vand.u32 $0x7F, v11;
	vm0 =	vgt.s32 v0, $0x0  }
0x160: {  	v8 =	vshll.u32 v8, $0x3;
	v9 =	vshll.u32 v9, $0x3;
	v7 =	vnsel vm0, $0x0, v0  }
0x161: {  	v1 =	vsub.s32 v57, v6;
	v2 =	vsub.s32 v60, v6;
	v7 =	vmin.u32 v7, $0x137F  }
0x162: {  	v3 =	vsub.s32 v59, v6;
	vm1 =	vgt.s32 v2, $0x0;
	v10 =	vshll.u32 v7, $0x3  }
0x163: {  	vm0 =	vgt.s32 v1, $0x0;
	v7 =	vand.u32 $0x7F, v7;
	v10 =	vand.u32 $0xFC00, v10  }
0x164: {  	v13 =	vnsel vm1, $0x0, v2;
	v18 =	vor.u32 v7, v10;
	v7 =	vnsel vm0, $0x0, v1  }
0x165: {  	v20 =	vmin.u32 v13, $0x137F;
	vm0 =	vgt.s32 v3, $0x0;
	v10 =	vmin.u32 v7, $0x137F  }
0x166: {  	v12 =	vnsel vm0, $0x0, v3;
	v7 =	vmov s3;
	vm0 =	vlt.u32 v0, $0x1380  }
0x167: {  	v7 =	vshll.u32 v7, $0x3;
	v15 =	vshll.u32 v10, $0x3;
	v12 =	vmin.u32 v12, $0x137F  }
0x168: {  	v10 =	vand.u32 $0x7F, v10;
	v61 =	vand.u32 $0x7C00, v7;
	v15 =	vand.u32 $0xFC00, v15  }
0x169: {  	v13 =	vshll.u32 v12, $0x3;
	v23 =	vand.u32 $0x7F, v12;
	v12 =	vor.u32 v10, v15  }
0x16a: {  	s21 =	simm.s32 $0x60;
	vm2 =	vmmov vm3;
	v5 =	vor.u32 s2, v54;
	s5 =	sadd.s32 $0x40, s7;
	v0 =	vor.u32 v11, v61;
	v19 =	vld.idx.msk [tilespmem:v18+s24+$0x0], $0xffff  }
0x16b: {  	v14 =	vor.u32 s31, v54;
	s31 =	sand.u32 $0x60, s21;
	s6 =	sand.u32 $0x1F80, s5;
	v21 =	vor.u32 $0x80, v18;
	v13 =	vand.u32 $0xFC00, v13  }
0x16c: {  	v17 =	vand.u32 $0x4F, v5;
	s4 =	sor.u32 s31, s6;
	v22 =	vshll.u32 v20, $0x3;
	v13 =	vor.u32 v23, v13  }
0x16d: {  	v16 =	vshll.u32 v58, $0x3;
	v31 =	vld [tilespmem:s4+$0x0];
	v10 =	vand.u32 $0xFC00, v22;
	v15 =	vand.u32 $0x7F, v20  }
0x16e: {  	v5 =	vand.u32 $0x7C00, v16;
	vm1 =	vlt.u32 v1, $0x1380;
	v10 =	vor.u32 v15, v10;
	v63 =	vld.idx.msk [tilespmem:v12+s24+$0x0], $0xffff  }
0x16f: {  	s16 =	simm.s32 $0x50;
	v14 =	vand.u32 $0x5F, v14;
	v5 =	vor.u32 v17, v5;
	vm2 =	vlt.u32 v3, $0x1380;
	[tilespmem:v0+s28+$0x0] =	vst.idx.add.f32.msk vm0, v19  }
0x170: {  	s25 =	sand.u32 $0x50, s16;
	vm3 =	vlt.u32 v2, $0x1380;
	v15 =	vand.u32 $0x7C00, v8;
	v19 =	vld.idx.msk [tilespmem:v21+s24+$0x0], $0xffff;
	v21 =	vor.u32 $0x80, v0  }
0x171: {  	s10 =	sor.u32 s25, s6;
	v62 =	vor.u32 $0x100, v18;
	v20 =	vor.u32 s8, v54;
	v23 =	vor.u32 v14, v15;
	v32 =	vld.idx.msk [tilespmem:v13+s24+$0x0], $0xffff  }
0x172: {  	v7 =	vor.u32 v11, v7;
	v22 =	vand.u32 $0x7C00, v9;
	v11 =	vld [tilespmem:s10+$0x0];
	v15 =	vand.u32 $0x6F, v20  }
0x173: {  	v20 =	vor.u32 v15, v22;
	v22 =	vld.idx.msk [tilespmem:v10+s24+$0x0], $0xffff  }
0x174: {  	v24 =	vor.u32 $0x80, v12;
	[tilespmem:v5+s28+$0x0] =	vst.idx.add.f32.msk vm1, v63  }
0x175: {  	[tilespmem:v21+s28+$0x0] =	vst.idx.add.f32.msk vm0, v19;
	v19 =	vor.u32 $0x80, v13  }
0x176: {  	[tilespmem:v23+s28+$0x0] =	vst.idx.add.f32.msk vm2, v32;
	v21 =	vor.u32 $0x80, v10  }
0x177: {  	v33 =	vor.u32 $0x100, v0;
	v1 =	vld.idx.msk [tilespmem:v62+s24+$0x0], $0xffff  }
0x178: {  	v34 =	vor.u32 $0x180, v18;
	[tilespmem:v20+s28+$0x0] =	vst.idx.add.f32.msk vm3, v22  }
0x179: {  	v22 =	vor.u32 $0x80, v5;
	v24 =	vld.idx.msk [tilespmem:v24+s24+$0x0], $0xffff  }
0x17a: {  	v26 =	vor.u32 $0x100, v12;
	v19 =	vld.idx.msk [tilespmem:v19+s24+$0x0], $0xffff  }
0x17b: {  	v25 =	vor.u32 $0x80, v23;
	v36 =	vld.idx.msk [tilespmem:v21+s24+$0x0], $0xffff  }
0x17c: {  	v27 =	vor.u32 $0x80, v20;
	[tilespmem:v33+s28+$0x0] =	vst.idx.add.f32.msk vm0, v1  }
0x17d: {  	v35 =	vor.u32 $0x180, v0;
	v1 =	vld.idx.msk [tilespmem:v34+s24+$0x0], $0xffff  }
0x17e: {  	[tilespmem:v22+s28+$0x0] =	vst.idx.add.f32.msk vm1, v24;
	v21 =	vor.u32 $0x200, v18  }
0x17f: {  	v22 =	vor.u32 $0x100, v13;
	v24 =	vld.idx.msk [tilespmem:v26+s24+$0x0], $0xffff  }
0x180: {  	[tilespmem:v25+s28+$0x0] =	vst.idx.add.f32.msk vm2, v19;
	v19 =	vor.u32 $0x100, v10  }
0x181: {  	v25 =	vor.u32 $0x100, v5;
	[tilespmem:v27+s28+$0x0] =	vst.idx.add.f32.msk vm3, v36  }
0x182: {  	v37 =	vor.u32 $0x180, v12;
	[tilespmem:v35+s28+$0x0] =	vst.idx.add.f32.msk vm0, v1  }
0x183: {  	v38 =	vor.u32 $0x200, v0;
	v2 =	vld.idx.msk [tilespmem:v21+s24+$0x0], $0xffff  }
0x184: {  	v26 =	vor.u32 $0x100, v23;
	v21 =	vld.idx.msk [tilespmem:v22+s24+$0x0], $0xffff  }
0x185: {  	v22 =	vor.u32 $0x280, v18;
	v19 =	vld.idx.msk [tilespmem:v19+s24+$0x0], $0xffff  }
0x186: {  	v27 =	vor.u32 $0x100, v20;
	[tilespmem:v25+s28+$0x0] =	vst.idx.add.f32.msk vm1, v24  }
0x187: {  	v24 =	vor.u32 $0x180, v13;
	v1 =	vld.idx.msk [tilespmem:v37+s24+$0x0], $0xffff  }
0x188: {  	v25 =	vor.u32 $0x180, v10;
	[tilespmem:v38+s28+$0x0] =	vst.idx.add.f32.msk vm0, v2  }
0x189: {  	v39 =	vor.u32 $0x180, v5;
	[tilespmem:v26+s28+$0x0] =	vst.idx.add.f32.msk vm2, v21  }
0x18a: {  	v5 =	vor.u32 $0x280, v0;
	v3 =	vld.idx.msk [tilespmem:v22+s24+$0x0], $0xffff  }
0x18b: {  	v21 =	vor.u32 $0x200, v12;
	[tilespmem:v27+s28+$0x0] =	vst.idx.add.f32.msk vm3, v19  }
0x18c: {  	v19 =	vor.u32 $0x300, v18;
	v22 =	vld.idx.msk [tilespmem:v24+s24+$0x0], $0xffff  }
0x18d: {  	v24 =	vor.u32 $0x180, v23;
	v25 =	vld.idx.msk [tilespmem:v25+s24+$0x0], $0xffff  }
0x18e: {  	v26 =	vor.u32 $0x180, v20;
	[tilespmem:v39+s28+$0x0] =	vst.idx.add.f32.msk vm1, v1  }
0x18f: {  	v40 =	vor.u32 $0x200, v13;
	[tilespmem:v5+s28+$0x0] =	vst.idx.add.f32.msk vm0, v3  }
0x190: {  	v5 =	vld.idx.msk [tilespmem:v21+s24+$0x0], $0xffff  }
0x191: {  	v16 =	vor.u32 v16, v17;
	vm6 =	vmmov vm1;
	v41 =	vor.u32 $0x200, v10;
	v3 =	vld.idx.msk [tilespmem:v19+s24+$0x0], $0xffff  }
0x192: {  	s12 =	simm.s32 $0x40;
	v17 =	vor.u32 $0x200, v16;
	[tilespmem:v24+s28+$0x0] =	vst.idx.add.f32.msk vm2, v22  }
0x193: {  	s14 =	sand.u32 $0x40, s12;
	v0 =	vor.u32 $0x300, v0;
	[tilespmem:v26+s28+$0x0] =	vst.idx.add.f32.msk vm3, v25  }
0x194: {  	s19 =	sor.u32 s14, s6;
	v18 =	vor.u32 $0x380, v18;
	v1 =	vld.idx.msk [tilespmem:v40+s24+$0x0], $0xffff  }
0x195: {  	v26 =	vld [tilespmem:s19+$0x0]  }
0x196: {  	v2 =	vld.idx.msk [tilespmem:v41+s24+$0x0], $0xffff  }
0x197: {  	vm4 =	vmmov vm2;
	s3 =	simm.s32 $0x70;
	v19 =	vor.u32 $0x280, v12;
	[tilespmem:v17+s28+$0x0] =	vst.idx.add.f32.msk vm6, v5  }
0x198: {  	vm5 =	vmmov vm3;
	s11 =	sand.u32 $0x70, s3;
	v42 =	vor.u32 $0x200, v23;
	[tilespmem:v0+s28+$0x0] =	vst.idx.add.f32.msk vm0, v3  }
0x199: {  	v44 =	vmov s12;
	s1 =	sor.u32 s11, s6;
	v21 =	vor.u32 $0x200, v20;
	v0 =	vld.idx.msk [tilespmem:v18+s24+$0x0], $0xffff  }
0x19a: {  	v30 =	vor.u32 $0x300, v16;
	v47 =	vsub.s32 v31, v6;
	v5 =	vor.u32 $0x280, v10;
	v18 =	vld [tilespmem:s1+$0x0]  }
0x19b: {  	v7 =	vor.u32 $0x380, v7;
	v28 =	vor.u32 $0x300, v13;
	v22 =	vor.u32 $0x280, v13  }
0x19c: {  	v29 =	vor.u32 $0x300, v10;
	v43 =	vor.u32 $0x380, v13;
	v27 =	vor.u32 $0x300, v12;
	v19 =	vld.idx.msk [tilespmem:v19+s24+$0x0], $0xffff  }
0x19d: {  	v24 =	vor.u32 $0x280, v23;
	v23 =	vor.u32 $0x300, v23;
	v25 =	vor.u32 $0x280, v16;
	[tilespmem:v42+s28+$0x0] =	vst.idx.add.f32.msk vm4, v1  }
0x19e: {  	v12 =	vor.u32 $0x380, v12;
	v17 =	vor.u32 $0x280, v20;
	v20 =	vor.u32 $0x300, v20;
	[tilespmem:v21+s28+$0x0] =	vst.idx.add.f32.msk vm5, v2  }
0x19f: {  	v45 =	vsub.s32 v26, v6;
	v26 =	vsub.s32 v11, v6;
	v5 =	vld.idx.msk [tilespmem:v5+s24+$0x0], $0xffff;
	v18 =	vsub.s32 v18, v6  }
0x1a0: {  	v1 =	vshll.u32 v44, $0x3;
	v21 =	vor.u32 s12, v54;
	v13 =	vld.idx.msk [tilespmem:v22+s24+$0x0], $0xffff;
	vm1 =	vgt.s32 v18, $0x0  }
0x1a1: {  	vm3 =	vlt.u32 v45, $0x1380;
	[tilespmem:v7+s28+$0x0] =	vst.idx.add.f32.msk vm0, v0;
	vm0 =	vgt.s32 v26, $0x0;
	v46 =	vnsel vm1, $0x0, v18  }
0x1a2: {  	[tilespmem:v25+s28+$0x0] =	vst.idx.add.f32.msk vm6, v19;
	vm2 =	vlt.u32 v18, $0x1380;
	vm1 =	vgt.s32 v45, $0x0;
	v3 =	vmin.u32 v46, $0x137F  }
0x1a3: {  	v49 =	vld.idx.msk [tilespmem:v27+s24+$0x0], $0xffff;
	v22 =	vnsel vm1, $0x0, v45;
	vm1 =	vgt.s32 v47, $0x0;
	v11 =	vshll.u32 v3, $0x3  }
0x1a4: {  	[tilespmem:v17+s28+$0x0] =	vst.idx.add.f32.msk vm5, v5;
	v5 =	vor.u32 s3, v54;
	v3 =	vand.u32 $0x7F, v3;
	v7 =	vand.u32 $0xFC00, v11  }
0x1a5: {  	[tilespmem:v24+s28+$0x0] =	vst.idx.add.f32.msk vm4, v13;
	v19 =	vnsel vm1, $0x0, v47;
	v11 =	vnsel vm0, $0x0, v26;
	v48 =	vor.u32 v3, v7  }
0x1a6: {  	v17 =	vld.idx.msk [tilespmem:v28+s24+$0x0], $0xffff;
	v13 =	vand.u32 $0x7F, v5;
	v19 =	vmin.u32 v19, $0x137F;
	v25 =	vmin.u32 v11, $0x137F  }
0x1a7: {  	v7 =	vmin.u32 v22, $0x137F;
	v11 =	vmov s3;
	v18 =	vshll.u32 v25, $0x3  }
0x1a8: {  	v28 =	vld.idx.msk [tilespmem:v29+s24+$0x0], $0xffff;
	v11 =	vshll.u32 v11, $0x3;
	v25 =	vand.u32 $0x7F, v25;
	v18 =	vand.u32 $0xFC00, v18  }
0x1a9: {  	[tilespmem:v30+s28+$0x0] =	vst.idx.add.f32.msk vm6, v49;
	v24 =	vshll.u32 v19, $0x3;
	v5 =	vand.u32 $0x7C00, v11;
	v25 =	vor.u32 v25, v18  }
0x1aa: {  	v22 =	vshll.u32 v7, $0x3;
	v7 =	vand.u32 $0x7F, v7;
	v5 =	vor.u32 v13, v5;
	v27 =	vld.idx.msk [tilespmem:v48+s24+$0x0], $0xffff  }
0x1ab: {  	v29 =	vor.u32 $0x80, v48;
	v22 =	vand.u32 $0xFC00, v22;
	[tilespmem:v23+s28+$0x0] =	vst.idx.add.f32.msk vm4, v17;
	v17 =	vmov s16  }
0x1ac: {  	v50 =	vor.u32 v7, v22;
	v22 =	vand.u32 $0xFC00, v24;
	v18 =	vand.u32 $0x7F, v19;
	v7 =	vld.idx.msk [tilespmem:v12+s24+$0x0], $0xffff  }
0x1ad: {  	v51 =	vshll.u32 v17, $0x3;
	[tilespmem:v20+s28+$0x0] =	vst.idx.add.f32.msk vm5, v28;
	v31 =	vor.u32 v18, v22;
	v18 =	vor.u32 s16, v54  }
0x1ae: {  	vm0 =	vlt.u32 v26, $0x1380;
	v23 =	vand.u32 $0x7C00, v51;
	v38 =	vand.u32 $0x5F, v18;
	v53 =	vld.idx.msk [tilespmem:v25+s24+$0x0], $0xffff  }
0x1af: {  	v19 =	vand.u32 $0x4F, v21;
	v21 =	vmov s21;
	v55 =	vor.u32 v38, v23;
	[tilespmem:v5+s28+$0x0] =	vst.idx.add.f32.msk vm2, v27  }
0x1b0: {  	v12 =	vand.u32 $0x7C00, v1;
	v52 =	vshll.u32 v21, $0x3;
	v21 =	vor.u32 $0x80, v5;
	v22 =	vld.idx.msk [tilespmem:v29+s24+$0x0], $0xffff  }
0x1b1: {  	v18 =	vld.idx.msk [tilespmem:v50+s24+$0x0], $0xffff;
	v29 =	vor.u32 v19, v12  }
0x1b2: {  	v24 =	vor.u32 $0x100, v48;
	v26 =	vld.idx.msk [tilespmem:v31+s24+$0x0], $0xffff  }
0x1b3: {  	vm1 =	vlt.u32 v47, $0x1380;
	v17 =	vor.u32 s21, v54;
	v20 =	vor.u32 $0x80, v25;
	v12 =	vld.idx.msk [tilespmem:v43+s24+$0x0], $0xffff  }
0x1b4: {  	v39 =	vand.u32 $0x6F, v17;
	v17 =	vor.u32 $0x80, v50;
	v27 =	vand.u32 $0x7C00, v52;
	[tilespmem:v55+s28+$0x0] =	vst.idx.add.f32.msk vm0, v53  }
0x1b5: {  	v56 =	vor.u32 v39, v27;
	[tilespmem:v21+s28+$0x0] =	vst.idx.add.f32.msk vm2, v22  }
0x1b6: {  	v10 =	vor.u32 $0x380, v10;
	[tilespmem:v29+s28+$0x0] =	vst.idx.add.f32.msk vm3, v18  }
0x1b7: {  	v18 =	vor.u32 $0x100, v5;
	v21 =	vld.idx.msk [tilespmem:v24+s24+$0x0], $0xffff  }
0x1b8: {  	v20 =	vld.idx.msk [tilespmem:v20+s24+$0x0], $0xffff;
	v22 =	vor.u32 $0x80, v31  }
0x1b9: {  	v23 =	vld.idx.msk [tilespmem:v17+s24+$0x0], $0xffff;
	v24 =	vor.u32 $0x80, v29  }
0x1ba: {  	v57 =	vor.u32 $0x180, v48;
	vm0 =	vmmov vm0;
	[tilespmem:v56+s28+$0x0] =	vst.idx.add.f32.msk vm1, v26  }
0x1bb: {  	v26 =	vor.u32 $0x80, v55;
	v17 =	vld.idx.msk [tilespmem:v10+s24+$0x0], $0xffff  }
0x1bc: {  	vm1 =	vmmov vm1;
	[tilespmem:v18+s28+$0x0] =	vst.idx.add.f32.msk vm2, v21;
	v18 =	vor.u32 $0x100, v50  }
0x1bd: {  	v10 =	vor.u32 $0x80, v56;
	v21 =	vld.idx.msk [tilespmem:v22+s24+$0x0], $0xffff  }
0x1be: {  	[tilespmem:v24+s28+$0x0] =	vst.idx.add.f32.msk vm3, v23;
	v23 =	vor.u32 $0x100, v25  }
0x1bf: {  	v22 =	vor.u32 $0x180, v5;
	v2 =	vld.idx.msk [tilespmem:v57+s24+$0x0], $0xffff  }
0x1c0: {  	v27 =	vor.u32 $0x200, v48;
	[tilespmem:v26+s28+$0x0] =	vst.idx.add.f32.msk vm0, v20  }
0x1c1: {  	v20 =	vor.u32 $0x100, v31;
	vm3 =	vmmov vm3;
	v18 =	vld.idx.msk [tilespmem:v18+s24+$0x0], $0xffff  }
0x1c2: {  	v24 =	vor.u32 $0x100, v29;
	[tilespmem:v10+s28+$0x0] =	vst.idx.add.f32.msk vm1, v21  }
0x1c3: {  	v26 =	vor.u32 $0x100, v55;
	v21 =	vld.idx.msk [tilespmem:v23+s24+$0x0], $0xffff  }
0x1c4: {  	v58 =	vor.u32 $0x180, v50;
	[tilespmem:v22+s28+$0x0] =	vst.idx.add.f32.msk vm2, v2  }
0x1c5: {  	v10 =	vor.u32 $0x200, v5;
	v22 =	vld.idx.msk [tilespmem:v27+s24+$0x0], $0xffff  }
0x1c6: {  	v20 =	vld.idx.msk [tilespmem:v20+s24+$0x0], $0xffff;
	v27 =	vor.u32 $0x100, v56  }
0x1c7: {  	v23 =	vor.u32 $0x280, v48;
	[tilespmem:v24+s28+$0x0] =	vst.idx.add.f32.msk vm3, v18  }
0x1c8: {  	v18 =	vor.u32 $0x180, v25;
	[tilespmem:v26+s28+$0x0] =	vst.idx.add.f32.msk vm0, v21  }
0x1c9: {  	v24 =	vor.u32 $0x180, v31;
	v2 =	vld.idx.msk [tilespmem:v58+s24+$0x0], $0xffff  }
0x1ca: {  	vm7 =	vmmov vm6;
	v8 =	vor.u32 v14, v8;
	v14 =	vor.u32 $0x180, v29;
	[tilespmem:v10+s28+$0x0] =	vst.idx.add.f32.msk vm2, v22  }
0x1cb: {  	v8 =	vor.u32 $0x380, v8;
	v9 =	vor.u32 v15, v9;
	v21 =	vor.u32 $0x200, v50;
	[tilespmem:v27+s28+$0x0] =	vst.idx.add.f32.msk vm1, v20  }
0x1cc: {  	v9 =	vor.u32 $0x380, v9;
	v15 =	vor.u32 $0x280, v5;
	v10 =	vor.u32 $0x380, v16;
	v16 =	vld.idx.msk [tilespmem:v23+s24+$0x0], $0xffff  }
0x1cd: {  	vm6 =	vmmov vm4;
	v1 =	vor.u32 v1, v19;
	v19 =	vor.u32 $0x300, v48;
	v42 =	vld.idx.msk [tilespmem:v18+s24+$0x0], $0xffff  }
0x1ce: {  	v34 =	vor.u32 $0x380, v48;
	vm4 =	vmmov vm5;
	v59 =	vor.u32 $0x180, v55;
	v46 =	vld.idx.msk [tilespmem:v24+s24+$0x0], $0xffff  }
0x1cf: {  	v41 =	vor.u32 $0x280, v50;
	v28 =	vor.u32 $0x280, v25;
	v60 =	vor.u32 $0x180, v56;
	[tilespmem:v14+s28+$0x0] =	vst.idx.add.f32.msk vm3, v2  }
0x1d0: {  	v45 =	vor.u32 $0x200, v31;
	v44 =	vor.u32 $0x200, v1;
	v43 =	vor.u32 $0x200, v25;
	v36 =	vld.idx.msk [tilespmem:v21+s24+$0x0], $0xffff  }
0x1d1: {  	v30 =	vor.u32 $0x280, v1;
	v63 =	vor.u32 v39, v52;
	v62 =	vor.u32 v38, v51;
	[tilespmem:v15+s28+$0x0] =	vst.idx.add.f32.msk vm2, v16  }
0x1d2: {  	v33 =	vor.u32 $0x200, v55;
	v32 =	vor.u32 $0x380, v62;
	v5 =	vor.u32 $0x300, v5;
	v61 =	vld.idx.msk [tilespmem:v19+s24+$0x0], $0xffff  }
0x1d3: {  	v29 =	vor.u32 $0x280, v31;
	v26 =	vor.u32 $0x300, v50;
	v27 =	vor.u32 $0x200, v56;
	[tilespmem:v59+s28+$0x0] =	vst.idx.add.f32.msk vm0, v42  }
0x1d4: {  	v20 =	vor.u32 $0x280, v56;
	v22 =	vor.u32 $0x300, v1;
	v23 =	vor.u32 $0x280, v55;
	[tilespmem:v60+s28+$0x0] =	vst.idx.add.f32.msk vm1, v46  }
0x1d5: {  	v24 =	vor.u32 $0x300, v25;
	v18 =	vor.u32 $0x300, v55;
	v14 =	vor.u32 $0x380, v31;
	v35 =	vld.idx.msk [tilespmem:v43+s24+$0x0], $0xffff  }
0x1d6: {  	v21 =	vor.u32 $0x300, v31;
	v31 =	vor.u32 $0x380, v1;
	v15 =	vor.u32 $0x300, v56;
	v37 =	vld.idx.msk [tilespmem:v45+s24+$0x0], $0xffff  }
0x1d7: {  	s2 =	simm.s32 $0x80;
	s1 =	simm.s32 $0x4;
	v16 =	vor.u32 $0x380, v25;
	v25 =	vor.u32 $0x380, v63;
	v19 =	vor.u32 $0x380, v50;
	[tilespmem:v5+s28+$0x0] =	vst.idx.add.f32.msk vm2, v61  }
.LBB2_7:
0x1d8: {  	s4 =	sadd.s32 s2, s7;
	v0 =	vmov s2;
	v1 =	vor.u32 s2, v54;
	s3 =	sadd.s32 $0x30, s2;
	s1 =	sadd.s32 $0x4, s1;
	v2 =	vld.idx.msk [tilespmem:v34+s24+$0x0], $0xffff;
	v3 =	vor.u32 v13, v11  }
0x1d9: {  	s4 =	sand.u32 $0x1F80, s4;
	v1 =	vand.u32 $0x4F, v1;
	v0 =	vshll.u32 v0, $0x3;
	s5 =	sand.u32 $0x70, s3;
	p1 =	slt.u32 s1, $0xFC;
	[tilespmem:v44+s28+$0x0] =	vst.idx.add.f32.msk vm3, v36;
	v3 =	vor.u32 $0x380, v3  }
0x1da: {  	s8 =	sadd.s32 $0x10, s2;
	s10 =	sadd.s32 $0x20, s2;
	v5 =	vand.u32 $0x7C00, v0;
	v39 =	vor.u32 v0, v1;
	s5 =	sor.u32 s5, s4;
	v0 =	vld.idx.msk [tilespmem:v41+s24+$0x0], $0xffff  }
0x1db: {  	s11 =	sand.u32 $0x40, s2;
	s14 =	sand.u32 $0x50, s8;
	v11 =	vmov s8;
	v13 =	vor.u32 s8, v54;
	s8 =	sand.u32 $0x60, s10;
	v34 =	vmov s10;
	v36 =	vld [tilespmem:s5+$0x0]  }
0x1dc: {  	v45 =	vshll.u32 v11, $0x3;
	v11 =	vor.u32 s10, v54;
	v46 =	vshll.u32 v34, $0x3;
	s5 =	sor.u32 s11, s4;
	s11 =	sor.u32 s14, s4;
	s4 =	sor.u32 s8, s4;
	[tilespmem:v33+s28+$0x0] =	vst.idx.add.f32.msk vm0, v35  }
0x1dd: {  	v47 =	vand.u32 $0x5F, v13;
	v13 =	vand.u32 $0x7C00, v45;
	v34 =	vand.u32 $0x7C00, v46;
	v33 =	vld [tilespmem:s5+$0x0]  }
0x1de: {  	v52 =	vor.u32 v1, v5;
	v48 =	vand.u32 $0x6F, v11;
	v50 =	vor.u32 v47, v13;
	[tilespmem:v3+s28+$0x0] =	vst.idx.add.f32.msk vm2, v2  }
0x1df: {  	v42 =	vor.u32 $0x80, v52;
	v51 =	vor.u32 v48, v34;
	v43 =	vor.u32 $0x80, v50;
	v1 =	vld [tilespmem:s11+$0x0]  }
0x1e0: {  	v35 =	vor.u32 $0x100, v50;
	v40 =	vor.u32 $0x80, v51;
	v2 =	vld [tilespmem:s4+$0x0];
	v3 =	vsub.s32 v36, v6  }
0x1e1: {  	v38 =	vor.u32 $0x100, v52;
	v36 =	vor.u32 $0x100, v51;
	vm2 =	vgt.s32 v3, $0x0;
	[tilespmem:v27+s28+$0x0] =	vst.idx.add.f32.msk vm1, v37  }
0x1e2: {  	v34 =	vor.u32 $0x180, v50;
	v5 =	vsub.s32 v33, v6;
	v11 =	vnsel vm2, $0x0, v3;
	v13 =	vld.idx.msk [tilespmem:v28+s24+$0x0], $0xffff  }
0x1e3: {  	vm5 =	vlt.u32 v5, $0x1380;
	vm2 =	vgt.s32 v5, $0x0;
	v11 =	vmin.u32 v11, $0x137F;
	v27 =	vld.idx.msk [tilespmem:v29+s24+$0x0], $0xffff  }
0x1e4: {  	v5 =	vnsel vm2, $0x0, v5;
	v1 =	vsub.s32 v1, v6;
	v28 =	vshll.u32 v11, $0x3;
	[tilespmem:v30+s28+$0x0] =	vst.idx.add.f32.msk vm3, v0  }
0x1e5: {  	v0 =	vsub.s32 v2, v6;
	v2 =	vand.u32 $0x7F, v11;
	v11 =	vand.u32 $0xFC00, v28;
	v26 =	vld.idx.msk [tilespmem:v26+s24+$0x0], $0xffff  }
0x1e6: {  	vm2 =	vgt.s32 v1, $0x0;
	vm8 =	vgt.s32 v0, $0x0;
	v37 =	vor.u32 v2, v11;
	[tilespmem:v10+s28+$0x0] =	vst.idx.add.f32.msk vm7, v7;
	v10 =	vmovc v31  }
0x1e7: {  	v2 =	vmin.u32 v5, $0x137F;
	v5 =	vnsel vm2, $0x0, v1;
	v7 =	vnsel vm8, $0x0, v0;
	[tilespmem:v8+s28+$0x0] =	vst.idx.add.f32.msk vm6, v12;
	v8 =	vmovc v32  }
0x1e8: {  	v11 =	vshll.u32 v2, $0x3;
	v5 =	vmin.u32 v5, $0x137F;
	v7 =	vmin.u32 v7, $0x137F;
	[tilespmem:v23+s28+$0x0] =	vst.idx.add.f32.msk vm0, v13  }
0x1e9: {  	v12 =	vshll.u32 v5, $0x3;
	v13 =	vmov s3;
	v23 =	vshll.u32 v7, $0x3;
	[tilespmem:v20+s28+$0x0] =	vst.idx.add.f32.msk vm1, v27  }
0x1ea: {  	v20 =	vand.u32 $0xFC00, v11;
	v27 =	vor.u32 s3, v54;
	v11 =	vshll.u32 v13, $0x3;
	v24 =	vld.idx.msk [tilespmem:v24+s24+$0x0], $0xffff  }
0x1eb: {  	vm2 =	vlt.u32 v3, $0x1380;
	v13 =	vand.u32 $0x7F, v27;
	v27 =	vand.u32 $0x7C00, v11;
	v3 =	vld.idx.msk [tilespmem:v37+s24+$0x0], $0xffff  }
0x1ec: {  	v12 =	vand.u32 $0xFC00, v12;
	v23 =	vand.u32 $0xFC00, v23;
	v49 =	vor.u32 v13, v27;
	v21 =	vld.idx.msk [tilespmem:v21+s24+$0x0], $0xffff  }
0x1ed: {  	v2 =	vand.u32 $0x7F, v2;
	v5 =	vand.u32 $0x7F, v5;
	v27 =	vor.u32 $0x80, v37;
	[tilespmem:v22+s28+$0x0] =	vst.idx.add.f32.msk vm3, v26  }
0x1ee: {  	v2 =	vor.u32 v2, v20;
	v5 =	vor.u32 v5, v12;
	v12 =	vand.u32 $0x7F, v7;
	v7 =	vld.idx.msk [tilespmem:v19+s24+$0x0], $0xffff  }
0x1ef: {  	vm9 =	vlt.u32 v1, $0x1380;
	vm8 =	vlt.u32 v0, $0x1380;
	v0 =	vor.u32 v12, v23;
	[tilespmem:v9+s28+$0x0] =	vst.idx.add.f32.msk vm4, v17;
	v9 =	vmovc v25  }
0x1f0: {  	v1 =	vor.u32 $0x80, v2;
	v53 =	vor.u32 $0x80, v0;
	v17 =	vor.u32 $0x80, v5;
	[tilespmem:v18+s28+$0x0] =	vst.idx.add.f32.msk vm0, v24  }
0x1f1: {  	v54 =	vor.u32 $0x100, v2;
	v55 =	vor.u32 $0x100, v5;
	v56 =	vor.u32 $0x100, v0;
	[tilespmem:v49+s28+$0x0] =	vst.idx.add.f32.msk vm2, v3  }
0x1f2: {  	v57 =	vor.u32 $0x180, v5;
	v58 =	vor.u32 $0x180, v0;
	v3 =	vor.u32 $0x180, v2;
	v18 =	vld.idx.msk [tilespmem:v27+s24+$0x0], $0xffff  }
0x1f3: {  	v59 =	vor.u32 $0x180, v52;
	v60 =	vor.u32 $0x180, v51;
	v22 =	vor.u32 $0x80, v49;
	v19 =	vld.idx.msk [tilespmem:v2+s24+$0x0], $0xffff  }
0x1f4: {  	v31 =	vor.u32 $0x100, v37;
	v61 =	vor.u32 $0x200, v2;
	v62 =	vor.u32 $0x200, v5;
	v25 =	vld.idx.msk [tilespmem:v5+s24+$0x0], $0xffff  }
0x1f5: {  	v33 =	vor.u32 $0x200, v50;
	v63 =	vor.u32 $0x200, v0;
	v27 =	vor.u32 $0x200, v51;
	v32 =	vld.idx.msk [tilespmem:v0+s24+$0x0], $0xffff  }
0x1f6: {  	v44 =	vor.u32 $0x200, v39;
	v41 =	vor.u32 $0x280, v2;
	v28 =	vor.u32 $0x280, v5;
	[tilespmem:v15+s28+$0x0] =	vst.idx.add.f32.msk vm1, v21  }
0x1f7: {  	v20 =	vor.u32 $0x280, v51;
	v23 =	vor.u32 $0x280, v50;
	v29 =	vor.u32 $0x280, v0;
	v12 =	vld.idx.msk [tilespmem:v16+s24+$0x0], $0xffff  }
0x1f8: {  	v30 =	vor.u32 $0x280, v39;
	v26 =	vor.u32 $0x300, v2;
	v24 =	vor.u32 $0x300, v5;
	[tilespmem:v22+s28+$0x0] =	vst.idx.add.f32.msk vm2, v18  }
0x1f9: {  	v21 =	vor.u32 $0x300, v0;
	v15 =	vor.u32 $0x300, v51;
	v18 =	vor.u32 $0x300, v50;
	v4 =	vld.idx.msk [tilespmem:v31+s24+$0x0], $0xffff  }
0x1fa: {  	v22 =	vor.u32 $0x300, v39;
	[tilespmem:v52+s28+$0x0] =	vst.idx.add.f32.msk vm5, v19;
	v19 =	vor.u32 $0x380, v2;
	v2 =	vor.u32 $0x100, v49  }
0x1fb: {  	v0 =	vor.u32 $0x380, v0;
	v16 =	vor.u32 $0x380, v5;
	v5 =	vor.u32 $0x180, v37;
	[tilespmem:v50+s28+$0x0] =	vst.idx.add.f32.msk vm9, v25  }
0x1fc: {  	v31 =	vor.u32 $0x380, v39;
	v39 =	vor.u32 v48, v46;
	v25 =	vor.u32 v47, v45;
	[tilespmem:v51+s28+$0x0] =	vst.idx.add.f32.msk vm8, v32  }
0x1fd: {  	vm7 =	vmmov vm3;
	v32 =	vor.u32 $0x380, v25;
	v25 =	vor.u32 $0x380, v39;
	v1 =	vld.idx.msk [tilespmem:v1+s24+$0x0], $0xffff  }
0x1fe: {  	vm6 =	vmmov vm0;
	vm3 =	vmmov vm5;
	vm0 =	vmmov vm9;
	v39 =	vld.idx.msk [tilespmem:v17+s24+$0x0], $0xffff  }
0x1ff: {  	vm4 =	vmmov vm1;
	vm1 =	vmmov vm8;
	[tilespmem:v2+s28+$0x0] =	vst.idx.add.f32.msk vm2, v4  }
0x200: {  	v2 =	vld.idx.msk [tilespmem:v5+s24+$0x0], $0xffff  }
0x201: {  	v5 =	vor.u32 $0x180, v49;
	v4 =	vld.idx.msk [tilespmem:v53+s24+$0x0], $0xffff  }
0x202: {  	v45 =	vor.u32 $0x200, v37;
	v17 =	vld.idx.msk [tilespmem:v14+s24+$0x0], $0xffff;
	v14 =	vmov v0  }
0x203: {  	[tilespmem:v42+s28+$0x0] =	vst.idx.add.f32.msk vm5, v1  }
0x204: {  	[tilespmem:v43+s28+$0x0] =	vst.idx.add.f32.msk vm9, v39  }
0x205: {  	v0 =	vld.idx.msk [tilespmem:v54+s24+$0x0], $0xffff  }
0x206: {  	[tilespmem:v5+s28+$0x0] =	vst.idx.add.f32.msk vm2, v2  }
0x207: {  	v1 =	vld.idx.msk [tilespmem:v45+s24+$0x0], $0xffff  }
0x208: {  	v2 =	vor.u32 $0x200, v49;
	[tilespmem:v40+s28+$0x0] =	vst.idx.add.f32.msk vm8, v4  }
0x209: {  	v5 =	vor.u32 $0x280, v37;
	v4 =	vld.idx.msk [tilespmem:v55+s24+$0x0], $0xffff  }
0x20a: {  	v39 =	vld.idx.msk [tilespmem:v56+s24+$0x0], $0xffff  }
0x20b: {  	[tilespmem:v38+s28+$0x0] =	vst.idx.add.f32.msk vm5, v0  }
0x20c: {  	v0 =	vld.idx.msk [tilespmem:v3+s24+$0x0], $0xffff  }
0x20d: {  	[tilespmem:v2+s28+$0x0] =	vst.idx.add.f32.msk vm2, v1  }
0x20e: {  	v1 =	vld.idx.msk [tilespmem:v5+s24+$0x0], $0xffff  }
0x20f: {  	v2 =	vor.u32 $0x280, v49;
	[tilespmem:v35+s28+$0x0] =	vst.idx.add.f32.msk vm9, v4  }
0x210: {  	v3 =	vor.u32 $0x300, v37;
	[tilespmem:v36+s28+$0x0] =	vst.idx.add.f32.msk vm8, v39  }
0x211: {  	v4 =	vld.idx.msk [tilespmem:v57+s24+$0x0], $0xffff  }
0x212: {  	v5 =	vld.idx.msk [tilespmem:v58+s24+$0x0], $0xffff  }
0x213: {  	[tilespmem:v59+s28+$0x0] =	vst.idx.add.f32.msk vm3, v0  }
0x214: {  	[tilespmem:v2+s28+$0x0] =	vst.idx.add.f32.msk vm2, v1  }
0x215: {  	v0 =	vld.idx.msk [tilespmem:v3+s24+$0x0], $0xffff  }
0x216: {  	v1 =	vor.u32 $0x300, v49;
	v36 =	vld.idx.msk [tilespmem:v61+s24+$0x0], $0xffff  }
.Ltmp2:
0x217: {  	[tilespmem:v34+s28+$0x0] =	vst.idx.add.f32.msk vm0, v4;
	v34 =	vor.u32 $0x380, v37;
	(pc) =	sbr.rel @p1 .LBB2_7-.Ltmp2, $4  }
0x218: {  	[tilespmem:v60+s28+$0x0] =	vst.idx.add.f32.msk vm1, v5  }
0x219: {  	v54 =	vlaneseq.u32;
	v35 =	vld.idx.msk [tilespmem:v62+s24+$0x0], $0xffff  }
0x21a: {  	v37 =	vld.idx.msk [tilespmem:v63+s24+$0x0], $0xffff  }
0x21b: {  	s2 =	sadd.s32 $0x40, s2;
	[tilespmem:v1+s28+$0x0] =	vst.idx.add.f32.msk vm2, v0  }
0x21c: {  	_ =	sdelay $0x3  }
0x21d: {  	v0 =	vld.idx.msk [tilespmem:v34+s24+$0x0], $0xffff  }
0x21e: {  	[tilespmem:v44+s28+$0x0] =	vst.idx.add.f32.msk vm3, v36  }
0x21f: {  	v2 =	vld.idx.msk [tilespmem:v41+s24+$0x0], $0xffff  }
0x220: {  	[tilespmem:v33+s28+$0x0] =	vst.idx.add.f32.msk vm0, v35  }
0x221: {  	[tilespmem:v27+s28+$0x0] =	vst.idx.add.f32.msk vm1, v37  }
0x222: {  	v3 =	vld.idx.msk [tilespmem:v28+s24+$0x0], $0xffff  }
0x223: {  	v4 =	vld.idx.msk [tilespmem:v29+s24+$0x0], $0xffff  }
0x224: {  	[tilespmem:v10+s28+$0x0] =	vst.idx.add.f32.msk vm7, v7  }
0x225: {  	v1 =	vor.u32 v13, v11;
	[tilespmem:v30+s28+$0x0] =	vst.idx.add.f32.msk vm3, v2  }
0x226: {  	v1 =	vor.u32 $0x380, v1;
	v55 =	vld.idx.msk [tilespmem:v26+s24+$0x0], $0xffff  }
0x227: {  	[tilespmem:v23+s28+$0x0] =	vst.idx.add.f32.msk vm0, v3  }
0x228: {  	[tilespmem:v20+s28+$0x0] =	vst.idx.add.f32.msk vm1, v4  }
0x229: {  	v56 =	vld.idx.msk [tilespmem:v24+s24+$0x0], $0xffff  }
0x22a: {  	v57 =	vld.idx.msk [tilespmem:v21+s24+$0x0], $0xffff  }
0x22b: {  	[tilespmem:v1+s28+$0x0] =	vst.idx.add.f32.msk vm2, v0  }
0x22c: {  	[tilespmem:v22+s28+$0x0] =	vst.idx.add.f32.msk vm3, v55  }
0x22d: {  	v0 =	vld.idx.msk [tilespmem:v19+s24+$0x0], $0xffff  }
0x22e: {  	[tilespmem:v18+s28+$0x0] =	vst.idx.add.f32.msk vm0, v56  }
0x22f: {  	vm0 =	vmmov vm0;
	[tilespmem:v15+s28+$0x0] =	vst.idx.add.f32.msk vm1, v57  }
0x230: {  	v1 =	vld.idx.msk [tilespmem:v16+s24+$0x0], $0xffff;
	vm1 =	vmmov vm1  }
0x231: {  	v2 =	vld.idx.msk [tilespmem:v14+s24+$0x0], $0xffff  }
0x232: {  	[tilespmem:v8+s28+$0x0] =	vst.idx.add.f32.msk vm6, v12  }
0x233: {  	[tilespmem:v9+s28+$0x0] =	vst.idx.add.f32.msk vm4, v17  }
0x234: {  	[tilespmem:v31+s28+$0x0] =	vst.idx.add.f32.msk vm3, v0  }
0x235: {  	[tilespmem:v32+s28+$0x0] =	vst.idx.add.f32.msk vm0, v1  }
0x236: {  	[tilespmem:v25+s28+$0x0] =	vst.idx.add.f32.msk vm1, v2  }
0x237: {  	s1 =	rddreg [dreg:$0xc]  }
0x238: {  	s2 =	simm.s32 $0x0;
	s1 =	sadd.s32 s18, s1  }
0x239: {  	[tilespmem:s24], [sflag:$0x2] =	stream.linear.gather [hbm4b:s1+s2], $0x9C00, $0x38;
	[tilespmem:$0x1DC00] =	vst v63  }
0x23a: {  	s25 =	sadd.s32 $0x0, s7;
	s3 =	simm.s32 $0x30;
	_ =	swait.ge [sflag:s22], $0x9C00  }
0x23b: {  	s4 =	sand.u32 $0x70, s3;
	s1 =	sand.u32 $0x1F80, s25;
	[sflag:s22] =	ssyncset.done $0x0  }
0x23c: {  	s4 =	sor.u32 s4, s1;
	v6 =	vld [tilespmem:$0x1FFF0];
	[sflag:s22] =	ssyncadd.s32 $0xFFFF6400  }
0x23d: {  	s31 =	simm.s32 $0x10;
	s8 =	simm.s32 $0x20;
	s5 =	sand.u32 $0x40, s2;
	v58 =	vld [tilespmem:s4+$0x0]  }
0x23e: {  	s10 =	sand.u32 $0x50, s31;
	s11 =	sand.u32 $0x60, s8;
	s5 =	sor.u32 s5, s1  }
0x23f: {  	s10 =	sor.u32 s10, s1;
	s1 =	sor.u32 s11, s1;
	v59 =	vld [tilespmem:s5+$0x0]  }
0x240: {  	v62 =	vld [tilespmem:s1+$0x0]  }
0x241: {  	v60 =	vmov s2;
	v61 =	vld [tilespmem:s10+$0x0]  }
0x242: {  	v8 =	vmov s31;
	v11 =	vor.u32 s3, v54;
	v0 =	vsub.s32 v58, v6  }
0x243: {  	v9 =	vmov s8;
	v11 =	vand.u32 $0x7F, v11;
	vm0 =	vgt.s32 v0, $0x0  }
0x244: {  	v8 =	vshll.u32 v8, $0x3;
	v9 =	vshll.u32 v9, $0x3;
	v5 =	vnsel vm0, $0x0, v0  }
0x245: {  	v1 =	vsub.s32 v59, v6;
	v2 =	vsub.s32 v62, v6;
	v5 =	vmin.u32 v5, $0x137F  }
0x246: {  	v3 =	vsub.s32 v61, v6;
	vm1 =	vgt.s32 v2, $0x0;
	v7 =	vshll.u32 v5, $0x3  }
0x247: {  	vm0 =	vgt.s32 v1, $0x0;
	v5 =	vand.u32 $0x7F, v5;
	v7 =	vand.u32 $0xFC00, v7  }
0x248: {  	v13 =	vnsel vm1, $0x0, v2;
	v5 =	vor.u32 v5, v7;
	v7 =	vnsel vm0, $0x0, v1  }
0x249: {  	v19 =	vmin.u32 v13, $0x137F;
	vm0 =	vgt.s32 v3, $0x0;
	v10 =	vmin.u32 v7, $0x137F  }
0x24a: {  	v12 =	vnsel vm0, $0x0, v3;
	v7 =	vmov s3;
	vm0 =	vlt.u32 v0, $0x1380  }
0x24b: {  	v7 =	vshll.u32 v7, $0x3;
	v15 =	vshll.u32 v10, $0x3;
	v12 =	vmin.u32 v12, $0x137F  }
0x24c: {  	v10 =	vand.u32 $0x7F, v10;
	v63 =	vand.u32 $0x7C00, v7;
	v15 =	vand.u32 $0xFC00, v15  }
0x24d: {  	v13 =	vshll.u32 v12, $0x3;
	v22 =	vand.u32 $0x7F, v12;
	v12 =	vor.u32 v10, v15  }
0x24e: {  	s21 =	simm.s32 $0x60;
	vm2 =	vmmov vm3;
	v4 =	vor.u32 s2, v54;
	s5 =	sadd.s32 $0x40, s7;
	v0 =	vor.u32 v11, v63;
	v18 =	vld.idx.msk [tilespmem:v5+s23+$0x0], $0xffff  }
0x24f: {  	v14 =	vor.u32 s31, v54;
	s31 =	sand.u32 $0x60, s21;
	s6 =	sand.u32 $0x1F80, s5;
	v20 =	vor.u32 $0x80, v5;
	v13 =	vand.u32 $0xFC00, v13  }
0x250: {  	v17 =	vand.u32 $0x4F, v4;
	s4 =	sor.u32 s31, s6;
	v21 =	vshll.u32 v19, $0x3;
	v13 =	vor.u32 v22, v13  }
0x251: {  	v16 =	vshll.u32 v60, $0x3;
	v30 =	vld [tilespmem:s4+$0x0];
	v10 =	vand.u32 $0xFC00, v21;
	v15 =	vand.u32 $0x7F, v19  }
0x252: {  	v4 =	vand.u32 $0x7C00, v16;
	vm1 =	vlt.u32 v1, $0x1380;
	v10 =	vor.u32 v15, v10;
	v33 =	vld.idx.msk [tilespmem:v12+s23+$0x0], $0xffff  }
0x253: {  	s16 =	simm.s32 $0x50;
	v14 =	vand.u32 $0x5F, v14;
	v4 =	vor.u32 v17, v4;
	vm2 =	vlt.u32 v3, $0x1380;
	[tilespmem:v0+s28+$0x0] =	vst.idx.add.f32.msk vm0, v18  }
0x254: {  	s25 =	sand.u32 $0x50, s16;
	vm3 =	vlt.u32 v2, $0x1380;
	v15 =	vand.u32 $0x7C00, v8;
	v18 =	vld.idx.msk [tilespmem:v20+s23+$0x0], $0xffff;
	v20 =	vor.u32 $0x80, v0  }
0x255: {  	s10 =	sor.u32 s25, s6;
	v32 =	vor.u32 $0x100, v5;
	v19 =	vor.u32 s8, v54;
	v22 =	vor.u32 v14, v15;
	v34 =	vld.idx.msk [tilespmem:v13+s23+$0x0], $0xffff  }
0x256: {  	v7 =	vor.u32 v11, v7;
	v21 =	vand.u32 $0x7C00, v9;
	v11 =	vld [tilespmem:s10+$0x0];
	v15 =	vand.u32 $0x6F, v19  }
0x257: {  	v19 =	vor.u32 v15, v21;
	v21 =	vld.idx.msk [tilespmem:v10+s23+$0x0], $0xffff  }
0x258: {  	v23 =	vor.u32 $0x80, v12;
	[tilespmem:v4+s28+$0x0] =	vst.idx.add.f32.msk vm1, v33  }
0x259: {  	[tilespmem:v20+s28+$0x0] =	vst.idx.add.f32.msk vm0, v18;
	v18 =	vor.u32 $0x80, v13  }
0x25a: {  	[tilespmem:v22+s28+$0x0] =	vst.idx.add.f32.msk vm2, v34;
	v20 =	vor.u32 $0x80, v10  }
0x25b: {  	v35 =	vor.u32 $0x100, v0;
	v1 =	vld.idx.msk [tilespmem:v32+s23+$0x0], $0xffff  }
0x25c: {  	v36 =	vor.u32 $0x180, v5;
	[tilespmem:v19+s28+$0x0] =	vst.idx.add.f32.msk vm3, v21  }
0x25d: {  	v21 =	vor.u32 $0x80, v4;
	v23 =	vld.idx.msk [tilespmem:v23+s23+$0x0], $0xffff  }
0x25e: {  	v25 =	vor.u32 $0x100, v12;
	v18 =	vld.idx.msk [tilespmem:v18+s23+$0x0], $0xffff  }
0x25f: {  	v24 =	vor.u32 $0x80, v22;
	v38 =	vld.idx.msk [tilespmem:v20+s23+$0x0], $0xffff  }
0x260: {  	v26 =	vor.u32 $0x80, v19;
	[tilespmem:v35+s28+$0x0] =	vst.idx.add.f32.msk vm0, v1  }
0x261: {  	v37 =	vor.u32 $0x180, v0;
	v1 =	vld.idx.msk [tilespmem:v36+s23+$0x0], $0xffff  }
0x262: {  	[tilespmem:v21+s28+$0x0] =	vst.idx.add.f32.msk vm1, v23;
	v20 =	vor.u32 $0x200, v5  }
0x263: {  	v21 =	vor.u32 $0x100, v13;
	v23 =	vld.idx.msk [tilespmem:v25+s23+$0x0], $0xffff  }
0x264: {  	[tilespmem:v24+s28+$0x0] =	vst.idx.add.f32.msk vm2, v18;
	v18 =	vor.u32 $0x100, v10  }
0x265: {  	v24 =	vor.u32 $0x100, v4;
	[tilespmem:v26+s28+$0x0] =	vst.idx.add.f32.msk vm3, v38  }
0x266: {  	v39 =	vor.u32 $0x180, v12;
	[tilespmem:v37+s28+$0x0] =	vst.idx.add.f32.msk vm0, v1  }
0x267: {  	v40 =	vor.u32 $0x200, v0;
	v2 =	vld.idx.msk [tilespmem:v20+s23+$0x0], $0xffff  }
0x268: {  	v25 =	vor.u32 $0x100, v22;
	v20 =	vld.idx.msk [tilespmem:v21+s23+$0x0], $0xffff  }
0x269: {  	v21 =	vor.u32 $0x280, v5;
	v18 =	vld.idx.msk [tilespmem:v18+s23+$0x0], $0xffff  }
0x26a: {  	v26 =	vor.u32 $0x100, v19;
	[tilespmem:v24+s28+$0x0] =	vst.idx.add.f32.msk vm1, v23  }
0x26b: {  	v23 =	vor.u32 $0x180, v13;
	v1 =	vld.idx.msk [tilespmem:v39+s23+$0x0], $0xffff  }
0x26c: {  	v24 =	vor.u32 $0x180, v10;
	[tilespmem:v40+s28+$0x0] =	vst.idx.add.f32.msk vm0, v2  }
0x26d: {  	v41 =	vor.u32 $0x180, v4;
	[tilespmem:v25+s28+$0x0] =	vst.idx.add.f32.msk vm2, v20  }
0x26e: {  	v4 =	vor.u32 $0x280, v0;
	v3 =	vld.idx.msk [tilespmem:v21+s23+$0x0], $0xffff  }
0x26f: {  	v20 =	vor.u32 $0x200, v12;
	[tilespmem:v26+s28+$0x0] =	vst.idx.add.f32.msk vm3, v18  }
0x270: {  	v18 =	vor.u32 $0x300, v5;
	v21 =	vld.idx.msk [tilespmem:v23+s23+$0x0], $0xffff  }
0x271: {  	v23 =	vor.u32 $0x180, v22;
	v24 =	vld.idx.msk [tilespmem:v24+s23+$0x0], $0xffff  }
0x272: {  	v25 =	vor.u32 $0x180, v19;
	[tilespmem:v41+s28+$0x0] =	vst.idx.add.f32.msk vm1, v1  }
0x273: {  	v42 =	vor.u32 $0x200, v13;
	[tilespmem:v4+s28+$0x0] =	vst.idx.add.f32.msk vm0, v3  }
0x274: {  	v4 =	vld.idx.msk [tilespmem:v20+s23+$0x0], $0xffff  }
0x275: {  	v16 =	vor.u32 v16, v17;
	vm6 =	vmmov vm1;
	v43 =	vor.u32 $0x200, v10;
	v3 =	vld.idx.msk [tilespmem:v18+s23+$0x0], $0xffff  }
0x276: {  	s12 =	simm.s32 $0x40;
	v17 =	vor.u32 $0x200, v16;
	[tilespmem:v23+s28+$0x0] =	vst.idx.add.f32.msk vm2, v21  }
0x277: {  	s14 =	sand.u32 $0x40, s12;
	v0 =	vor.u32 $0x300, v0;
	[tilespmem:v25+s28+$0x0] =	vst.idx.add.f32.msk vm3, v24  }
0x278: {  	s19 =	sor.u32 s14, s6;
	v5 =	vor.u32 $0x380, v5;
	v1 =	vld.idx.msk [tilespmem:v42+s23+$0x0], $0xffff  }
0x279: {  	v25 =	vld [tilespmem:s19+$0x0]  }
0x27a: {  	v2 =	vld.idx.msk [tilespmem:v43+s23+$0x0], $0xffff  }
0x27b: {  	vm4 =	vmmov vm2;
	s3 =	simm.s32 $0x70;
	v18 =	vor.u32 $0x280, v12;
	[tilespmem:v17+s28+$0x0] =	vst.idx.add.f32.msk vm6, v4  }
0x27c: {  	vm5 =	vmmov vm3;
	s11 =	sand.u32 $0x70, s3;
	v44 =	vor.u32 $0x200, v22;
	[tilespmem:v0+s28+$0x0] =	vst.idx.add.f32.msk vm0, v3  }
0x27d: {  	v45 =	vmov s12;
	s1 =	sor.u32 s11, s6;
	v20 =	vor.u32 $0x200, v19;
	v0 =	vld.idx.msk [tilespmem:v5+s23+$0x0], $0xffff  }
0x27e: {  	v29 =	vor.u32 $0x300, v16;
	v48 =	vsub.s32 v30, v6;
	v4 =	vor.u32 $0x280, v10;
	v5 =	vld [tilespmem:s1+$0x0]  }
0x27f: {  	v7 =	vor.u32 $0x380, v7;
	v27 =	vor.u32 $0x300, v13;
	v21 =	vor.u32 $0x280, v13  }
0x280: {  	v28 =	vor.u32 $0x300, v10;
	v31 =	vor.u32 $0x380, v13;
	v26 =	vor.u32 $0x300, v12;
	v18 =	vld.idx.msk [tilespmem:v18+s23+$0x0], $0xffff  }
0x281: {  	v23 =	vor.u32 $0x280, v22;
	v22 =	vor.u32 $0x300, v22;
	v24 =	vor.u32 $0x280, v16;
	[tilespmem:v44+s28+$0x0] =	vst.idx.add.f32.msk vm4, v1  }
0x282: {  	v12 =	vor.u32 $0x380, v12;
	v17 =	vor.u32 $0x280, v19;
	v19 =	vor.u32 $0x300, v19;
	[tilespmem:v20+s28+$0x0] =	vst.idx.add.f32.msk vm5, v2  }
0x283: {  	v46 =	vsub.s32 v25, v6;
	v25 =	vsub.s32 v11, v6;
	v4 =	vld.idx.msk [tilespmem:v4+s23+$0x0], $0xffff;
	v5 =	vsub.s32 v5, v6  }
0x284: {  	v1 =	vshll.u32 v45, $0x3;
	v20 =	vor.u32 s12, v54;
	v13 =	vld.idx.msk [tilespmem:v21+s23+$0x0], $0xffff;
	vm1 =	vgt.s32 v5, $0x0  }
0x285: {  	vm3 =	vlt.u32 v46, $0x1380;
	[tilespmem:v7+s28+$0x0] =	vst.idx.add.f32.msk vm0, v0;
	vm0 =	vgt.s32 v25, $0x0;
	v47 =	vnsel vm1, $0x0, v5  }
0x286: {  	[tilespmem:v24+s28+$0x0] =	vst.idx.add.f32.msk vm6, v18;
	vm2 =	vlt.u32 v5, $0x1380;
	vm1 =	vgt.s32 v46, $0x0;
	v3 =	vmin.u32 v47, $0x137F  }
0x287: {  	v50 =	vld.idx.msk [tilespmem:v26+s23+$0x0], $0xffff;
	v21 =	vnsel vm1, $0x0, v46;
	vm1 =	vgt.s32 v48, $0x0;
	v11 =	vshll.u32 v3, $0x3  }
0x288: {  	[tilespmem:v17+s28+$0x0] =	vst.idx.add.f32.msk vm5, v4;
	v4 =	vor.u32 s3, v54;
	v3 =	vand.u32 $0x7F, v3;
	v7 =	vand.u32 $0xFC00, v11  }
0x289: {  	[tilespmem:v23+s28+$0x0] =	vst.idx.add.f32.msk vm4, v13;
	v18 =	vnsel vm1, $0x0, v48;
	v11 =	vnsel vm0, $0x0, v25;
	v49 =	vor.u32 v3, v7  }
0x28a: {  	v17 =	vld.idx.msk [tilespmem:v27+s23+$0x0], $0xffff;
	v13 =	vand.u32 $0x7F, v4;
	v18 =	vmin.u32 v18, $0x137F;
	v24 =	vmin.u32 v11, $0x137F  }
0x28b: {  	v7 =	vmin.u32 v21, $0x137F;
	v11 =	vmov s3;
	v5 =	vshll.u32 v24, $0x3  }
0x28c: {  	v27 =	vld.idx.msk [tilespmem:v28+s23+$0x0], $0xffff;
	v11 =	vshll.u32 v11, $0x3;
	v24 =	vand.u32 $0x7F, v24;
	v5 =	vand.u32 $0xFC00, v5  }
0x28d: {  	[tilespmem:v29+s28+$0x0] =	vst.idx.add.f32.msk vm6, v50;
	v23 =	vshll.u32 v18, $0x3;
	v4 =	vand.u32 $0x7C00, v11;
	v5 =	vor.u32 v24, v5  }
0x28e: {  	v18 =	vand.u32 $0x7F, v18;
	v21 =	vshll.u32 v7, $0x3;
	v4 =	vor.u32 v13, v4;
	v26 =	vld.idx.msk [tilespmem:v49+s23+$0x0], $0xffff  }
0x28f: {  	v7 =	vand.u32 $0x7F, v7;
	v28 =	vor.u32 $0x80, v49;
	v21 =	vand.u32 $0xFC00, v21;
	[tilespmem:v22+s28+$0x0] =	vst.idx.add.f32.msk vm4, v17  }
0x290: {  	v17 =	vmov s16;
	v51 =	vor.u32 v7, v21;
	v21 =	vand.u32 $0xFC00, v23;
	v7 =	vld.idx.msk [tilespmem:v12+s23+$0x0], $0xffff  }
0x291: {  	v53 =	vshll.u32 v17, $0x3;
	[tilespmem:v19+s28+$0x0] =	vst.idx.add.f32.msk vm5, v27;
	v52 =	vor.u32 v18, v21;
	v18 =	vor.u32 s16, v54  }
0x292: {  	vm0 =	vlt.u32 v25, $0x1380;
	v23 =	vand.u32 $0x7C00, v53;
	v38 =	vand.u32 $0x5F, v18;
	v56 =	vld.idx.msk [tilespmem:v5+s23+$0x0], $0xffff  }
0x293: {  	v20 =	vand.u32 $0x4F, v20;
	v21 =	vmov s21;
	v57 =	vor.u32 v38, v23;
	[tilespmem:v4+s28+$0x0] =	vst.idx.add.f32.msk vm2, v26  }
0x294: {  	v12 =	vand.u32 $0x7C00, v1;
	v55 =	vshll.u32 v21, $0x3;
	v21 =	vor.u32 $0x80, v4;
	v22 =	vld.idx.msk [tilespmem:v28+s23+$0x0], $0xffff  }
0x295: {  	v18 =	vld.idx.msk [tilespmem:v51+s23+$0x0], $0xffff;
	v28 =	vor.u32 v20, v12  }
0x296: {  	v24 =	vor.u32 $0x100, v49;
	v25 =	vld.idx.msk [tilespmem:v52+s23+$0x0], $0xffff  }
0x297: {  	vm1 =	vlt.u32 v48, $0x1380;
	v17 =	vor.u32 s21, v54;
	v19 =	vor.u32 $0x80, v5;
	v12 =	vld.idx.msk [tilespmem:v31+s23+$0x0], $0xffff  }
0x298: {  	v39 =	vand.u32 $0x6F, v17;
	v17 =	vor.u32 $0x80, v51;
	v26 =	vand.u32 $0x7C00, v55;
	[tilespmem:v57+s28+$0x0] =	vst.idx.add.f32.msk vm0, v56  }
0x299: {  	v58 =	vor.u32 v39, v26;
	[tilespmem:v21+s28+$0x0] =	vst.idx.add.f32.msk vm2, v22  }
0x29a: {  	v10 =	vor.u32 $0x380, v10;
	[tilespmem:v28+s28+$0x0] =	vst.idx.add.f32.msk vm3, v18  }
0x29b: {  	v18 =	vor.u32 $0x100, v4;
	v21 =	vld.idx.msk [tilespmem:v24+s23+$0x0], $0xffff  }
0x29c: {  	v19 =	vld.idx.msk [tilespmem:v19+s23+$0x0], $0xffff;
	v22 =	vor.u32 $0x80, v52  }
0x29d: {  	v23 =	vld.idx.msk [tilespmem:v17+s23+$0x0], $0xffff;
	v24 =	vor.u32 $0x80, v28  }
0x29e: {  	v59 =	vor.u32 $0x180, v49;
	vm0 =	vmmov vm0;
	[tilespmem:v58+s28+$0x0] =	vst.idx.add.f32.msk vm1, v25  }
0x29f: {  	v25 =	vor.u32 $0x80, v57;
	v17 =	vld.idx.msk [tilespmem:v10+s23+$0x0], $0xffff  }
0x2a0: {  	vm1 =	vmmov vm1;
	[tilespmem:v18+s28+$0x0] =	vst.idx.add.f32.msk vm2, v21;
	v18 =	vor.u32 $0x100, v51  }
0x2a1: {  	v10 =	vor.u32 $0x80, v58;
	v21 =	vld.idx.msk [tilespmem:v22+s23+$0x0], $0xffff  }
0x2a2: {  	[tilespmem:v24+s28+$0x0] =	vst.idx.add.f32.msk vm3, v23;
	v23 =	vor.u32 $0x100, v5  }
0x2a3: {  	v22 =	vor.u32 $0x180, v4;
	v2 =	vld.idx.msk [tilespmem:v59+s23+$0x0], $0xffff  }
0x2a4: {  	v26 =	vor.u32 $0x200, v49;
	[tilespmem:v25+s28+$0x0] =	vst.idx.add.f32.msk vm0, v19  }
0x2a5: {  	v19 =	vor.u32 $0x100, v52;
	vm3 =	vmmov vm3;
	v18 =	vld.idx.msk [tilespmem:v18+s23+$0x0], $0xffff  }
0x2a6: {  	v24 =	vor.u32 $0x100, v28;
	[tilespmem:v10+s28+$0x0] =	vst.idx.add.f32.msk vm1, v21  }
0x2a7: {  	v25 =	vor.u32 $0x100, v57;
	v21 =	vld.idx.msk [tilespmem:v23+s23+$0x0], $0xffff  }
0x2a8: {  	v60 =	vor.u32 $0x180, v51;
	[tilespmem:v22+s28+$0x0] =	vst.idx.add.f32.msk vm2, v2  }
0x2a9: {  	v10 =	vor.u32 $0x200, v4;
	v22 =	vld.idx.msk [tilespmem:v26+s23+$0x0], $0xffff  }
0x2aa: {  	v19 =	vld.idx.msk [tilespmem:v19+s23+$0x0], $0xffff;
	v26 =	vor.u32 $0x100, v58  }
0x2ab: {  	v23 =	vor.u32 $0x280, v49;
	[tilespmem:v24+s28+$0x0] =	vst.idx.add.f32.msk vm3, v18  }
0x2ac: {  	v18 =	vor.u32 $0x180, v5;
	[tilespmem:v25+s28+$0x0] =	vst.idx.add.f32.msk vm0, v21  }
0x2ad: {  	v24 =	vor.u32 $0x180, v52;
	v2 =	vld.idx.msk [tilespmem:v60+s23+$0x0], $0xffff  }
0x2ae: {  	vm7 =	vmmov vm6;
	v8 =	vor.u32 v14, v8;
	v14 =	vor.u32 $0x180, v28;
	[tilespmem:v10+s28+$0x0] =	vst.idx.add.f32.msk vm2, v22  }
0x2af: {  	v8 =	vor.u32 $0x380, v8;
	v9 =	vor.u32 v15, v9;
	v21 =	vor.u32 $0x200, v51;
	[tilespmem:v26+s28+$0x0] =	vst.idx.add.f32.msk vm1, v19  }
0x2b0: {  	v9 =	vor.u32 $0x380, v9;
	v15 =	vor.u32 $0x280, v4;
	v10 =	vor.u32 $0x380, v16;
	v16 =	vld.idx.msk [tilespmem:v23+s23+$0x0], $0xffff  }
0x2b1: {  	vm6 =	vmmov vm4;
	v34 =	vor.u32 $0x380, v49;
	v19 =	vor.u32 $0x300, v49;
	v40 =	vld.idx.msk [tilespmem:v18+s23+$0x0], $0xffff  }
0x2b2: {  	vm4 =	vmmov vm5;
	v1 =	vor.u32 v1, v20;
	v25 =	vor.u32 $0x180, v57;
	v45 =	vld.idx.msk [tilespmem:v24+s23+$0x0], $0xffff  }
0x2b3: {  	v42 =	vor.u32 $0x200, v5;
	v44 =	vor.u32 $0x200, v1;
	v31 =	vor.u32 $0x180, v58;
	[tilespmem:v14+s28+$0x0] =	vst.idx.add.f32.msk vm3, v2  }
0x2b4: {  	v41 =	vor.u32 $0x280, v51;
	v30 =	vor.u32 $0x280, v1;
	v43 =	vor.u32 $0x200, v52;
	v36 =	vld.idx.msk [tilespmem:v21+s23+$0x0], $0xffff  }
0x2b5: {  	v29 =	vor.u32 $0x280, v52;
	v62 =	vor.u32 v38, v53;
	v63 =	vor.u32 v39, v55;
	[tilespmem:v15+s28+$0x0] =	vst.idx.add.f32.msk vm2, v16  }
0x2b6: {  	v33 =	vor.u32 $0x200, v57;
	v32 =	vor.u32 $0x380, v62;
	v4 =	vor.u32 $0x300, v4;
	v61 =	vld.idx.msk [tilespmem:v19+s23+$0x0], $0xffff  }
0x2b7: {  	v27 =	vor.u32 $0x200, v58;
	v20 =	vor.u32 $0x280, v58;
	v28 =	vor.u32 $0x280, v5;
	[tilespmem:v25+s28+$0x0] =	vst.idx.add.f32.msk vm0, v40  }
0x2b8: {  	v26 =	vor.u32 $0x300, v51;
	v22 =	vor.u32 $0x300, v1;
	v23 =	vor.u32 $0x280, v57;
	[tilespmem:v31+s28+$0x0] =	vst.idx.add.f32.msk vm1, v45  }
0x2b9: {  	v24 =	vor.u32 $0x300, v5;
	v18 =	vor.u32 $0x300, v57;
	v14 =	vor.u32 $0x380, v52;
	v35 =	vld.idx.msk [tilespmem:v42+s23+$0x0], $0xffff  }
0x2ba: {  	v21 =	vor.u32 $0x300, v52;
	v15 =	vor.u32 $0x300, v58;
	v16 =	vor.u32 $0x380, v5;
	v37 =	vld.idx.msk [tilespmem:v43+s23+$0x0], $0xffff  }
0x2bb: {  	s2 =	simm.s32 $0x80;
	s1 =	simm.s32 $0x4;
	v19 =	vor.u32 $0x380, v51;
	v31 =	vor.u32 $0x380, v1;
	v25 =	vor.u32 $0x380, v63;
	[tilespmem:v4+s28+$0x0] =	vst.idx.add.f32.msk vm2, v61  }
.LBB2_9:
0x2bc: {  	s4 =	sadd.s32 s2, s7;
	v0 =	vmov s2;
	v1 =	vor.u32 s2, v54;
	s3 =	sadd.s32 $0x30, s2;
	s1 =	sadd.s32 $0x4, s1;
	v2 =	vld.idx.msk [tilespmem:v34+s23+$0x0], $0xffff;
	v3 =	vor.u32 v13, v11  }
0x2bd: {  	s4 =	sand.u32 $0x1F80, s4;
	v1 =	vand.u32 $0x4F, v1;
	v0 =	vshll.u32 v0, $0x3;
	s5 =	sand.u32 $0x70, s3;
	p1 =	slt.u32 s1, $0xFC;
	[tilespmem:v44+s28+$0x0] =	vst.idx.add.f32.msk vm3, v36;
	v3 =	vor.u32 $0x380, v3  }
0x2be: {  	s8 =	sadd.s32 $0x10, s2;
	s10 =	sadd.s32 $0x20, s2;
	v4 =	vand.u32 $0x7C00, v0;
	v39 =	vor.u32 v0, v1;
	s5 =	sor.u32 s5, s4;
	v0 =	vld.idx.msk [tilespmem:v41+s23+$0x0], $0xffff  }
0x2bf: {  	s11 =	sand.u32 $0x40, s2;
	s14 =	sand.u32 $0x50, s8;
	v5 =	vmov s8;
	v11 =	vor.u32 s8, v54;
	s8 =	sand.u32 $0x60, s10;
	v13 =	vmov s10;
	v34 =	vld [tilespmem:s5+$0x0]  }
0x2c0: {  	v45 =	vshll.u32 v5, $0x3;
	v5 =	vor.u32 s10, v54;
	v46 =	vshll.u32 v13, $0x3;
	s5 =	sor.u32 s11, s4;
	s11 =	sor.u32 s14, s4;
	s4 =	sor.u32 s8, s4;
	[tilespmem:v33+s28+$0x0] =	vst.idx.add.f32.msk vm0, v35  }
0x2c1: {  	v47 =	vand.u32 $0x5F, v11;
	v11 =	vand.u32 $0x7C00, v45;
	v33 =	vand.u32 $0x7C00, v46;
	v13 =	vld [tilespmem:s5+$0x0]  }
0x2c2: {  	v52 =	vor.u32 v1, v4;
	v48 =	vand.u32 $0x6F, v5;
	v50 =	vor.u32 v47, v11;
	[tilespmem:v3+s28+$0x0] =	vst.idx.add.f32.msk vm2, v2  }
0x2c3: {  	v42 =	vor.u32 $0x80, v52;
	v43 =	vor.u32 $0x80, v50;
	v51 =	vor.u32 v48, v33;
	v1 =	vld [tilespmem:s11+$0x0]  }
0x2c4: {  	v35 =	vor.u32 $0x100, v50;
	v40 =	vor.u32 $0x80, v51;
	v2 =	vld [tilespmem:s4+$0x0];
	v3 =	vsub.s32 v34, v6  }
0x2c5: {  	v38 =	vor.u32 $0x100, v52;
	v36 =	vor.u32 $0x100, v51;
	vm2 =	vgt.s32 v3, $0x0;
	[tilespmem:v27+s28+$0x0] =	vst.idx.add.f32.msk vm1, v37  }
0x2c6: {  	v34 =	vor.u32 $0x180, v50;
	v4 =	vsub.s32 v13, v6;
	v5 =	vnsel vm2, $0x0, v3;
	v11 =	vld.idx.msk [tilespmem:v28+s23+$0x0], $0xffff  }
0x2c7: {  	vm5 =	vlt.u32 v4, $0x1380;
	vm2 =	vgt.s32 v4, $0x0;
	v5 =	vmin.u32 v5, $0x137F;
	v13 =	vld.idx.msk [tilespmem:v29+s23+$0x0], $0xffff  }
0x2c8: {  	v4 =	vnsel vm2, $0x0, v4;
	v1 =	vsub.s32 v1, v6;
	v27 =	vshll.u32 v5, $0x3;
	[tilespmem:v30+s28+$0x0] =	vst.idx.add.f32.msk vm3, v0  }
0x2c9: {  	v0 =	vsub.s32 v2, v6;
	v2 =	vand.u32 $0x7F, v5;
	v5 =	vand.u32 $0xFC00, v27;
	v26 =	vld.idx.msk [tilespmem:v26+s23+$0x0], $0xffff  }
0x2ca: {  	vm2 =	vgt.s32 v1, $0x0;
	vm8 =	vgt.s32 v0, $0x0;
	v37 =	vor.u32 v2, v5;
	[tilespmem:v10+s28+$0x0] =	vst.idx.add.f32.msk vm7, v7;
	v10 =	vmovc v31  }
0x2cb: {  	v2 =	vmin.u32 v4, $0x137F;
	v4 =	vnsel vm2, $0x0, v1;
	v5 =	vnsel vm8, $0x0, v0;
	[tilespmem:v8+s28+$0x0] =	vst.idx.add.f32.msk vm6, v12;
	v8 =	vmovc v32  }
0x2cc: {  	v7 =	vshll.u32 v2, $0x3;
	v4 =	vmin.u32 v4, $0x137F;
	v5 =	vmin.u32 v5, $0x137F;
	[tilespmem:v23+s28+$0x0] =	vst.idx.add.f32.msk vm0, v11  }
0x2cd: {  	v12 =	vshll.u32 v4, $0x3;
	v11 =	vmov s3;
	v23 =	vshll.u32 v5, $0x3;
	[tilespmem:v20+s28+$0x0] =	vst.idx.add.f32.msk vm1, v13  }
0x2ce: {  	v7 =	vand.u32 $0xFC00, v7;
	v13 =	vor.u32 s3, v54;
	v11 =	vshll.u32 v11, $0x3;
	v20 =	vld.idx.msk [tilespmem:v24+s23+$0x0], $0xffff  }
0x2cf: {  	vm2 =	vlt.u32 v3, $0x1380;
	v13 =	vand.u32 $0x7F, v13;
	v24 =	vand.u32 $0x7C00, v11;
	v3 =	vld.idx.msk [tilespmem:v37+s23+$0x0], $0xffff  }
0x2d0: {  	v12 =	vand.u32 $0xFC00, v12;
	v23 =	vand.u32 $0xFC00, v23;
	v49 =	vor.u32 v13, v24;
	v21 =	vld.idx.msk [tilespmem:v21+s23+$0x0], $0xffff  }
0x2d1: {  	v2 =	vand.u32 $0x7F, v2;
	v4 =	vand.u32 $0x7F, v4;
	v24 =	vor.u32 $0x80, v37;
	[tilespmem:v22+s28+$0x0] =	vst.idx.add.f32.msk vm3, v26  }
0x2d2: {  	v2 =	vor.u32 v2, v7;
	v5 =	vand.u32 $0x7F, v5;
	v4 =	vor.u32 v4, v12;
	v7 =	vld.idx.msk [tilespmem:v19+s23+$0x0], $0xffff  }
0x2d3: {  	vm9 =	vlt.u32 v1, $0x1380;
	vm8 =	vlt.u32 v0, $0x1380;
	v0 =	vor.u32 v5, v23;
	[tilespmem:v9+s28+$0x0] =	vst.idx.add.f32.msk vm4, v17;
	v9 =	vmovc v25  }
0x2d4: {  	v1 =	vor.u32 $0x80, v2;
	v5 =	vor.u32 $0x80, v4;
	v17 =	vor.u32 $0x80, v0;
	[tilespmem:v18+s28+$0x0] =	vst.idx.add.f32.msk vm0, v20  }
0x2d5: {  	v53 =	vor.u32 $0x100, v2;
	v54 =	vor.u32 $0x100, v4;
	v55 =	vor.u32 $0x100, v0;
	[tilespmem:v49+s28+$0x0] =	vst.idx.add.f32.msk vm2, v3  }
0x2d6: {  	v56 =	vor.u32 $0x180, v4;
	v57 =	vor.u32 $0x180, v0;
	v3 =	vor.u32 $0x180, v2;
	v18 =	vld.idx.msk [tilespmem:v24+s23+$0x0], $0xffff  }
0x2d7: {  	v58 =	vor.u32 $0x180, v52;
	v59 =	vor.u32 $0x180, v51;
	v22 =	vor.u32 $0x80, v49;
	v19 =	vld.idx.msk [tilespmem:v2+s23+$0x0], $0xffff  }
0x2d8: {  	v31 =	vor.u32 $0x100, v37;
	v60 =	vor.u32 $0x200, v2;
	v61 =	vor.u32 $0x200, v4;
	v25 =	vld.idx.msk [tilespmem:v4+s23+$0x0], $0xffff  }
0x2d9: {  	v33 =	vor.u32 $0x200, v50;
	v27 =	vor.u32 $0x200, v51;
	v62 =	vor.u32 $0x200, v0;
	v32 =	vld.idx.msk [tilespmem:v0+s23+$0x0], $0xffff  }
0x2da: {  	v44 =	vor.u32 $0x200, v39;
	v41 =	vor.u32 $0x280, v2;
	v28 =	vor.u32 $0x280, v4;
	[tilespmem:v15+s28+$0x0] =	vst.idx.add.f32.msk vm1, v21  }
0x2db: {  	v23 =	vor.u32 $0x280, v50;
	v29 =	vor.u32 $0x280, v0;
	v20 =	vor.u32 $0x280, v51;
	v12 =	vld.idx.msk [tilespmem:v16+s23+$0x0], $0xffff  }
0x2dc: {  	v30 =	vor.u32 $0x280, v39;
	v26 =	vor.u32 $0x300, v2;
	v24 =	vor.u32 $0x300, v4;
	[tilespmem:v22+s28+$0x0] =	vst.idx.add.f32.msk vm2, v18  }
0x2dd: {  	v21 =	vor.u32 $0x300, v0;
	v15 =	vor.u32 $0x300, v51;
	v18 =	vor.u32 $0x300, v50;
	v63 =	vld.idx.msk [tilespmem:v31+s23+$0x0], $0xffff  }
0x2de: {  	v22 =	vor.u32 $0x300, v39;
	[tilespmem:v52+s28+$0x0] =	vst.idx.add.f32.msk vm5, v19;
	v19 =	vor.u32 $0x380, v2;
	v2 =	vor.u32 $0x100, v49  }
0x2df: {  	v0 =	vor.u32 $0x380, v0;
	v16 =	vor.u32 $0x380, v4;
	v4 =	vor.u32 $0x180, v37;
	[tilespmem:v50+s28+$0x0] =	vst.idx.add.f32.msk vm9, v25  }
0x2e0: {  	v31 =	vor.u32 $0x380, v39;
	v39 =	vor.u32 v48, v46;
	v25 =	vor.u32 v47, v45;
	[tilespmem:v51+s28+$0x0] =	vst.idx.add.f32.msk vm8, v32  }
0x2e1: {  	vm7 =	vmmov vm3;
	v32 =	vor.u32 $0x380, v25;
	v25 =	vor.u32 $0x380, v39;
	v1 =	vld.idx.msk [tilespmem:v1+s23+$0x0], $0xffff  }
0x2e2: {  	vm6 =	vmmov vm0;
	vm3 =	vmmov vm5;
	vm0 =	vmmov vm9;
	v5 =	vld.idx.msk [tilespmem:v5+s23+$0x0], $0xffff  }
0x2e3: {  	vm4 =	vmmov vm1;
	vm1 =	vmmov vm8;
	[tilespmem:v2+s28+$0x0] =	vst.idx.add.f32.msk vm2, v63  }
0x2e4: {  	v2 =	vld.idx.msk [tilespmem:v4+s23+$0x0], $0xffff  }
0x2e5: {  	v39 =	vor.u32 $0x180, v49;
	v4 =	vld.idx.msk [tilespmem:v17+s23+$0x0], $0xffff  }
0x2e6: {  	v45 =	vor.u32 $0x200, v37;
	v17 =	vld.idx.msk [tilespmem:v14+s23+$0x0], $0xffff;
	v14 =	vmov v0  }
0x2e7: {  	[tilespmem:v42+s28+$0x0] =	vst.idx.add.f32.msk vm5, v1  }
0x2e8: {  	[tilespmem:v43+s28+$0x0] =	vst.idx.add.f32.msk vm9, v5  }
0x2e9: {  	v0 =	vld.idx.msk [tilespmem:v53+s23+$0x0], $0xffff  }
0x2ea: {  	[tilespmem:v39+s28+$0x0] =	vst.idx.add.f32.msk vm2, v2  }
0x2eb: {  	v1 =	vld.idx.msk [tilespmem:v45+s23+$0x0], $0xffff  }
0x2ec: {  	v2 =	vor.u32 $0x200, v49;
	[tilespmem:v40+s28+$0x0] =	vst.idx.add.f32.msk vm8, v4  }
0x2ed: {  	v5 =	vor.u32 $0x280, v37;
	v4 =	vld.idx.msk [tilespmem:v54+s23+$0x0], $0xffff  }
0x2ee: {  	v39 =	vld.idx.msk [tilespmem:v55+s23+$0x0], $0xffff  }
0x2ef: {  	[tilespmem:v38+s28+$0x0] =	vst.idx.add.f32.msk vm5, v0  }
0x2f0: {  	v0 =	vld.idx.msk [tilespmem:v3+s23+$0x0], $0xffff  }
0x2f1: {  	[tilespmem:v2+s28+$0x0] =	vst.idx.add.f32.msk vm2, v1  }
0x2f2: {  	v1 =	vld.idx.msk [tilespmem:v5+s23+$0x0], $0xffff  }
0x2f3: {  	v2 =	vor.u32 $0x280, v49;
	[tilespmem:v35+s28+$0x0] =	vst.idx.add.f32.msk vm9, v4  }
0x2f4: {  	v3 =	vor.u32 $0x300, v37;
	[tilespmem:v36+s28+$0x0] =	vst.idx.add.f32.msk vm8, v39  }
0x2f5: {  	v4 =	vld.idx.msk [tilespmem:v56+s23+$0x0], $0xffff  }
0x2f6: {  	v5 =	vld.idx.msk [tilespmem:v57+s23+$0x0], $0xffff  }
0x2f7: {  	[tilespmem:v58+s28+$0x0] =	vst.idx.add.f32.msk vm3, v0  }
0x2f8: {  	[tilespmem:v2+s28+$0x0] =	vst.idx.add.f32.msk vm2, v1  }
0x2f9: {  	v0 =	vld.idx.msk [tilespmem:v3+s23+$0x0], $0xffff  }
0x2fa: {  	v1 =	vor.u32 $0x300, v49;
	v36 =	vld.idx.msk [tilespmem:v60+s23+$0x0], $0xffff  }
.Ltmp3:
0x2fb: {  	[tilespmem:v34+s28+$0x0] =	vst.idx.add.f32.msk vm0, v4;
	v34 =	vor.u32 $0x380, v37;
	(pc) =	sbr.rel @p1 .LBB2_9-.Ltmp3, $4  }
0x2fc: {  	[tilespmem:v59+s28+$0x0] =	vst.idx.add.f32.msk vm1, v5  }
0x2fd: {  	v35 =	vld.idx.msk [tilespmem:v61+s23+$0x0], $0xffff  }
0x2fe: {  	v54 =	vlaneseq.u32;
	v37 =	vld.idx.msk [tilespmem:v62+s23+$0x0], $0xffff  }
0x2ff: {  	s2 =	sadd.s32 $0x40, s2;
	[tilespmem:v1+s28+$0x0] =	vst.idx.add.f32.msk vm2, v0  }
0x300: {  	_ =	sdelay $0x3  }
0x301: {  	v0 =	vld.idx.msk [tilespmem:v34+s23+$0x0], $0xffff  }
0x302: {  	[tilespmem:v44+s28+$0x0] =	vst.idx.add.f32.msk vm3, v36  }
0x303: {  	v2 =	vld.idx.msk [tilespmem:v41+s23+$0x0], $0xffff  }
0x304: {  	[tilespmem:v33+s28+$0x0] =	vst.idx.add.f32.msk vm0, v35  }
0x305: {  	[tilespmem:v27+s28+$0x0] =	vst.idx.add.f32.msk vm1, v37  }
0x306: {  	v3 =	vld.idx.msk [tilespmem:v28+s23+$0x0], $0xffff  }
0x307: {  	v4 =	vld.idx.msk [tilespmem:v29+s23+$0x0], $0xffff  }
0x308: {  	[tilespmem:v10+s28+$0x0] =	vst.idx.add.f32.msk vm7, v7  }
0x309: {  	v1 =	vor.u32 v13, v11;
	[tilespmem:v30+s28+$0x0] =	vst.idx.add.f32.msk vm3, v2  }
0x30a: {  	v1 =	vor.u32 $0x380, v1;
	v55 =	vld.idx.msk [tilespmem:v26+s23+$0x0], $0xffff  }
0x30b: {  	[tilespmem:v23+s28+$0x0] =	vst.idx.add.f32.msk vm0, v3  }
0x30c: {  	[tilespmem:v20+s28+$0x0] =	vst.idx.add.f32.msk vm1, v4  }
0x30d: {  	v56 =	vld.idx.msk [tilespmem:v24+s23+$0x0], $0xffff  }
0x30e: {  	v57 =	vld.idx.msk [tilespmem:v21+s23+$0x0], $0xffff  }
0x30f: {  	[tilespmem:v1+s28+$0x0] =	vst.idx.add.f32.msk vm2, v0  }
0x310: {  	[tilespmem:v22+s28+$0x0] =	vst.idx.add.f32.msk vm3, v55  }
0x311: {  	v0 =	vld.idx.msk [tilespmem:v19+s23+$0x0], $0xffff  }
0x312: {  	[tilespmem:v18+s28+$0x0] =	vst.idx.add.f32.msk vm0, v56  }
0x313: {  	vm0 =	vmmov vm0;
	[tilespmem:v15+s28+$0x0] =	vst.idx.add.f32.msk vm1, v57  }
0x314: {  	v1 =	vld.idx.msk [tilespmem:v16+s23+$0x0], $0xffff;
	vm1 =	vmmov vm1  }
0x315: {  	v2 =	vld.idx.msk [tilespmem:v14+s23+$0x0], $0xffff  }
0x316: {  	[tilespmem:v8+s28+$0x0] =	vst.idx.add.f32.msk vm6, v12  }
0x317: {  	[tilespmem:v9+s28+$0x0] =	vst.idx.add.f32.msk vm4, v17  }
0x318: {  	[tilespmem:v31+s28+$0x0] =	vst.idx.add.f32.msk vm3, v0  }
0x319: {  	[tilespmem:v32+s28+$0x0] =	vst.idx.add.f32.msk vm0, v1  }
0x31a: {  	[tilespmem:v25+s28+$0x0] =	vst.idx.add.f32.msk vm1, v2  }
0x31b: {  	s1 =	rddreg [dreg:$0x10]  }
0x31c: {  	s2 =	simm.s32 $0x0;
	s1 =	sadd.s32 s18, s1  }
0x31d: {  	[tilespmem:s23], [sflag:$0x1] =	stream.linear.gather [hbm4b:s1+s2], $0x9000, $0x38;
	[tilespmem:$0x1DC00] =	vst v63  }
0x31e: {  	s25 =	sadd.s32 $0x0, s7;
	s3 =	simm.s32 $0x30;
	_ =	swait.ge [sflag:s29], $0x9C00  }
0x31f: {  	s4 =	sand.u32 $0x70, s3;
	s1 =	sand.u32 $0x1F80, s25;
	[sflag:s29] =	ssyncset.done $0x0  }
0x320: {  	s4 =	sor.u32 s4, s1;
	v6 =	vld [tilespmem:$0x1FFB0];
	[sflag:s29] =	ssyncadd.s32 $0xFFFF6400  }
0x321: {  	s31 =	simm.s32 $0x10;
	s8 =	simm.s32 $0x20;
	s5 =	sand.u32 $0x40, s2;
	v58 =	vld [tilespmem:s4+$0x0]  }
0x322: {  	s10 =	sand.u32 $0x50, s31;
	s11 =	sand.u32 $0x60, s8;
	s5 =	sor.u32 s5, s1  }
0x323: {  	s10 =	sor.u32 s10, s1;
	s1 =	sor.u32 s11, s1;
	v59 =	vld [tilespmem:s5+$0x0]  }
0x324: {  	v62 =	vld [tilespmem:s1+$0x0]  }
0x325: {  	v60 =	vmov s2;
	v61 =	vld [tilespmem:s10+$0x0]  }
0x326: {  	v8 =	vmov s31;
	v11 =	vor.u32 s3, v54;
	v0 =	vsub.s32 v58, v6  }
0x327: {  	v9 =	vmov s8;
	v11 =	vand.u32 $0x7F, v11;
	vm0 =	vgt.s32 v0, $0x0  }
0x328: {  	v8 =	vshll.u32 v8, $0x3;
	v9 =	vshll.u32 v9, $0x3;
	v5 =	vnsel vm0, $0x0, v0  }
0x329: {  	v1 =	vsub.s32 v59, v6;
	v2 =	vsub.s32 v62, v6;
	v5 =	vmin.u32 v5, $0x137F  }
0x32a: {  	v3 =	vsub.s32 v61, v6;
	vm1 =	vgt.s32 v2, $0x0;
	v7 =	vshll.u32 v5, $0x3  }
0x32b: {  	vm0 =	vgt.s32 v1, $0x0;
	v5 =	vand.u32 $0x7F, v5;
	v7 =	vand.u32 $0xFC00, v7  }
0x32c: {  	v13 =	vnsel vm1, $0x0, v2;
	v5 =	vor.u32 v5, v7;
	v7 =	vnsel vm0, $0x0, v1  }
0x32d: {  	v19 =	vmin.u32 v13, $0x137F;
	vm0 =	vgt.s32 v3, $0x0;
	v10 =	vmin.u32 v7, $0x137F  }
0x32e: {  	v12 =	vnsel vm0, $0x0, v3;
	v7 =	vmov s3;
	vm0 =	vlt.u32 v0, $0x1380  }
0x32f: {  	v7 =	vshll.u32 v7, $0x3;
	v15 =	vshll.u32 v10, $0x3;
	v12 =	vmin.u32 v12, $0x137F  }
0x330: {  	v10 =	vand.u32 $0x7F, v10;
	v63 =	vand.u32 $0x7C00, v7;
	v15 =	vand.u32 $0xFC00, v15  }
0x331: {  	v13 =	vshll.u32 v12, $0x3;
	v22 =	vand.u32 $0x7F, v12;
	v12 =	vor.u32 v10, v15  }
0x332: {  	s21 =	simm.s32 $0x60;
	vm2 =	vmmov vm3;
	v4 =	vor.u32 s2, v54;
	s5 =	sadd.s32 $0x40, s7;
	v0 =	vor.u32 v11, v63;
	v18 =	vld.idx.msk [tilespmem:v5+s24+$0x0], $0xffff  }
0x333: {  	v14 =	vor.u32 s31, v54;
	s31 =	sand.u32 $0x60, s21;
	s11 =	sand.u32 $0x1F80, s5;
	v20 =	vor.u32 $0x80, v5;
	v13 =	vand.u32 $0xFC00, v13  }
0x334: {  	v17 =	vand.u32 $0x4F, v4;
	s4 =	sor.u32 s31, s11;
	v21 =	vshll.u32 v19, $0x3;
	v13 =	vor.u32 v22, v13  }
0x335: {  	v16 =	vshll.u32 v60, $0x3;
	v30 =	vld [tilespmem:s4+$0x0];
	v10 =	vand.u32 $0xFC00, v21;
	v15 =	vand.u32 $0x7F, v19  }
0x336: {  	v4 =	vand.u32 $0x7C00, v16;
	vm1 =	vlt.u32 v1, $0x1380;
	v10 =	vor.u32 v15, v10;
	v33 =	vld.idx.msk [tilespmem:v12+s24+$0x0], $0xffff  }
0x337: {  	v14 =	vand.u32 $0x5F, v14;
	v4 =	vor.u32 v17, v4;
	s18 =	simm.s32 $0x50;
	vm2 =	vlt.u32 v3, $0x1380;
	[tilespmem:v0+s28+$0x0] =	vst.idx.add.f32.msk vm0, v18  }
0x338: {  	s25 =	sand.u32 $0x50, s18;
	vm3 =	vlt.u32 v2, $0x1380;
	v15 =	vand.u32 $0x7C00, v8;
	v18 =	vld.idx.msk [tilespmem:v20+s24+$0x0], $0xffff;
	v20 =	vor.u32 $0x80, v0  }
0x339: {  	s10 =	sor.u32 s25, s11;
	v32 =	vor.u32 $0x100, v5;
	v19 =	vor.u32 s8, v54;
	v22 =	vor.u32 v14, v15;
	v34 =	vld.idx.msk [tilespmem:v13+s24+$0x0], $0xffff  }
0x33a: {  	v7 =	vor.u32 v11, v7;
	v21 =	vand.u32 $0x7C00, v9;
	v11 =	vld [tilespmem:s10+$0x0];
	v15 =	vand.u32 $0x6F, v19  }
0x33b: {  	v19 =	vor.u32 v15, v21;
	v21 =	vld.idx.msk [tilespmem:v10+s24+$0x0], $0xffff  }
0x33c: {  	v23 =	vor.u32 $0x80, v12;
	[tilespmem:v4+s28+$0x0] =	vst.idx.add.f32.msk vm1, v33  }
0x33d: {  	[tilespmem:v20+s28+$0x0] =	vst.idx.add.f32.msk vm0, v18;
	v18 =	vor.u32 $0x80, v13  }
0x33e: {  	[tilespmem:v22+s28+$0x0] =	vst.idx.add.f32.msk vm2, v34;
	v20 =	vor.u32 $0x80, v10  }
0x33f: {  	v35 =	vor.u32 $0x100, v0;
	v1 =	vld.idx.msk [tilespmem:v32+s24+$0x0], $0xffff  }
0x340: {  	v36 =	vor.u32 $0x180, v5;
	[tilespmem:v19+s28+$0x0] =	vst.idx.add.f32.msk vm3, v21  }
0x341: {  	v21 =	vor.u32 $0x80, v4;
	v23 =	vld.idx.msk [tilespmem:v23+s24+$0x0], $0xffff  }
0x342: {  	v25 =	vor.u32 $0x100, v12;
	v18 =	vld.idx.msk [tilespmem:v18+s24+$0x0], $0xffff  }
0x343: {  	v24 =	vor.u32 $0x80, v22;
	v38 =	vld.idx.msk [tilespmem:v20+s24+$0x0], $0xffff  }
0x344: {  	v26 =	vor.u32 $0x80, v19;
	[tilespmem:v35+s28+$0x0] =	vst.idx.add.f32.msk vm0, v1  }
0x345: {  	v37 =	vor.u32 $0x180, v0;
	v1 =	vld.idx.msk [tilespmem:v36+s24+$0x0], $0xffff  }
0x346: {  	[tilespmem:v21+s28+$0x0] =	vst.idx.add.f32.msk vm1, v23;
	v20 =	vor.u32 $0x200, v5  }
0x347: {  	v21 =	vor.u32 $0x100, v13;
	v23 =	vld.idx.msk [tilespmem:v25+s24+$0x0], $0xffff  }
0x348: {  	[tilespmem:v24+s28+$0x0] =	vst.idx.add.f32.msk vm2, v18;
	v18 =	vor.u32 $0x100, v10  }
0x349: {  	v24 =	vor.u32 $0x100, v4;
	[tilespmem:v26+s28+$0x0] =	vst.idx.add.f32.msk vm3, v38  }
0x34a: {  	v39 =	vor.u32 $0x180, v12;
	[tilespmem:v37+s28+$0x0] =	vst.idx.add.f32.msk vm0, v1  }
0x34b: {  	v40 =	vor.u32 $0x200, v0;
	v2 =	vld.idx.msk [tilespmem:v20+s24+$0x0], $0xffff  }
0x34c: {  	v25 =	vor.u32 $0x100, v22;
	v20 =	vld.idx.msk [tilespmem:v21+s24+$0x0], $0xffff  }
0x34d: {  	v21 =	vor.u32 $0x280, v5;
	v18 =	vld.idx.msk [tilespmem:v18+s24+$0x0], $0xffff  }
0x34e: {  	v26 =	vor.u32 $0x100, v19;
	[tilespmem:v24+s28+$0x0] =	vst.idx.add.f32.msk vm1, v23  }
0x34f: {  	v23 =	vor.u32 $0x180, v13;
	v1 =	vld.idx.msk [tilespmem:v39+s24+$0x0], $0xffff  }
0x350: {  	v24 =	vor.u32 $0x180, v10;
	[tilespmem:v40+s28+$0x0] =	vst.idx.add.f32.msk vm0, v2  }
0x351: {  	v41 =	vor.u32 $0x180, v4;
	[tilespmem:v25+s28+$0x0] =	vst.idx.add.f32.msk vm2, v20  }
0x352: {  	v4 =	vor.u32 $0x280, v0;
	v3 =	vld.idx.msk [tilespmem:v21+s24+$0x0], $0xffff  }
0x353: {  	v20 =	vor.u32 $0x200, v12;
	[tilespmem:v26+s28+$0x0] =	vst.idx.add.f32.msk vm3, v18  }
0x354: {  	v18 =	vor.u32 $0x300, v5;
	v21 =	vld.idx.msk [tilespmem:v23+s24+$0x0], $0xffff  }
0x355: {  	v23 =	vor.u32 $0x180, v22;
	v24 =	vld.idx.msk [tilespmem:v24+s24+$0x0], $0xffff  }
0x356: {  	v25 =	vor.u32 $0x180, v19;
	[tilespmem:v41+s28+$0x0] =	vst.idx.add.f32.msk vm1, v1  }
0x357: {  	v42 =	vor.u32 $0x200, v13;
	[tilespmem:v4+s28+$0x0] =	vst.idx.add.f32.msk vm0, v3  }
0x358: {  	v4 =	vld.idx.msk [tilespmem:v20+s24+$0x0], $0xffff  }
0x359: {  	v16 =	vor.u32 v16, v17;
	vm6 =	vmmov vm1;
	v43 =	vor.u32 $0x200, v10;
	v3 =	vld.idx.msk [tilespmem:v18+s24+$0x0], $0xffff  }
0x35a: {  	s14 =	simm.s32 $0x40;
	v17 =	vor.u32 $0x200, v16;
	[tilespmem:v23+s28+$0x0] =	vst.idx.add.f32.msk vm2, v21  }
0x35b: {  	s16 =	sand.u32 $0x40, s14;
	v0 =	vor.u32 $0x300, v0;
	[tilespmem:v25+s28+$0x0] =	vst.idx.add.f32.msk vm3, v24  }
0x35c: {  	s19 =	sor.u32 s16, s11;
	v5 =	vor.u32 $0x380, v5;
	v1 =	vld.idx.msk [tilespmem:v42+s24+$0x0], $0xffff  }
0x35d: {  	v25 =	vld [tilespmem:s19+$0x0]  }
0x35e: {  	v2 =	vld.idx.msk [tilespmem:v43+s24+$0x0], $0xffff  }
0x35f: {  	s6 =	simm.s32 $0x70;
	vm4 =	vmmov vm2;
	v18 =	vor.u32 $0x280, v12;
	[tilespmem:v17+s28+$0x0] =	vst.idx.add.f32.msk vm6, v4  }
0x360: {  	s12 =	sand.u32 $0x70, s6;
	vm5 =	vmmov vm3;
	v44 =	vor.u32 $0x200, v22;
	[tilespmem:v0+s28+$0x0] =	vst.idx.add.f32.msk vm0, v3  }
0x361: {  	v45 =	vmov s14;
	s1 =	sor.u32 s12, s11;
	v20 =	vor.u32 $0x200, v19;
	v0 =	vld.idx.msk [tilespmem:v5+s24+$0x0], $0xffff  }
0x362: {  	v29 =	vor.u32 $0x300, v16;
	v48 =	vsub.s32 v30, v6;
	v4 =	vor.u32 $0x280, v10;
	v5 =	vld [tilespmem:s1+$0x0]  }
0x363: {  	v7 =	vor.u32 $0x380, v7;
	v27 =	vor.u32 $0x300, v13;
	v21 =	vor.u32 $0x280, v13  }
0x364: {  	v28 =	vor.u32 $0x300, v10;
	v31 =	vor.u32 $0x380, v13;
	v26 =	vor.u32 $0x300, v12;
	v18 =	vld.idx.msk [tilespmem:v18+s24+$0x0], $0xffff  }
0x365: {  	v23 =	vor.u32 $0x280, v22;
	v22 =	vor.u32 $0x300, v22;
	v24 =	vor.u32 $0x280, v16;
	[tilespmem:v44+s28+$0x0] =	vst.idx.add.f32.msk vm4, v1  }
0x366: {  	v12 =	vor.u32 $0x380, v12;
	v17 =	vor.u32 $0x280, v19;
	v19 =	vor.u32 $0x300, v19;
	[tilespmem:v20+s28+$0x0] =	vst.idx.add.f32.msk vm5, v2  }
0x367: {  	v46 =	vsub.s32 v25, v6;
	v25 =	vsub.s32 v11, v6;
	v4 =	vld.idx.msk [tilespmem:v4+s24+$0x0], $0xffff;
	v5 =	vsub.s32 v5, v6  }
0x368: {  	v1 =	vshll.u32 v45, $0x3;
	v20 =	vor.u32 s14, v54;
	v13 =	vld.idx.msk [tilespmem:v21+s24+$0x0], $0xffff;
	vm1 =	vgt.s32 v5, $0x0  }
0x369: {  	vm3 =	vlt.u32 v46, $0x1380;
	[tilespmem:v7+s28+$0x0] =	vst.idx.add.f32.msk vm0, v0;
	vm0 =	vgt.s32 v25, $0x0;
	v47 =	vnsel vm1, $0x0, v5  }
0x36a: {  	[tilespmem:v24+s28+$0x0] =	vst.idx.add.f32.msk vm6, v18;
	vm2 =	vlt.u32 v5, $0x1380;
	vm1 =	vgt.s32 v46, $0x0;
	v3 =	vmin.u32 v47, $0x137F  }
0x36b: {  	v50 =	vld.idx.msk [tilespmem:v26+s24+$0x0], $0xffff;
	v21 =	vnsel vm1, $0x0, v46;
	vm1 =	vgt.s32 v48, $0x0;
	v11 =	vshll.u32 v3, $0x3  }
0x36c: {  	[tilespmem:v17+s28+$0x0] =	vst.idx.add.f32.msk vm5, v4;
	v4 =	vor.u32 s6, v54;
	v3 =	vand.u32 $0x7F, v3;
	v7 =	vand.u32 $0xFC00, v11  }
0x36d: {  	[tilespmem:v23+s28+$0x0] =	vst.idx.add.f32.msk vm4, v13;
	v18 =	vnsel vm1, $0x0, v48;
	v11 =	vnsel vm0, $0x0, v25;
	v49 =	vor.u32 v3, v7  }
0x36e: {  	v17 =	vld.idx.msk [tilespmem:v27+s24+$0x0], $0xffff;
	v13 =	vand.u32 $0x7F, v4;
	v18 =	vmin.u32 v18, $0x137F;
	v24 =	vmin.u32 v11, $0x137F  }
0x36f: {  	v7 =	vmin.u32 v21, $0x137F;
	v11 =	vmov s6;
	v5 =	vshll.u32 v24, $0x3  }
0x370: {  	v27 =	vld.idx.msk [tilespmem:v28+s24+$0x0], $0xffff;
	v11 =	vshll.u32 v11, $0x3;
	v24 =	vand.u32 $0x7F, v24;
	v5 =	vand.u32 $0xFC00, v5  }
0x371: {  	[tilespmem:v29+s28+$0x0] =	vst.idx.add.f32.msk vm6, v50;
	v23 =	vshll.u32 v18, $0x3;
	v4 =	vand.u32 $0x7C00, v11;
	v5 =	vor.u32 v24, v5  }
0x372: {  	v18 =	vand.u32 $0x7F, v18;
	v21 =	vshll.u32 v7, $0x3;
	v4 =	vor.u32 v13, v4;
	v26 =	vld.idx.msk [tilespmem:v49+s24+$0x0], $0xffff  }
0x373: {  	v7 =	vand.u32 $0x7F, v7;
	v28 =	vor.u32 $0x80, v49;
	v21 =	vand.u32 $0xFC00, v21;
	[tilespmem:v22+s28+$0x0] =	vst.idx.add.f32.msk vm4, v17  }
0x374: {  	v17 =	vmov s18;
	v51 =	vor.u32 v7, v21;
	v21 =	vand.u32 $0xFC00, v23;
	v7 =	vld.idx.msk [tilespmem:v12+s24+$0x0], $0xffff  }
0x375: {  	v53 =	vshll.u32 v17, $0x3;
	[tilespmem:v19+s28+$0x0] =	vst.idx.add.f32.msk vm5, v27;
	v52 =	vor.u32 v18, v21;
	v18 =	vor.u32 s18, v54  }
0x376: {  	vm0 =	vlt.u32 v25, $0x1380;
	v23 =	vand.u32 $0x7C00, v53;
	v38 =	vand.u32 $0x5F, v18;
	v56 =	vld.idx.msk [tilespmem:v5+s24+$0x0], $0xffff  }
0x377: {  	v20 =	vand.u32 $0x4F, v20;
	v21 =	vmov s21;
	v57 =	vor.u32 v38, v23;
	[tilespmem:v4+s28+$0x0] =	vst.idx.add.f32.msk vm2, v26  }
0x378: {  	v12 =	vand.u32 $0x7C00, v1;
	v55 =	vshll.u32 v21, $0x3;
	v21 =	vor.u32 $0x80, v4;
	v22 =	vld.idx.msk [tilespmem:v28+s24+$0x0], $0xffff  }
0x379: {  	v18 =	vld.idx.msk [tilespmem:v51+s24+$0x0], $0xffff;
	v28 =	vor.u32 v20, v12  }
0x37a: {  	v24 =	vor.u32 $0x100, v49;
	v25 =	vld.idx.msk [tilespmem:v52+s24+$0x0], $0xffff  }
0x37b: {  	vm1 =	vlt.u32 v48, $0x1380;
	v17 =	vor.u32 s21, v54;
	v19 =	vor.u32 $0x80, v5;
	v12 =	vld.idx.msk [tilespmem:v31+s24+$0x0], $0xffff  }
0x37c: {  	v39 =	vand.u32 $0x6F, v17;
	v17 =	vor.u32 $0x80, v51;
	v26 =	vand.u32 $0x7C00, v55;
	[tilespmem:v57+s28+$0x0] =	vst.idx.add.f32.msk vm0, v56  }
0x37d: {  	v58 =	vor.u32 v39, v26;
	[tilespmem:v21+s28+$0x0] =	vst.idx.add.f32.msk vm2, v22  }
0x37e: {  	v10 =	vor.u32 $0x380, v10;
	[tilespmem:v28+s28+$0x0] =	vst.idx.add.f32.msk vm3, v18  }
0x37f: {  	v18 =	vor.u32 $0x100, v4;
	v21 =	vld.idx.msk [tilespmem:v24+s24+$0x0], $0xffff  }
0x380: {  	v19 =	vld.idx.msk [tilespmem:v19+s24+$0x0], $0xffff;
	v22 =	vor.u32 $0x80, v52  }
0x381: {  	v23 =	vld.idx.msk [tilespmem:v17+s24+$0x0], $0xffff;
	v24 =	vor.u32 $0x80, v28  }
0x382: {  	v59 =	vor.u32 $0x180, v49;
	vm0 =	vmmov vm0;
	[tilespmem:v58+s28+$0x0] =	vst.idx.add.f32.msk vm1, v25  }
0x383: {  	v25 =	vor.u32 $0x80, v57;
	v17 =	vld.idx.msk [tilespmem:v10+s24+$0x0], $0xffff  }
0x384: {  	vm1 =	vmmov vm1;
	[tilespmem:v18+s28+$0x0] =	vst.idx.add.f32.msk vm2, v21;
	v18 =	vor.u32 $0x100, v51  }
0x385: {  	v10 =	vor.u32 $0x80, v58;
	v21 =	vld.idx.msk [tilespmem:v22+s24+$0x0], $0xffff  }
0x386: {  	[tilespmem:v24+s28+$0x0] =	vst.idx.add.f32.msk vm3, v23;
	v23 =	vor.u32 $0x100, v5  }
0x387: {  	v22 =	vor.u32 $0x180, v4;
	v2 =	vld.idx.msk [tilespmem:v59+s24+$0x0], $0xffff  }
0x388: {  	v26 =	vor.u32 $0x200, v49;
	[tilespmem:v25+s28+$0x0] =	vst.idx.add.f32.msk vm0, v19  }
0x389: {  	v19 =	vor.u32 $0x100, v52;
	vm3 =	vmmov vm3;
	v18 =	vld.idx.msk [tilespmem:v18+s24+$0x0], $0xffff  }
0x38a: {  	v24 =	vor.u32 $0x100, v28;
	[tilespmem:v10+s28+$0x0] =	vst.idx.add.f32.msk vm1, v21  }
0x38b: {  	v25 =	vor.u32 $0x100, v57;
	v21 =	vld.idx.msk [tilespmem:v23+s24+$0x0], $0xffff  }
0x38c: {  	v60 =	vor.u32 $0x180, v51;
	[tilespmem:v22+s28+$0x0] =	vst.idx.add.f32.msk vm2, v2  }
0x38d: {  	v10 =	vor.u32 $0x200, v4;
	v22 =	vld.idx.msk [tilespmem:v26+s24+$0x0], $0xffff  }
0x38e: {  	v19 =	vld.idx.msk [tilespmem:v19+s24+$0x0], $0xffff;
	v26 =	vor.u32 $0x100, v58  }
0x38f: {  	v23 =	vor.u32 $0x280, v49;
	[tilespmem:v24+s28+$0x0] =	vst.idx.add.f32.msk vm3, v18  }
0x390: {  	v18 =	vor.u32 $0x180, v5;
	[tilespmem:v25+s28+$0x0] =	vst.idx.add.f32.msk vm0, v21  }
0x391: {  	v24 =	vor.u32 $0x180, v52;
	v2 =	vld.idx.msk [tilespmem:v60+s24+$0x0], $0xffff  }
0x392: {  	vm7 =	vmmov vm6;
	v8 =	vor.u32 v14, v8;
	v14 =	vor.u32 $0x180, v28;
	[tilespmem:v10+s28+$0x0] =	vst.idx.add.f32.msk vm2, v22  }
0x393: {  	v8 =	vor.u32 $0x380, v8;
	v9 =	vor.u32 v15, v9;
	v21 =	vor.u32 $0x200, v51;
	[tilespmem:v26+s28+$0x0] =	vst.idx.add.f32.msk vm1, v19  }
0x394: {  	v9 =	vor.u32 $0x380, v9;
	v15 =	vor.u32 $0x280, v4;
	v10 =	vor.u32 $0x380, v16;
	v16 =	vld.idx.msk [tilespmem:v23+s24+$0x0], $0xffff  }
0x395: {  	vm6 =	vmmov vm4;
	v34 =	vor.u32 $0x380, v49;
	v19 =	vor.u32 $0x300, v49;
	v40 =	vld.idx.msk [tilespmem:v18+s24+$0x0], $0xffff  }
0x396: {  	vm4 =	vmmov vm5;
	v1 =	vor.u32 v1, v20;
	v25 =	vor.u32 $0x180, v57;
	v45 =	vld.idx.msk [tilespmem:v24+s24+$0x0], $0xffff  }
0x397: {  	v42 =	vor.u32 $0x200, v5;
	v44 =	vor.u32 $0x200, v1;
	v31 =	vor.u32 $0x180, v58;
	[tilespmem:v14+s28+$0x0] =	vst.idx.add.f32.msk vm3, v2  }
0x398: {  	v41 =	vor.u32 $0x280, v51;
	v30 =	vor.u32 $0x280, v1;
	v43 =	vor.u32 $0x200, v52;
	v36 =	vld.idx.msk [tilespmem:v21+s24+$0x0], $0xffff  }
0x399: {  	v29 =	vor.u32 $0x280, v52;
	v62 =	vor.u32 v38, v53;
	v63 =	vor.u32 v39, v55;
	[tilespmem:v15+s28+$0x0] =	vst.idx.add.f32.msk vm2, v16  }
0x39a: {  	v33 =	vor.u32 $0x200, v57;
	v32 =	vor.u32 $0x380, v62;
	v4 =	vor.u32 $0x300, v4;
	v61 =	vld.idx.msk [tilespmem:v19+s24+$0x0], $0xffff  }
0x39b: {  	v27 =	vor.u32 $0x200, v58;
	v20 =	vor.u32 $0x280, v58;
	v28 =	vor.u32 $0x280, v5;
	[tilespmem:v25+s28+$0x0] =	vst.idx.add.f32.msk vm0, v40  }
0x39c: {  	v26 =	vor.u32 $0x300, v51;
	v22 =	vor.u32 $0x300, v1;
	v23 =	vor.u32 $0x280, v57;
	[tilespmem:v31+s28+$0x0] =	vst.idx.add.f32.msk vm1, v45  }
0x39d: {  	v24 =	vor.u32 $0x300, v5;
	v18 =	vor.u32 $0x300, v57;
	v14 =	vor.u32 $0x380, v52;
	v35 =	vld.idx.msk [tilespmem:v42+s24+$0x0], $0xffff  }
0x39e: {  	v21 =	vor.u32 $0x300, v52;
	v15 =	vor.u32 $0x300, v58;
	v16 =	vor.u32 $0x380, v5;
	v37 =	vld.idx.msk [tilespmem:v43+s24+$0x0], $0xffff  }
0x39f: {  	s2 =	simm.s32 $0x80;
	s1 =	simm.s32 $0x4;
	v19 =	vor.u32 $0x380, v51;
	v31 =	vor.u32 $0x380, v1;
	v25 =	vor.u32 $0x380, v63;
	[tilespmem:v4+s28+$0x0] =	vst.idx.add.f32.msk vm2, v61  }
.LBB2_11:
0x3a0: {  	s4 =	sadd.s32 s2, s7;
	v0 =	vmov s2;
	v1 =	vor.u32 s2, v54;
	s3 =	sadd.s32 $0x30, s2;
	s1 =	sadd.s32 $0x4, s1;
	v2 =	vld.idx.msk [tilespmem:v34+s24+$0x0], $0xffff;
	v3 =	vor.u32 v13, v11  }
0x3a1: {  	s4 =	sand.u32 $0x1F80, s4;
	v1 =	vand.u32 $0x4F, v1;
	v0 =	vshll.u32 v0, $0x3;
	s5 =	sand.u32 $0x70, s3;
	p1 =	slt.u32 s1, $0xFC;
	[tilespmem:v44+s28+$0x0] =	vst.idx.add.f32.msk vm3, v36;
	v3 =	vor.u32 $0x380, v3  }
0x3a2: {  	s8 =	sadd.s32 $0x10, s2;
	s10 =	sadd.s32 $0x20, s2;
	v4 =	vand.u32 $0x7C00, v0;
	v39 =	vor.u32 v0, v1;
	s5 =	sor.u32 s5, s4;
	v0 =	vld.idx.msk [tilespmem:v41+s24+$0x0], $0xffff  }
0x3a3: {  	s11 =	sand.u32 $0x40, s2;
	s14 =	sand.u32 $0x50, s8;
	v5 =	vmov s8;
	v11 =	vor.u32 s8, v54;
	s8 =	sand.u32 $0x60, s10;
	v13 =	vmov s10;
	v34 =	vld [tilespmem:s5+$0x0]  }
0x3a4: {  	v45 =	vshll.u32 v5, $0x3;
	v5 =	vor.u32 s10, v54;
	v46 =	vshll.u32 v13, $0x3;
	s5 =	sor.u32 s11, s4;
	s11 =	sor.u32 s14, s4;
	s4 =	sor.u32 s8, s4;
	[tilespmem:v33+s28+$0x0] =	vst.idx.add.f32.msk vm0, v35  }
0x3a5: {  	v47 =	vand.u32 $0x5F, v11;
	v11 =	vand.u32 $0x7C00, v45;
	v33 =	vand.u32 $0x7C00, v46;
	v13 =	vld [tilespmem:s5+$0x0]  }
0x3a6: {  	v52 =	vor.u32 v1, v4;
	v48 =	vand.u32 $0x6F, v5;
	v50 =	vor.u32 v47, v11;
	[tilespmem:v3+s28+$0x0] =	vst.idx.add.f32.msk vm2, v2  }
0x3a7: {  	v42 =	vor.u32 $0x80, v52;
	v43 =	vor.u32 $0x80, v50;
	v51 =	vor.u32 v48, v33;
	v1 =	vld [tilespmem:s11+$0x0]  }
0x3a8: {  	v35 =	vor.u32 $0x100, v50;
	v40 =	vor.u32 $0x80, v51;
	v2 =	vld [tilespmem:s4+$0x0];
	v3 =	vsub.s32 v34, v6  }
0x3a9: {  	v38 =	vor.u32 $0x100, v52;
	v36 =	vor.u32 $0x100, v51;
	vm2 =	vgt.s32 v3, $0x0;
	[tilespmem:v27+s28+$0x0] =	vst.idx.add.f32.msk vm1, v37  }
0x3aa: {  	v34 =	vor.u32 $0x180, v50;
	v4 =	vsub.s32 v13, v6;
	v5 =	vnsel vm2, $0x0, v3;
	v11 =	vld.idx.msk [tilespmem:v28+s24+$0x0], $0xffff  }
0x3ab: {  	vm5 =	vlt.u32 v4, $0x1380;
	vm2 =	vgt.s32 v4, $0x0;
	v5 =	vmin.u32 v5, $0x137F;
	v13 =	vld.idx.msk [tilespmem:v29+s24+$0x0], $0xffff  }
0x3ac: {  	v4 =	vnsel vm2, $0x0, v4;
	v1 =	vsub.s32 v1, v6;
	v27 =	vshll.u32 v5, $0x3;
	[tilespmem:v30+s28+$0x0] =	vst.idx.add.f32.msk vm3, v0  }
0x3ad: {  	v0 =	vsub.s32 v2, v6;
	v2 =	vand.u32 $0x7F, v5;
	v5 =	vand.u32 $0xFC00, v27;
	v26 =	vld.idx.msk [tilespmem:v26+s24+$0x0], $0xffff  }
0x3ae: {  	vm2 =	vgt.s32 v1, $0x0;
	vm8 =	vgt.s32 v0, $0x0;
	v37 =	vor.u32 v2, v5;
	[tilespmem:v10+s28+$0x0] =	vst.idx.add.f32.msk vm7, v7;
	v10 =	vmovc v31  }
0x3af: {  	v2 =	vmin.u32 v4, $0x137F;
	v4 =	vnsel vm2, $0x0, v1;
	v5 =	vnsel vm8, $0x0, v0;
	[tilespmem:v8+s28+$0x0] =	vst.idx.add.f32.msk vm6, v12;
	v8 =	vmovc v32  }
0x3b0: {  	v7 =	vshll.u32 v2, $0x3;
	v4 =	vmin.u32 v4, $0x137F;
	v5 =	vmin.u32 v5, $0x137F;
	[tilespmem:v23+s28+$0x0] =	vst.idx.add.f32.msk vm0, v11  }
0x3b1: {  	v12 =	vshll.u32 v4, $0x3;
	v11 =	vmov s3;
	v23 =	vshll.u32 v5, $0x3;
	[tilespmem:v20+s28+$0x0] =	vst.idx.add.f32.msk vm1, v13  }
0x3b2: {  	v7 =	vand.u32 $0xFC00, v7;
	v13 =	vor.u32 s3, v54;
	v11 =	vshll.u32 v11, $0x3;
	v20 =	vld.idx.msk [tilespmem:v24+s24+$0x0], $0xffff  }
0x3b3: {  	vm2 =	vlt.u32 v3, $0x1380;
	v13 =	vand.u32 $0x7F, v13;
	v24 =	vand.u32 $0x7C00, v11;
	v3 =	vld.idx.msk [tilespmem:v37+s24+$0x0], $0xffff  }
0x3b4: {  	v12 =	vand.u32 $0xFC00, v12;
	v23 =	vand.u32 $0xFC00, v23;
	v49 =	vor.u32 v13, v24;
	v21 =	vld.idx.msk [tilespmem:v21+s24+$0x0], $0xffff  }
0x3b5: {  	v2 =	vand.u32 $0x7F, v2;
	v4 =	vand.u32 $0x7F, v4;
	v24 =	vor.u32 $0x80, v37;
	[tilespmem:v22+s28+$0x0] =	vst.idx.add.f32.msk vm3, v26  }
0x3b6: {  	v2 =	vor.u32 v2, v7;
	v5 =	vand.u32 $0x7F, v5;
	v4 =	vor.u32 v4, v12;
	v7 =	vld.idx.msk [tilespmem:v19+s24+$0x0], $0xffff  }
0x3b7: {  	vm9 =	vlt.u32 v1, $0x1380;
	vm8 =	vlt.u32 v0, $0x1380;
	v0 =	vor.u32 v5, v23;
	[tilespmem:v9+s28+$0x0] =	vst.idx.add.f32.msk vm4, v17;
	v9 =	vmovc v25  }
0x3b8: {  	v1 =	vor.u32 $0x80, v2;
	v5 =	vor.u32 $0x80, v4;
	v17 =	vor.u32 $0x80, v0;
	[tilespmem:v18+s28+$0x0] =	vst.idx.add.f32.msk vm0, v20  }
0x3b9: {  	v53 =	vor.u32 $0x100, v2;
	v54 =	vor.u32 $0x100, v4;
	v55 =	vor.u32 $0x100, v0;
	[tilespmem:v49+s28+$0x0] =	vst.idx.add.f32.msk vm2, v3  }
0x3ba: {  	v56 =	vor.u32 $0x180, v4;
	v57 =	vor.u32 $0x180, v0;
	v3 =	vor.u32 $0x180, v2;
	v18 =	vld.idx.msk [tilespmem:v24+s24+$0x0], $0xffff  }
0x3bb: {  	v58 =	vor.u32 $0x180, v52;
	v59 =	vor.u32 $0x180, v51;
	v22 =	vor.u32 $0x80, v49;
	v19 =	vld.idx.msk [tilespmem:v2+s24+$0x0], $0xffff  }
0x3bc: {  	v31 =	vor.u32 $0x100, v37;
	v60 =	vor.u32 $0x200, v2;
	v61 =	vor.u32 $0x200, v4;
	v25 =	vld.idx.msk [tilespmem:v4+s24+$0x0], $0xffff  }
0x3bd: {  	v33 =	vor.u32 $0x200, v50;
	v27 =	vor.u32 $0x200, v51;
	v62 =	vor.u32 $0x200, v0;
	v32 =	vld.idx.msk [tilespmem:v0+s24+$0x0], $0xffff  }
0x3be: {  	v44 =	vor.u32 $0x200, v39;
	v41 =	vor.u32 $0x280, v2;
	v28 =	vor.u32 $0x280, v4;
	[tilespmem:v15+s28+$0x0] =	vst.idx.add.f32.msk vm1, v21  }
0x3bf: {  	v23 =	vor.u32 $0x280, v50;
	v29 =	vor.u32 $0x280, v0;
	v20 =	vor.u32 $0x280, v51;
	v12 =	vld.idx.msk [tilespmem:v16+s24+$0x0], $0xffff  }
0x3c0: {  	v30 =	vor.u32 $0x280, v39;
	v26 =	vor.u32 $0x300, v2;
	v24 =	vor.u32 $0x300, v4;
	[tilespmem:v22+s28+$0x0] =	vst.idx.add.f32.msk vm2, v18  }
0x3c1: {  	v21 =	vor.u32 $0x300, v0;
	v15 =	vor.u32 $0x300, v51;
	v18 =	vor.u32 $0x300, v50;
	v63 =	vld.idx.msk [tilespmem:v31+s24+$0x0], $0xffff  }
0x3c2: {  	v22 =	vor.u32 $0x300, v39;
	[tilespmem:v52+s28+$0x0] =	vst.idx.add.f32.msk vm5, v19;
	v19 =	vor.u32 $0x380, v2;
	v2 =	vor.u32 $0x100, v49  }
0x3c3: {  	v0 =	vor.u32 $0x380, v0;
	v16 =	vor.u32 $0x380, v4;
	v4 =	vor.u32 $0x180, v37;
	[tilespmem:v50+s28+$0x0] =	vst.idx.add.f32.msk vm9, v25  }
0x3c4: {  	v31 =	vor.u32 $0x380, v39;
	v39 =	vor.u32 v48, v46;
	v25 =	vor.u32 v47, v45;
	[tilespmem:v51+s28+$0x0] =	vst.idx.add.f32.msk vm8, v32  }
0x3c5: {  	vm7 =	vmmov vm3;
	v32 =	vor.u32 $0x380, v25;
	v25 =	vor.u32 $0x380, v39;
	v1 =	vld.idx.msk [tilespmem:v1+s24+$0x0], $0xffff  }
0x3c6: {  	vm6 =	vmmov vm0;
	vm3 =	vmmov vm5;
	vm0 =	vmmov vm9;
	v5 =	vld.idx.msk [tilespmem:v5+s24+$0x0], $0xffff  }
0x3c7: {  	vm4 =	vmmov vm1;
	vm1 =	vmmov vm8;
	[tilespmem:v2+s28+$0x0] =	vst.idx.add.f32.msk vm2, v63  }
0x3c8: {  	v2 =	vld.idx.msk [tilespmem:v4+s24+$0x0], $0xffff  }
0x3c9: {  	v39 =	vor.u32 $0x180, v49;
	v4 =	vld.idx.msk [tilespmem:v17+s24+$0x0], $0xffff  }
0x3ca: {  	v45 =	vor.u32 $0x200, v37;
	v17 =	vld.idx.msk [tilespmem:v14+s24+$0x0], $0xffff;
	v14 =	vmov v0  }
0x3cb: {  	[tilespmem:v42+s28+$0x0] =	vst.idx.add.f32.msk vm5, v1  }
0x3cc: {  	[tilespmem:v43+s28+$0x0] =	vst.idx.add.f32.msk vm9, v5  }
0x3cd: {  	v0 =	vld.idx.msk [tilespmem:v53+s24+$0x0], $0xffff  }
0x3ce: {  	[tilespmem:v39+s28+$0x0] =	vst.idx.add.f32.msk vm2, v2  }
0x3cf: {  	v1 =	vld.idx.msk [tilespmem:v45+s24+$0x0], $0xffff  }
0x3d0: {  	v2 =	vor.u32 $0x200, v49;
	[tilespmem:v40+s28+$0x0] =	vst.idx.add.f32.msk vm8, v4  }
0x3d1: {  	v5 =	vor.u32 $0x280, v37;
	v4 =	vld.idx.msk [tilespmem:v54+s24+$0x0], $0xffff  }
0x3d2: {  	v39 =	vld.idx.msk [tilespmem:v55+s24+$0x0], $0xffff  }
0x3d3: {  	[tilespmem:v38+s28+$0x0] =	vst.idx.add.f32.msk vm5, v0  }
0x3d4: {  	v0 =	vld.idx.msk [tilespmem:v3+s24+$0x0], $0xffff  }
0x3d5: {  	[tilespmem:v2+s28+$0x0] =	vst.idx.add.f32.msk vm2, v1  }
0x3d6: {  	v1 =	vld.idx.msk [tilespmem:v5+s24+$0x0], $0xffff  }
0x3d7: {  	v2 =	vor.u32 $0x280, v49;
	[tilespmem:v35+s28+$0x0] =	vst.idx.add.f32.msk vm9, v4  }
0x3d8: {  	v3 =	vor.u32 $0x300, v37;
	[tilespmem:v36+s28+$0x0] =	vst.idx.add.f32.msk vm8, v39  }
0x3d9: {  	v4 =	vld.idx.msk [tilespmem:v56+s24+$0x0], $0xffff  }
0x3da: {  	v5 =	vld.idx.msk [tilespmem:v57+s24+$0x0], $0xffff  }
0x3db: {  	[tilespmem:v58+s28+$0x0] =	vst.idx.add.f32.msk vm3, v0  }
0x3dc: {  	[tilespmem:v2+s28+$0x0] =	vst.idx.add.f32.msk vm2, v1  }
0x3dd: {  	v0 =	vld.idx.msk [tilespmem:v3+s24+$0x0], $0xffff  }
0x3de: {  	v1 =	vor.u32 $0x300, v49;
	v36 =	vld.idx.msk [tilespmem:v60+s24+$0x0], $0xffff  }
.Ltmp4:
0x3df: {  	[tilespmem:v34+s28+$0x0] =	vst.idx.add.f32.msk vm0, v4;
	v34 =	vor.u32 $0x380, v37;
	(pc) =	sbr.rel @p1 .LBB2_11-.Ltmp4, $4  }
0x3e0: {  	[tilespmem:v59+s28+$0x0] =	vst.idx.add.f32.msk vm1, v5  }
0x3e1: {  	v35 =	vld.idx.msk [tilespmem:v61+s24+$0x0], $0xffff  }
0x3e2: {  	v54 =	vlaneseq.u32;
	v37 =	vld.idx.msk [tilespmem:v62+s24+$0x0], $0xffff  }
0x3e3: {  	s2 =	sadd.s32 $0x40, s2;
	[tilespmem:v1+s28+$0x0] =	vst.idx.add.f32.msk vm2, v0  }
0x3e4: {  	_ =	sdelay $0x3  }
0x3e5: {  	v0 =	vld.idx.msk [tilespmem:v34+s24+$0x0], $0xffff  }
0x3e6: {  	[tilespmem:v44+s28+$0x0] =	vst.idx.add.f32.msk vm3, v36  }
0x3e7: {  	v2 =	vld.idx.msk [tilespmem:v41+s24+$0x0], $0xffff  }
0x3e8: {  	[tilespmem:v33+s28+$0x0] =	vst.idx.add.f32.msk vm0, v35  }
0x3e9: {  	[tilespmem:v27+s28+$0x0] =	vst.idx.add.f32.msk vm1, v37  }
0x3ea: {  	v3 =	vld.idx.msk [tilespmem:v28+s24+$0x0], $0xffff  }
0x3eb: {  	v4 =	vld.idx.msk [tilespmem:v29+s24+$0x0], $0xffff  }
0x3ec: {  	[tilespmem:v10+s28+$0x0] =	vst.idx.add.f32.msk vm7, v7  }
0x3ed: {  	v1 =	vor.u32 v13, v11;
	[tilespmem:v30+s28+$0x0] =	vst.idx.add.f32.msk vm3, v2  }
0x3ee: {  	v1 =	vor.u32 $0x380, v1;
	v56 =	vld.idx.msk [tilespmem:v26+s24+$0x0], $0xffff  }
0x3ef: {  	[tilespmem:v23+s28+$0x0] =	vst.idx.add.f32.msk vm0, v3  }
0x3f0: {  	[tilespmem:v20+s28+$0x0] =	vst.idx.add.f32.msk vm1, v4  }
0x3f1: {  	v57 =	vld.idx.msk [tilespmem:v24+s24+$0x0], $0xffff  }
0x3f2: {  	v58 =	vld.idx.msk [tilespmem:v21+s24+$0x0], $0xffff  }
0x3f3: {  	[tilespmem:v1+s28+$0x0] =	vst.idx.add.f32.msk vm2, v0  }
0x3f4: {  	[tilespmem:v22+s28+$0x0] =	vst.idx.add.f32.msk vm3, v56  }
0x3f5: {  	v0 =	vld.idx.msk [tilespmem:v19+s24+$0x0], $0xffff  }
0x3f6: {  	[tilespmem:v18+s28+$0x0] =	vst.idx.add.f32.msk vm0, v57  }
0x3f7: {  	vm0 =	vmmov vm0;
	[tilespmem:v15+s28+$0x0] =	vst.idx.add.f32.msk vm1, v58  }
0x3f8: {  	v1 =	vld.idx.msk [tilespmem:v16+s24+$0x0], $0xffff;
	vm1 =	vmmov vm1  }
0x3f9: {  	v2 =	vld.idx.msk [tilespmem:v14+s24+$0x0], $0xffff  }
0x3fa: {  	[tilespmem:v8+s28+$0x0] =	vst.idx.add.f32.msk vm6, v12  }
0x3fb: {  	[tilespmem:v9+s28+$0x0] =	vst.idx.add.f32.msk vm4, v17  }
0x3fc: {  	[tilespmem:v31+s28+$0x0] =	vst.idx.add.f32.msk vm3, v0  }
0x3fd: {  	[tilespmem:v32+s28+$0x0] =	vst.idx.add.f32.msk vm0, v1  }
0x3fe: {  	s1 =	sadd.s32 $0x18000, s17;
	s2 =	simm.s32 $0x0;
	[tilespmem:v25+s28+$0x0] =	vst.idx.add.f32.msk vm1, v2  }
0x3ff: {  	[tilespmem:s24], [sflag:$0x2] =	stream.linear.gather [hbm4b:s1+s2], $0x3400, $0x38;
	[tilespmem:$0x1DC00] =	vst v63  }
0x400: {  	s5 =	sadd.s32 $0x0, s7;
	s3 =	simm.s32 $0x30;
	_ =	swait.ge [sflag:s22], $0x9000  }
0x401: {  	s4 =	sand.u32 $0x70, s3;
	s1 =	sand.u32 $0x1F80, s5;
	[sflag:s22] =	ssyncset.done $0x0  }
0x402: {  	s4 =	sor.u32 s4, s1;
	v6 =	vld [tilespmem:$0x1FFC0];
	[sflag:s22] =	ssyncadd.s32 $0xFFFF7000  }
0x403: {  	s6 =	simm.s32 $0x10;
	s8 =	simm.s32 $0x20;
	s5 =	sand.u32 $0x40, s2;
	v59 =	vld [tilespmem:s4+$0x0]  }
0x404: {  	s10 =	sand.u32 $0x50, s6;
	s11 =	sand.u32 $0x60, s8;
	s5 =	sor.u32 s5, s1  }
0x405: {  	s10 =	sor.u32 s10, s1;
	s1 =	sor.u32 s11, s1;
	v60 =	vld [tilespmem:s5+$0x0]  }
0x406: {  	v63 =	vld [tilespmem:s1+$0x0]  }
0x407: {  	v61 =	vmov s2;
	v62 =	vld [tilespmem:s10+$0x0]  }
0x408: {  	v8 =	vmov s6;
	v11 =	vor.u32 s3, v54;
	v0 =	vsub.s32 v59, v6  }
0x409: {  	v9 =	vmov s8;
	v11 =	vand.u32 $0x7F, v11;
	vm0 =	vgt.s32 v0, $0x0  }
0x40a: {  	v8 =	vshll.u32 v8, $0x3;
	v9 =	vshll.u32 v9, $0x3;
	v5 =	vnsel vm0, $0x0, v0  }
0x40b: {  	v1 =	vsub.s32 v60, v6;
	v2 =	vsub.s32 v63, v6;
	v5 =	vmin.u32 v5, $0x11FF  }
0x40c: {  	v3 =	vsub.s32 v62, v6;
	vm1 =	vgt.s32 v2, $0x0;
	v7 =	vshll.u32 v5, $0x3  }
0x40d: {  	vm0 =	vgt.s32 v1, $0x0;
	v5 =	vand.u32 $0x7F, v5;
	v7 =	vand.u32 $0xFC00, v7  }
0x40e: {  	v13 =	vnsel vm1, $0x0, v2;
	v5 =	vor.u32 v5, v7;
	v7 =	vnsel vm0, $0x0, v1  }
0x40f: {  	v19 =	vmin.u32 v13, $0x11FF;
	vm0 =	vgt.s32 v3, $0x0;
	v10 =	vmin.u32 v7, $0x11FF  }
0x410: {  	v12 =	vnsel vm0, $0x0, v3;
	v7 =	vmov s3;
	vm0 =	vlt.u32 v0, $0x1200  }
0x411: {  	v7 =	vshll.u32 v7, $0x3;
	v15 =	vshll.u32 v10, $0x3;
	v12 =	vmin.u32 v12, $0x11FF  }
0x412: {  	v10 =	vand.u32 $0x7F, v10;
	v32 =	vand.u32 $0x7C00, v7;
	v15 =	vand.u32 $0xFC00, v15  }
0x413: {  	v13 =	vshll.u32 v12, $0x3;
	v22 =	vand.u32 $0x7F, v12;
	v12 =	vor.u32 v10, v15  }
0x414: {  	s21 =	simm.s32 $0x60;
	vm2 =	vmmov vm3;
	v4 =	vor.u32 s2, v54;
	s10 =	sadd.s32 $0x40, s7;
	v0 =	vor.u32 v11, v32;
	v18 =	vld.idx.msk [tilespmem:v5+s23+$0x0], $0xffff  }
0x415: {  	s31 =	sand.u32 $0x60, s21;
	v17 =	vand.u32 $0x4F, v4;
	s12 =	sand.u32 $0x1F80, s10;
	v20 =	vor.u32 $0x80, v5;
	v13 =	vand.u32 $0xFC00, v13  }
0x416: {  	v16 =	vshll.u32 v61, $0x3;
	s4 =	sor.u32 s31, s12;
	v21 =	vshll.u32 v19, $0x3;
	v13 =	vor.u32 v22, v13  }
0x417: {  	v4 =	vand.u32 $0x7C00, v16;
	v30 =	vld [tilespmem:s4+$0x0];
	v10 =	vand.u32 $0xFC00, v21;
	v15 =	vand.u32 $0x7F, v19  }
0x418: {  	v14 =	vor.u32 s6, v54;
	vm1 =	vlt.u32 v1, $0x1200;
	v10 =	vor.u32 v15, v10;
	v34 =	vld.idx.msk [tilespmem:v12+s23+$0x0], $0xffff  }
0x419: {  	s18 =	simm.s32 $0x50;
	v14 =	vand.u32 $0x5F, v14;
	v4 =	vor.u32 v17, v4;
	vm2 =	vlt.u32 v3, $0x1200;
	[tilespmem:v0+s28+$0x0] =	vst.idx.add.f32.msk vm0, v18  }
0x41a: {  	s25 =	sand.u32 $0x50, s18;
	vm3 =	vlt.u32 v2, $0x1200;
	v15 =	vand.u32 $0x7C00, v8;
	v18 =	vld.idx.msk [tilespmem:v20+s23+$0x0], $0xffff;
	v20 =	vor.u32 $0x80, v0  }
0x41b: {  	s10 =	sor.u32 s25, s12;
	v33 =	vor.u32 $0x100, v5;
	v19 =	vor.u32 s8, v54;
	v22 =	vor.u32 v14, v15;
	v35 =	vld.idx.msk [tilespmem:v13+s23+$0x0], $0xffff  }
0x41c: {  	v7 =	vor.u32 v11, v7;
	v21 =	vand.u32 $0x7C00, v9;
	v11 =	vld [tilespmem:s10+$0x0];
	v15 =	vand.u32 $0x6F, v19  }
0x41d: {  	v19 =	vor.u32 v15, v21;
	v21 =	vld.idx.msk [tilespmem:v10+s23+$0x0], $0xffff  }
0x41e: {  	v23 =	vor.u32 $0x80, v12;
	[tilespmem:v4+s28+$0x0] =	vst.idx.add.f32.msk vm1, v34  }
0x41f: {  	[tilespmem:v20+s28+$0x0] =	vst.idx.add.f32.msk vm0, v18;
	v18 =	vor.u32 $0x80, v13  }
0x420: {  	[tilespmem:v22+s28+$0x0] =	vst.idx.add.f32.msk vm2, v35;
	v20 =	vor.u32 $0x80, v10  }
0x421: {  	v36 =	vor.u32 $0x100, v0;
	v1 =	vld.idx.msk [tilespmem:v33+s23+$0x0], $0xffff  }
0x422: {  	v37 =	vor.u32 $0x180, v5;
	[tilespmem:v19+s28+$0x0] =	vst.idx.add.f32.msk vm3, v21  }
0x423: {  	v21 =	vor.u32 $0x80, v4;
	v23 =	vld.idx.msk [tilespmem:v23+s23+$0x0], $0xffff  }
0x424: {  	v25 =	vor.u32 $0x100, v12;
	v18 =	vld.idx.msk [tilespmem:v18+s23+$0x0], $0xffff  }
0x425: {  	v24 =	vor.u32 $0x80, v22;
	v39 =	vld.idx.msk [tilespmem:v20+s23+$0x0], $0xffff  }
0x426: {  	v26 =	vor.u32 $0x80, v19;
	[tilespmem:v36+s28+$0x0] =	vst.idx.add.f32.msk vm0, v1  }
0x427: {  	v38 =	vor.u32 $0x180, v0;
	v1 =	vld.idx.msk [tilespmem:v37+s23+$0x0], $0xffff  }
0x428: {  	[tilespmem:v21+s28+$0x0] =	vst.idx.add.f32.msk vm1, v23;
	v20 =	vor.u32 $0x200, v5  }
0x429: {  	v21 =	vor.u32 $0x100, v13;
	v23 =	vld.idx.msk [tilespmem:v25+s23+$0x0], $0xffff  }
0x42a: {  	[tilespmem:v24+s28+$0x0] =	vst.idx.add.f32.msk vm2, v18;
	v18 =	vor.u32 $0x100, v10  }
0x42b: {  	v24 =	vor.u32 $0x100, v4;
	[tilespmem:v26+s28+$0x0] =	vst.idx.add.f32.msk vm3, v39  }
0x42c: {  	v40 =	vor.u32 $0x180, v12;
	[tilespmem:v38+s28+$0x0] =	vst.idx.add.f32.msk vm0, v1  }
0x42d: {  	v41 =	vor.u32 $0x200, v0;
	v2 =	vld.idx.msk [tilespmem:v20+s23+$0x0], $0xffff  }
0x42e: {  	v25 =	vor.u32 $0x100, v22;
	v20 =	vld.idx.msk [tilespmem:v21+s23+$0x0], $0xffff  }
0x42f: {  	v21 =	vor.u32 $0x280, v5;
	v18 =	vld.idx.msk [tilespmem:v18+s23+$0x0], $0xffff  }
0x430: {  	v26 =	vor.u32 $0x100, v19;
	[tilespmem:v24+s28+$0x0] =	vst.idx.add.f32.msk vm1, v23  }
0x431: {  	v23 =	vor.u32 $0x180, v13;
	v1 =	vld.idx.msk [tilespmem:v40+s23+$0x0], $0xffff  }
0x432: {  	v24 =	vor.u32 $0x180, v10;
	[tilespmem:v41+s28+$0x0] =	vst.idx.add.f32.msk vm0, v2  }
0x433: {  	v42 =	vor.u32 $0x180, v4;
	[tilespmem:v25+s28+$0x0] =	vst.idx.add.f32.msk vm2, v20  }
0x434: {  	v4 =	vor.u32 $0x280, v0;
	v3 =	vld.idx.msk [tilespmem:v21+s23+$0x0], $0xffff  }
0x435: {  	v20 =	vor.u32 $0x200, v12;
	[tilespmem:v26+s28+$0x0] =	vst.idx.add.f32.msk vm3, v18  }
0x436: {  	v18 =	vor.u32 $0x300, v5;
	v21 =	vld.idx.msk [tilespmem:v23+s23+$0x0], $0xffff  }
0x437: {  	v23 =	vor.u32 $0x180, v22;
	v24 =	vld.idx.msk [tilespmem:v24+s23+$0x0], $0xffff  }
0x438: {  	v25 =	vor.u32 $0x180, v19;
	[tilespmem:v42+s28+$0x0] =	vst.idx.add.f32.msk vm1, v1  }
0x439: {  	v43 =	vor.u32 $0x200, v13;
	[tilespmem:v4+s28+$0x0] =	vst.idx.add.f32.msk vm0, v3  }
0x43a: {  	v4 =	vld.idx.msk [tilespmem:v20+s23+$0x0], $0xffff  }
0x43b: {  	v17 =	vor.u32 v16, v17;
	vm6 =	vmmov vm1;
	v44 =	vor.u32 $0x200, v10;
	v3 =	vld.idx.msk [tilespmem:v18+s23+$0x0], $0xffff  }
0x43c: {  	s16 =	simm.s32 $0x40;
	v16 =	vor.u32 $0x200, v17;
	[tilespmem:v23+s28+$0x0] =	vst.idx.add.f32.msk vm2, v21  }
0x43d: {  	s17 =	sand.u32 $0x40, s16;
	v0 =	vor.u32 $0x300, v0;
	[tilespmem:v25+s28+$0x0] =	vst.idx.add.f32.msk vm3, v24  }
0x43e: {  	s19 =	sor.u32 s17, s12;
	v5 =	vor.u32 $0x380, v5;
	v1 =	vld.idx.msk [tilespmem:v43+s23+$0x0], $0xffff  }
0x43f: {  	v25 =	vld [tilespmem:s19+$0x0]  }
0x440: {  	v2 =	vld.idx.msk [tilespmem:v44+s23+$0x0], $0xffff  }
0x441: {  	s11 =	simm.s32 $0x70;
	vm4 =	vmmov vm2;
	v18 =	vor.u32 $0x280, v12;
	[tilespmem:v16+s28+$0x0] =	vst.idx.add.f32.msk vm6, v4  }
0x442: {  	s14 =	sand.u32 $0x70, s11;
	vm5 =	vmmov vm3;
	v45 =	vor.u32 $0x200, v22;
	[tilespmem:v0+s28+$0x0] =	vst.idx.add.f32.msk vm0, v3  }
0x443: {  	v46 =	vmov s16;
	s1 =	sor.u32 s14, s12;
	v20 =	vor.u32 $0x200, v19;
	v0 =	vld.idx.msk [tilespmem:v5+s23+$0x0], $0xffff  }
0x444: {  	v29 =	vor.u32 $0x300, v17;
	v49 =	vsub.s32 v30, v6;
	v4 =	vor.u32 $0x280, v10;
	v5 =	vld [tilespmem:s1+$0x0]  }
0x445: {  	v7 =	vor.u32 $0x380, v7;
	v27 =	vor.u32 $0x300, v13;
	v21 =	vor.u32 $0x280, v13  }
0x446: {  	v28 =	vor.u32 $0x300, v10;
	v31 =	vor.u32 $0x380, v13;
	v26 =	vor.u32 $0x300, v12;
	v18 =	vld.idx.msk [tilespmem:v18+s23+$0x0], $0xffff  }
0x447: {  	v23 =	vor.u32 $0x280, v22;
	v22 =	vor.u32 $0x300, v22;
	v24 =	vor.u32 $0x280, v17;
	[tilespmem:v45+s28+$0x0] =	vst.idx.add.f32.msk vm4, v1  }
0x448: {  	v12 =	vor.u32 $0x380, v12;
	v16 =	vor.u32 $0x280, v19;
	v19 =	vor.u32 $0x300, v19;
	[tilespmem:v20+s28+$0x0] =	vst.idx.add.f32.msk vm5, v2  }
0x449: {  	v47 =	vsub.s32 v25, v6;
	v25 =	vsub.s32 v11, v6;
	v4 =	vld.idx.msk [tilespmem:v4+s23+$0x0], $0xffff;
	v5 =	vsub.s32 v5, v6  }
0x44a: {  	v1 =	vshll.u32 v46, $0x3;
	v20 =	vor.u32 s16, v54;
	v13 =	vld.idx.msk [tilespmem:v21+s23+$0x0], $0xffff;
	vm1 =	vgt.s32 v5, $0x0  }
0x44b: {  	vm3 =	vlt.u32 v47, $0x1200;
	[tilespmem:v7+s28+$0x0] =	vst.idx.add.f32.msk vm0, v0;
	vm0 =	vgt.s32 v25, $0x0;
	v48 =	vnsel vm1, $0x0, v5  }
0x44c: {  	[tilespmem:v24+s28+$0x0] =	vst.idx.add.f32.msk vm6, v18;
	vm2 =	vlt.u32 v5, $0x1200;
	vm1 =	vgt.s32 v47, $0x0;
	v3 =	vmin.u32 v48, $0x11FF  }
0x44d: {  	v51 =	vld.idx.msk [tilespmem:v26+s23+$0x0], $0xffff;
	v21 =	vnsel vm1, $0x0, v47;
	vm1 =	vgt.s32 v49, $0x0;
	v11 =	vshll.u32 v3, $0x3  }
0x44e: {  	[tilespmem:v16+s28+$0x0] =	vst.idx.add.f32.msk vm5, v4;
	v4 =	vor.u32 s11, v54;
	v3 =	vand.u32 $0x7F, v3;
	v7 =	vand.u32 $0xFC00, v11  }
0x44f: {  	[tilespmem:v23+s28+$0x0] =	vst.idx.add.f32.msk vm4, v13;
	v18 =	vnsel vm1, $0x0, v49;
	v11 =	vnsel vm0, $0x0, v25;
	v50 =	vor.u32 v3, v7  }
0x450: {  	v16 =	vld.idx.msk [tilespmem:v27+s23+$0x0], $0xffff;
	v13 =	vand.u32 $0x7F, v4;
	v18 =	vmin.u32 v18, $0x11FF;
	v24 =	vmin.u32 v11, $0x11FF  }
0x451: {  	v7 =	vmin.u32 v21, $0x11FF;
	v11 =	vmov s11;
	v5 =	vshll.u32 v24, $0x3  }
0x452: {  	v27 =	vld.idx.msk [tilespmem:v28+s23+$0x0], $0xffff;
	v11 =	vshll.u32 v11, $0x3;
	v24 =	vand.u32 $0x7F, v24;
	v5 =	vand.u32 $0xFC00, v5  }
0x453: {  	[tilespmem:v29+s28+$0x0] =	vst.idx.add.f32.msk vm6, v51;
	v23 =	vshll.u32 v18, $0x3;
	v4 =	vand.u32 $0x7C00, v11;
	v5 =	vor.u32 v24, v5  }
0x454: {  	v18 =	vand.u32 $0x7F, v18;
	v21 =	vshll.u32 v7, $0x3;
	v4 =	vor.u32 v13, v4;
	v26 =	vld.idx.msk [tilespmem:v50+s23+$0x0], $0xffff  }
0x455: {  	v7 =	vand.u32 $0x7F, v7;
	v28 =	vor.u32 $0x80, v50;
	v21 =	vand.u32 $0xFC00, v21;
	[tilespmem:v22+s28+$0x0] =	vst.idx.add.f32.msk vm4, v16  }
0x456: {  	v16 =	vmov s18;
	v52 =	vor.u32 v7, v21;
	v21 =	vand.u32 $0xFC00, v23;
	v7 =	vld.idx.msk [tilespmem:v12+s23+$0x0], $0xffff  }
0x457: {  	v55 =	vshll.u32 v16, $0x3;
	[tilespmem:v19+s28+$0x0] =	vst.idx.add.f32.msk vm5, v27;
	v53 =	vor.u32 v18, v21;
	v18 =	vor.u32 s18, v54  }
0x458: {  	vm0 =	vlt.u32 v25, $0x1200;
	v23 =	vand.u32 $0x7C00, v55;
	v38 =	vand.u32 $0x5F, v18;
	v57 =	vld.idx.msk [tilespmem:v5+s23+$0x0], $0xffff  }
0x459: {  	v20 =	vand.u32 $0x4F, v20;
	v21 =	vmov s21;
	v23 =	vor.u32 v38, v23;
	[tilespmem:v4+s28+$0x0] =	vst.idx.add.f32.msk vm2, v26  }
0x45a: {  	v12 =	vand.u32 $0x7C00, v1;
	v56 =	vshll.u32 v21, $0x3;
	v21 =	vor.u32 $0x80, v4;
	v22 =	vld.idx.msk [tilespmem:v28+s23+$0x0], $0xffff  }
0x45b: {  	vm1 =	vlt.u32 v49, $0x1200;
	v16 =	vor.u32 s21, v54;
	v18 =	vld.idx.msk [tilespmem:v52+s23+$0x0], $0xffff;
	v28 =	vor.u32 v20, v12  }
0x45c: {  	v24 =	vor.u32 $0x100, v50;
	v39 =	vand.u32 $0x6F, v16;
	v25 =	vld.idx.msk [tilespmem:v53+s23+$0x0], $0xffff;
	v26 =	vand.u32 $0x7C00, v56  }
0x45d: {  	v58 =	vor.u32 v39, v26;
	v12 =	vld.idx.msk [tilespmem:v31+s23+$0x0], $0xffff  }
0x45e: {  	v16 =	vor.u32 $0x80, v52;
	[tilespmem:v23+s28+$0x0] =	vst.idx.add.f32.msk vm0, v57  }
0x45f: {  	v19 =	vor.u32 $0x80, v5;
	[tilespmem:v21+s28+$0x0] =	vst.idx.add.f32.msk vm2, v22  }
0x460: {  	v10 =	vor.u32 $0x380, v10;
	[tilespmem:v28+s28+$0x0] =	vst.idx.add.f32.msk vm3, v18  }
0x461: {  	v18 =	vor.u32 $0x100, v4;
	v21 =	vld.idx.msk [tilespmem:v24+s23+$0x0], $0xffff  }
0x462: {  	v22 =	vor.u32 $0x80, v53;
	[tilespmem:v58+s28+$0x0] =	vst.idx.add.f32.msk vm1, v25  }
0x463: {  	v25 =	vor.u32 $0x80, v28;
	v24 =	vld.idx.msk [tilespmem:v16+s23+$0x0], $0xffff  }
0x464: {  	v59 =	vor.u32 $0x180, v50;
	vm0 =	vmmov vm0;
	v19 =	vld.idx.msk [tilespmem:v19+s23+$0x0], $0xffff  }
0x465: {  	v26 =	vor.u32 $0x80, v23;
	v16 =	vld.idx.msk [tilespmem:v10+s23+$0x0], $0xffff  }
0x466: {  	vm1 =	vmmov vm1;
	[tilespmem:v18+s28+$0x0] =	vst.idx.add.f32.msk vm2, v21;
	v18 =	vor.u32 $0x100, v52  }
0x467: {  	v10 =	vor.u32 $0x80, v58;
	v21 =	vld.idx.msk [tilespmem:v22+s23+$0x0], $0xffff  }
0x468: {  	[tilespmem:v25+s28+$0x0] =	vst.idx.add.f32.msk vm3, v24;
	v24 =	vor.u32 $0x100, v5  }
0x469: {  	v22 =	vor.u32 $0x180, v4;
	v2 =	vld.idx.msk [tilespmem:v59+s23+$0x0], $0xffff  }
0x46a: {  	v27 =	vor.u32 $0x200, v50;
	[tilespmem:v26+s28+$0x0] =	vst.idx.add.f32.msk vm0, v19  }
0x46b: {  	v19 =	vor.u32 $0x100, v53;
	vm3 =	vmmov vm3;
	v18 =	vld.idx.msk [tilespmem:v18+s23+$0x0], $0xffff  }
0x46c: {  	v25 =	vor.u32 $0x100, v28;
	[tilespmem:v10+s28+$0x0] =	vst.idx.add.f32.msk vm1, v21  }
0x46d: {  	v26 =	vor.u32 $0x100, v23;
	v21 =	vld.idx.msk [tilespmem:v24+s23+$0x0], $0xffff  }
0x46e: {  	v60 =	vor.u32 $0x180, v52;
	[tilespmem:v22+s28+$0x0] =	vst.idx.add.f32.msk vm2, v2  }
0x46f: {  	v10 =	vor.u32 $0x200, v4;
	v22 =	vld.idx.msk [tilespmem:v27+s23+$0x0], $0xffff  }
0x470: {  	v19 =	vld.idx.msk [tilespmem:v19+s23+$0x0], $0xffff;
	v27 =	vor.u32 $0x100, v58  }
0x471: {  	v24 =	vor.u32 $0x280, v50;
	[tilespmem:v25+s28+$0x0] =	vst.idx.add.f32.msk vm3, v18  }
0x472: {  	v18 =	vor.u32 $0x180, v5;
	[tilespmem:v26+s28+$0x0] =	vst.idx.add.f32.msk vm0, v21  }
0x473: {  	v25 =	vor.u32 $0x180, v53;
	v2 =	vld.idx.msk [tilespmem:v60+s23+$0x0], $0xffff  }
0x474: {  	vm7 =	vmmov vm6;
	v8 =	vor.u32 v14, v8;
	v14 =	vor.u32 $0x180, v28;
	[tilespmem:v10+s28+$0x0] =	vst.idx.add.f32.msk vm2, v22  }
0x475: {  	v8 =	vor.u32 $0x380, v8;
	v9 =	vor.u32 v15, v9;
	[tilespmem:v27+s28+$0x0] =	vst.idx.add.f32.msk vm1, v19;
	v22 =	vor.u32 $0x200, v52  }
0x476: {  	v9 =	vor.u32 $0x380, v9;
	v15 =	vor.u32 $0x280, v4;
	v10 =	vor.u32 $0x380, v17;
	v17 =	vld.idx.msk [tilespmem:v24+s23+$0x0], $0xffff  }
0x477: {  	vm6 =	vmmov vm4;
	v34 =	vor.u32 $0x380, v50;
	v19 =	vor.u32 $0x300, v50;
	v40 =	vld.idx.msk [tilespmem:v18+s23+$0x0], $0xffff  }
0x478: {  	vm4 =	vmmov vm5;
	v1 =	vor.u32 v1, v20;
	v20 =	vor.u32 $0x180, v23;
	v45 =	vld.idx.msk [tilespmem:v25+s23+$0x0], $0xffff  }
0x479: {  	v42 =	vor.u32 $0x200, v5;
	v44 =	vor.u32 $0x200, v1;
	v31 =	vor.u32 $0x180, v58;
	[tilespmem:v14+s28+$0x0] =	vst.idx.add.f32.msk vm3, v2  }
0x47a: {  	v41 =	vor.u32 $0x280, v52;
	v30 =	vor.u32 $0x280, v1;
	v43 =	vor.u32 $0x200, v53;
	v36 =	vld.idx.msk [tilespmem:v22+s23+$0x0], $0xffff  }
0x47b: {  	v29 =	vor.u32 $0x280, v53;
	v62 =	vor.u32 v38, v55;
	v63 =	vor.u32 v39, v56;
	[tilespmem:v15+s28+$0x0] =	vst.idx.add.f32.msk vm2, v17  }
0x47c: {  	v33 =	vor.u32 $0x200, v23;
	v32 =	vor.u32 $0x380, v62;
	v4 =	vor.u32 $0x300, v4;
	v61 =	vld.idx.msk [tilespmem:v19+s23+$0x0], $0xffff  }
0x47d: {  	v28 =	vor.u32 $0x280, v5;
	v21 =	vor.u32 $0x280, v58;
	v26 =	vor.u32 $0x300, v52;
	[tilespmem:v20+s28+$0x0] =	vst.idx.add.f32.msk vm0, v40  }
0x47e: {  	v27 =	vor.u32 $0x200, v58;
	v24 =	vor.u32 $0x280, v23;
	v25 =	vor.u32 $0x300, v5;
	[tilespmem:v31+s28+$0x0] =	vst.idx.add.f32.msk vm1, v45  }
0x47f: {  	v18 =	vor.u32 $0x300, v23;
	v23 =	vor.u32 $0x300, v1;
	v14 =	vor.u32 $0x380, v53;
	v35 =	vld.idx.msk [tilespmem:v42+s23+$0x0], $0xffff  }
0x480: {  	v22 =	vor.u32 $0x300, v53;
	v15 =	vor.u32 $0x300, v58;
	v17 =	vor.u32 $0x380, v5;
	v37 =	vld.idx.msk [tilespmem:v43+s23+$0x0], $0xffff  }
0x481: {  	s2 =	simm.s32 $0x80;
	s1 =	simm.s32 $0x4;
	v19 =	vor.u32 $0x380, v52;
	v31 =	vor.u32 $0x380, v1;
	v20 =	vor.u32 $0x380, v63;
	[tilespmem:v4+s28+$0x0] =	vst.idx.add.f32.msk vm2, v61  }
.LBB2_13:
0x482: {  	s4 =	sadd.s32 s2, s7;
	v0 =	vmov s2;
	v1 =	vor.u32 s2, v54;
	s3 =	sadd.s32 $0x30, s2;
	s1 =	sadd.s32 $0x4, s1;
	v2 =	vld.idx.msk [tilespmem:v34+s23+$0x0], $0xffff;
	v3 =	vor.u32 v13, v11  }
0x483: {  	s4 =	sand.u32 $0x1F80, s4;
	v1 =	vand.u32 $0x4F, v1;
	v0 =	vshll.u32 v0, $0x3;
	s5 =	sand.u32 $0x70, s3;
	p1 =	slt.u32 s1, $0xFC;
	[tilespmem:v44+s28+$0x0] =	vst.idx.add.f32.msk vm3, v36;
	v3 =	vor.u32 $0x380, v3  }
0x484: {  	s8 =	sadd.s32 $0x10, s2;
	s10 =	sadd.s32 $0x20, s2;
	v4 =	vand.u32 $0x7C00, v0;
	v39 =	vor.u32 v0, v1;
	s5 =	sor.u32 s5, s4;
	v0 =	vld.idx.msk [tilespmem:v41+s23+$0x0], $0xffff  }
0x485: {  	s11 =	sand.u32 $0x40, s2;
	s14 =	sand.u32 $0x50, s8;
	v5 =	vmov s8;
	v11 =	vor.u32 s8, v54;
	s8 =	sand.u32 $0x60, s10;
	v13 =	vmov s10;
	v34 =	vld [tilespmem:s5+$0x0]  }
0x486: {  	v45 =	vshll.u32 v5, $0x3;
	v5 =	vor.u32 s10, v54;
	v46 =	vshll.u32 v13, $0x3;
	s5 =	sor.u32 s11, s4;
	s11 =	sor.u32 s14, s4;
	s4 =	sor.u32 s8, s4;
	[tilespmem:v33+s28+$0x0] =	vst.idx.add.f32.msk vm0, v35  }
0x487: {  	v47 =	vand.u32 $0x5F, v11;
	v11 =	vand.u32 $0x7C00, v45;
	v33 =	vand.u32 $0x7C00, v46;
	v13 =	vld [tilespmem:s5+$0x0]  }
0x488: {  	v52 =	vor.u32 v1, v4;
	v48 =	vand.u32 $0x6F, v5;
	v50 =	vor.u32 v47, v11;
	[tilespmem:v3+s28+$0x0] =	vst.idx.add.f32.msk vm2, v2  }
0x489: {  	v42 =	vor.u32 $0x80, v52;
	v43 =	vor.u32 $0x80, v50;
	v51 =	vor.u32 v48, v33;
	v1 =	vld [tilespmem:s11+$0x0]  }
0x48a: {  	v35 =	vor.u32 $0x100, v50;
	v40 =	vor.u32 $0x80, v51;
	v2 =	vld [tilespmem:s4+$0x0];
	v3 =	vsub.s32 v34, v6  }
0x48b: {  	v38 =	vor.u32 $0x100, v52;
	v36 =	vor.u32 $0x100, v51;
	vm2 =	vgt.s32 v3, $0x0;
	[tilespmem:v27+s28+$0x0] =	vst.idx.add.f32.msk vm1, v37  }
0x48c: {  	v34 =	vor.u32 $0x180, v50;
	v4 =	vsub.s32 v13, v6;
	v5 =	vnsel vm2, $0x0, v3;
	v11 =	vld.idx.msk [tilespmem:v28+s23+$0x0], $0xffff  }
0x48d: {  	vm5 =	vlt.u32 v4, $0x1200;
	vm2 =	vgt.s32 v4, $0x0;
	v5 =	vmin.u32 v5, $0x11FF;
	v13 =	vld.idx.msk [tilespmem:v29+s23+$0x0], $0xffff  }
0x48e: {  	v4 =	vnsel vm2, $0x0, v4;
	v1 =	vsub.s32 v1, v6;
	v27 =	vshll.u32 v5, $0x3;
	[tilespmem:v30+s28+$0x0] =	vst.idx.add.f32.msk vm3, v0  }
0x48f: {  	v0 =	vsub.s32 v2, v6;
	v2 =	vand.u32 $0x7F, v5;
	v5 =	vand.u32 $0xFC00, v27;
	v26 =	vld.idx.msk [tilespmem:v26+s23+$0x0], $0xffff  }
0x490: {  	vm2 =	vgt.s32 v1, $0x0;
	vm8 =	vgt.s32 v0, $0x0;
	v37 =	vor.u32 v2, v5;
	[tilespmem:v10+s28+$0x0] =	vst.idx.add.f32.msk vm7, v7;
	v10 =	vmovc v31  }
0x491: {  	v2 =	vmin.u32 v4, $0x11FF;
	v4 =	vnsel vm2, $0x0, v1;
	v5 =	vnsel vm8, $0x0, v0;
	[tilespmem:v8+s28+$0x0] =	vst.idx.add.f32.msk vm6, v12;
	v8 =	vmovc v32  }
0x492: {  	v7 =	vshll.u32 v2, $0x3;
	v4 =	vmin.u32 v4, $0x11FF;
	v5 =	vmin.u32 v5, $0x11FF;
	[tilespmem:v24+s28+$0x0] =	vst.idx.add.f32.msk vm0, v11  }
0x493: {  	v12 =	vshll.u32 v4, $0x3;
	v11 =	vmov s3;
	v24 =	vshll.u32 v5, $0x3;
	[tilespmem:v21+s28+$0x0] =	vst.idx.add.f32.msk vm1, v13  }
0x494: {  	v7 =	vand.u32 $0xFC00, v7;
	v13 =	vor.u32 s3, v54;
	v11 =	vshll.u32 v11, $0x3;
	v21 =	vld.idx.msk [tilespmem:v25+s23+$0x0], $0xffff  }
0x495: {  	vm2 =	vlt.u32 v3, $0x1200;
	v13 =	vand.u32 $0x7F, v13;
	v25 =	vand.u32 $0x7C00, v11;
	v3 =	vld.idx.msk [tilespmem:v37+s23+$0x0], $0xffff  }
0x496: {  	v12 =	vand.u32 $0xFC00, v12;
	v24 =	vand.u32 $0xFC00, v24;
	v49 =	vor.u32 v13, v25;
	v22 =	vld.idx.msk [tilespmem:v22+s23+$0x0], $0xffff  }
0x497: {  	v2 =	vand.u32 $0x7F, v2;
	v4 =	vand.u32 $0x7F, v4;
	v25 =	vor.u32 $0x80, v37;
	[tilespmem:v23+s28+$0x0] =	vst.idx.add.f32.msk vm3, v26  }
0x498: {  	v2 =	vor.u32 v2, v7;
	v5 =	vand.u32 $0x7F, v5;
	v4 =	vor.u32 v4, v12;
	v7 =	vld.idx.msk [tilespmem:v19+s23+$0x0], $0xffff  }
0x499: {  	vm9 =	vlt.u32 v1, $0x1200;
	vm8 =	vlt.u32 v0, $0x1200;
	v0 =	vor.u32 v5, v24;
	[tilespmem:v9+s28+$0x0] =	vst.idx.add.f32.msk vm4, v16;
	v9 =	vmovc v20  }
0x49a: {  	v1 =	vor.u32 $0x80, v2;
	v5 =	vor.u32 $0x80, v4;
	v16 =	vor.u32 $0x80, v0;
	[tilespmem:v18+s28+$0x0] =	vst.idx.add.f32.msk vm0, v21  }
0x49b: {  	v53 =	vor.u32 $0x100, v2;
	v54 =	vor.u32 $0x100, v4;
	v55 =	vor.u32 $0x100, v0;
	[tilespmem:v49+s28+$0x0] =	vst.idx.add.f32.msk vm2, v3  }
0x49c: {  	v56 =	vor.u32 $0x180, v4;
	v57 =	vor.u32 $0x180, v0;
	v3 =	vor.u32 $0x180, v2;
	v18 =	vld.idx.msk [tilespmem:v25+s23+$0x0], $0xffff  }
0x49d: {  	v58 =	vor.u32 $0x180, v52;
	v59 =	vor.u32 $0x180, v51;
	v20 =	vor.u32 $0x80, v49;
	v19 =	vld.idx.msk [tilespmem:v2+s23+$0x0], $0xffff  }
0x49e: {  	v60 =	vor.u32 $0x200, v2;
	v61 =	vor.u32 $0x200, v4;
	v23 =	vor.u32 $0x100, v37;
	v31 =	vld.idx.msk [tilespmem:v4+s23+$0x0], $0xffff  }
0x49f: {  	v33 =	vor.u32 $0x200, v50;
	v27 =	vor.u32 $0x200, v51;
	v62 =	vor.u32 $0x200, v0;
	v32 =	vld.idx.msk [tilespmem:v0+s23+$0x0], $0xffff  }
0x4a0: {  	v44 =	vor.u32 $0x200, v39;
	v41 =	vor.u32 $0x280, v2;
	v28 =	vor.u32 $0x280, v4;
	[tilespmem:v15+s28+$0x0] =	vst.idx.add.f32.msk vm1, v22  }
0x4a1: {  	v24 =	vor.u32 $0x280, v50;
	v29 =	vor.u32 $0x280, v0;
	v21 =	vor.u32 $0x280, v51;
	v12 =	vld.idx.msk [tilespmem:v17+s23+$0x0], $0xffff  }
0x4a2: {  	v30 =	vor.u32 $0x280, v39;
	v26 =	vor.u32 $0x300, v2;
	v25 =	vor.u32 $0x300, v4;
	[tilespmem:v20+s28+$0x0] =	vst.idx.add.f32.msk vm2, v18  }
0x4a3: {  	v22 =	vor.u32 $0x300, v0;
	v15 =	vor.u32 $0x300, v51;
	v18 =	vor.u32 $0x300, v50;
	v63 =	vld.idx.msk [tilespmem:v23+s23+$0x0], $0xffff  }
0x4a4: {  	v23 =	vor.u32 $0x300, v39;
	[tilespmem:v52+s28+$0x0] =	vst.idx.add.f32.msk vm5, v19;
	v19 =	vor.u32 $0x380, v2;
	v2 =	vor.u32 $0x100, v49  }
0x4a5: {  	v0 =	vor.u32 $0x380, v0;
	v17 =	vor.u32 $0x380, v4;
	v4 =	vor.u32 $0x180, v37;
	[tilespmem:v50+s28+$0x0] =	vst.idx.add.f32.msk vm9, v31  }
0x4a6: {  	v20 =	vor.u32 v47, v45;
	v31 =	vor.u32 $0x380, v39;
	v39 =	vor.u32 v48, v46;
	[tilespmem:v51+s28+$0x0] =	vst.idx.add.f32.msk vm8, v32  }
0x4a7: {  	vm7 =	vmmov vm3;
	v32 =	vor.u32 $0x380, v20;
	v20 =	vor.u32 $0x380, v39;
	v1 =	vld.idx.msk [tilespmem:v1+s23+$0x0], $0xffff  }
0x4a8: {  	vm6 =	vmmov vm0;
	vm3 =	vmmov vm5;
	vm0 =	vmmov vm9;
	v5 =	vld.idx.msk [tilespmem:v5+s23+$0x0], $0xffff  }
0x4a9: {  	vm4 =	vmmov vm1;
	vm1 =	vmmov vm8;
	[tilespmem:v2+s28+$0x0] =	vst.idx.add.f32.msk vm2, v63  }
0x4aa: {  	v2 =	vld.idx.msk [tilespmem:v4+s23+$0x0], $0xffff  }
0x4ab: {  	v39 =	vor.u32 $0x180, v49;
	v4 =	vld.idx.msk [tilespmem:v16+s23+$0x0], $0xffff  }
0x4ac: {  	v45 =	vor.u32 $0x200, v37;
	v16 =	vld.idx.msk [tilespmem:v14+s23+$0x0], $0xffff;
	v14 =	vmov v0  }
0x4ad: {  	[tilespmem:v42+s28+$0x0] =	vst.idx.add.f32.msk vm5, v1  }
0x4ae: {  	[tilespmem:v43+s28+$0x0] =	vst.idx.add.f32.msk vm9, v5  }
0x4af: {  	v0 =	vld.idx.msk [tilespmem:v53+s23+$0x0], $0xffff  }
0x4b0: {  	[tilespmem:v39+s28+$0x0] =	vst.idx.add.f32.msk vm2, v2  }
0x4b1: {  	v1 =	vld.idx.msk [tilespmem:v45+s23+$0x0], $0xffff  }
0x4b2: {  	v2 =	vor.u32 $0x200, v49;
	[tilespmem:v40+s28+$0x0] =	vst.idx.add.f32.msk vm8, v4  }
0x4b3: {  	v5 =	vor.u32 $0x280, v37;
	v4 =	vld.idx.msk [tilespmem:v54+s23+$0x0], $0xffff  }
0x4b4: {  	v39 =	vld.idx.msk [tilespmem:v55+s23+$0x0], $0xffff  }
0x4b5: {  	[tilespmem:v38+s28+$0x0] =	vst.idx.add.f32.msk vm5, v0  }
0x4b6: {  	v0 =	vld.idx.msk [tilespmem:v3+s23+$0x0], $0xffff  }
0x4b7: {  	[tilespmem:v2+s28+$0x0] =	vst.idx.add.f32.msk vm2, v1  }
0x4b8: {  	v1 =	vld.idx.msk [tilespmem:v5+s23+$0x0], $0xffff  }
0x4b9: {  	v2 =	vor.u32 $0x280, v49;
	[tilespmem:v35+s28+$0x0] =	vst.idx.add.f32.msk vm9, v4  }
0x4ba: {  	v3 =	vor.u32 $0x300, v37;
	[tilespmem:v36+s28+$0x0] =	vst.idx.add.f32.msk vm8, v39  }
0x4bb: {  	v4 =	vld.idx.msk [tilespmem:v56+s23+$0x0], $0xffff  }
0x4bc: {  	v5 =	vld.idx.msk [tilespmem:v57+s23+$0x0], $0xffff  }
0x4bd: {  	[tilespmem:v58+s28+$0x0] =	vst.idx.add.f32.msk vm3, v0  }
0x4be: {  	[tilespmem:v2+s28+$0x0] =	vst.idx.add.f32.msk vm2, v1  }
0x4bf: {  	v0 =	vld.idx.msk [tilespmem:v3+s23+$0x0], $0xffff  }
0x4c0: {  	v1 =	vor.u32 $0x300, v49;
	v36 =	vld.idx.msk [tilespmem:v60+s23+$0x0], $0xffff  }
.Ltmp5:
0x4c1: {  	[tilespmem:v34+s28+$0x0] =	vst.idx.add.f32.msk vm0, v4;
	v34 =	vor.u32 $0x380, v37;
	(pc) =	sbr.rel @p1 .LBB2_13-.Ltmp5, $4  }
0x4c2: {  	[tilespmem:v59+s28+$0x0] =	vst.idx.add.f32.msk vm1, v5  }
0x4c3: {  	v35 =	vld.idx.msk [tilespmem:v61+s23+$0x0], $0xffff  }
0x4c4: {  	v54 =	vlaneseq.u32;
	v37 =	vld.idx.msk [tilespmem:v62+s23+$0x0], $0xffff  }
0x4c5: {  	s2 =	sadd.s32 $0x40, s2;
	[tilespmem:v1+s28+$0x0] =	vst.idx.add.f32.msk vm2, v0  }
0x4c6: {  	_ =	sdelay $0x3  }
0x4c7: {  	v0 =	vld.idx.msk [tilespmem:v34+s23+$0x0], $0xffff  }
0x4c8: {  	[tilespmem:v44+s28+$0x0] =	vst.idx.add.f32.msk vm3, v36  }
0x4c9: {  	v2 =	vld.idx.msk [tilespmem:v41+s23+$0x0], $0xffff  }
0x4ca: {  	[tilespmem:v33+s28+$0x0] =	vst.idx.add.f32.msk vm0, v35  }
0x4cb: {  	[tilespmem:v27+s28+$0x0] =	vst.idx.add.f32.msk vm1, v37  }
0x4cc: {  	v3 =	vld.idx.msk [tilespmem:v28+s23+$0x0], $0xffff  }
0x4cd: {  	v4 =	vld.idx.msk [tilespmem:v29+s23+$0x0], $0xffff  }
0x4ce: {  	[tilespmem:v10+s28+$0x0] =	vst.idx.add.f32.msk vm7, v7  }
0x4cf: {  	v1 =	vor.u32 v13, v11;
	[tilespmem:v30+s28+$0x0] =	vst.idx.add.f32.msk vm3, v2  }
0x4d0: {  	v1 =	vor.u32 $0x380, v1;
	v35 =	vld.idx.msk [tilespmem:v26+s23+$0x0], $0xffff  }
0x4d1: {  	[tilespmem:v24+s28+$0x0] =	vst.idx.add.f32.msk vm0, v3  }
0x4d2: {  	[tilespmem:v21+s28+$0x0] =	vst.idx.add.f32.msk vm1, v4  }
0x4d3: {  	v36 =	vld.idx.msk [tilespmem:v25+s23+$0x0], $0xffff  }
0x4d4: {  	v37 =	vld.idx.msk [tilespmem:v22+s23+$0x0], $0xffff  }
0x4d5: {  	[tilespmem:v1+s28+$0x0] =	vst.idx.add.f32.msk vm2, v0  }
0x4d6: {  	[tilespmem:v23+s28+$0x0] =	vst.idx.add.f32.msk vm3, v35  }
0x4d7: {  	v0 =	vld.idx.msk [tilespmem:v19+s23+$0x0], $0xffff  }
0x4d8: {  	[tilespmem:v18+s28+$0x0] =	vst.idx.add.f32.msk vm0, v36  }
0x4d9: {  	[tilespmem:v15+s28+$0x0] =	vst.idx.add.f32.msk vm1, v37  }
0x4da: {  	v1 =	vld.idx.msk [tilespmem:v17+s23+$0x0], $0xffff  }
0x4db: {  	vm0 =	vmmov vm0;
	s1 =	rddreg [dreg:$0xa];
	v2 =	vld.idx.msk [tilespmem:v14+s23+$0x0], $0xffff  }
0x4dc: {  	vm1 =	vmmov vm1;
	[tilespmem:v8+s28+$0x0] =	vst.idx.add.f32.msk vm6, v12;
	s1 =	sadd.s32 @!p0 s1, s13  }
0x4dd: {  	[tilespmem:v9+s28+$0x0] =	vst.idx.add.f32.msk vm4, v16;
	s17 =	sshrl.u32 @!p0 s1, $0x3  }
0x4de: {  	[tilespmem:v31+s28+$0x0] =	vst.idx.add.f32.msk vm3, v0;
	s1 =	smul.u32 @!p0 $0xC3800, s17  }
0x4df: {  	s2 =	rddreg [dreg:$0x5]  }
0x4e0: {  	s1 =	sadd.s32 @!p0 s2, s1  }
0x4e1: {  	s3 =	simm.s32 @!p0 $0x2000;
	s11 =	sadd.s32 $0xFFFFFFD0, s20;
	[tilespmem:v32+s28+$0x0] =	vst.idx.add.f32.msk vm0, v1;
	s1 =	sshrl.u32 @!p0 s1, $0x3  }
0x4e2: {  	s14 =	sand.u32 $0x70, s20;
	[tilespmem:v20+s28+$0x0] =	vst.idx.add.f32.msk vm1, v2;
	s2 =	simm.s32 @!p0 $0x0;
	s1 =	sadd.s32 @!p0 s30, s1  }
0x4e3: {  	[tilespmem:s3], [sflag:$0x1] =	stream.linear.gather @!p0 [hbm4b:s1+s2], $0x9C00, $0x38;
	[tilespmem:$0x1DC00] =	vst v63  }
0x4e4: {  	s12 =	sand.u32 $0xF80, s11;
	s13 =	sand.u32 $0x1000, s15;
	_ =	swait.ge [sflag:s29], $0x3400  }
0x4e5: {  	s4 =	sand.u32 $0x40, s11;
	s2 =	sadd.s32 s12, s13;
	[sflag:s29] =	ssyncset.done $0x0  }
0x4e6: {  	s15 =	sadd.s32 $0xFFFFFFE0, s20;
	s18 =	sadd.s32 s14, s2;
	[sflag:s29] =	ssyncadd.s32 $0xFFFFCC00  }
0x4e7: {  	s16 =	sadd.s32 $0xFFFFFFF0, s20;
	s5 =	sand.u32 $0x50, s15;
	s19 =	sadd.s32 s4, s2;
	v38 =	vld [tilespmem:s18+$0x0]  }
0x4e8: {  	s25 =	sand.u32 $0x60, s16;
	s21 =	sadd.s32 s5, s2;
	v39 =	vld [tilespmem:s19+$0x0]  }
0x4e9: {  	s14 =	sadd.s32 s25, s2;
	v41 =	vld [tilespmem:s21+$0x0]  }
0x4ea: {  	v44 =	vld [tilespmem:s14+$0x0];
	_ =	sdelay $0x1  }
0x4eb: {  	v49 =	vmov s20  }
0x4ec: {  	v50 =	vor.u32 s20, v54;
	v40 =	vmov s11;
	v43 =	vmov s16  }
0x4ed: {  	v0 =	vadd.s32 $0xFFFE8000, v38;
	v1 =	vadd.s32 $0xFFFE8000, v39;
	v3 =	vadd.s32 $0xFFFE8000, v41  }
0x4ee: {  	v14 =	vadd.s32 $0xFFFE8000, v44;
	vm0 =	vgt.s32 v0, $0x0;
	vm1 =	vgt.s32 v3, $0x0  }
0x4ef: {  	v45 =	vnsel vm0, $0x0, v0;
	vm0 =	vgt.s32 v1, $0x0;
	v12 =	vnsel vm1, $0x0, v3  }
0x4f0: {  	vm1 =	vlt.u32 v0, $0x680;
	v46 =	vmin.u32 v45, $0x67F;
	v48 =	vnsel vm0, $0x0, v1  }
0x4f1: {  	vm0 =	vgt.s32 v14, $0x0;
	v12 =	vmin.u32 v12, $0x67F;
	v10 =	vshll.u32 v46, $0x3  }
0x4f2: {  	v2 =	vand.u32 $0x7F, v46;
	v13 =	vmin.u32 v48, $0x67F;
	v15 =	vnsel vm0, $0x0, v14  }
0x4f3: {  	v18 =	vshll.u32 v12, $0x3;
	v20 =	vand.u32 $0x7F, v12;
	v10 =	vand.u32 $0x3C00, v10  }
0x4f4: {  	v16 =	vshll.u32 v13, $0x3;
	v52 =	vmin.u32 v15, $0x67F;
	v2 =	vor.u32 v2, v10  }
0x4f5: {  	v13 =	vand.u32 $0x7F, v13;
	v18 =	vand.u32 $0x3C00, v18;
	v10 =	vshll.u32 v49, $0x3  }
0x4f6: {  	v15 =	vand.u32 $0x3C00, v16;
	v19 =	vshll.u32 v52, $0x3;
	v0 =	vand.u32 $0x7F, v52  }
0x4f7: {  	v12 =	vor.u32 v13, v15;
	v13 =	vand.u32 $0x3C00, v19;
	v15 =	vor.u32 v20, v18  }
0x4f8: {  	v11 =	vand.u32 $0x7F, v50;
	v51 =	vand.u32 $0x7FFFFC00, v10;
	v13 =	vor.u32 v0, v13  }
0x4f9: {  	vm2 =	vmmov vm3;
	v21 =	vor.u32 s16, v54;
	v6 =	vor.u32 v11, v51;
	v17 =	vld.idx.msk [tilespmem:v2+s24+$0x0], $0xffff  }
0x4fa: {  	v8 =	vshll.u32 v43, $0x3;
	v42 =	vmov s15;
	v16 =	vor.u32 $0x80, v2  }
0x4fb: {  	v21 =	vand.u32 $0x7F, v21;
	v22 =	vand.u32 $0x7FFFFC00, v8;
	v35 =	vshll.u32 v42, $0x3  }
0x4fc: {  	v53 =	vand.u32 $0x7FFFFC00, v35;
	vm3 =	vlt.u32 v14, $0x680;
	v19 =	vor.u32 s15, v54;
	v59 =	vld.idx.msk [tilespmem:v15+s24+$0x0], $0xffff  }
0x4fd: {  	vm2 =	vlt.u32 v3, $0x680;
	v20 =	vand.u32 $0x7F, v19;
	v19 =	vor.u32 v21, v22;
	v60 =	vld.idx.msk [tilespmem:v13+s24+$0x0], $0xffff  }
0x4fe: {  	v7 =	vshll.u32 v40, $0x3;
	[tilespmem:v6+s28+$0x0] =	vst.idx.add.f32.msk vm1, v17;
	v17 =	vor.u32 v20, v53  }
0x4ff: {  	v5 =	vor.u32 s11, v54;
	v47 =	vand.u32 $0x7FFFFC00, v7;
	v56 =	vor.u32 $0x80, v6;
	v55 =	vld.idx.msk [tilespmem:v16+s24+$0x0], $0xffff  }
0x500: {  	vm0 =	vlt.u32 v1, $0x680;
	v18 =	vand.u32 $0x4F, v5;
	v57 =	vor.u32 $0x100, v2  }
0x501: {  	v58 =	vld.idx.msk [tilespmem:v12+s24+$0x0], $0xffff;
	v16 =	vor.u32 v18, v47;
	[tilespmem:$0x1FCA0] =	vst v56  }
0x502: {  	v14 =	vor.u32 $0x80, v12;
	[tilespmem:v19+s28+$0x0] =	vst.idx.add.f32.msk vm3, v60  }
0x503: {  	v61 =	vor.u32 $0x80, v15;
	[tilespmem:v17+s28+$0x0] =	vst.idx.add.f32.msk vm2, v59  }
0x504: {  	v32 =	vor.u32 $0x80, v13;
	[tilespmem:v56+s28+$0x0] =	vst.idx.add.f32.msk vm1, v55  }
0x505: {  	v62 =	vor.u32 $0x100, v6;
	v1 =	vld.idx.msk [tilespmem:v57+s24+$0x0], $0xffff  }
0x506: {  	v63 =	vor.u32 $0x180, v2;
	[tilespmem:v16+s28+$0x0] =	vst.idx.add.f32.msk vm0, v58  }
0x507: {  	v22 =	vor.u32 $0x80, v16;
	v33 =	vld.idx.msk [tilespmem:v14+s24+$0x0], $0xffff  }
0x508: {  	v5 =	vld.idx.msk [tilespmem:v61+s24+$0x0], $0xffff;
	[tilespmem:$0x1FCB0] =	vst v62  }
0x509: {  	v23 =	vor.u32 $0x80, v17;
	v36 =	vld.idx.msk [tilespmem:v32+s24+$0x0], $0xffff  }
0x50a: {  	v14 =	vor.u32 $0x100, v12;
	[tilespmem:v62+s28+$0x0] =	vst.idx.add.f32.msk vm1, v1  }
0x50b: {  	v34 =	vor.u32 $0x180, v6;
	v0 =	vld.idx.msk [tilespmem:v63+s24+$0x0], $0xffff;
	[tilespmem:$0x1FCC0] =	vst v22  }
0x50c: {  	v37 =	vor.u32 $0x200, v2;
	[tilespmem:v22+s28+$0x0] =	vst.idx.add.f32.msk vm0, v33  }
0x50d: {  	v24 =	vor.u32 $0x80, v19;
	[tilespmem:$0x1FCD0] =	vst v23  }
0x50e: {  	v38 =	vor.u32 $0x100, v15;
	[tilespmem:v23+s28+$0x0] =	vst.idx.add.f32.msk vm2, v5  }
0x50f: {  	v39 =	vor.u32 $0x100, v13;
	v14 =	vld.idx.msk [tilespmem:v14+s24+$0x0], $0xffff;
	[tilespmem:$0x1FCE0] =	vst v34  }
0x510: {  	v22 =	vor.u32 $0x100, v16;
	[tilespmem:v34+s28+$0x0] =	vst.idx.add.f32.msk vm1, v0  }
0x511: {  	v40 =	vor.u32 $0x180, v12;
	v3 =	vld.idx.msk [tilespmem:v37+s24+$0x0], $0xffff;
	[tilespmem:$0x1FCF0] =	vst v24  }
0x512: {  	v41 =	vor.u32 $0x200, v6;
	[tilespmem:v24+s28+$0x0] =	vst.idx.add.f32.msk vm3, v36  }
0x513: {  	s15 =	sadd.s32 $0x40, s20;
	v42 =	vld.idx.msk [tilespmem:v38+s24+$0x0], $0xffff  }
0x514: {  	v43 =	vor.u32 $0x280, v2;
	s6 =	sadd.s32 $0xFFFFFFD0, s15;
	v5 =	vld.idx.msk [tilespmem:v39+s24+$0x0], $0xffff;
	[tilespmem:$0x1FD00] =	vst v22  }
0x515: {  	s11 =	sand.u32 $0xF80, s6;
	v23 =	vor.u32 $0x100, v17;
	[tilespmem:v22+s28+$0x0] =	vst.idx.add.f32.msk vm0, v14  }
0x516: {  	s12 =	sand.u32 $0x70, s15;
	s1 =	sadd.s32 s11, s13;
	v0 =	vld.idx.msk [tilespmem:v40+s24+$0x0], $0xffff;
	[tilespmem:$0x1FD10] =	vst v41  }
0x517: {  	s4 =	sadd.s32 s12, s1;
	v24 =	vor.u32 $0x100, v19;
	[tilespmem:v41+s28+$0x0] =	vst.idx.add.f32.msk vm1, v3  }
0x518: {  	v14 =	vor.u32 $0x180, v15;
	v22 =	vld [tilespmem:s4+$0x0]  }
0x519: {  	vm4 =	vmmov vm0;
	v44 =	vor.u32 $0x180, v13;
	v4 =	vld.idx.msk [tilespmem:v43+s24+$0x0], $0xffff;
	[tilespmem:$0x1FD20] =	vst v23  }
0x51a: {  	v25 =	vor.u32 $0x180, v16;
	[tilespmem:v23+s28+$0x0] =	vst.idx.add.f32.msk vm2, v42  }
0x51b: {  	[tilespmem:$0x1FD30] =	vst v24  }
0x51c: {  	v45 =	vor.u32 $0x280, v6;
	[tilespmem:v24+s28+$0x0] =	vst.idx.add.f32.msk vm3, v5  }
0x51d: {  	v47 =	vor.u32 $0x200, v12;
	v14 =	vld.idx.msk [tilespmem:v14+s24+$0x0], $0xffff  }
0x51e: {  	v46 =	vor.u32 $0x300, v2;
	v3 =	vld.idx.msk [tilespmem:v44+s24+$0x0], $0xffff;
	[tilespmem:$0x1FD40] =	vst v25  }
0x51f: {  	vm5 =	vmmov vm2;
	[tilespmem:v25+s28+$0x0] =	vst.idx.add.f32.msk vm4, v0  }
0x520: {  	v26 =	vor.u32 $0x180, v17;
	[tilespmem:$0x1FD50] =	vst v45  }
0x521: {  	vm6 =	vmmov vm3;
	[tilespmem:v45+s28+$0x0] =	vst.idx.add.f32.msk vm1, v4  }
0x522: {  	v27 =	vor.u32 $0x180, v19;
	v22 =	vadd.s32 $0xFFFE8000, v22;
	v5 =	vld.idx.msk [tilespmem:v47+s24+$0x0], $0xffff  }
0x523: {  	v48 =	vor.u32 $0x200, v15;
	vm0 =	vgt.s32 v22, $0x0;
	v1 =	vld.idx.msk [tilespmem:v46+s24+$0x0], $0xffff;
	[tilespmem:$0x1FD60] =	vst v6  }
0x524: {  	v24 =	vor.u32 $0x200, v13;
	v49 =	vnsel vm0, $0x0, v22;
	[tilespmem:$0x1FD70] =	vst v26  }
0x525: {  	v50 =	vor.u32 $0x300, v6;
	v4 =	vmin.u32 v49, $0x67F;
	[tilespmem:v26+s28+$0x0] =	vst.idx.add.f32.msk vm5, v14  }
0x526: {  	v23 =	vshll.u32 v4, $0x3;
	[tilespmem:$0x1FD80] =	vst v27  }
0x527: {  	v2 =	vor.u32 $0x380, v2;
	v4 =	vand.u32 $0x7F, v4;
	v14 =	vand.u32 $0x3C00, v23;
	[tilespmem:v27+s28+$0x0] =	vst.idx.add.f32.msk vm6, v3  }
0x528: {  	v23 =	vor.u32 v4, v14;
	v0 =	vld.idx.msk [tilespmem:v48+s24+$0x0], $0xffff  }
0x529: {  	v14 =	vor.u32 $0x200, v16;
	v3 =	vld.idx.msk [tilespmem:v24+s24+$0x0], $0xffff;
	[tilespmem:$0x1FD90] =	vst v50  }
0x52a: {  	v51 =	vmov s15;
	[tilespmem:v50+s28+$0x0] =	vst.idx.add.f32.msk vm1, v1  }
0x52b: {  	v52 =	vor.u32 s15, v54;
	[tilespmem:$0x1FDA0] =	vst v51  }
0x52c: {  	v59 =	vor.u32 $0x280, v12;
	v56 =	vshll.u32 v51, $0x3;
	v1 =	vld.idx.msk [tilespmem:v2+s24+$0x0], $0xffff;
	[tilespmem:$0x1FDB0] =	vst v52  }
0x52d: {  	s8 =	sadd.s32 $0xFFFFFFE0, s15;
	s16 =	sand.u32 $0x40, s6;
	v57 =	vand.u32 $0x7F, v52;
	v53 =	vand.u32 $0x7FFFFC00, v56;
	vm0 =	vlt.u32 v22, $0x680;
	v55 =	vld.idx.msk [tilespmem:v23+s24+$0x0], $0xffff;
	[tilespmem:$0x1FDC0] =	vst v14  }
0x52e: {  	s25 =	sadd.s32 $0xFFFFFFF0, s15;
	s10 =	sand.u32 $0x50, s8;
	s2 =	sadd.s32 s16, s1;
	v26 =	vor.u32 v57, v53;
	[tilespmem:v14+s28+$0x0] =	vst.idx.add.f32.msk vm4, v5  }
0x52f: {  	v10 =	vor.u32 v11, v10;
	s11 =	sand.u32 $0x60, s25;
	s31 =	sadd.s32 s10, s1;
	v58 =	vor.u32 $0x80, v23;
	v60 =	vld [tilespmem:s2+$0x0]  }
0x530: {  	s1 =	sadd.s32 s11, s1;
	v61 =	vor.u32 $0x380, v10;
	v62 =	vld [tilespmem:s31+$0x0]  }
0x531: {  	v14 =	vld [tilespmem:s1+$0x0]  }
0x532: {  	v63 =	vor.u32 $0x200, v17;
	v5 =	vld.idx.msk [tilespmem:v59+s24+$0x0], $0xffff  }
0x533: {  	v28 =	vmov s8;
	[tilespmem:v26+s28+$0x0] =	vst.idx.add.f32.msk vm0, v55  }
0x534: {  	v31 =	vor.u32 $0x200, v19;
	v30 =	vor.u32 s6, v54;
	v28 =	vshll.u32 v28, $0x3;
	v2 =	vld.idx.msk [tilespmem:v58+s24+$0x0], $0xffff;
	[tilespmem:$0x1FDD0] =	vst v61  }
0x535: {  	v37 =	vor.u32 $0x300, v12;
	v36 =	vor.u32 $0x280, v16;
	v25 =	vor.u32 $0x80, v26;
	[tilespmem:v61+s28+$0x0] =	vst.idx.add.f32.msk vm1, v1  }
0x536: {  	v38 =	vor.u32 $0x280, v17;
	v22 =	vor.u32 $0x280, v15;
	v29 =	vor.u32 $0x100, v23;
	[tilespmem:$0x1FDE0] =	vst v63  }
0x537: {  	v24 =	vor.u32 $0x280, v13;
	v39 =	vadd.s32 $0xFFFE8000, v60;
	v14 =	vadd.s32 $0xFFFE8000, v14;
	[tilespmem:v63+s28+$0x0] =	vst.idx.add.f32.msk vm5, v0  }
0x538: {  	v40 =	vadd.s32 $0xFFFE8000, v62;
	vm1 =	vgt.s32 v39, $0x0;
	vm2 =	vgt.s32 v14, $0x0;
	[tilespmem:$0x1FDF0] =	vst v31  }
0x539: {  	v41 =	vnsel vm1, $0x0, v39;
	vm1 =	vgt.s32 v40, $0x0;
	v42 =	vnsel vm2, $0x0, v14;
	[tilespmem:v31+s28+$0x0] =	vst.idx.add.f32.msk vm6, v3  }
0x53a: {  	v27 =	vmov s6;
	v10 =	vnsel vm1, $0x0, v40;
	v11 =	vmin.u32 v42, $0x67F;
	[tilespmem:v25+s28+$0x0] =	vst.idx.add.f32.msk vm0, v2  }
0x53b: {  	v10 =	vmin.u32 v10, $0x67F;
	v3 =	vmin.u32 v41, $0x67F;
	v25 =	vld.idx.msk [tilespmem:v29+s24+$0x0], $0xffff;
	v29 =	vor.u32 $0x100, v26  }
0x53c: {  	v45 =	vshll.u32 v11, $0x3;
	v22 =	vld.idx.msk [tilespmem:v22+s24+$0x0], $0xffff;
	v31 =	vor.u32 $0x180, v23;
	v43 =	vshll.u32 v3, $0x3  }
0x53d: {  	v44 =	vshll.u32 v10, $0x3;
	v24 =	vld.idx.msk [tilespmem:v24+s24+$0x0], $0xffff;
	v3 =	vand.u32 $0x7F, v3;
	[tilespmem:$0x1FE00] =	vst v36;
	v2 =	vand.u32 $0x3C00, v43  }
0x53e: {  	v10 =	vand.u32 $0x7F, v10;
	v46 =	vand.u32 $0x3C00, v44;
	[tilespmem:v36+s28+$0x0] =	vst.idx.add.f32.msk vm4, v5;
	v2 =	vor.u32 v3, v2  }
0x53f: {  	v11 =	vand.u32 $0x7F, v11;
	v47 =	vand.u32 $0x3C00, v45;
	v5 =	vor.u32 v10, v46;
	v3 =	vld.idx.msk [tilespmem:v37+s24+$0x0], $0xffff  }
0x540: {  	v49 =	vor.u32 s8, v54;
	v27 =	vshll.u32 v27, $0x3;
	v4 =	vor.u32 v11, v47;
	[tilespmem:v29+s28+$0x0] =	vst.idx.add.f32.msk vm0, v25  }
0x541: {  	v48 =	vand.u32 $0x7FFFFC00, v27;
	v25 =	vand.u32 $0x4F, v30;
	v30 =	vor.u32 $0x180, v26;
	v29 =	vld.idx.msk [tilespmem:v31+s24+$0x0], $0xffff;
	[tilespmem:$0x1FE10] =	vst v38  }
0x542: {  	v50 =	vor.u32 $0x200, v23;
	vm2 =	vlt.u32 v40, $0x680;
	vm1 =	vlt.u32 v39, $0x680;
	[tilespmem:v38+s28+$0x0] =	vst.idx.add.f32.msk vm5, v22  }
0x543: {  	v31 =	vand.u32 $0x7FFFFC00, v28;
	v6 =	vor.u32 v25, v48;
	v22 =	vand.u32 $0x7F, v49;
	v51 =	vld.idx.msk [tilespmem:v2+s24+$0x0], $0xffff  }
0x544: {  	v9 =	vor.u32 v22, v31;
	v31 =	vld.idx.msk [tilespmem:v5+s24+$0x0], $0xffff  }
0x545: {  	v52 =	vmov s25;
	v53 =	vor.u32 $0x80, v2;
	v55 =	vld.idx.msk [tilespmem:v4+s24+$0x0], $0xffff  }
0x546: {  	v32 =	vshll.u32 v52, $0x3;
	v58 =	vor.u32 $0x80, v5;
	[tilespmem:v30+s28+$0x0] =	vst.idx.add.f32.msk vm0, v29  }
0x547: {  	v59 =	vor.u32 $0x200, v26;
	v60 =	vor.u32 $0x280, v23;
	v29 =	vor.u32 s25, v54;
	v1 =	vld.idx.msk [tilespmem:v50+s24+$0x0], $0xffff  }
0x548: {  	vm3 =	vlt.u32 v14, $0x680;
	v30 =	vand.u32 $0x7FFFFC00, v32;
	v29 =	vand.u32 $0x7F, v29;
	[tilespmem:v6+s28+$0x0] =	vst.idx.add.f32.msk vm1, v51  }
0x549: {  	v10 =	vor.u32 v29, v30;
	[tilespmem:v9+s28+$0x0] =	vst.idx.add.f32.msk vm2, v31  }
0x54a: {  	vm1 =	vmmov vm1;
	v30 =	vor.u32 $0x80, v4;
	v31 =	vld.idx.msk [tilespmem:v53+s24+$0x0], $0xffff  }
0x54b: {  	v14 =	vor.u32 $0x80, v6;
	v61 =	vld.idx.msk [tilespmem:v58+s24+$0x0], $0xffff  }
0x54c: {  	vm2 =	vmmov vm2;
	[tilespmem:v59+s28+$0x0] =	vst.idx.add.f32.msk vm0, v1  }
0x54d: {  	v38 =	vor.u32 $0x80, v9;
	v0 =	vld.idx.msk [tilespmem:v60+s24+$0x0], $0xffff  }
0x54e: {  	v62 =	vor.u32 $0x280, v26;
	[tilespmem:v10+s28+$0x0] =	vst.idx.add.f32.msk vm3, v55  }
0x54f: {  	v30 =	vld.idx.msk [tilespmem:v30+s24+$0x0], $0xffff;
	[tilespmem:$0x1FE20] =	vst v14  }
0x550: {  	v63 =	vor.u32 $0x100, v2;
	vm3 =	vmmov vm3;
	[tilespmem:v14+s28+$0x0] =	vst.idx.add.f32.msk vm1, v31  }
0x551: {  	v40 =	vor.u32 $0x80, v10;
	[tilespmem:$0x1FE30] =	vst v38  }
0x552: {  	v41 =	vor.u32 $0x100, v5;
	[tilespmem:v38+s28+$0x0] =	vst.idx.add.f32.msk vm2, v61  }
0x553: {  	v31 =	vor.u32 $0x100, v4;
	[tilespmem:v62+s28+$0x0] =	vst.idx.add.f32.msk vm0, v0  }
0x554: {  	v42 =	vor.u32 $0x280, v19;
	[tilespmem:$0x1FE40] =	vst v16  }
0x555: {  	v44 =	vld.idx.msk [tilespmem:v63+s24+$0x0], $0xffff;
	[tilespmem:$0x1FE50] =	vst v40  }
0x556: {  	v43 =	vor.u32 $0x300, v16;
	[tilespmem:v40+s28+$0x0] =	vst.idx.add.f32.msk vm3, v30  }
0x557: {  	v45 =	vld.idx.msk [tilespmem:v41+s24+$0x0], $0xffff  }
0x558: {  	v16 =	vor.u32 $0x100, v6;
	v30 =	vld.idx.msk [tilespmem:v31+s24+$0x0], $0xffff;
	[tilespmem:$0x1FE60] =	vst v42  }
0x559: {  	[tilespmem:v42+s28+$0x0] =	vst.idx.add.f32.msk vm6, v24  }
0x55a: {  	v14 =	vor.u32 $0x100, v9;
	[tilespmem:$0x1FE70] =	vst v43  }
0x55b: {  	[tilespmem:v43+s28+$0x0] =	vst.idx.add.f32.msk vm4, v3  }
0x55c: {  	v46 =	vor.u32 $0x100, v10;
	[tilespmem:$0x1FE80] =	vst v16  }
0x55d: {  	v24 =	vor.u32 $0x300, v15;
	[tilespmem:v16+s28+$0x0] =	vst.idx.add.f32.msk vm1, v44  }
0x55e: {  	v47 =	vor.u32 $0x300, v13;
	[tilespmem:$0x1FE90] =	vst v14  }
0x55f: {  	v48 =	vor.u32 $0x180, v2;
	[tilespmem:v14+s28+$0x0] =	vst.idx.add.f32.msk vm2, v45  }
0x560: {  	v49 =	vor.u32 $0x180, v5;
	[tilespmem:$0x1FEA0] =	vst v46  }
0x561: {  	[tilespmem:v46+s28+$0x0] =	vst.idx.add.f32.msk vm3, v30;
	v30 =	vor.u32 $0x180, v4  }
0x562: {  	v31 =	vor.u32 $0x300, v17;
	v24 =	vld.idx.msk [tilespmem:v24+s24+$0x0], $0xffff;
	[tilespmem:$0x1FEB0] =	vst v17  }
0x563: {  	v3 =	vld.idx.msk [tilespmem:v47+s24+$0x0], $0xffff;
	[tilespmem:$0x1FEC0] =	vst v19  }
0x564: {  	v19 =	vor.u32 $0x300, v19;
	v0 =	vld.idx.msk [tilespmem:v48+s24+$0x0], $0xffff  }
0x565: {  	v1 =	vld.idx.msk [tilespmem:v49+s24+$0x0], $0xffff  }
0x566: {  	v7 =	vor.u32 v18, v7;
	v18 =	vor.u32 v20, v35;
	v14 =	vor.u32 $0x180, v6;
	v20 =	vld.idx.msk [tilespmem:v30+s24+$0x0], $0xffff;
	[tilespmem:$0x1FED0] =	vst v31  }
0x567: {  	[tilespmem:v31+s28+$0x0] =	vst.idx.add.f32.msk vm5, v24  }
0x568: {  	v16 =	vor.u32 $0x180, v9;
	[tilespmem:$0x1FEE0] =	vst v19  }
0x569: {  	[tilespmem:v19+s28+$0x0] =	vst.idx.add.f32.msk vm6, v3  }
0x56a: {  	v17 =	vor.u32 $0x180, v10;
	[tilespmem:$0x1FEF0] =	vst v14  }
0x56b: {  	v12 =	vor.u32 $0x380, v12;
	[tilespmem:v14+s28+$0x0] =	vst.idx.add.f32.msk vm1, v0  }
0x56c: {  	v15 =	vor.u32 $0x380, v15;
	[tilespmem:$0x1FF00] =	vst v16  }
0x56d: {  	v8 =	vor.u32 v21, v8;
	v21 =	vor.u32 $0x380, v13;
	[tilespmem:v16+s28+$0x0] =	vst.idx.add.f32.msk vm2, v1  }
0x56e: {  	v54 =	vor.u32 $0x300, v23;
	[tilespmem:$0x1FF10] =	vst v17  }
0x56f: {  	v52 =	vor.u32 $0x200, v2;
	[tilespmem:v17+s28+$0x0] =	vst.idx.add.f32.msk vm3, v20  }
0x570: {  	v31 =	vor.u32 $0x200, v5;
	v12 =	vld.idx.msk [tilespmem:v12+s24+$0x0], $0xffff  }
0x571: {  	v51 =	vor.u32 v22, v28;
	v22 =	vld.idx.msk [tilespmem:v15+s24+$0x0], $0xffff  }
0x572: {  	v24 =	vld.idx.msk [tilespmem:v21+s24+$0x0], $0xffff  }
0x573: {  	vm7 =	vmmov vm4;
	v55 =	vor.u32 $0x200, v4;
	v38 =	vld.idx.msk [tilespmem:v54+s24+$0x0], $0xffff  }
0x574: {  	v36 =	vor.u32 $0x380, v23;
	v39 =	vor.u32 $0x280, v2;
	v13 =	vor.u32 $0x380, v2;
	v37 =	vld.idx.msk [tilespmem:v52+s24+$0x0], $0xffff  }
0x575: {  	v35 =	vor.u32 $0x200, v9;
	v50 =	vor.u32 v25, v27;
	v25 =	vor.u32 $0x300, v2;
	v34 =	vld.idx.msk [tilespmem:v31+s24+$0x0], $0xffff;
	[tilespmem:$0x1FF20] =	vst v6  }
0x576: {  	v28 =	vor.u32 $0x280, v4;
	v27 =	vor.u32 $0x280, v9;
	v53 =	vor.u32 v29, v32;
	[tilespmem:$0x1FF30] =	vst v9  }
0x577: {  	v29 =	vor.u32 $0x280, v5;
	v32 =	vor.u32 $0x380, v50;
	v58 =	vor.u32 $0x380, v4;
	[tilespmem:$0x1FF40] =	vst v10  }
0x578: {  	v33 =	vor.u32 $0x200, v10;
	v23 =	vor.u32 $0x380, v53;
	v59 =	vor.u32 $0x380, v5;
	v40 =	vld.idx.msk [tilespmem:v55+s24+$0x0], $0xffff;
	[tilespmem:$0x1FF50] =	vst v50  }
0x579: {  	v60 =	vor.u32 $0x380, v18;
	v18 =	vor.u32 $0x300, v4;
	v41 =	vor.u32 $0x300, v26;
	[tilespmem:$0x1FF60] =	vst v51  }
0x57a: {  	v61 =	vor.u32 $0x380, v8;
	v62 =	vor.u32 $0x380, v7;
	v63 =	vor.u32 $0x300, v10;
	[tilespmem:$0x1FF70] =	vst v53  }
0x57b: {  	v26 =	vor.u32 $0x280, v10;
	vm4 =	vmmov vm6;
	v47 =	vor.u32 $0x200, v6;
	[tilespmem:$0x1FF80] =	vst v62  }
0x57c: {  	v30 =	vor.u32 $0x280, v6;
	vm5 =	vmmov vm5;
	v20 =	vor.u32 $0x300, v5;
	[tilespmem:$0x1FF90] =	vst v60  }
0x57d: {  	s5 =	simm.s32 $0x4;
	s3 =	sadd.s32 $0x40, s15;
	v21 =	vor.u32 $0x300, v6;
	v15 =	vor.u32 $0x300, v9;
	v31 =	vor.u32 $0x380, v51;
	[tilespmem:$0x1FFA0] =	vst v61  }
.LBB2_15:
0x57e: {  	s8 =	sadd.s32 $0xFFFFFFD0, s3;
	s10 =	sadd.s32 $0xFFFFFFE0, s3;
	s5 =	sadd.s32 $0x4, s5;
	[tilespmem:v41+s28+$0x0] =	vst.idx.add.f32.msk vm0, v38;
	v3 =	vor.u32 v57, v56  }
0x57f: {  	s12 =	sadd.s32 $0xFFFFFFF0, s3;
	v6 =	vlaneseq.u32;
	s11 =	sand.u32 $0xF80, s8;
	v0 =	vmov s8;
	v1 =	vmov s10;
	p1 =	slt.u32 s5, $0x3C;
	v2 =	vld.idx.msk [tilespmem:v36+s24+$0x0], $0xffff  }
0x580: {  	s6 =	sand.u32 $0x70, s3;
	s16 =	sand.u32 $0x40, s8;
	v3 =	vor.u32 $0x380, v3;
	s11 =	sadd.s32 s11, s13;
	v42 =	vshll.u32 v0, $0x3;
	v0 =	vmov s12;
	[tilespmem:v47+s28+$0x0] =	vst.idx.add.f32.msk vm1, v37  }
0x581: {  	v4 =	vor.u32 s8, v6;
	s8 =	sand.u32 $0x50, s10;
	s25 =	sand.u32 $0x60, s12;
	v46 =	vshll.u32 v1, $0x3;
	v44 =	vshll.u32 v0, $0x3;
	s6 =	sadd.s32 s6, s11;
	v0 =	vld.idx.msk [tilespmem:v39+s24+$0x0], $0xffff  }
0x582: {  	v5 =	vor.u32 s10, v6;
	v36 =	vor.u32 s12, v6;
	s16 =	sadd.s32 s16, s11;
	v1 =	vand.u32 $0x7FFFFC00, v42;
	s8 =	sadd.s32 s8, s11;
	s10 =	sadd.s32 s25, s11;
	v39 =	vld [tilespmem:s6+$0x0]  }
0x583: {  	v49 =	vand.u32 $0x4F, v4;
	v4 =	vand.u32 $0x7FFFFC00, v46;
	v37 =	vand.u32 $0x7FFFFC00, v44;
	v47 =	vld [tilespmem:s16+$0x0]  }
0x584: {  	v50 =	vand.u32 $0x7F, v5;
	v48 =	vand.u32 $0x7F, v36;
	v54 =	vor.u32 v49, v1;
	v1 =	vld [tilespmem:s8+$0x0]  }
0x585: {  	v51 =	vor.u32 v50, v4;
	v43 =	vor.u32 $0x80, v54;
	v52 =	vor.u32 v48, v37;
	[tilespmem:v3+s28+$0x0] =	vst.idx.add.f32.msk vm0, v2  }
0x586: {  	v38 =	vor.u32 $0x100, v54;
	v45 =	vor.u32 $0x80, v51;
	v41 =	vor.u32 $0x80, v52;
	v2 =	vld [tilespmem:s10+$0x0]  }
0x587: {  	v37 =	vor.u32 $0x100, v51;
	v36 =	vor.u32 $0x100, v52;
	v3 =	vadd.s32 $0xFFFE8000, v39;
	[tilespmem:v35+s28+$0x0] =	vst.idx.add.f32.msk vm2, v34  }
0x588: {  	v34 =	vor.u32 $0x180, v54;
	v4 =	vadd.s32 $0xFFFE8000, v47;
	vm0 =	vgt.s32 v3, $0x0;
	[tilespmem:v33+s28+$0x0] =	vst.idx.add.f32.msk vm3, v40  }
0x589: {  	vm6 =	vgt.s32 v4, $0x0;
	v1 =	vadd.s32 $0xFFFE8000, v1;
	v5 =	vnsel vm0, $0x0, v3;
	v29 =	vld.idx.msk [tilespmem:v29+s24+$0x0], $0xffff  }
0x58a: {  	v33 =	vnsel vm6, $0x0, v4;
	vm0 =	vgt.s32 v1, $0x0;
	v5 =	vmin.u32 v5, $0x67F;
	v28 =	vld.idx.msk [tilespmem:v28+s24+$0x0], $0xffff  }
0x58b: {  	v35 =	vnsel vm0, $0x0, v1;
	v2 =	vadd.s32 $0xFFFE8000, v2;
	v39 =	vshll.u32 v5, $0x3;
	[tilespmem:v30+s28+$0x0] =	vst.idx.add.f32.msk vm1, v0  }
0x58c: {  	v0 =	vand.u32 $0x7F, v5;
	vm0 =	vgt.s32 v2, $0x0;
	v5 =	vand.u32 $0x3C00, v39;
	v25 =	vld.idx.msk [tilespmem:v25+s24+$0x0], $0xffff  }
0x58d: {  	v30 =	vmin.u32 v33, $0x67F;
	v33 =	vnsel vm0, $0x0, v2;
	v40 =	vor.u32 v0, v5;
	[tilespmem:v62+s28+$0x0] =	vst.idx.add.f32.msk vm7, v12;
	v62 =	vmovc v32  }
0x58e: {  	v0 =	vshll.u32 v30, $0x3;
	v5 =	vmin.u32 v35, $0x67F;
	v12 =	vmin.u32 v33, $0x67F;
	[tilespmem:v60+s28+$0x0] =	vst.idx.add.f32.msk vm5, v22;
	v60 =	vmovc v31  }
0x58f: {  	v0 =	vand.u32 $0x3C00, v0;
	v22 =	vshll.u32 v5, $0x3;
	v31 =	vshll.u32 v12, $0x3;
	[tilespmem:v27+s28+$0x0] =	vst.idx.add.f32.msk vm2, v29  }
0x590: {  	v22 =	vand.u32 $0x3C00, v22;
	v29 =	vmov s3;
	v27 =	vand.u32 $0x3C00, v31;
	[tilespmem:v26+s28+$0x0] =	vst.idx.add.f32.msk vm3, v28  }
0x591: {  	v26 =	vand.u32 $0x7F, v30;
	v28 =	vor.u32 s3, v6;
	v56 =	vshll.u32 v29, $0x3;
	v20 =	vld.idx.msk [tilespmem:v20+s24+$0x0], $0xffff  }
0x592: {  	vm0 =	vlt.u32 v3, $0x680;
	v57 =	vand.u32 $0x7F, v28;
	v28 =	vand.u32 $0x7FFFFC00, v56;
	v3 =	vld.idx.msk [tilespmem:v40+s24+$0x0], $0xffff  }
0x593: {  	v5 =	vand.u32 $0x7F, v5;
	v12 =	vand.u32 $0x7F, v12;
	v53 =	vor.u32 v57, v28;
	v18 =	vld.idx.msk [tilespmem:v18+s24+$0x0], $0xffff  }
0x594: {  	v5 =	vor.u32 v5, v22;
	v22 =	vor.u32 $0x80, v40;
	v0 =	vor.u32 v26, v0;
	[tilespmem:v21+s28+$0x0] =	vst.idx.add.f32.msk vm1, v25  }
0x595: {  	vm6 =	vlt.u32 v1, $0x680;
	vm5 =	vlt.u32 v4, $0x680;
	v1 =	vor.u32 v12, v27;
	v12 =	vld.idx.msk [tilespmem:v13+s24+$0x0], $0xffff  }
0x596: {  	vm8 =	vlt.u32 v2, $0x680;
	v55 =	vor.u32 $0x80, v5;
	v4 =	vor.u32 $0x80, v0;
	[tilespmem:v61+s28+$0x0] =	vst.idx.add.f32.msk vm4, v24;
	v61 =	vmovc v23  }
0x597: {  	v9 =	vor.u32 $0x100, v5;
	v2 =	vor.u32 $0x100, v0;
	v24 =	vor.u32 $0x80, v1;
	[tilespmem:v15+s28+$0x0] =	vst.idx.add.f32.msk vm2, v20  }
0x598: {  	v17 =	vor.u32 $0x180, v5;
	v16 =	vor.u32 $0x180, v0;
	v19 =	vor.u32 $0x100, v1;
	[tilespmem:v53+s28+$0x0] =	vst.idx.add.f32.msk vm0, v3  }
0x599: {  	v11 =	vor.u32 $0x180, v52;
	v10 =	vor.u32 $0x180, v1;
	v3 =	vor.u32 $0x180, v51;
	v13 =	vld.idx.msk [tilespmem:v22+s24+$0x0], $0xffff  }
0x59a: {  	v6 =	vor.u32 $0x200, v5;
	v14 =	vor.u32 $0x200, v0;
	v15 =	vor.u32 $0x80, v53;
	v23 =	vld.idx.msk [tilespmem:v0+s24+$0x0], $0xffff  }
0x59b: {  	v47 =	vor.u32 $0x200, v54;
	v32 =	vor.u32 $0x100, v40;
	v7 =	vor.u32 $0x200, v1;
	v31 =	vld.idx.msk [tilespmem:v5+s24+$0x0], $0xffff  }
0x59c: {  	v35 =	vor.u32 $0x200, v51;
	v33 =	vor.u32 $0x200, v52;
	v39 =	vor.u32 $0x280, v0;
	v8 =	vld.idx.msk [tilespmem:v1+s24+$0x0], $0xffff  }
0x59d: {  	v30 =	vor.u32 $0x280, v54;
	v29 =	vor.u32 $0x280, v5;
	v28 =	vor.u32 $0x280, v1;
	[tilespmem:v63+s28+$0x0] =	vst.idx.add.f32.msk vm3, v18  }
0x59e: {  	v27 =	vor.u32 $0x280, v51;
	v26 =	vor.u32 $0x280, v52;
	v25 =	vor.u32 $0x300, v0;
	v22 =	vld.idx.msk [tilespmem:v59+s24+$0x0], $0xffff  }
0x59f: {  	v21 =	vor.u32 $0x300, v54;
	v20 =	vor.u32 $0x300, v5;
	v18 =	vor.u32 $0x300, v1;
	[tilespmem:v15+s28+$0x0] =	vst.idx.add.f32.msk vm0, v13  }
0x5a0: {  	v63 =	vor.u32 $0x300, v52;
	v13 =	vor.u32 $0x380, v0;
	v15 =	vor.u32 $0x300, v51;
	v0 =	vld.idx.msk [tilespmem:v32+s24+$0x0], $0xffff  }
0x5a1: {  	v1 =	vor.u32 $0x380, v1;
	v59 =	vor.u32 $0x380, v5;
	v5 =	vor.u32 $0x100, v53;
	[tilespmem:v54+s28+$0x0] =	vst.idx.add.f32.msk vm5, v23  }
0x5a2: {  	v23 =	vor.u32 v49, v42;
	v42 =	vor.u32 $0x180, v40;
	[tilespmem:v51+s28+$0x0] =	vst.idx.add.f32.msk vm6, v31;
	v31 =	vor.u32 v50, v46  }
0x5a3: {  	v32 =	vor.u32 $0x380, v23;
	v31 =	vor.u32 $0x380, v31;
	[tilespmem:v52+s28+$0x0] =	vst.idx.add.f32.msk vm8, v8;
	v8 =	vor.u32 v48, v44  }
0x5a4: {  	vm7 =	vmmov vm1;
	vm1 =	vmmov vm5;
	v4 =	vld.idx.msk [tilespmem:v4+s24+$0x0], $0xffff;
	v23 =	vor.u32 $0x380, v8  }
0x5a5: {  	vm4 =	vmmov vm3;
	vm5 =	vmmov vm2;
	vm2 =	vmmov vm6;
	v8 =	vld.idx.msk [tilespmem:v55+s24+$0x0], $0xffff  }
0x5a6: {  	vm3 =	vmmov vm8;
	[tilespmem:v5+s28+$0x0] =	vst.idx.add.f32.msk vm0, v0  }
0x5a7: {  	v0 =	vld.idx.msk [tilespmem:v42+s24+$0x0], $0xffff  }
0x5a8: {  	v42 =	vor.u32 $0x180, v53;
	v5 =	vld.idx.msk [tilespmem:v24+s24+$0x0], $0xffff  }
0x5a9: {  	v44 =	vor.u32 $0x200, v40;
	v24 =	vld.idx.msk [tilespmem:v58+s24+$0x0], $0xffff;
	v58 =	vmov v1  }
0x5aa: {  	[tilespmem:v43+s28+$0x0] =	vst.idx.add.f32.msk vm1, v4  }
0x5ab: {  	[tilespmem:v45+s28+$0x0] =	vst.idx.add.f32.msk vm6, v8  }
0x5ac: {  	v1 =	vld.idx.msk [tilespmem:v2+s24+$0x0], $0xffff  }
0x5ad: {  	[tilespmem:v42+s28+$0x0] =	vst.idx.add.f32.msk vm0, v0  }
0x5ae: {  	v0 =	vld.idx.msk [tilespmem:v44+s24+$0x0], $0xffff  }
0x5af: {  	v2 =	vor.u32 $0x200, v53;
	[tilespmem:v41+s28+$0x0] =	vst.idx.add.f32.msk vm8, v5  }
0x5b0: {  	v5 =	vor.u32 $0x280, v40;
	v4 =	vld.idx.msk [tilespmem:v9+s24+$0x0], $0xffff  }
0x5b1: {  	v8 =	vld.idx.msk [tilespmem:v19+s24+$0x0], $0xffff  }
0x5b2: {  	[tilespmem:v38+s28+$0x0] =	vst.idx.add.f32.msk vm1, v1  }
0x5b3: {  	v1 =	vld.idx.msk [tilespmem:v16+s24+$0x0], $0xffff  }
0x5b4: {  	[tilespmem:v2+s28+$0x0] =	vst.idx.add.f32.msk vm0, v0  }
0x5b5: {  	v0 =	vld.idx.msk [tilespmem:v5+s24+$0x0], $0xffff  }
0x5b6: {  	v2 =	vor.u32 $0x280, v53;
	[tilespmem:v37+s28+$0x0] =	vst.idx.add.f32.msk vm6, v4  }
0x5b7: {  	v4 =	vor.u32 $0x300, v40;
	[tilespmem:v36+s28+$0x0] =	vst.idx.add.f32.msk vm8, v8  }
0x5b8: {  	v5 =	vld.idx.msk [tilespmem:v17+s24+$0x0], $0xffff  }
0x5b9: {  	v8 =	vld.idx.msk [tilespmem:v10+s24+$0x0], $0xffff  }
0x5ba: {  	[tilespmem:v34+s28+$0x0] =	vst.idx.add.f32.msk vm1, v1  }
0x5bb: {  	[tilespmem:v2+s28+$0x0] =	vst.idx.add.f32.msk vm0, v0  }
0x5bc: {  	v38 =	vld.idx.msk [tilespmem:v4+s24+$0x0], $0xffff  }
.Ltmp6:
0x5bd: {  	v41 =	vor.u32 $0x300, v53;
	v37 =	vld.idx.msk [tilespmem:v14+s24+$0x0], $0xffff;
	(pc) =	sbr.rel @p1 .LBB2_15-.Ltmp6, $4  }
0x5be: {  	v36 =	vor.u32 $0x380, v40;
	[tilespmem:v3+s28+$0x0] =	vst.idx.add.f32.msk vm2, v5  }
0x5bf: {  	[tilespmem:v11+s28+$0x0] =	vst.idx.add.f32.msk vm3, v8  }
0x5c0: {  	v34 =	vld.idx.msk [tilespmem:v6+s24+$0x0], $0xffff  }
0x5c1: {  	s3 =	sadd.s32 $0x40, s3;
	v40 =	vld.idx.msk [tilespmem:v7+s24+$0x0], $0xffff  }
0x5c2: {  	_ =	sdelay $0x4  }
0x5c3: {  	[tilespmem:v47+s28+$0x0] =	vst.idx.add.f32.msk vm1, v37  }
0x5c4: {  	[tilespmem:v41+s28+$0x0] =	vst.idx.add.f32.msk vm0, v38  }
0x5c5: {  	[tilespmem:v62+s28+$0x0] =	vst.idx.add.f32.msk vm7, v12  }
0x5c6: {  	v0 =	vld.idx.msk [tilespmem:v39+s24+$0x0], $0xffff  }
0x5c7: {  	[tilespmem:v35+s28+$0x0] =	vst.idx.add.f32.msk vm2, v34  }
0x5c8: {  	v1 =	vld.idx.msk [tilespmem:v29+s24+$0x0], $0xffff  }
0x5c9: {  	[tilespmem:v33+s28+$0x0] =	vst.idx.add.f32.msk vm3, v40  }
0x5ca: {  	v2 =	vld.idx.msk [tilespmem:v28+s24+$0x0], $0xffff  }
0x5cb: {  	v55 =	vor.u32 v57, v56;
	v56 =	vld.idx.msk [tilespmem:v36+s24+$0x0], $0xffff  }
0x5cc: {  	[tilespmem:v30+s28+$0x0] =	vst.idx.add.f32.msk vm1, v0  }
0x5cd: {  	v0 =	vor.u32 $0x380, v55;
	v57 =	vld.idx.msk [tilespmem:v25+s24+$0x0], $0xffff  }
0x5ce: {  	[tilespmem:v27+s28+$0x0] =	vst.idx.add.f32.msk vm2, v1  }
0x5cf: {  	[tilespmem:v26+s28+$0x0] =	vst.idx.add.f32.msk vm3, v2  }
0x5d0: {  	v3 =	vld.idx.msk [tilespmem:v20+s24+$0x0], $0xffff  }
0x5d1: {  	v4 =	vld.idx.msk [tilespmem:v18+s24+$0x0], $0xffff  }
0x5d2: {  	[tilespmem:v0+s28+$0x0] =	vst.idx.add.f32.msk vm0, v56  }
0x5d3: {  	[tilespmem:v21+s28+$0x0] =	vst.idx.add.f32.msk vm1, v57  }
0x5d4: {  	v6 =	vld.idx.msk [tilespmem:v13+s24+$0x0], $0xffff  }
0x5d5: {  	vm0 =	vmmov vm1;
	[tilespmem:v15+s28+$0x0] =	vst.idx.add.f32.msk vm2, v3  }
0x5d6: {  	vm1 =	vmmov vm2;
	[tilespmem:v63+s28+$0x0] =	vst.idx.add.f32.msk vm3, v4  }
0x5d7: {  	v7 =	vld.idx.msk [tilespmem:v59+s24+$0x0], $0xffff  }
0x5d8: {  	v33 =	vld.idx.msk [tilespmem:v58+s24+$0x0], $0xffff  }
0x5d9: {  	[tilespmem:v60+s28+$0x0] =	vst.idx.add.f32.msk vm5, v22  }
0x5da: {  	[tilespmem:v61+s28+$0x0] =	vst.idx.add.f32.msk vm4, v24  }
0x5db: {  	[tilespmem:v32+s28+$0x0] =	vst.idx.add.f32.msk vm0, v6  }
0x5dc: {  	[tilespmem:v31+s28+$0x0] =	vst.idx.add.f32.msk vm1, v7  }
0x5dd: {  	s3 =	smul.u32 @!p0 $0x18700, s17;
	[tilespmem:v23+s28+$0x0] =	vst.idx.add.f32.msk vm3, v33  }
0x5de: {  	s6 =	simm.s32 @!p0 $0xBC00;
	s5 =	rddreg [dreg:$0x8]  }
0x5df: {  	s25 =	simm.s32 $0x4;
	s3 =	sadd.s32 @!p0 s3, s5;
	s5 =	simm.s32 @!p0 $0x0  }
0x5e0: {  	[tilespmem:s6], [sflag:$0x2] =	stream.linear.gather @!p0 [hbm4b:s3+s5], $0x9C00, $0x38;
	[tilespmem:$0x1DC00] =	vst v63  }
0x5e1: {  	_ =	swait.ge [sflag:s25], $0x400  }
0x5e2: {  	[sflag:s25] =	ssyncset.done $0x0  }
0x5e3: {  	[sflag:s25] =	ssyncadd.s32 $0xFFFFFC00  }
0x5e4: {  	v34 =	vld [tilespmem:s18+$0x0];
	_ =	sdelay $0x4  }
0x5e5: {  	v35 =	vld [tilespmem:s19+$0x0];
	v38 =	vadd.s32 $0xFFFE7980, v34  }
0x5e6: {  	vm0 =	vgt.s32 v38, $0x0  }
0x5e7: {  	v4 =	vnsel vm0, $0x0, v38  }
0x5e8: {  	v4 =	vmin.u32 v4, $0x1F;
	_ =	sdelay $0x1  }
0x5e9: {  	v46 =	vld [tilespmem:$0x1FD60];
	v5 =	vadd.s32 $0xFFFE7980, v35  }
0x5ea: {  	v0 =	vand.u32 $0xFFFFFFE0, v34;
	vm1 =	vgt.s32 v5, $0x0  }
0x5eb: {  	v36 =	vld [tilespmem:s21+$0x0];
	v5 =	vnsel vm1, $0x0, v5;
	vm1 =	veq.s32 v0, $0x18680  }
0x5ec: {  	v41 =	vld.idx.msk [tilespmem:v4+s26+$0x0], $0xffff  }
0x5ed: {  	v37 =	vld [tilespmem:s14+$0x0];
	_ =	sdelay $0x2  }
0x5ee: {  	v6 =	vadd.s32 $0xFFFE7980, v36;
	v15 =	vmin.u32 v5, $0x1F  }
0x5ef: {  	vm0 =	vgt.s32 v6, $0x0;
	[tilespmem:v46+s28+$0x0] =	vst.idx.add.f32.msk vm1, v41  }
0x5f0: {  	v7 =	vadd.s32 $0xFFFE7980, v37;
	v39 =	vnsel vm0, $0x0, v6;
	v6 =	vld [tilespmem:$0x1FE40]  }
0x5f1: {  	v1 =	vand.u32 $0xFFFFFFE0, v35;
	vm0 =	vgt.s32 v7, $0x0  }
0x5f2: {  	v40 =	vnsel vm0, $0x0, v7;
	vm0 =	veq.s32 v1, $0x18680  }
0x5f3: {  	v43 =	vld.idx.msk [tilespmem:v15+s26+$0x0], $0xffff;
	_ =	sdelay $0x3  }
0x5f4: {  	v13 =	vmin.u32 v39, $0x1F  }
0x5f5: {  	[tilespmem:v6+s28+$0x0] =	vst.idx.add.f32.msk vm0, v43  }
0x5f6: {  	v6 =	vld [tilespmem:$0x1FEB0]  }
0x5f7: {  	vm2 =	vmmov vm3;
	v42 =	vand.u32 $0xFFFFFFE0, v36  }
0x5f8: {  	vm2 =	veq.s32 v42, $0x18680  }
0x5f9: {  	v45 =	vld.idx.msk [tilespmem:v13+s26+$0x0], $0xffff;
	_ =	sdelay $0x3  }
0x5fa: {  	v12 =	vmin.u32 v40, $0x1F  }
0x5fb: {  	[tilespmem:v6+s28+$0x0] =	vst.idx.add.f32.msk vm2, v45  }
0x5fc: {  	v6 =	vld [tilespmem:$0x1FEC0]  }
0x5fd: {  	v3 =	vand.u32 $0xFFFFFFE0, v37  }
0x5fe: {  	vm3 =	veq.s32 v3, $0x18680  }
0x5ff: {  	v5 =	vld.idx.msk [tilespmem:v12+s26+$0x0], $0xffff;
	_ =	sdelay $0x3  }
0x600: {  	v44 =	vor.u32 $0x80, v4  }
0x601: {  	[tilespmem:v6+s28+$0x0] =	vst.idx.add.f32.msk vm3, v5  }
0x602: {  	v6 =	vld [tilespmem:$0x1FCA0];
	_ =	sdelay $0x2  }
0x603: {  	v1 =	vld.idx.msk [tilespmem:v44+s26+$0x0], $0xffff;
	_ =	sdelay $0x3  }
0x604: {  	v47 =	vor.u32 $0x80, v15  }
0x605: {  	[tilespmem:v6+s28+$0x0] =	vst.idx.add.f32.msk vm1, v1  }
0x606: {  	v6 =	vld [tilespmem:$0x1FCC0];
	_ =	sdelay $0x2  }
0x607: {  	v0 =	vld.idx.msk [tilespmem:v47+s26+$0x0], $0xffff;
	_ =	sdelay $0x3  }
0x608: {  	v48 =	vor.u32 $0x80, v13  }
0x609: {  	[tilespmem:v6+s28+$0x0] =	vst.idx.add.f32.msk vm0, v0  }
0x60a: {  	v6 =	vld [tilespmem:$0x1FCD0];
	_ =	sdelay $0x2  }
0x60b: {  	v2 =	vld.idx.msk [tilespmem:v48+s26+$0x0], $0xffff;
	_ =	sdelay $0x3  }
0x60c: {  	v49 =	vor.u32 $0x100, v4  }
0x60d: {  	[tilespmem:v6+s28+$0x0] =	vst.idx.add.f32.msk vm2, v2  }
0x60e: {  	v6 =	vld [tilespmem:$0x1FCB0];
	_ =	sdelay $0x2  }
0x60f: {  	v3 =	vld.idx.msk [tilespmem:v49+s26+$0x0], $0xffff;
	_ =	sdelay $0x3  }
0x610: {  	v50 =	vor.u32 $0x80, v12  }
0x611: {  	[tilespmem:v6+s28+$0x0] =	vst.idx.add.f32.msk vm1, v3  }
0x612: {  	v6 =	vld [tilespmem:$0x1FCF0];
	_ =	sdelay $0x2  }
0x613: {  	v5 =	vld.idx.msk [tilespmem:v50+s26+$0x0], $0xffff;
	_ =	sdelay $0x3  }
0x614: {  	v51 =	vor.u32 $0x100, v15  }
0x615: {  	[tilespmem:v6+s28+$0x0] =	vst.idx.add.f32.msk vm3, v5  }
0x616: {  	v6 =	vld [tilespmem:$0x1FD00];
	_ =	sdelay $0x1  }
0x617: {  	vm0 =	vmmov vm0  }
0x618: {  	v1 =	vld.idx.msk [tilespmem:v51+s26+$0x0], $0xffff;
	_ =	sdelay $0x3  }
0x619: {  	v52 =	vor.u32 $0x180, v4  }
0x61a: {  	[tilespmem:v6+s28+$0x0] =	vst.idx.add.f32.msk vm0, v1  }
0x61b: {  	v6 =	vld [tilespmem:$0x1FCE0];
	_ =	sdelay $0x2  }
0x61c: {  	v0 =	vld.idx.msk [tilespmem:v52+s26+$0x0], $0xffff;
	_ =	sdelay $0x3  }
0x61d: {  	v53 =	vor.u32 $0x100, v13  }
0x61e: {  	[tilespmem:v6+s28+$0x0] =	vst.idx.add.f32.msk vm1, v0  }
0x61f: {  	v6 =	vld [tilespmem:$0x1FD20];
	_ =	sdelay $0x2  }
0x620: {  	v2 =	vld.idx.msk [tilespmem:v53+s26+$0x0], $0xffff;
	_ =	sdelay $0x3  }
0x621: {  	v54 =	vor.u32 $0x100, v12  }
0x622: {  	[tilespmem:v6+s28+$0x0] =	vst.idx.add.f32.msk vm2, v2  }
0x623: {  	v6 =	vld [tilespmem:$0x1FD30];
	_ =	sdelay $0x2  }
0x624: {  	v3 =	vld.idx.msk [tilespmem:v54+s26+$0x0], $0xffff;
	_ =	sdelay $0x3  }
0x625: {  	v55 =	vor.u32 $0x180, v15  }
0x626: {  	[tilespmem:v6+s28+$0x0] =	vst.idx.add.f32.msk vm3, v3  }
0x627: {  	v6 =	vld [tilespmem:$0x1FD40];
	_ =	sdelay $0x2  }
0x628: {  	v5 =	vld.idx.msk [tilespmem:v55+s26+$0x0], $0xffff;
	_ =	sdelay $0x3  }
0x629: {  	v56 =	vor.u32 $0x200, v4  }
0x62a: {  	[tilespmem:v6+s28+$0x0] =	vst.idx.add.f32.msk vm0, v5  }
0x62b: {  	v6 =	vld [tilespmem:$0x1FD10];
	_ =	sdelay $0x2  }
0x62c: {  	v1 =	vld.idx.msk [tilespmem:v56+s26+$0x0], $0xffff;
	_ =	sdelay $0x3  }
0x62d: {  	v57 =	vor.u32 $0x180, v13  }
0x62e: {  	[tilespmem:v6+s28+$0x0] =	vst.idx.add.f32.msk vm1, v1  }
0x62f: {  	v6 =	vld [tilespmem:$0x1FD70];
	_ =	sdelay $0x2  }
0x630: {  	v0 =	vld.idx.msk [tilespmem:v57+s26+$0x0], $0xffff;
	_ =	sdelay $0x3  }
0x631: {  	v58 =	vor.u32 $0x180, v12  }
0x632: {  	[tilespmem:v6+s28+$0x0] =	vst.idx.add.f32.msk vm2, v0  }
0x633: {  	v6 =	vld [tilespmem:$0x1FD80];
	_ =	sdelay $0x2  }
0x634: {  	v2 =	vld.idx.msk [tilespmem:v58+s26+$0x0], $0xffff;
	_ =	sdelay $0x3  }
0x635: {  	v59 =	vor.u32 $0x280, v4  }
0x636: {  	[tilespmem:v6+s28+$0x0] =	vst.idx.add.f32.msk vm3, v2  }
0x637: {  	v6 =	vld [tilespmem:$0x1FD50];
	_ =	sdelay $0x2  }
0x638: {  	v3 =	vld.idx.msk [tilespmem:v59+s26+$0x0], $0xffff;
	_ =	sdelay $0x3  }
0x639: {  	v60 =	vor.u32 $0x200, v15  }
0x63a: {  	[tilespmem:v6+s28+$0x0] =	vst.idx.add.f32.msk vm1, v3  }
0x63b: {  	v6 =	vld [tilespmem:$0x1FDC0];
	_ =	sdelay $0x2  }
0x63c: {  	v5 =	vld.idx.msk [tilespmem:v60+s26+$0x0], $0xffff;
	_ =	sdelay $0x3  }
0x63d: {  	v61 =	vor.u32 $0x200, v13  }
0x63e: {  	[tilespmem:v6+s28+$0x0] =	vst.idx.add.f32.msk vm0, v5  }
0x63f: {  	v5 =	vld [tilespmem:$0x1FDE0];
	_ =	sdelay $0x2  }
0x640: {  	v1 =	vld.idx.msk [tilespmem:v61+s26+$0x0], $0xffff;
	_ =	sdelay $0x3  }
0x641: {  	v62 =	vor.u32 $0x200, v12  }
0x642: {  	[tilespmem:v5+s28+$0x0] =	vst.idx.add.f32.msk vm2, v1  }
0x643: {  	v6 =	vld [tilespmem:$0x1FDF0];
	_ =	sdelay $0x2  }
0x644: {  	v0 =	vld.idx.msk [tilespmem:v62+s26+$0x0], $0xffff;
	_ =	sdelay $0x3  }
0x645: {  	v63 =	vor.u32 $0x300, v4  }
0x646: {  	[tilespmem:v6+s28+$0x0] =	vst.idx.add.f32.msk vm3, v0  }
0x647: {  	v6 =	vld [tilespmem:$0x1FD90];
	_ =	sdelay $0x2  }
0x648: {  	v2 =	vld.idx.msk [tilespmem:v63+s26+$0x0], $0xffff;
	_ =	sdelay $0x3  }
0x649: {  	v32 =	vor.u32 $0x280, v15  }
0x64a: {  	[tilespmem:v6+s28+$0x0] =	vst.idx.add.f32.msk vm1, v2  }
0x64b: {  	v6 =	vld [tilespmem:$0x1FE00];
	_ =	sdelay $0x2  }
0x64c: {  	v3 =	vld.idx.msk [tilespmem:v32+s26+$0x0], $0xffff;
	_ =	sdelay $0x3  }
0x64d: {  	v33 =	vor.u32 $0x280, v13  }
0x64e: {  	[tilespmem:v6+s28+$0x0] =	vst.idx.add.f32.msk vm0, v3  }
0x64f: {  	v8 =	vld [tilespmem:$0x1FE10];
	_ =	sdelay $0x1  }
0x650: {  	vm4 =	vmmov vm2  }
0x651: {  	v1 =	vld.idx.msk [tilespmem:v33+s26+$0x0], $0xffff;
	_ =	sdelay $0x3  }
0x652: {  	v4 =	vor.u32 $0x380, v4  }
0x653: {  	[tilespmem:v8+s28+$0x0] =	vst.idx.add.f32.msk vm4, v1  }
0x654: {  	v9 =	vld [tilespmem:$0x1FDD0];
	_ =	sdelay $0x2  }
0x655: {  	v4 =	vld.idx.msk [tilespmem:v4+s26+$0x0], $0xffff;
	_ =	sdelay $0x3  }
0x656: {  	v35 =	vor.u32 $0x280, v12  }
0x657: {  	[tilespmem:v9+s28+$0x0] =	vst.idx.add.f32.msk vm1, v4  }
0x658: {  	v10 =	vld [tilespmem:$0x1FE60];
	_ =	sdelay $0x1  }
0x659: {  	v34 =	vld [tilespmem:s4+$0x0];
	vm5 =	vmmov vm3  }
0x65a: {  	v0 =	vld.idx.msk [tilespmem:v35+s26+$0x0], $0xffff;
	_ =	sdelay $0x3  }
0x65b: {  	v37 =	vadd.s32 $0xFFFE7980, v34;
	v9 =	vld [tilespmem:$0x1FDA0]  }
0x65c: {  	vm2 =	vgt.s32 v37, $0x0;
	[tilespmem:v10+s28+$0x0] =	vst.idx.add.f32.msk vm5, v0  }
0x65d: {  	v36 =	vor.u32 $0x300, v15;
	v3 =	vnsel vm2, $0x0, v37;
	v0 =	vld [tilespmem:$0x1FDB0]  }
0x65e: {  	v3 =	vmin.u32 v3, $0x1F  }
0x65f: {  	v14 =	vld [tilespmem:$0x1FE70];
	_ =	sdelay $0x1  }
0x660: {  	v5 =	vand.u32 $0xFFFFFFE0, v34;
	v9 =	vshll.u32 v9, $0x3  }
0x661: {  	vm2 =	veq.s32 v5, $0x18680;
	v2 =	vld.idx.msk [tilespmem:v36+s26+$0x0], $0xffff;
	v42 =	vand.u32 $0x7FFFFC00, v9;
	v0 =	vand.u32 $0x7F, v0  }
0x662: {  	v10 =	vld.idx.msk [tilespmem:v3+s26+$0x0], $0xffff;
	v5 =	vor.u32 v0, v42;
	_ =	sdelay $0x3  }
0x663: {  	v40 =	vor.u32 $0x300, v13;
	[tilespmem:v14+s28+$0x0] =	vst.idx.add.f32.msk vm0, v2  }
0x664: {  	[tilespmem:v5+s28+$0x0] =	vst.idx.add.f32.msk vm2, v10  }
0x665: {  	v16 =	vld [tilespmem:$0x1FED0];
	_ =	sdelay $0x2  }
0x666: {  	v1 =	vld.idx.msk [tilespmem:v40+s26+$0x0], $0xffff;
	_ =	sdelay $0x2  }
0x667: {  	v44 =	vor.u32 $0x80, v3  }
0x668: {  	v38 =	vld [tilespmem:s2+$0x0];
	v8 =	vor.u32 $0x300, v12  }
0x669: {  	[tilespmem:v16+s28+$0x0] =	vst.idx.add.f32.msk vm4, v1  }
0x66a: {  	v16 =	vld [tilespmem:$0x1FEE0];
	_ =	sdelay $0x1  }
0x66b: {  	v45 =	vor.u32 $0x80, v5;
	v4 =	vld.idx.msk [tilespmem:v44+s26+$0x0], $0xffff  }
0x66c: {  	v8 =	vld.idx.msk [tilespmem:v8+s26+$0x0], $0xffff  }
0x66d: {  	v39 =	vld [tilespmem:s31+$0x0];
	v41 =	vadd.s32 $0xFFFE7980, v38  }
0x66e: {  	vm1 =	vgt.s32 v41, $0x0  }
0x66f: {  	v43 =	vnsel vm1, $0x0, v41  }
0x670: {  	v2 =	vmin.u32 v43, $0x1F;
	[tilespmem:v45+s28+$0x0] =	vst.idx.add.f32.msk vm2, v4  }
0x671: {  	[tilespmem:v16+s28+$0x0] =	vst.idx.add.f32.msk vm5, v8  }
0x672: {  	v11 =	vadd.s32 $0xFFFE7980, v39;
	v17 =	vld [tilespmem:$0x1FF20]  }
0x673: {  	v6 =	vand.u32 $0xFFFFFFE0, v38;
	vm1 =	vgt.s32 v11, $0x0  }
0x674: {  	v11 =	vnsel vm1, $0x0, v11;
	vm1 =	veq.s32 v6, $0x18680  }
0x675: {  	v10 =	vld.idx.msk [tilespmem:v2+s26+$0x0], $0xffff;
	_ =	sdelay $0x3  }
0x676: {  	v11 =	vmin.u32 v11, $0x1F  }
0x677: {  	[tilespmem:v17+s28+$0x0] =	vst.idx.add.f32.msk vm1, v10  }
0x678: {  	v21 =	vld [tilespmem:$0x1FF30]  }
0x679: {  	v7 =	vand.u32 $0xFFFFFFE0, v39  }
0x67a: {  	vm3 =	veq.s32 v7, $0x18680  }
0x67b: {  	v46 =	vor.u32 $0x380, v15;
	v15 =	vld.idx.msk [tilespmem:v11+s26+$0x0], $0xffff  }
0x67c: {  	v14 =	vld [tilespmem:s1+$0x0];
	_ =	sdelay $0x3  }
0x67d: {  	[tilespmem:v21+s28+$0x0] =	vst.idx.add.f32.msk vm3, v15  }
0x67e: {  	v47 =	vadd.s32 $0xFFFE7980, v14;
	v10 =	vand.u32 $0xFFFFFFE0, v14;
	v14 =	vld [tilespmem:$0x1FF80];
	_ =	sdelay $0x2  }
0x67f: {  	v1 =	vld.idx.msk [tilespmem:v46+s26+$0x0], $0xffff;
	_ =	sdelay $0x3  }
0x680: {  	v8 =	vor.u32 $0x80, v2  }
0x681: {  	[tilespmem:v14+s28+$0x0] =	vst.idx.add.f32.msk vm0, v1  }
0x682: {  	v15 =	vld [tilespmem:$0x1FE20];
	_ =	sdelay $0x2  }
0x683: {  	v8 =	vld.idx.msk [tilespmem:v8+s26+$0x0], $0xffff;
	_ =	sdelay $0x3  }
0x684: {  	v49 =	vor.u32 $0x80, v11  }
0x685: {  	[tilespmem:v15+s28+$0x0] =	vst.idx.add.f32.msk vm1, v8  }
0x686: {  	v15 =	vld [tilespmem:$0x1FE30];
	_ =	sdelay $0x2  }
0x687: {  	v6 =	vld.idx.msk [tilespmem:v49+s26+$0x0], $0xffff;
	_ =	sdelay $0x1  }
0x688: {  	vm6 =	vgt.s32 v47, $0x0  }
0x689: {  	v50 =	vor.u32 $0x100, v3;
	v48 =	vnsel vm6, $0x0, v47  }
0x68a: {  	v4 =	vmin.u32 v48, $0x1F  }
0x68b: {  	[tilespmem:v15+s28+$0x0] =	vst.idx.add.f32.msk vm3, v6  }
0x68c: {  	v23 =	vld [tilespmem:$0x1FF40];
	_ =	sdelay $0x1  }
0x68d: {  	v7 =	vld.idx.msk [tilespmem:v50+s26+$0x0], $0xffff;
	vm6 =	veq.s32 v10, $0x18680;
	v14 =	vor.u32 $0x100, v5  }
0x68e: {  	v10 =	vld.idx.msk [tilespmem:v4+s26+$0x0], $0xffff;
	_ =	sdelay $0x3  }
0x68f: {  	v51 =	vor.u32 $0x80, v4;
	[tilespmem:v14+s28+$0x0] =	vst.idx.add.f32.msk vm2, v7  }
0x690: {  	[tilespmem:v23+s28+$0x0] =	vst.idx.add.f32.msk vm6, v10  }
0x691: {  	v15 =	vld [tilespmem:$0x1FE50];
	_ =	sdelay $0x2  }
0x692: {  	v1 =	vld.idx.msk [tilespmem:v51+s26+$0x0], $0xffff;
	_ =	sdelay $0x2  }
0x693: {  	v52 =	vor.u32 $0x180, v3  }
0x694: {  	v8 =	vor.u32 $0x100, v2  }
0x695: {  	[tilespmem:v15+s28+$0x0] =	vst.idx.add.f32.msk vm6, v1  }
0x696: {  	v15 =	vld [tilespmem:$0x1FE80];
	_ =	sdelay $0x1  }
0x697: {  	vm0 =	vmmov vm1;
	v14 =	vor.u32 $0x180, v5;
	v6 =	vld.idx.msk [tilespmem:v52+s26+$0x0], $0xffff  }
0x698: {  	v8 =	vld.idx.msk [tilespmem:v8+s26+$0x0], $0xffff;
	_ =	sdelay $0x3  }
0x699: {  	v10 =	vor.u32 $0x100, v11;
	[tilespmem:v14+s28+$0x0] =	vst.idx.add.f32.msk vm2, v6  }
0x69a: {  	[tilespmem:v15+s28+$0x0] =	vst.idx.add.f32.msk vm0, v8  }
0x69b: {  	v14 =	vld [tilespmem:$0x1FE90];
	_ =	sdelay $0x1  }
0x69c: {  	vm3 =	vmmov vm3  }
0x69d: {  	v10 =	vld.idx.msk [tilespmem:v10+s26+$0x0], $0xffff;
	_ =	sdelay $0x2  }
0x69e: {  	v54 =	vor.u32 $0x200, v3  }
0x69f: {  	v53 =	vor.u32 $0x100, v4  }
0x6a0: {  	[tilespmem:v14+s28+$0x0] =	vst.idx.add.f32.msk vm3, v10  }
0x6a1: {  	v15 =	vld [tilespmem:$0x1FEA0];
	_ =	sdelay $0x1  }
0x6a2: {  	v1 =	vld.idx.msk [tilespmem:v54+s26+$0x0], $0xffff;
	v14 =	vor.u32 $0x200, v5  }
0x6a3: {  	v7 =	vld.idx.msk [tilespmem:v53+s26+$0x0], $0xffff;
	_ =	sdelay $0x3  }
0x6a4: {  	v8 =	vor.u32 $0x180, v2;
	[tilespmem:v14+s28+$0x0] =	vst.idx.add.f32.msk vm2, v1  }
0x6a5: {  	[tilespmem:v15+s28+$0x0] =	vst.idx.add.f32.msk vm6, v7  }
0x6a6: {  	v15 =	vld [tilespmem:$0x1FEF0];
	_ =	sdelay $0x2  }
0x6a7: {  	v8 =	vld.idx.msk [tilespmem:v8+s26+$0x0], $0xffff;
	_ =	sdelay $0x3  }
0x6a8: {  	v55 =	vor.u32 $0x180, v11  }
0x6a9: {  	[tilespmem:v15+s28+$0x0] =	vst.idx.add.f32.msk vm0, v8  }
0x6aa: {  	v15 =	vld [tilespmem:$0x1FF00];
	_ =	sdelay $0x2  }
0x6ab: {  	v6 =	vld.idx.msk [tilespmem:v55+s26+$0x0], $0xffff;
	_ =	sdelay $0x3  }
0x6ac: {  	v10 =	vor.u32 $0x180, v4  }
0x6ad: {  	[tilespmem:v15+s28+$0x0] =	vst.idx.add.f32.msk vm3, v6  }
0x6ae: {  	v15 =	vld [tilespmem:$0x1FF10]  }
0x6af: {  	v56 =	vor.u32 $0x280, v3  }
0x6b0: {  	v13 =	vor.u32 $0x380, v13  }
0x6b1: {  	v10 =	vld.idx.msk [tilespmem:v10+s26+$0x0], $0xffff  }
0x6b2: {  	v57 =	vor.u32 $0x200, v2  }
0x6b3: {  	v8 =	vor.u32 $0x200, v11  }
0x6b4: {  	v14 =	vor.u32 $0x280, v5;
	v7 =	vld.idx.msk [tilespmem:v56+s26+$0x0], $0xffff  }
0x6b5: {  	v58 =	vor.u32 $0x200, v4;
	v16 =	vor.u32 $0x380, v12;
	v12 =	vld.idx.msk [tilespmem:v13+s26+$0x0], $0xffff  }
0x6b6: {  	[tilespmem:v15+s28+$0x0] =	vst.idx.add.f32.msk vm6, v10;
	v10 =	vor.u32 $0x300, v3  }
0x6b7: {  	v1 =	vld.idx.msk [tilespmem:v57+s26+$0x0], $0xffff  }
0x6b8: {  	v59 =	vor.u32 $0x200, v21;
	v8 =	vld.idx.msk [tilespmem:v8+s26+$0x0], $0xffff  }
0x6b9: {  	[tilespmem:v14+s28+$0x0] =	vst.idx.add.f32.msk vm2, v7;
	v15 =	vor.u32 $0x200, v17  }
0x6ba: {  	v14 =	vor.u32 $0x200, v23;
	v6 =	vld.idx.msk [tilespmem:v58+s26+$0x0], $0xffff  }
0x6bb: {  	v5 =	vor.u32 $0x300, v5;
	v10 =	vld.idx.msk [tilespmem:v10+s26+$0x0], $0xffff  }
0x6bc: {  	v13 =	vld.idx.msk [tilespmem:v16+s26+$0x0], $0xffff  }
0x6bd: {  	[tilespmem:v59+s28+$0x0] =	vst.idx.add.f32.msk vm3, v8  }
0x6be: {  	[tilespmem:v15+s28+$0x0] =	vst.idx.add.f32.msk vm0, v1  }
0x6bf: {  	v18 =	vor.u32 $0x280, v11;
	[tilespmem:v14+s28+$0x0] =	vst.idx.add.f32.msk vm6, v6  }
0x6c0: {  	v60 =	vor.u32 $0x280, v2;
	[tilespmem:v5+s28+$0x0] =	vst.idx.add.f32.msk vm2, v10  }
0x6c1: {  	v3 =	vor.u32 $0x380, v3;
	v61 =	vld [tilespmem:$0x1FF50]  }
0x6c2: {  	v22 =	vor.u32 $0x300, v11;
	v26 =	vor.u32 v0, v9;
	v34 =	vor.u32 $0x300, v2;
	v63 =	vld [tilespmem:$0x1FF70]  }
0x6c3: {  	vm4 =	vmmov vm4;
	v40 =	vor.u32 $0x280, v4;
	v20 =	vor.u32 $0x300, v4;
	v62 =	vld [tilespmem:$0x1FF60]  }
0x6c4: {  	vm5 =	vmmov vm5;
	v30 =	vor.u32 $0x280, v17;
	v16 =	vor.u32 $0x300, v17;
	v24 =	vld.idx.msk [tilespmem:v18+s26+$0x0], $0xffff  }
0x6c5: {  	v27 =	vor.u32 $0x280, v21;
	vm1 =	vmmov vm6;
	v19 =	vor.u32 $0x280, v23;
	v25 =	vld.idx.msk [tilespmem:v60+s26+$0x0], $0xffff  }
0x6c6: {  	v54 =	vlaneseq.u32;
	v11 =	vor.u32 $0x380, v11;
	v14 =	vor.u32 $0x300, v23;
	v23 =	vld.idx.msk [tilespmem:v3+s26+$0x0], $0xffff  }
0x6c7: {  	v17 =	vor.u32 $0x380, v2;
	v15 =	vor.u32 $0x300, v21;
	v18 =	vor.u32 $0x380, v63;
	v63 =	vld [tilespmem:$0x1FF90]  }
0x6c8: {  	s2 =	sadd.s32 $0x40, s15;
	s1 =	simm.s32 $0x4;
	v10 =	vor.u32 $0x380, v4;
	v9 =	vor.u32 $0x380, v61;
	v21 =	vor.u32 $0x380, v62;
	v62 =	vld [tilespmem:$0x1FFA0]  }
.LBB2_17:
0x6c9: {  	s3 =	sadd.s32 $0xFFFFFFD0, s2;
	s4 =	sadd.s32 $0xFFFFFFE0, s2;
	s5 =	sadd.s32 $0xFFFFFFF0, s2;
	v0 =	vld.idx.msk [tilespmem:v40+s26+$0x0], $0xffff;
	v1 =	vor.u32 $0x380, v26  }
0x6ca: {  	s1 =	sadd.s32 $0x4, s1;
	s6 =	sand.u32 $0xF80, s3;
	s8 =	sand.u32 $0x40, s3;
	v2 =	vmov s3;
	v3 =	vmov s4;
	v4 =	vmov s5;
	[tilespmem:v30+s28+$0x0] =	vst.idx.add.f32.msk vm0, v25  }
0x6cb: {  	s10 =	sand.u32 $0x70, s2;
	p0 =	slt.u32 s1, $0x3C;
	s6 =	sadd.s32 s6, s13;
	v38 =	vshll.u32 v2, $0x3;
	v39 =	vshll.u32 v3, $0x3;
	v35 =	vshll.u32 v4, $0x3;
	v2 =	vld.idx.msk [tilespmem:v34+s26+$0x0], $0xffff  }
0x6cc: {  	v5 =	vor.u32 s5, v54;
	v3 =	vor.u32 s3, v54;
	s3 =	sand.u32 $0x50, s4;
	v4 =	vor.u32 s4, v54;
	s4 =	sand.u32 $0x60, s5;
	s5 =	sadd.s32 s10, s6;
	[tilespmem:v27+s28+$0x0] =	vst.idx.add.f32.msk vm3, v24  }
0x6cd: {  	s8 =	sadd.s32 s8, s6;
	v6 =	vand.u32 $0x7FFFFC00, v38;
	s3 =	sadd.s32 s3, s6;
	v7 =	vand.u32 $0x7FFFFC00, v39;
	s4 =	sadd.s32 s4, s6;
	v8 =	vand.u32 $0x7FFFFC00, v35;
	v27 =	vld [tilespmem:s5+$0x0]  }
0x6ce: {  	v45 =	vand.u32 $0x7F, v5;
	v46 =	vand.u32 $0x4F, v3;
	v47 =	vand.u32 $0x7F, v4;
	[tilespmem:v1+s28+$0x0] =	vst.idx.add.f32.msk vm2, v23  }
0x6cf: {  	v3 =	vor.u32 v46, v6;
	v4 =	vor.u32 v47, v7;
	v5 =	vor.u32 v45, v8;
	v1 =	vld [tilespmem:s8+$0x0]  }
0x6d0: {  	v43 =	vor.u32 $0x80, v3;
	v42 =	vor.u32 $0x80, v4;
	v41 =	vor.u32 $0x80, v5;
	v6 =	vld [tilespmem:s3+$0x0]  }
0x6d1: {  	v37 =	vor.u32 $0x100, v3;
	v32 =	vor.u32 $0x100, v4;
	v31 =	vor.u32 $0x100, v5;
	v7 =	vld [tilespmem:s4+$0x0]  }
0x6d2: {  	v29 =	vor.u32 $0x180, v3;
	v26 =	vor.u32 $0x180, v4;
	v25 =	vor.u32 $0x180, v5;
	[tilespmem:v19+s28+$0x0] =	vst.idx.add.f32.msk vm1, v0  }
0x6d3: {  	v24 =	vor.u32 $0x200, v3;
	v23 =	vor.u32 $0x200, v4;
	v0 =	vadd.s32 $0xFFFE7980, v27;
	v8 =	vld.idx.msk [tilespmem:v22+s26+$0x0], $0xffff  }
0x6d4: {  	vm2 =	vgt.s32 v0, $0x0;
	v19 =	vadd.s32 $0xFFFE7980, v1;
	v1 =	vand.u32 $0xFFFFFFE0, v1;
	v20 =	vld.idx.msk [tilespmem:v20+s26+$0x0], $0xffff  }
0x6d5: {  	v0 =	vnsel vm2, $0x0, v0;
	vm6 =	vgt.s32 v19, $0x0;
	v22 =	vadd.s32 $0xFFFE7980, v6;
	[tilespmem:v16+s28+$0x0] =	vst.idx.add.f32.msk vm0, v2  }
0x6d6: {  	v28 =	vmin.u32 v0, $0x1F;
	vm2 =	vgt.s32 v22, $0x0;
	v2 =	vadd.s32 $0xFFFE7980, v7;
	v0 =	vld.idx.msk [tilespmem:v17+s26+$0x0], $0xffff  }
0x6d7: {  	v16 =	vnsel vm6, $0x0, v19;
	v17 =	vnsel vm2, $0x0, v22;
	vm2 =	vgt.s32 v2, $0x0;
	[tilespmem:v63+s28+$0x0] =	vst.idx.add.f32.msk vm4, v12;
	v63 =	vmovc v21  }
0x6d8: {  	v21 =	vmin.u32 v16, $0x1F;
	v48 =	vmin.u32 v17, $0x1F;
	v2 =	vnsel vm2, $0x0, v2;
	[tilespmem:v62+s28+$0x0] =	vst.idx.add.f32.msk vm5, v13;
	v62 =	vmovc v18  }
0x6d9: {  	v6 =	vand.u32 $0xFFFFFFE0, v6;
	v12 =	vmov s2;
	v2 =	vmin.u32 v2, $0x1F;
	[tilespmem:v15+s28+$0x0] =	vst.idx.add.f32.msk vm3, v8  }
0x6da: {  	v13 =	vor.u32 s2, v54;
	v33 =	vshll.u32 v12, $0x3;
	v8 =	vand.u32 $0xFFFFFFE0, v27;
	[tilespmem:v14+s28+$0x0] =	vst.idx.add.f32.msk vm1, v20  }
0x6db: {  	v36 =	vand.u32 $0x7F, v13;
	v12 =	vand.u32 $0x7FFFFC00, v33;
	vm2 =	veq.s32 v8, $0x18680;
	v8 =	vld.idx.msk [tilespmem:v28+s26+$0x0], $0xffff  }
0x6dc: {  	vm7 =	veq.s32 v1, $0x18680;
	v1 =	vand.u32 $0xFFFFFFE0, v7;
	v44 =	vor.u32 v36, v12;
	v12 =	vld.idx.msk [tilespmem:v11+s26+$0x0], $0xffff  }
0x6dd: {  	vm8 =	veq.s32 v6, $0x18680;
	vm6 =	veq.s32 v1, $0x18680;
	v1 =	vor.u32 $0x80, v28;
	v7 =	vld.idx.msk [tilespmem:v21+s26+$0x0], $0xffff  }
0x6de: {  	v6 =	vor.u32 $0x80, v21;
	v18 =	vor.u32 $0x80, v48;
	v49 =	vor.u32 $0x80, v2;
	v11 =	vld.idx.msk [tilespmem:v48+s26+$0x0], $0xffff  }
0x6df: {  	v50 =	vor.u32 $0x100, v21;
	v51 =	vor.u32 $0x100, v48;
	v52 =	vor.u32 $0x100, v2;
	v14 =	vld.idx.msk [tilespmem:v2+s26+$0x0], $0xffff  }
0x6e0: {  	v53 =	vor.u32 $0x180, v21;
	v54 =	vor.u32 $0x180, v48;
	v55 =	vor.u32 $0x180, v2;
	v13 =	vld.idx.msk [tilespmem:v10+s26+$0x0], $0xffff  }
0x6e1: {  	v56 =	vor.u32 $0x200, v21;
	v57 =	vor.u32 $0x200, v48;
	v58 =	vor.u32 $0x200, v2;
	[tilespmem:v44+s28+$0x0] =	vst.idx.add.f32.msk vm2, v8  }
0x6e2: {  	v60 =	vor.u32 $0x200, v5;
	v59 =	vor.u32 $0x280, v48;
	v8 =	vor.u32 $0x280, v21;
	v1 =	vld.idx.msk [tilespmem:v1+s26+$0x0], $0xffff  }
0x6e3: {  	v30 =	vor.u32 $0x280, v3;
	v40 =	vor.u32 $0x280, v2;
	[tilespmem:v3+s28+$0x0] =	vst.idx.add.f32.msk vm7, v7;
	v7 =	vor.u32 $0x80, v44  }
0x6e4: {  	v19 =	vor.u32 $0x280, v5;
	v61 =	vor.u32 $0x100, v28;
	v27 =	vor.u32 $0x280, v4;
	[tilespmem:v4+s28+$0x0] =	vst.idx.add.f32.msk vm8, v11  }
0x6e5: {  	v34 =	vor.u32 $0x300, v21;
	v22 =	vor.u32 $0x300, v48;
	v20 =	vor.u32 $0x300, v2;
	[tilespmem:v5+s28+$0x0] =	vst.idx.add.f32.msk vm6, v14  }
0x6e6: {  	v16 =	vor.u32 $0x300, v3;
	v15 =	vor.u32 $0x300, v4;
	v14 =	vor.u32 $0x300, v5;
	v6 =	vld.idx.msk [tilespmem:v6+s26+$0x0], $0xffff  }
0x6e7: {  	v17 =	vor.u32 $0x380, v21;
	v10 =	vor.u32 $0x380, v2;
	v11 =	vor.u32 $0x380, v48;
	v3 =	vld.idx.msk [tilespmem:v18+s26+$0x0], $0xffff  }
0x6e8: {  	vm4 =	vmmov vm3;
	v2 =	vor.u32 v46, v38;
	v4 =	vor.u32 v47, v39;
	[tilespmem:v7+s28+$0x0] =	vst.idx.add.f32.msk vm2, v1  }
0x6e9: {  	v21 =	vor.u32 $0x380, v4;
	v1 =	vor.u32 $0x380, v2;
	v2 =	vor.u32 v45, v35;
	v4 =	vld.idx.msk [tilespmem:v61+s26+$0x0], $0xffff  }
0x6ea: {  	vm3 =	vmmov vm8;
	v18 =	vor.u32 $0x380, v2;
	v2 =	vor.u32 $0x100, v44;
	v5 =	vld.idx.msk [tilespmem:v49+s26+$0x0], $0xffff  }
0x6eb: {  	vm5 =	vmmov vm1;
	v7 =	vor.u32 $0x180, v28;
	[tilespmem:v9+s28+$0x0] =	vst.idx.add.f32.msk vm0, v0;
	v9 =	vmovc v1;
	vm0 =	vmmov vm7  }
0x6ec: {  	vm1 =	vmmov vm6;
	[tilespmem:v43+s28+$0x0] =	vst.idx.add.f32.msk vm7, v6  }
0x6ed: {  	[tilespmem:v42+s28+$0x0] =	vst.idx.add.f32.msk vm8, v3  }
0x6ee: {  	v0 =	vld.idx.msk [tilespmem:v50+s26+$0x0], $0xffff  }
0x6ef: {  	[tilespmem:v2+s28+$0x0] =	vst.idx.add.f32.msk vm2, v4  }
0x6f0: {  	v1 =	vld.idx.msk [tilespmem:v7+s26+$0x0], $0xffff  }
0x6f1: {  	v2 =	vor.u32 $0x180, v44;
	[tilespmem:v41+s28+$0x0] =	vst.idx.add.f32.msk vm6, v5  }
0x6f2: {  	v4 =	vor.u32 $0x200, v28;
	v3 =	vld.idx.msk [tilespmem:v51+s26+$0x0], $0xffff  }
0x6f3: {  	v5 =	vld.idx.msk [tilespmem:v52+s26+$0x0], $0xffff  }
0x6f4: {  	[tilespmem:v37+s28+$0x0] =	vst.idx.add.f32.msk vm7, v0  }
0x6f5: {  	v0 =	vld.idx.msk [tilespmem:v53+s26+$0x0], $0xffff  }
0x6f6: {  	[tilespmem:v2+s28+$0x0] =	vst.idx.add.f32.msk vm2, v1  }
0x6f7: {  	v1 =	vld.idx.msk [tilespmem:v4+s26+$0x0], $0xffff  }
0x6f8: {  	v2 =	vor.u32 $0x200, v44;
	[tilespmem:v32+s28+$0x0] =	vst.idx.add.f32.msk vm8, v3  }
0x6f9: {  	v3 =	vor.u32 $0x280, v28;
	[tilespmem:v31+s28+$0x0] =	vst.idx.add.f32.msk vm6, v5  }
0x6fa: {  	v4 =	vld.idx.msk [tilespmem:v54+s26+$0x0], $0xffff;
	v54 =	vlaneseq.u32  }
0x6fb: {  	v5 =	vld.idx.msk [tilespmem:v55+s26+$0x0], $0xffff  }
0x6fc: {  	[tilespmem:v29+s28+$0x0] =	vst.idx.add.f32.msk vm7, v0  }
0x6fd: {  	[tilespmem:v2+s28+$0x0] =	vst.idx.add.f32.msk vm2, v1  }
0x6fe: {  	v0 =	vld.idx.msk [tilespmem:v3+s26+$0x0], $0xffff  }
0x6ff: {  	v2 =	vor.u32 $0x280, v44;
	v1 =	vld.idx.msk [tilespmem:v56+s26+$0x0], $0xffff  }
0x700: {  	v3 =	vor.u32 $0x300, v28;
	[tilespmem:v26+s28+$0x0] =	vst.idx.add.f32.msk vm3, v4  }
0x701: {  	[tilespmem:v25+s28+$0x0] =	vst.idx.add.f32.msk vm6, v5  }
0x702: {  	v4 =	vld.idx.msk [tilespmem:v57+s26+$0x0], $0xffff  }
0x703: {  	v5 =	vld.idx.msk [tilespmem:v58+s26+$0x0], $0xffff  }
0x704: {  	[tilespmem:v2+s28+$0x0] =	vst.idx.add.f32.msk vm2, v0  }
0x705: {  	v0 =	vld.idx.msk [tilespmem:v3+s26+$0x0], $0xffff  }
0x706: {  	[tilespmem:v24+s28+$0x0] =	vst.idx.add.f32.msk vm0, v1;
	v1 =	vor.u32 $0x300, v44  }
0x707: {  	v2 =	vor.u32 $0x380, v28;
	v25 =	vld.idx.msk [tilespmem:v8+s26+$0x0], $0xffff  }
.Ltmp7:
0x708: {  	[tilespmem:v23+s28+$0x0] =	vst.idx.add.f32.msk vm3, v4;
	(pc) =	sbr.rel @p0 .LBB2_17-.Ltmp7, $4  }
0x709: {  	[tilespmem:v60+s28+$0x0] =	vst.idx.add.f32.msk vm1, v5  }
0x70a: {  	v24 =	vld.idx.msk [tilespmem:v59+s26+$0x0], $0xffff  }
0x70b: {  	[tilespmem:v1+s28+$0x0] =	vst.idx.add.f32.msk vm2, v0  }
0x70c: {  	s2 =	sadd.s32 $0x40, s2;
	v26 =	vor.u32 v36, v33;
	v23 =	vld.idx.msk [tilespmem:v2+s26+$0x0], $0xffff  }
0x70d: {  	_ =	sdelay $0x3  }
0x70e: {  	v0 =	vld.idx.msk [tilespmem:v40+s26+$0x0], $0xffff  }
0x70f: {  	[tilespmem:v30+s28+$0x0] =	vst.idx.add.f32.msk vm0, v25  }
0x710: {  	[tilespmem:v63+s28+$0x0] =	vst.idx.add.f32.msk vm4, v12  }
0x711: {  	v2 =	vld.idx.msk [tilespmem:v34+s26+$0x0], $0xffff  }
0x712: {  	[tilespmem:v27+s28+$0x0] =	vst.idx.add.f32.msk vm3, v24  }
0x713: {  	v59 =	vld.idx.msk [tilespmem:v22+s26+$0x0], $0xffff  }
0x714: {  	[tilespmem:v19+s28+$0x0] =	vst.idx.add.f32.msk vm1, v0  }
0x715: {  	v3 =	vld.idx.msk [tilespmem:v20+s26+$0x0], $0xffff  }
0x716: {  	[tilespmem:v16+s28+$0x0] =	vst.idx.add.f32.msk vm0, v2  }
0x717: {  	v60 =	vld.idx.msk [tilespmem:v17+s26+$0x0], $0xffff  }
0x718: {  	v1 =	vor.u32 $0x380, v26;
	[tilespmem:v15+s28+$0x0] =	vst.idx.add.f32.msk vm3, v59  }
0x719: {  	v0 =	vld.idx.msk [tilespmem:v11+s26+$0x0], $0xffff  }
0x71a: {  	vm15 =	vmmov vm1;
	s9 =	sadd.s32 $0x1, s9;
	[tilespmem:v14+s28+$0x0] =	vst.idx.add.f32.msk vm1, v3  }
0x71b: {  	p0 =	sne.s32 s9, $0x1A;
	v61 =	vld.idx.msk [tilespmem:v10+s26+$0x0], $0xffff  }
.Ltmp8:
0x71c: {  	[tilespmem:v62+s28+$0x0] =	vst.idx.add.f32.msk vm5, v13;
	(pc) =	sbr.rel @p0 .LBB2_4-.Ltmp8, $4  }
0x71d: {  	[tilespmem:v1+s28+$0x0] =	vst.idx.add.f32.msk vm2, v23  }
0x71e: {  	[tilespmem:v9+s28+$0x0] =	vst.idx.add.f32.msk vm0, v60  }
0x71f: {  	[tilespmem:v21+s28+$0x0] =	vst.idx.add.f32.msk vm3, v0  }
0x720: {  	vm14 =	vmmov vm3;
	s7 =	sadd.s32 $0x1000, s7;
	[tilespmem:v18+s28+$0x0] =	vst.idx.add.f32.msk vm15, v61  }
0x721: {  	s0 =	simm.s32 $0x0;
	s1 =	rddreg [dreg:$0xd];
	s3 =	simm.s32 $0x5  }
0x722: {  	[hbm4b:s1+s0] =	stream.linear.scatter [tilespmem:s28], [sflag:$0x5], $0x8000, $0x38;
	[tilespmem:$0x1DC00] =	vst v63  }
0x723: {  	_ =	swait.ge [sflag:s3], $0x8000  }
0x724: {  	[sflag:s3] =	ssyncset.done $0x0  }
0x725: {  	[sflag:s3] =	ssyncadd.s32 $0xFFFF8000  }
0x726: {  	[bflag:$0x0] =	sbarrier.arrive $0xFFFF  }
0x727: {  	s13 =	rddreg [dreg:$0xe]  }
0x728: {  	[tilespmem:s28], [sflag:$0x5] =	stream.linear.gather [hbm4b:s13+s0], $0x2000, $0x38;
	[tilespmem:$0x1DC00] =	vst v63  }
0x729: {  	_ =	swait.ge [sflag:s3], $0x2000  }
0x72a: {  	[sflag:s3] =	ssyncset.done $0x0  }
0x72b: {  	s14 =	rddreg [dreg:$0x12];
	[sflag:s3] =	ssyncadd.s32 $0xFFFFE000  }
0x72c: {  	[tilespmem:s23], [sflag:$0x5] =	stream.linear.gather [hbm4b:s14+s0], $0x2000, $0x38;
	[tilespmem:$0x1DC00] =	vst v63  }
0x72d: {  	_ =	swait.ge [sflag:s3], $0x2000  }
0x72e: {  	s15 =	sand.u32 $0x40, s0;
	s2 =	sand.u32 $0x1C00, s0;
	[sflag:s3] =	ssyncset.done $0x0  }
0x72f: {  	s1 =	sor.u32 s15, s2;
	[sflag:s3] =	ssyncadd.s32 $0xFFFFE000  }
0x730: {  	v0 =	vld [tilespmem:s1+$0x2030]  }
0x731: {  	v1 =	vld [tilespmem:s1+$0x20B0]  }
0x732: {  	v2 =	vld [tilespmem:s1+$0x2130]  }
0x733: {  	v3 =	vld [tilespmem:s1+$0x21B0]  }
0x734: {  	v4 =	vld [tilespmem:s1+$0x2000]  }
0x735: {  	v57 =	vld [tilespmem:s1+$0x2080]  }
0x736: {  	v58 =	vld [tilespmem:s1+$0x2100]  }
0x737: {  	v59 =	vld [tilespmem:s1+$0x2180]  }
0x738: {  	v5 =	vld [tilespmem:s1+$0x2010]  }
0x739: {  	v6 =	vld [tilespmem:s1+$0x2090]  }
0x73a: {  	v7 =	vld [tilespmem:s1+$0x2110]  }
0x73b: {  	v8 =	vld [tilespmem:s1+$0x2190]  }
0x73c: {  	v9 =	vld [tilespmem:s1+$0x2020]  }
0x73d: {  	v10 =	vld [tilespmem:s1+$0x20A0]  }
0x73e: {  	v11 =	vld [tilespmem:s1+$0x2120]  }
0x73f: {  	v12 =	vld [tilespmem:s1+$0x21A0]  }
0x740: {  	[tilespmem:s1+$0x15C30] =	vst.add.f32.msk $0xffff, v0  }
0x741: {  	[tilespmem:s1+$0x15CB0] =	vst.add.f32.msk $0xffff, v1  }
0x742: {  	[tilespmem:s1+$0x15D30] =	vst.add.f32.msk $0xffff, v2  }
0x743: {  	[tilespmem:s1+$0x15DB0] =	vst.add.f32.msk $0xffff, v3  }
0x744: {  	[tilespmem:s1+$0x15C00] =	vst.add.f32.msk $0xffff, v4  }
0x745: {  	[tilespmem:s1+$0x15C80] =	vst.add.f32.msk $0xffff, v57  }
0x746: {  	p0 =	por $0x0, $0x0;
	s2 =	simm.s32 $0x1;
	[tilespmem:s1+$0x15D00] =	vst.add.f32.msk $0xffff, v58  }
0x747: {  	s2 =	simm.s32 @!p0 $0x0;
	[tilespmem:s1+$0x15D80] =	vst.add.f32.msk $0xffff, v59  }
0x748: {  	s2 =	sshll.u32 s2, $0x6;
	[tilespmem:s1+$0x15C10] =	vst.add.f32.msk $0xffff, v5  }
0x749: {  	s2 =	sadd.s32 $0x0, s2;
	[tilespmem:s1+$0x15C90] =	vst.add.f32.msk $0xffff, v6  }
0x74a: {  	s16 =	sadd.s32 $0x30, s2;
	[tilespmem:s1+$0x15D10] =	vst.add.f32.msk $0xffff, v7  }
0x74b: {  	s4 =	sor.u32 $0x200, s16;
	[tilespmem:s1+$0x15D90] =	vst.add.f32.msk $0xffff, v8  }
0x74c: {  	v0 =	vld [tilespmem:s4+$0x2000]  }
0x74d: {  	[tilespmem:s1+$0x15C20] =	vst.add.f32.msk $0xffff, v9  }
0x74e: {  	[tilespmem:s1+$0x15CA0] =	vst.add.f32.msk $0xffff, v10  }
0x74f: {  	s5 =	sor.u32 $0x200, s2;
	[tilespmem:s1+$0x15D20] =	vst.add.f32.msk $0xffff, v11  }
0x750: {  	v60 =	vld [tilespmem:s5+$0x2000]  }
0x751: {  	s17 =	sor.u32 $0x280, s16;
	[tilespmem:s4+$0x15C00] =	vst.add.f32.msk $0xffff, v0  }
0x752: {  	s19 =	sadd.s32 $0x10, s2;
	v0 =	vld [tilespmem:s17+$0x2000]  }
0x753: {  	s8 =	sadd.s32 $0x20, s2;
	s6 =	sor.u32 $0x200, s19;
	[tilespmem:s1+$0x15DA0] =	vst.add.f32.msk $0xffff, v12  }
0x754: {  	s7 =	sor.u32 $0x200, s8;
	v61 =	vld [tilespmem:s6+$0x2000]  }
0x755: {  	v62 =	vld [tilespmem:s7+$0x2000]  }
0x756: {  	[tilespmem:s5+$0x15C00] =	vst.add.f32.msk $0xffff, v60  }
0x757: {  	s18 =	sor.u32 $0x300, s16;
	[tilespmem:s17+$0x15C00] =	vst.add.f32.msk $0xffff, v0  }
0x758: {  	v0 =	vld [tilespmem:s18+$0x2000]  }
0x759: {  	[tilespmem:s6+$0x15C00] =	vst.add.f32.msk $0xffff, v61  }
0x75a: {  	s30 =	sor.u32 $0x280, s19;
	[tilespmem:s7+$0x15C00] =	vst.add.f32.msk $0xffff, v62  }
0x75b: {  	s31 =	sor.u32 $0x280, s8;
	v1 =	vld [tilespmem:s30+$0x2000]  }
0x75c: {  	v2 =	vld [tilespmem:s31+$0x2000]  }
0x75d: {  	s25 =	sor.u32 $0x280, s2;
	[tilespmem:s18+$0x15C00] =	vst.add.f32.msk $0xffff, v0  }
0x75e: {  	v0 =	vld [tilespmem:s25+$0x2000];
	_ =	sdelay $0x1  }
0x75f: {  	[tilespmem:s30+$0x15C00] =	vst.add.f32.msk $0xffff, v1  }
0x760: {  	s21 =	sor.u32 $0x380, s16;
	[tilespmem:s31+$0x15C00] =	vst.add.f32.msk $0xffff, v2  }
0x761: {  	v63 =	vld [tilespmem:s21+$0x2000]  }
0x762: {  	s10 =	sor.u32 $0x300, s2;
	[tilespmem:s25+$0x15C00] =	vst.add.f32.msk $0xffff, v0  }
0x763: {  	s9 =	sor.u32 $0x300, s19;
	v0 =	vld [tilespmem:s10+$0x2000]  }
0x764: {  	s7 =	sor.u32 $0x300, s8;
	v7 =	vld [tilespmem:s9+$0x2000]  }
0x765: {  	v8 =	vld [tilespmem:s7+$0x2000]  }
0x766: {  	s0 =	sor.u32 s0, s0  }
0x767: {  	s2 =	sor.u32 $0x380, s8;
	s0 =	sor.u32 $0x380, s0;
	s3 =	simm.s32 $0x0;
	[tilespmem:s21+$0x15C00] =	vst.add.f32.msk $0xffff, v63  }
0x768: {  	s1 =	sor.u32 $0x380, s19;
	s4 =	simm.s32 $0x200;
	s5 =	simm.s32 $0x40;
	[tilespmem:s10+$0x15C00] =	vst.add.f32.msk $0xffff, v0  }
.LBB2_20:
0x769: {  	s6 =	sand.u32 $0x40, s5;
	s8 =	sand.u32 $0x1C00, s4;
	s10 =	sor.u32 s4, s5;
	[tilespmem:s9+$0x15C00] =	vst.add.f32.msk $0xffff, v7  }
0x76a: {  	s15 =	sor.u32 s6, s8;
	s13 =	sor.u32 $0x380, s10;
	[tilespmem:s7+$0x15C00] =	vst.add.f32.msk $0xffff, v8  }
0x76b: {  	v0 =	vld [tilespmem:s15+$0x2030]  }
0x76c: {  	s3 =	sadd.s32 $0x4, s3;
	v1 =	vld [tilespmem:s15+$0x20B0]  }
0x76d: {  	p1 =	slt.u32 s3, $0x3C;
	v2 =	vld [tilespmem:s15+$0x2130]  }
0x76e: {  	p0 =	por !p0, !p0;
	s6 =	simm.s32 $0x1;
	v3 =	vld [tilespmem:s15+$0x21B0]  }
0x76f: {  	s6 =	simm.s32 @!p0 $0x0;
	v4 =	vld [tilespmem:s15+$0x2000]  }
0x770: {  	s6 =	sshll.u32 s6, $0x6;
	[tilespmem:s15+$0x15C30] =	vst.add.f32.msk $0xffff, v0  }
0x771: {  	s6 =	sadd.s32 s6, s4;
	[tilespmem:s15+$0x15CB0] =	vst.add.f32.msk $0xffff, v1  }
0x772: {  	s12 =	sadd.s32 $0x10, s6;
	s16 =	sadd.s32 $0x20, s6;
	s25 =	sadd.s32 $0x30, s6;
	[tilespmem:s15+$0x15D30] =	vst.add.f32.msk $0xffff, v2  }
0x773: {  	s11 =	sor.u32 $0x200, s12;
	s10 =	sor.u32 $0x200, s16;
	s30 =	sor.u32 $0x200, s25;
	[tilespmem:s15+$0x15DB0] =	vst.add.f32.msk $0xffff, v3  }
0x774: {  	s8 =	sor.u32 $0x200, s6;
	s19 =	sor.u32 $0x280, s12;
	s18 =	sor.u32 $0x280, s16;
	v0 =	vld [tilespmem:s30+$0x2000]  }
0x775: {  	s31 =	sor.u32 $0x280, s6;
	s9 =	sor.u32 $0x300, s12;
	s7 =	sor.u32 $0x300, s16;
	v1 =	vld [tilespmem:s15+$0x2080]  }
0x776: {  	s14 =	sor.u32 $0x300, s6;
	s21 =	sor.u32 $0x380, s12;
	s17 =	sor.u32 $0x380, s16;
	v2 =	vld [tilespmem:s15+$0x2100]  }
0x777: {  	v3 =	vld [tilespmem:s15+$0x2180]  }
0x778: {  	v5 =	vld [tilespmem:s15+$0x2010]  }
0x779: {  	s6 =	sor.u32 $0x280, s25;
	[tilespmem:s30+$0x15C00] =	vst.add.f32.msk $0xffff, v0  }
0x77a: {  	v0 =	vld [tilespmem:s6+$0x2000]  }
0x77b: {  	v6 =	vld [tilespmem:s15+$0x2090]  }
0x77c: {  	v7 =	vld [tilespmem:s15+$0x2110]  }
0x77d: {  	v8 =	vld [tilespmem:s15+$0x2190]  }
0x77e: {  	v9 =	vld [tilespmem:s15+$0x2020]  }
0x77f: {  	[tilespmem:s6+$0x15C00] =	vst.add.f32.msk $0xffff, v0;
	s6 =	sor.u32 $0x300, s25  }
0x780: {  	v0 =	vld [tilespmem:s6+$0x2000]  }
0x781: {  	v10 =	vld [tilespmem:s15+$0x20A0]  }
0x782: {  	v11 =	vld [tilespmem:s15+$0x2120]  }
0x783: {  	v12 =	vld [tilespmem:s15+$0x21A0]  }
0x784: {  	[tilespmem:s15+$0x15C00] =	vst.add.f32.msk $0xffff, v4  }
0x785: {  	[tilespmem:s6+$0x15C00] =	vst.add.f32.msk $0xffff, v0;
	s6 =	sor.u32 $0x380, s25  }
0x786: {  	v0 =	vld [tilespmem:s6+$0x2000]  }
0x787: {  	[tilespmem:s15+$0x15C80] =	vst.add.f32.msk $0xffff, v1  }
0x788: {  	[tilespmem:s15+$0x15D00] =	vst.add.f32.msk $0xffff, v2  }
0x789: {  	[tilespmem:s15+$0x15D80] =	vst.add.f32.msk $0xffff, v3  }
0x78a: {  	[tilespmem:s15+$0x15C10] =	vst.add.f32.msk $0xffff, v5  }
0x78b: {  	[tilespmem:s6+$0x15C00] =	vst.add.f32.msk $0xffff, v0  }
0x78c: {  	[tilespmem:s15+$0x15C90] =	vst.add.f32.msk $0xffff, v6  }
0x78d: {  	[tilespmem:s15+$0x15D10] =	vst.add.f32.msk $0xffff, v7  }
0x78e: {  	[tilespmem:s15+$0x15D90] =	vst.add.f32.msk $0xffff, v8  }
0x78f: {  	[tilespmem:s15+$0x15C20] =	vst.add.f32.msk $0xffff, v9  }
0x790: {  	[tilespmem:s15+$0x15CA0] =	vst.add.f32.msk $0xffff, v10  }
0x791: {  	[tilespmem:s15+$0x15D20] =	vst.add.f32.msk $0xffff, v11  }
0x792: {  	[tilespmem:s15+$0x15DA0] =	vst.add.f32.msk $0xffff, v12  }
0x793: {  	v0 =	vld [tilespmem:s8+$0x2000]  }
0x794: {  	v1 =	vld [tilespmem:s11+$0x2000]  }
0x795: {  	v2 =	vld [tilespmem:s10+$0x2000]  }
0x796: {  	v3 =	vld [tilespmem:s0+$0x2000]  }
0x797: {  	v4 =	vld [tilespmem:s1+$0x2000]  }
0x798: {  	[tilespmem:s8+$0x15C00] =	vst.add.f32.msk $0xffff, v0  }
0x799: {  	[tilespmem:s11+$0x15C00] =	vst.add.f32.msk $0xffff, v1  }
0x79a: {  	[tilespmem:s10+$0x15C00] =	vst.add.f32.msk $0xffff, v2  }
0x79b: {  	v0 =	vld [tilespmem:s31+$0x2000]  }
0x79c: {  	v1 =	vld [tilespmem:s19+$0x2000]  }
0x79d: {  	v2 =	vld [tilespmem:s18+$0x2000]  }
0x79e: {  	v5 =	vld [tilespmem:s2+$0x2000]  }
0x79f: {  	[tilespmem:s0+$0x15C00] =	vst.add.f32.msk $0xffff, v3;
	s0 =	smov.u32 s13  }
0x7a0: {  	[tilespmem:s31+$0x15C00] =	vst.add.f32.msk $0xffff, v0  }
0x7a1: {  	[tilespmem:s19+$0x15C00] =	vst.add.f32.msk $0xffff, v1  }
0x7a2: {  	[tilespmem:s18+$0x15C00] =	vst.add.f32.msk $0xffff, v2  }
0x7a3: {  	v0 =	vld [tilespmem:s14+$0x2000]  }
.Ltmp9:
0x7a4: {  	v7 =	vld [tilespmem:s9+$0x2000];
	(pc) =	sbr.rel @p1 .LBB2_20-.Ltmp9, $4  }
0x7a5: {  	v8 =	vld [tilespmem:s7+$0x2000]  }
0x7a6: {  	[tilespmem:s1+$0x15C00] =	vst.add.f32.msk $0xffff, v4;
	s1 =	smov.u32 s21  }
0x7a7: {  	[tilespmem:s2+$0x15C00] =	vst.add.f32.msk $0xffff, v5;
	s2 =	smov.u32 s17  }
0x7a8: {  	s5 =	sadd.s32 $0x40, s5;
	s4 =	sadd.s32 $0x200, s4;
	[tilespmem:s14+$0x15C00] =	vst.add.f32.msk $0xffff, v0  }
0x7a9: {  	[tilespmem:s9+$0x15C00] =	vst.add.f32.msk $0xffff, v7  }
0x7aa: {  	v0 =	vld [tilespmem:s0+$0x2000]  }
0x7ab: {  	[tilespmem:s7+$0x15C00] =	vst.add.f32.msk $0xffff, v8  }
0x7ac: {  	v1 =	vld [tilespmem:s1+$0x2000]  }
0x7ad: {  	v2 =	vld [tilespmem:s2+$0x2000];
	_ =	sdelay $0x2  }
0x7ae: {  	[tilespmem:s0+$0x15C00] =	vst.add.f32.msk $0xffff, v0  }
0x7af: {  	[tilespmem:s1+$0x15C00] =	vst.add.f32.msk $0xffff, v1  }
0x7b0: {  	[tilespmem:s2+$0x15C00] =	vst.add.f32.msk $0xffff, v2  }
0x7b1: {  	s12 =	simm.s32 $0x0;
	s3 =	simm.s32 $0x5;
	s1 =	rddreg [dreg:$0x14]  }
0x7b2: {  	[tilespmem:s23], [sflag:$0x5] =	stream.linear.gather [hbm4b:s1+s12], $0x2000, $0x38;
	[tilespmem:$0x1DC00] =	vst v63  }
0x7b3: {  	_ =	swait.ge [sflag:s3], $0x2000  }
0x7b4: {  	s13 =	sand.u32 $0x40, s12;
	s14 =	sand.u32 $0x1C00, s12;
	[sflag:s3] =	ssyncset.done $0x0  }
0x7b5: {  	s1 =	sor.u32 s13, s14;
	[sflag:s3] =	ssyncadd.s32 $0xFFFFE000  }
0x7b6: {  	v53 =	vld [tilespmem:s1+$0x2030]  }
0x7b7: {  	v55 =	vld [tilespmem:s1+$0x20B0]  }
0x7b8: {  	v56 =	vld [tilespmem:s1+$0x2130]  }
0x7b9: {  	v3 =	vld [tilespmem:s1+$0x21B0]  }
0x7ba: {  	v4 =	vld [tilespmem:s1+$0x2000]  }
0x7bb: {  	v57 =	vld [tilespmem:s1+$0x2080]  }
0x7bc: {  	v58 =	vld [tilespmem:s1+$0x2100]  }
0x7bd: {  	v59 =	vld [tilespmem:s1+$0x2180]  }
0x7be: {  	v5 =	vld [tilespmem:s1+$0x2010]  }
0x7bf: {  	v6 =	vld [tilespmem:s1+$0x2090]  }
0x7c0: {  	v7 =	vld [tilespmem:s1+$0x2110]  }
0x7c1: {  	v8 =	vld [tilespmem:s1+$0x2190]  }
0x7c2: {  	v9 =	vld [tilespmem:s1+$0x2020]  }
0x7c3: {  	v10 =	vld [tilespmem:s1+$0x20A0]  }
0x7c4: {  	v11 =	vld [tilespmem:s1+$0x2120]  }
0x7c5: {  	v12 =	vld [tilespmem:s1+$0x21A0]  }
0x7c6: {  	[tilespmem:s1+$0x15C30] =	vst.add.f32.msk $0xffff, v53  }
0x7c7: {  	[tilespmem:s1+$0x15CB0] =	vst.add.f32.msk $0xffff, v55  }
0x7c8: {  	[tilespmem:s1+$0x15D30] =	vst.add.f32.msk $0xffff, v56  }
0x7c9: {  	[tilespmem:s1+$0x15DB0] =	vst.add.f32.msk $0xffff, v3  }
0x7ca: {  	[tilespmem:s1+$0x15C00] =	vst.add.f32.msk $0xffff, v4  }
0x7cb: {  	[tilespmem:s1+$0x15C80] =	vst.add.f32.msk $0xffff, v57  }
0x7cc: {  	p0 =	por $0x0, $0x0;
	s2 =	simm.s32 $0x1;
	[tilespmem:s1+$0x15D00] =	vst.add.f32.msk $0xffff, v58  }
0x7cd: {  	s2 =	simm.s32 @!p0 $0x0;
	[tilespmem:s1+$0x15D80] =	vst.add.f32.msk $0xffff, v59  }
0x7ce: {  	s2 =	sshll.u32 s2, $0x6;
	[tilespmem:s1+$0x15C10] =	vst.add.f32.msk $0xffff, v5  }
0x7cf: {  	s2 =	sadd.s32 $0x0, s2;
	[tilespmem:s1+$0x15C90] =	vst.add.f32.msk $0xffff, v6  }
0x7d0: {  	s15 =	sadd.s32 $0x30, s2;
	[tilespmem:s1+$0x15D10] =	vst.add.f32.msk $0xffff, v7  }
0x7d1: {  	s4 =	sor.u32 $0x200, s15;
	[tilespmem:s1+$0x15D90] =	vst.add.f32.msk $0xffff, v8  }
0x7d2: {  	v0 =	vld [tilespmem:s4+$0x2000]  }
0x7d3: {  	[tilespmem:s1+$0x15C20] =	vst.add.f32.msk $0xffff, v9  }
0x7d4: {  	[tilespmem:s1+$0x15CA0] =	vst.add.f32.msk $0xffff, v10  }
0x7d5: {  	s5 =	sor.u32 $0x200, s2;
	[tilespmem:s1+$0x15D20] =	vst.add.f32.msk $0xffff, v11  }
0x7d6: {  	v60 =	vld [tilespmem:s5+$0x2000]  }
0x7d7: {  	s16 =	sor.u32 $0x280, s15;
	[tilespmem:s4+$0x15C00] =	vst.add.f32.msk $0xffff, v0  }
0x7d8: {  	s18 =	sadd.s32 $0x10, s2;
	v0 =	vld [tilespmem:s16+$0x2000]  }
0x7d9: {  	s8 =	sadd.s32 $0x20, s2;
	s6 =	sor.u32 $0x200, s18;
	[tilespmem:s1+$0x15DA0] =	vst.add.f32.msk $0xffff, v12  }
0x7da: {  	s19 =	sor.u32 $0x200, s8;
	v61 =	vld [tilespmem:s6+$0x2000]  }
0x7db: {  	v62 =	vld [tilespmem:s19+$0x2000]  }
0x7dc: {  	[tilespmem:s5+$0x15C00] =	vst.add.f32.msk $0xffff, v60  }
0x7dd: {  	s17 =	sor.u32 $0x300, s15;
	[tilespmem:s16+$0x15C00] =	vst.add.f32.msk $0xffff, v0  }
0x7de: {  	v0 =	vld [tilespmem:s17+$0x2000]  }
0x7df: {  	[tilespmem:s6+$0x15C00] =	vst.add.f32.msk $0xffff, v61  }
0x7e0: {  	s30 =	sor.u32 $0x280, s18;
	[tilespmem:s19+$0x15C00] =	vst.add.f32.msk $0xffff, v62  }
0x7e1: {  	s31 =	sor.u32 $0x280, s8;
	v1 =	vld [tilespmem:s30+$0x2000]  }
0x7e2: {  	v2 =	vld [tilespmem:s31+$0x2000]  }
0x7e3: {  	s25 =	sor.u32 $0x280, s2;
	[tilespmem:s17+$0x15C00] =	vst.add.f32.msk $0xffff, v0  }
0x7e4: {  	v0 =	vld [tilespmem:s25+$0x2000];
	_ =	sdelay $0x1  }
0x7e5: {  	[tilespmem:s30+$0x15C00] =	vst.add.f32.msk $0xffff, v1  }
0x7e6: {  	s21 =	sor.u32 $0x380, s15;
	[tilespmem:s31+$0x15C00] =	vst.add.f32.msk $0xffff, v2  }
0x7e7: {  	v63 =	vld [tilespmem:s21+$0x2000]  }
0x7e8: {  	s10 =	sor.u32 $0x300, s2;
	[tilespmem:s25+$0x15C00] =	vst.add.f32.msk $0xffff, v0  }
0x7e9: {  	s9 =	sor.u32 $0x300, s18;
	v0 =	vld [tilespmem:s10+$0x2000]  }
0x7ea: {  	s7 =	sor.u32 $0x300, s8;
	v7 =	vld [tilespmem:s9+$0x2000]  }
0x7eb: {  	v8 =	vld [tilespmem:s7+$0x2000]  }
0x7ec: {  	s0 =	sor.u32 s12, s12  }
0x7ed: {  	s0 =	sor.u32 $0x380, s0;
	s3 =	simm.s32 $0x0;
	s2 =	sor.u32 $0x380, s8;
	[tilespmem:s21+$0x15C00] =	vst.add.f32.msk $0xffff, v63  }
0x7ee: {  	s1 =	sor.u32 $0x380, s18;
	s4 =	simm.s32 $0x200;
	s5 =	simm.s32 $0x40;
	[tilespmem:s10+$0x15C00] =	vst.add.f32.msk $0xffff, v0  }
.LBB2_22:
0x7ef: {  	s6 =	sand.u32 $0x40, s5;
	s8 =	sand.u32 $0x1C00, s4;
	s10 =	sor.u32 s4, s5;
	[tilespmem:s9+$0x15C00] =	vst.add.f32.msk $0xffff, v7  }
0x7f0: {  	s15 =	sor.u32 s6, s8;
	s13 =	sor.u32 $0x380, s10;
	[tilespmem:s7+$0x15C00] =	vst.add.f32.msk $0xffff, v8  }
0x7f1: {  	v0 =	vld [tilespmem:s15+$0x2030]  }
0x7f2: {  	s3 =	sadd.s32 $0x4, s3;
	v1 =	vld [tilespmem:s15+$0x20B0]  }
0x7f3: {  	p1 =	slt.u32 s3, $0x3C;
	v2 =	vld [tilespmem:s15+$0x2130]  }
0x7f4: {  	p0 =	por !p0, !p0;
	s6 =	simm.s32 $0x1;
	v3 =	vld [tilespmem:s15+$0x21B0]  }
0x7f5: {  	s6 =	simm.s32 @!p0 $0x0;
	v4 =	vld [tilespmem:s15+$0x2000]  }
0x7f6: {  	s6 =	sshll.u32 s6, $0x6;
	[tilespmem:s15+$0x15C30] =	vst.add.f32.msk $0xffff, v0  }
0x7f7: {  	s6 =	sadd.s32 s6, s4;
	[tilespmem:s15+$0x15CB0] =	vst.add.f32.msk $0xffff, v1  }
0x7f8: {  	s12 =	sadd.s32 $0x10, s6;
	s16 =	sadd.s32 $0x20, s6;
	s25 =	sadd.s32 $0x30, s6;
	[tilespmem:s15+$0x15D30] =	vst.add.f32.msk $0xffff, v2  }
0x7f9: {  	s11 =	sor.u32 $0x200, s12;
	s10 =	sor.u32 $0x200, s16;
	s30 =	sor.u32 $0x200, s25;
	[tilespmem:s15+$0x15DB0] =	vst.add.f32.msk $0xffff, v3  }
0x7fa: {  	s8 =	sor.u32 $0x200, s6;
	s19 =	sor.u32 $0x280, s12;
	s18 =	sor.u32 $0x280, s16;
	v0 =	vld [tilespmem:s30+$0x2000]  }
0x7fb: {  	s31 =	sor.u32 $0x280, s6;
	s9 =	sor.u32 $0x300, s12;
	s7 =	sor.u32 $0x300, s16;
	v1 =	vld [tilespmem:s15+$0x2080]  }
0x7fc: {  	s14 =	sor.u32 $0x300, s6;
	s21 =	sor.u32 $0x380, s12;
	s17 =	sor.u32 $0x380, s16;
	v2 =	vld [tilespmem:s15+$0x2100]  }
0x7fd: {  	v3 =	vld [tilespmem:s15+$0x2180]  }
0x7fe: {  	v5 =	vld [tilespmem:s15+$0x2010]  }
0x7ff: {  	s6 =	sor.u32 $0x280, s25;
	[tilespmem:s30+$0x15C00] =	vst.add.f32.msk $0xffff, v0  }
0x800: {  	v0 =	vld [tilespmem:s6+$0x2000]  }
0x801: {  	v6 =	vld [tilespmem:s15+$0x2090]  }
0x802: {  	v7 =	vld [tilespmem:s15+$0x2110]  }
0x803: {  	v8 =	vld [tilespmem:s15+$0x2190]  }
0x804: {  	v9 =	vld [tilespmem:s15+$0x2020]  }
0x805: {  	[tilespmem:s6+$0x15C00] =	vst.add.f32.msk $0xffff, v0;
	s6 =	sor.u32 $0x300, s25  }
0x806: {  	v0 =	vld [tilespmem:s6+$0x2000]  }
0x807: {  	v10 =	vld [tilespmem:s15+$0x20A0]  }
0x808: {  	v11 =	vld [tilespmem:s15+$0x2120]  }
0x809: {  	v12 =	vld [tilespmem:s15+$0x21A0]  }
0x80a: {  	[tilespmem:s15+$0x15C00] =	vst.add.f32.msk $0xffff, v4  }
0x80b: {  	[tilespmem:s6+$0x15C00] =	vst.add.f32.msk $0xffff, v0;
	s6 =	sor.u32 $0x380, s25  }
0x80c: {  	v0 =	vld [tilespmem:s6+$0x2000]  }
0x80d: {  	[tilespmem:s15+$0x15C80] =	vst.add.f32.msk $0xffff, v1  }
0x80e: {  	[tilespmem:s15+$0x15D00] =	vst.add.f32.msk $0xffff, v2  }
0x80f: {  	[tilespmem:s15+$0x15D80] =	vst.add.f32.msk $0xffff, v3  }
0x810: {  	[tilespmem:s15+$0x15C10] =	vst.add.f32.msk $0xffff, v5  }
0x811: {  	[tilespmem:s6+$0x15C00] =	vst.add.f32.msk $0xffff, v0  }
0x812: {  	[tilespmem:s15+$0x15C90] =	vst.add.f32.msk $0xffff, v6  }
0x813: {  	[tilespmem:s15+$0x15D10] =	vst.add.f32.msk $0xffff, v7  }
0x814: {  	[tilespmem:s15+$0x15D90] =	vst.add.f32.msk $0xffff, v8  }
0x815: {  	[tilespmem:s15+$0x15C20] =	vst.add.f32.msk $0xffff, v9  }
0x816: {  	[tilespmem:s15+$0x15CA0] =	vst.add.f32.msk $0xffff, v10  }
0x817: {  	[tilespmem:s15+$0x15D20] =	vst.add.f32.msk $0xffff, v11  }
0x818: {  	[tilespmem:s15+$0x15DA0] =	vst.add.f32.msk $0xffff, v12  }
0x819: {  	v0 =	vld [tilespmem:s8+$0x2000]  }
0x81a: {  	v1 =	vld [tilespmem:s11+$0x2000]  }
0x81b: {  	v2 =	vld [tilespmem:s10+$0x2000]  }
0x81c: {  	v3 =	vld [tilespmem:s0+$0x2000]  }
0x81d: {  	v4 =	vld [tilespmem:s1+$0x2000]  }
0x81e: {  	[tilespmem:s8+$0x15C00] =	vst.add.f32.msk $0xffff, v0  }
0x81f: {  	[tilespmem:s11+$0x15C00] =	vst.add.f32.msk $0xffff, v1  }
0x820: {  	[tilespmem:s10+$0x15C00] =	vst.add.f32.msk $0xffff, v2  }
0x821: {  	v0 =	vld [tilespmem:s31+$0x2000]  }
0x822: {  	v1 =	vld [tilespmem:s19+$0x2000]  }
0x823: {  	v2 =	vld [tilespmem:s18+$0x2000]  }
0x824: {  	v5 =	vld [tilespmem:s2+$0x2000]  }
0x825: {  	[tilespmem:s0+$0x15C00] =	vst.add.f32.msk $0xffff, v3;
	s0 =	smov.u32 s13  }
0x826: {  	[tilespmem:s31+$0x15C00] =	vst.add.f32.msk $0xffff, v0  }
0x827: {  	[tilespmem:s19+$0x15C00] =	vst.add.f32.msk $0xffff, v1  }
0x828: {  	[tilespmem:s18+$0x15C00] =	vst.add.f32.msk $0xffff, v2  }
0x829: {  	v0 =	vld [tilespmem:s14+$0x2000]  }
.Ltmp10:
0x82a: {  	v7 =	vld [tilespmem:s9+$0x2000];
	(pc) =	sbr.rel @p1 .LBB2_22-.Ltmp10, $4  }
0x82b: {  	v8 =	vld [tilespmem:s7+$0x2000]  }
0x82c: {  	[tilespmem:s1+$0x15C00] =	vst.add.f32.msk $0xffff, v4;
	s1 =	smov.u32 s21  }
0x82d: {  	[tilespmem:s2+$0x15C00] =	vst.add.f32.msk $0xffff, v5;
	s2 =	smov.u32 s17  }
0x82e: {  	s5 =	sadd.s32 $0x40, s5;
	s4 =	sadd.s32 $0x200, s4;
	[tilespmem:s14+$0x15C00] =	vst.add.f32.msk $0xffff, v0  }
0x82f: {  	[tilespmem:s9+$0x15C00] =	vst.add.f32.msk $0xffff, v7  }
0x830: {  	v0 =	vld [tilespmem:s0+$0x2000]  }
0x831: {  	[tilespmem:s7+$0x15C00] =	vst.add.f32.msk $0xffff, v8  }
0x832: {  	v1 =	vld [tilespmem:s1+$0x2000]  }
0x833: {  	v2 =	vld [tilespmem:s2+$0x2000];
	_ =	sdelay $0x2  }
0x834: {  	[tilespmem:s0+$0x15C00] =	vst.add.f32.msk $0xffff, v0  }
0x835: {  	[tilespmem:s1+$0x15C00] =	vst.add.f32.msk $0xffff, v1  }
0x836: {  	[tilespmem:s2+$0x15C00] =	vst.add.f32.msk $0xffff, v2  }
0x837: {  	s12 =	simm.s32 $0x0;
	s3 =	simm.s32 $0x5;
	s1 =	rddreg [dreg:$0xf]  }
0x838: {  	[tilespmem:s23], [sflag:$0x5] =	stream.linear.gather [hbm4b:s1+s12], $0x2000, $0x38;
	[tilespmem:$0x1DC00] =	vst v63  }
0x839: {  	_ =	swait.ge [sflag:s3], $0x2000  }
0x83a: {  	s13 =	sand.u32 $0x40, s12;
	s14 =	sand.u32 $0x1C00, s12;
	[sflag:s3] =	ssyncset.done $0x0  }
0x83b: {  	s1 =	sor.u32 s13, s14;
	[sflag:s3] =	ssyncadd.s32 $0xFFFFE000  }
0x83c: {  	v53 =	vld [tilespmem:s1+$0x2030]  }
0x83d: {  	v55 =	vld [tilespmem:s1+$0x20B0]  }
0x83e: {  	v56 =	vld [tilespmem:s1+$0x2130]  }
0x83f: {  	v3 =	vld [tilespmem:s1+$0x21B0]  }
0x840: {  	v4 =	vld [tilespmem:s1+$0x2000]  }
0x841: {  	v57 =	vld [tilespmem:s1+$0x2080]  }
0x842: {  	v58 =	vld [tilespmem:s1+$0x2100]  }
0x843: {  	v59 =	vld [tilespmem:s1+$0x2180]  }
0x844: {  	v5 =	vld [tilespmem:s1+$0x2010]  }
0x845: {  	v6 =	vld [tilespmem:s1+$0x2090]  }
0x846: {  	v7 =	vld [tilespmem:s1+$0x2110]  }
0x847: {  	v8 =	vld [tilespmem:s1+$0x2190]  }
0x848: {  	v9 =	vld [tilespmem:s1+$0x2020]  }
0x849: {  	v10 =	vld [tilespmem:s1+$0x20A0]  }
0x84a: {  	v11 =	vld [tilespmem:s1+$0x2120]  }
0x84b: {  	v12 =	vld [tilespmem:s1+$0x21A0]  }
0x84c: {  	[tilespmem:s1+$0x15C30] =	vst.add.f32.msk $0xffff, v53  }
0x84d: {  	[tilespmem:s1+$0x15CB0] =	vst.add.f32.msk $0xffff, v55  }
0x84e: {  	[tilespmem:s1+$0x15D30] =	vst.add.f32.msk $0xffff, v56  }
0x84f: {  	[tilespmem:s1+$0x15DB0] =	vst.add.f32.msk $0xffff, v3  }
0x850: {  	[tilespmem:s1+$0x15C00] =	vst.add.f32.msk $0xffff, v4  }
0x851: {  	[tilespmem:s1+$0x15C80] =	vst.add.f32.msk $0xffff, v57  }
0x852: {  	p0 =	por $0x0, $0x0;
	s2 =	simm.s32 $0x1;
	[tilespmem:s1+$0x15D00] =	vst.add.f32.msk $0xffff, v58  }
0x853: {  	s2 =	simm.s32 @!p0 $0x0;
	[tilespmem:s1+$0x15D80] =	vst.add.f32.msk $0xffff, v59  }
0x854: {  	s2 =	sshll.u32 s2, $0x6;
	[tilespmem:s1+$0x15C10] =	vst.add.f32.msk $0xffff, v5  }
0x855: {  	s2 =	sadd.s32 $0x0, s2;
	[tilespmem:s1+$0x15C90] =	vst.add.f32.msk $0xffff, v6  }
0x856: {  	s15 =	sadd.s32 $0x30, s2;
	[tilespmem:s1+$0x15D10] =	vst.add.f32.msk $0xffff, v7  }
0x857: {  	s4 =	sor.u32 $0x200, s15;
	[tilespmem:s1+$0x15D90] =	vst.add.f32.msk $0xffff, v8  }
0x858: {  	v0 =	vld [tilespmem:s4+$0x2000]  }
0x859: {  	[tilespmem:s1+$0x15C20] =	vst.add.f32.msk $0xffff, v9  }
0x85a: {  	[tilespmem:s1+$0x15CA0] =	vst.add.f32.msk $0xffff, v10  }
0x85b: {  	s5 =	sor.u32 $0x200, s2;
	[tilespmem:s1+$0x15D20] =	vst.add.f32.msk $0xffff, v11  }
0x85c: {  	v60 =	vld [tilespmem:s5+$0x2000]  }
0x85d: {  	s16 =	sor.u32 $0x280, s15;
	[tilespmem:s4+$0x15C00] =	vst.add.f32.msk $0xffff, v0  }
0x85e: {  	s18 =	sadd.s32 $0x10, s2;
	v0 =	vld [tilespmem:s16+$0x2000]  }
0x85f: {  	s8 =	sadd.s32 $0x20, s2;
	s6 =	sor.u32 $0x200, s18;
	[tilespmem:s1+$0x15DA0] =	vst.add.f32.msk $0xffff, v12  }
0x860: {  	s19 =	sor.u32 $0x200, s8;
	v61 =	vld [tilespmem:s6+$0x2000]  }
0x861: {  	v62 =	vld [tilespmem:s19+$0x2000]  }
0x862: {  	[tilespmem:s5+$0x15C00] =	vst.add.f32.msk $0xffff, v60  }
0x863: {  	s17 =	sor.u32 $0x300, s15;
	[tilespmem:s16+$0x15C00] =	vst.add.f32.msk $0xffff, v0  }
0x864: {  	v0 =	vld [tilespmem:s17+$0x2000]  }
0x865: {  	[tilespmem:s6+$0x15C00] =	vst.add.f32.msk $0xffff, v61  }
0x866: {  	s30 =	sor.u32 $0x280, s18;
	[tilespmem:s19+$0x15C00] =	vst.add.f32.msk $0xffff, v62  }
0x867: {  	s31 =	sor.u32 $0x280, s8;
	v1 =	vld [tilespmem:s30+$0x2000]  }
0x868: {  	v2 =	vld [tilespmem:s31+$0x2000]  }
0x869: {  	s25 =	sor.u32 $0x280, s2;
	[tilespmem:s17+$0x15C00] =	vst.add.f32.msk $0xffff, v0  }
0x86a: {  	v0 =	vld [tilespmem:s25+$0x2000];
	_ =	sdelay $0x1  }
0x86b: {  	[tilespmem:s30+$0x15C00] =	vst.add.f32.msk $0xffff, v1  }
0x86c: {  	s21 =	sor.u32 $0x380, s15;
	[tilespmem:s31+$0x15C00] =	vst.add.f32.msk $0xffff, v2  }
0x86d: {  	v63 =	vld [tilespmem:s21+$0x2000]  }
0x86e: {  	s10 =	sor.u32 $0x300, s2;
	[tilespmem:s25+$0x15C00] =	vst.add.f32.msk $0xffff, v0  }
0x86f: {  	s9 =	sor.u32 $0x300, s18;
	v0 =	vld [tilespmem:s10+$0x2000]  }
0x870: {  	s7 =	sor.u32 $0x300, s8;
	v7 =	vld [tilespmem:s9+$0x2000]  }
0x871: {  	v8 =	vld [tilespmem:s7+$0x2000]  }
0x872: {  	s0 =	sor.u32 s12, s12  }
0x873: {  	s0 =	sor.u32 $0x380, s0;
	s3 =	simm.s32 $0x0;
	s2 =	sor.u32 $0x380, s8;
	[tilespmem:s21+$0x15C00] =	vst.add.f32.msk $0xffff, v63  }
0x874: {  	s1 =	sor.u32 $0x380, s18;
	s4 =	simm.s32 $0x200;
	s5 =	simm.s32 $0x40;
	[tilespmem:s10+$0x15C00] =	vst.add.f32.msk $0xffff, v0  }
.LBB2_24:
0x875: {  	s6 =	sand.u32 $0x40, s5;
	s8 =	sand.u32 $0x1C00, s4;
	s10 =	sor.u32 s4, s5;
	[tilespmem:s9+$0x15C00] =	vst.add.f32.msk $0xffff, v7  }
0x876: {  	s15 =	sor.u32 s6, s8;
	s13 =	sor.u32 $0x380, s10;
	[tilespmem:s7+$0x15C00] =	vst.add.f32.msk $0xffff, v8  }
0x877: {  	v0 =	vld [tilespmem:s15+$0x2030]  }
0x878: {  	s3 =	sadd.s32 $0x4, s3;
	v1 =	vld [tilespmem:s15+$0x20B0]  }
0x879: {  	p1 =	slt.u32 s3, $0x3C;
	v2 =	vld [tilespmem:s15+$0x2130]  }
0x87a: {  	p0 =	por !p0, !p0;
	s6 =	simm.s32 $0x1;
	v3 =	vld [tilespmem:s15+$0x21B0]  }
0x87b: {  	s6 =	simm.s32 @!p0 $0x0;
	v4 =	vld [tilespmem:s15+$0x2000]  }
0x87c: {  	s6 =	sshll.u32 s6, $0x6;
	[tilespmem:s15+$0x15C30] =	vst.add.f32.msk $0xffff, v0  }
0x87d: {  	s6 =	sadd.s32 s6, s4;
	[tilespmem:s15+$0x15CB0] =	vst.add.f32.msk $0xffff, v1  }
0x87e: {  	s12 =	sadd.s32 $0x10, s6;
	s16 =	sadd.s32 $0x20, s6;
	s25 =	sadd.s32 $0x30, s6;
	[tilespmem:s15+$0x15D30] =	vst.add.f32.msk $0xffff, v2  }
0x87f: {  	s11 =	sor.u32 $0x200, s12;
	s10 =	sor.u32 $0x200, s16;
	s30 =	sor.u32 $0x200, s25;
	[tilespmem:s15+$0x15DB0] =	vst.add.f32.msk $0xffff, v3  }
0x880: {  	s8 =	sor.u32 $0x200, s6;
	s19 =	sor.u32 $0x280, s12;
	s18 =	sor.u32 $0x280, s16;
	v0 =	vld [tilespmem:s30+$0x2000]  }
0x881: {  	s31 =	sor.u32 $0x280, s6;
	s9 =	sor.u32 $0x300, s12;
	s7 =	sor.u32 $0x300, s16;
	v1 =	vld [tilespmem:s15+$0x2080]  }
0x882: {  	s14 =	sor.u32 $0x300, s6;
	s21 =	sor.u32 $0x380, s12;
	s17 =	sor.u32 $0x380, s16;
	v2 =	vld [tilespmem:s15+$0x2100]  }
0x883: {  	v3 =	vld [tilespmem:s15+$0x2180]  }
0x884: {  	v5 =	vld [tilespmem:s15+$0x2010]  }
0x885: {  	s6 =	sor.u32 $0x280, s25;
	[tilespmem:s30+$0x15C00] =	vst.add.f32.msk $0xffff, v0  }
0x886: {  	v0 =	vld [tilespmem:s6+$0x2000]  }
0x887: {  	v6 =	vld [tilespmem:s15+$0x2090]  }
0x888: {  	v7 =	vld [tilespmem:s15+$0x2110]  }
0x889: {  	v8 =	vld [tilespmem:s15+$0x2190]  }
0x88a: {  	v9 =	vld [tilespmem:s15+$0x2020]  }
0x88b: {  	[tilespmem:s6+$0x15C00] =	vst.add.f32.msk $0xffff, v0;
	s6 =	sor.u32 $0x300, s25  }
0x88c: {  	v0 =	vld [tilespmem:s6+$0x2000]  }
0x88d: {  	v10 =	vld [tilespmem:s15+$0x20A0]  }
0x88e: {  	v11 =	vld [tilespmem:s15+$0x2120]  }
0x88f: {  	v12 =	vld [tilespmem:s15+$0x21A0]  }
0x890: {  	[tilespmem:s15+$0x15C00] =	vst.add.f32.msk $0xffff, v4  }
0x891: {  	[tilespmem:s6+$0x15C00] =	vst.add.f32.msk $0xffff, v0;
	s6 =	sor.u32 $0x380, s25  }
0x892: {  	v0 =	vld [tilespmem:s6+$0x2000]  }
0x893: {  	[tilespmem:s15+$0x15C80] =	vst.add.f32.msk $0xffff, v1  }
0x894: {  	[tilespmem:s15+$0x15D00] =	vst.add.f32.msk $0xffff, v2  }
0x895: {  	[tilespmem:s15+$0x15D80] =	vst.add.f32.msk $0xffff, v3  }
0x896: {  	[tilespmem:s15+$0x15C10] =	vst.add.f32.msk $0xffff, v5  }
0x897: {  	[tilespmem:s6+$0x15C00] =	vst.add.f32.msk $0xffff, v0  }
0x898: {  	[tilespmem:s15+$0x15C90] =	vst.add.f32.msk $0xffff, v6  }
0x899: {  	[tilespmem:s15+$0x15D10] =	vst.add.f32.msk $0xffff, v7  }
0x89a: {  	[tilespmem:s15+$0x15D90] =	vst.add.f32.msk $0xffff, v8  }
0x89b: {  	[tilespmem:s15+$0x15C20] =	vst.add.f32.msk $0xffff, v9  }
0x89c: {  	[tilespmem:s15+$0x15CA0] =	vst.add.f32.msk $0xffff, v10  }
0x89d: {  	[tilespmem:s15+$0x15D20] =	vst.add.f32.msk $0xffff, v11  }
0x89e: {  	[tilespmem:s15+$0x15DA0] =	vst.add.f32.msk $0xffff, v12  }
0x89f: {  	v0 =	vld [tilespmem:s8+$0x2000]  }
0x8a0: {  	v1 =	vld [tilespmem:s11+$0x2000]  }
0x8a1: {  	v2 =	vld [tilespmem:s10+$0x2000]  }
0x8a2: {  	v3 =	vld [tilespmem:s0+$0x2000]  }
0x8a3: {  	v4 =	vld [tilespmem:s1+$0x2000]  }
0x8a4: {  	[tilespmem:s8+$0x15C00] =	vst.add.f32.msk $0xffff, v0  }
0x8a5: {  	[tilespmem:s11+$0x15C00] =	vst.add.f32.msk $0xffff, v1  }
0x8a6: {  	[tilespmem:s10+$0x15C00] =	vst.add.f32.msk $0xffff, v2  }
0x8a7: {  	v0 =	vld [tilespmem:s31+$0x2000]  }
0x8a8: {  	v1 =	vld [tilespmem:s19+$0x2000]  }
0x8a9: {  	v2 =	vld [tilespmem:s18+$0x2000]  }
0x8aa: {  	v5 =	vld [tilespmem:s2+$0x2000]  }
0x8ab: {  	[tilespmem:s0+$0x15C00] =	vst.add.f32.msk $0xffff, v3;
	s0 =	smov.u32 s13  }
0x8ac: {  	[tilespmem:s31+$0x15C00] =	vst.add.f32.msk $0xffff, v0  }
0x8ad: {  	[tilespmem:s19+$0x15C00] =	vst.add.f32.msk $0xffff, v1  }
0x8ae: {  	[tilespmem:s18+$0x15C00] =	vst.add.f32.msk $0xffff, v2  }
0x8af: {  	v0 =	vld [tilespmem:s14+$0x2000]  }
.Ltmp11:
0x8b0: {  	v7 =	vld [tilespmem:s9+$0x2000];
	(pc) =	sbr.rel @p1 .LBB2_24-.Ltmp11, $4  }
0x8b1: {  	v8 =	vld [tilespmem:s7+$0x2000]  }
0x8b2: {  	[tilespmem:s1+$0x15C00] =	vst.add.f32.msk $0xffff, v4;
	s1 =	smov.u32 s21  }
0x8b3: {  	[tilespmem:s2+$0x15C00] =	vst.add.f32.msk $0xffff, v5;
	s2 =	smov.u32 s17  }
0x8b4: {  	s5 =	sadd.s32 $0x40, s5;
	s4 =	sadd.s32 $0x200, s4;
	[tilespmem:s14+$0x15C00] =	vst.add.f32.msk $0xffff, v0  }
0x8b5: {  	[tilespmem:s9+$0x15C00] =	vst.add.f32.msk $0xffff, v7  }
0x8b6: {  	v0 =	vld [tilespmem:s0+$0x2000]  }
0x8b7: {  	[tilespmem:s7+$0x15C00] =	vst.add.f32.msk $0xffff, v8  }
0x8b8: {  	v1 =	vld [tilespmem:s1+$0x2000]  }
0x8b9: {  	v2 =	vld [tilespmem:s2+$0x2000];
	_ =	sdelay $0x2  }
0x8ba: {  	[tilespmem:s0+$0x15C00] =	vst.add.f32.msk $0xffff, v0  }
0x8bb: {  	[tilespmem:s1+$0x15C00] =	vst.add.f32.msk $0xffff, v1  }
0x8bc: {  	[tilespmem:s2+$0x15C00] =	vst.add.f32.msk $0xffff, v2  }
0x8bd: {  	s15 =	simm.s32 $0x0;
	s21 =	simm.s32 $0x5;
	s0 =	rddreg [dreg:$0x11]  }
0x8be: {  	[hbm4b:s0+s15] =	stream.linear.scatter [tilespmem:s28], [sflag:$0x5], $0x2000, $0x38;
	[tilespmem:$0x1DC00] =	vst v63  }
0x8bf: {  	_ =	swait.ge [sflag:s21], $0x2000  }
0x8c0: {  	s25 =	rddreg [dreg:$0x15]  }
0x8c1: {  	s31 =	rddreg [dreg:$0x13];
	s2 =	sadd.s32 $0x1, s25  }
0x8c2: {  	p0 =	sne.s32 s2, s31  }
.Ltmp12:
0x8c3: {  	_ = 	snop;
	(pc) =	sbr.rel @p0 .LBB2_1-.Ltmp12, $4  }
0x8c4: {  	_ = 	snop  }
0x8c5: {  	[sflag:s21] =	ssyncset.done $0x0  }
0x8c6: {  	[sflag:s21] =	ssyncadd.s32 $0xFFFFE000  }
0x8c7: {  	v3 =	vimm.f32 $0.0e+00;
	s30 =	rddreg [dreg:$0x1]  }
0x8c8: {  	_ =	sfence.sel $0x180000  }
0x8c9: {  	[bflag:$0x0] =	sbarrier.arrive $0xFFFF  }
0x8ca: {  	_ =	strace $0x90000047  }
0x8cb: {  	s0 =	stileid.u32;
	[bflag:$0x2] =	sbarrier.arrive $0xFFFF  }
0x8cc: {  	p0 =	sne.s32 s0, $0x0;
	s0 =	rddreg [dreg:$0x3]  }
0x8cd: {  	s0 =	sadd.s32 @!p0 $0x100000, s0  }
0x8ce: {  	[sflag:s0] =	ssyncadd.tile.s32 @!p0 $0x1;
	_ =	shalt  }
.Lfunc_end2:
_tile_overlayer_lowered:
.L_overlay_start_2:
0x8cf: {  	(tag) =	ssettag $0x2  }
0x8d0: {  	s0 =	rddreg [dreg:$0x0];
	s2 =	stileid.u32  }
0x8d1: {  	s1 =	rddreg [dreg:$0x1];
	p0 =	sne.s32 s2, $0x0  }
0x8d2: {  	s3 =	rddreg [dreg:$0x2];
	[bflag:$0x3] =	sbarrier.arrive $0xFFFF;
	s2 =	simm.s32 @!p0 $0x1C05  }
0x8d3: {  	[timem:s3], [sflag:s2] =	dma.local @!p0 [hbm:s0], s1  }
0x8d4: {  	s0 =	simm.s32 @!p0 $0x5  }
0x8d5: {  	_ =	swait.ge @!p0 [sflag:s0], s1  }
0x8d6: {  	s1 =	ssub.s32 @!p0 $0x0, s1;
	[sflag:s0] =	ssyncset.done @!p0 $0x0  }
0x8d7: {  	[sflag:s0] =	ssyncadd.s32 @!p0 s1  }
0x8d8: {  	[bflag:$0x3] =	sbarrier.arrive $0xFFFF  }
0x8d9: {  	_ =	shalt  }

</sc_bundles>
